<compile_context>
chip_gen: v7x
topology: tpu7x:2x2x1
jax: 0.10.2.dev20260603
libtpu: 0.0.44.dev20260713+nightly
codegen_flags: <defaults>
</compile_context>

<pallas_src>
import functools

import jax
import jax.numpy as jnp
from jax import lax
from jax.experimental import pallas as pl
from jax.experimental.pallas import tpu as pltpu
from jax.experimental.pallas import tpu_sc as plsc

N = 10000
E = 320000
D = 128
H = 128
L = 128
C = 3

NP = 10112
RPT = 632
RB = 400
NBLK = N // RB

EPT = E // 32
DEG_CHUNK = 2000
DEG_GROUPS = DEG_CHUNK // 16

SLAB = 79 * 128
EP = 32 * SLAB
CR = 64
CH = SLAB // CR


@functools.lru_cache(maxsize=None)
def _build_sc():
    mesh = plsc.VectorSubcoreMesh(core_axis_name="c", subcore_axis_name="s")
    cparams = pltpu.CompilerParams(needs_layout_passes=False)
    deg = pl.kernel(
        _deg_body,
        out_type=jax.ShapeDtypeStruct((32, NP), jnp.float32),
        mesh=mesh,
        scratch_types=[
            pltpu.VMEM((DEG_CHUNK,), jnp.int32),
            pltpu.VMEM((NP,), jnp.float32),
        ],
        compiler_params=cparams,
    )
    sc_scratch = [
        pltpu.VMEM((SLAB,), jnp.int32),
        pltpu.VMEM((2 * CR,), jnp.int32),
        pltpu.VMEM((2 * CR,), jnp.int32),
        pltpu.VMEM((CR, 128), jnp.float32),
        pltpu.VMEM((CR, 128), jnp.float32),
        pltpu.VMEM_SHARED((NP, 128), jnp.float32),
        pltpu.SemaphoreType.DMA,
        pltpu.SemaphoreType.DMA,
    ]
    spmm = pl.kernel(
        _spmm_body,
        out_type=jax.ShapeDtypeStruct((2, NP, 128), jnp.float32),
        mesh=mesh,
        scratch_types=sc_scratch,
        compiler_params=cparams,
    )
    spmm4 = pl.kernel(
        _spmm4_body,
        out_type=jax.ShapeDtypeStruct((4, 2, NP, 128), jnp.float32),
        mesh=mesh,
        scratch_types=sc_scratch,
        compiler_params=cparams,
    )
    return deg, spmm, spmm4


def _z0_constant():
    key = jax.random.key(42)
    prob = jax.random.uniform(key, (N, 1, L), dtype=jnp.float32)
    M = L // 3
    topv = lax.top_k(prob, M)[0]
    border = topv.min(axis=-1, keepdims=True)
    z = jnp.where(prob >= border, 1.0, -M / (L - M)).astype(jnp.float32)
    return z.reshape(N, L)


def _silu(x):
    return x * jax.nn.sigmoid(x)


def _ln(x):
    m = jnp.mean(x, axis=-1, keepdims=True)
    v = jnp.mean((x - m) ** 2, axis=-1, keepdims=True)
    return (x - m) * lax.rsqrt(v + 1e-5)


def _dn_from_degp(degp):
    deg = jnp.sum(degp, axis=-1)
    return lax.rsqrt(jnp.maximum(deg, 1.0))


def _deg_body(row_hbm, out_hbm, rowbuf, hist):
    c = lax.axis_index("c")
    s = lax.axis_index("s")
    wid = s * 2 + c
    zero16 = jnp.zeros((16,), jnp.float32)
    ones16 = jnp.ones((16,), jnp.float32)

    def zbody(i, _):
        hist[pl.ds(i * 16, 16)] = zero16
        return 0

    lax.fori_loop(0, NP // 16, zbody, 0)

    base = wid * EPT
    for ch in range(EPT // DEG_CHUNK):
        pltpu.sync_copy(row_hbm.at[pl.ds(base + ch * DEG_CHUNK, DEG_CHUNK)],
                        rowbuf)

        def gbody(g, _):
            idx = rowbuf[pl.ds(g * 16, 16)]
            plsc.addupdate_scatter(hist, [idx], ones16)
            return 0

        lax.fori_loop(0, DEG_GROUPS, gbody, 0)
    pltpu.sync_copy(hist, out_hbm.at[wid])


def _stage_slab(rc, pbuf, wid):
    def lbody(k, _):
        pltpu.sync_copy(rc.at[pl.ds(wid * SLAB + k * 1024, 1024)],
                        pbuf.at[pl.ds(k * 1024, 1024)])
        return 0

    lax.fori_loop(0, SLAB // 1024, lbody, 0)
    pltpu.sync_copy(rc.at[pl.ds(wid * SLAB + (SLAB // 1024) * 1024,
                                SLAB % 1024)],
                    pbuf.at[pl.ds((SLAB // 1024) * 1024, SLAB % 1024)])


def _seg_pass(xb, out2, c, r0, pbuf, rowbuf, colbuf, data, datb, acc,
              sem, semb):
    def unpack(j, b):
        for g in range(CR // 16):
            p = pbuf[pl.ds(j * CR + g * 16, 16)]
            rowbuf[pl.ds(b * CR + g * 16, 16)] = lax.shift_right_logical(p, 14)
            colbuf[pl.ds(b * CR + g * 16, 16)] = lax.bitwise_and(p, 16383)

    zero16 = jnp.zeros((16,), jnp.float32)

    def zb(i, _):
        data[i // 8, pl.ds((i % 8) * 16, 16)] = zero16
        return 0

    lax.fori_loop(0, CR * 8, zb, 0)
    for k in range(RPT // CR):
        pltpu.sync_copy(data, acc.at[pl.ds(r0 + k * CR, CR)])
    pltpu.sync_copy(data.at[pl.ds(0, RPT % CR)],
                    acc.at[pl.ds(r0 + (RPT // CR) * CR, RPT % CR)])
    plsc.subcore_barrier()

    col0 = colbuf.at[pl.ds(0, CR)]
    col1 = colbuf.at[pl.ds(CR, CR)]
    row0 = rowbuf.at[pl.ds(0, CR)]
    row1 = rowbuf.at[pl.ds(CR, CR)]

    def body(k, _):
        j0 = 2 * k
        unpack(j0, 0)
        unpack(j0 + 1, 1)
        pltpu.async_copy(xb.at[col0], data, sem)
        pltpu.async_copy(xb.at[col1], datb, semb)
        pltpu.make_async_copy(xb.at[col0], data, sem).wait()
        pltpu.make_async_copy(xb.at[col1], datb, semb).wait()
        pltpu.sync_copy(data, acc.at[row0], add=True)
        pltpu.sync_copy(datb, acc.at[row1], add=True)
        return 0

    lax.fori_loop(0, CH // 2, body, 0)
    plsc.subcore_barrier()

    @pl.when(c == 0)
    def _():
        pltpu.sync_copy(acc.at[pl.ds(r0, RPT)], out2.at[0, pl.ds(r0, RPT)])

    @pl.when(c == 1)
    def _():
        pltpu.sync_copy(acc.at[pl.ds(r0, RPT)], out2.at[1, pl.ds(r0, RPT)])

    plsc.subcore_barrier()


def _spmm_body(xb, rc, out, pbuf, rowbuf, colbuf, data, datb, acc, sem, semb):
    c = lax.axis_index("c")
    s = lax.axis_index("s")
    r0 = s * RPT
    wid = c * 16 + s
    _stage_slab(rc, pbuf, wid)
    _seg_pass(xb, out, c, r0, pbuf, rowbuf, colbuf, data, datb, acc,
              sem, semb)


def _spmm4_body(x0, x1, x2, x3, rc, out, pbuf, rowbuf, colbuf, data, datb,
                acc, sem, semb):
    c = lax.axis_index("c")
    s = lax.axis_index("s")
    r0 = s * RPT
    wid = c * 16 + s
    _stage_slab(rc, pbuf, wid)
    for m, xb in enumerate((x0, x1, x2, x3)):
        _seg_pass(xb, out.at[m], c, r0, pbuf, rowbuf, colbuf, data, datb,
                  acc, sem, semb)


def _tc1_body(x_ref, degp_ref, z0_ref, wx_ref, bx_ref, w1_ref, b1_ref,
              wt_ref, bt_ref, blinz_ref, b0_ref, z0o_ref, z1o_ref, z2o_ref):
    dn = _dn_from_degp(degp_ref[...])[:, None]
    h0 = jnp.dot(x_ref[...], wx_ref[...],
                 preferred_element_type=jnp.float32) + bx_ref[...]
    x1 = _ln(h0)
    a0 = _silu(jnp.dot(x1, w1_ref[...],
                       preferred_element_type=jnp.float32) + b1_ref[...])
    b0_ref[...] = dn * a0
    t = jnp.dot(x1, wt_ref[...], preferred_element_type=jnp.float32) + bt_ref[...]
    z0 = z0_ref[...]
    for o, oref in enumerate((z0o_ref, z1o_ref, z2o_ref)):
        zo = _silu(t[:, o:o + 1] * z0 + blinz_ref[0, o])
        oref[...] = dn * zo


def _tc2_body(s0_ref, sz0_ref, sz1_ref, sz2_ref, degp_ref, w2a_ref, b2a_ref,
              w2b_ref, b2b_ref, wv_ref, bv_ref, clinv_ref, bclinv_ref,
              w11_ref, b11_ref, b1o_ref):
    dn = _dn_from_degp(degp_ref[...])[:, None]
    s0 = dn * (s0_ref[0, 0] + s0_ref[0, 1])
    xn0 = jnp.dot(_silu(jnp.dot(s0, w2a_ref[...],
                                preferred_element_type=jnp.float32)
                        + b2a_ref[...]),
                  w2b_ref[...], preferred_element_type=jnp.float32) + b2b_ref[...]
    zrefs = (sz0_ref, sz1_ref, sz2_ref)
    zs = [_silu(dn * (zr[0, 0] + zr[0, 1])) for zr in zrefs]
    z = []
    for o in range(3):
        zo = zs[0] * wv_ref[0, 3 * o] + zs[1] * wv_ref[0, 3 * o + 1] \
            + zs[2] * wv_ref[0, 3 * o + 2] + bv_ref[0, o]
        z.append(zo)
    m = (z[0] + z[1] + z[2]) * (1.0 / 3.0)
    d = [zo - m for zo in z]
    sd = jnp.sqrt((d[0] * d[0] + d[1] * d[1] + d[2] * d[2]) * 0.5)
    inv = 1.0 / (sd + 1e-4)
    zn = [do * inv for do in d]
    coeffx = bclinv_ref[...]
    for ci in range(3):
        for k in range(3):
            r = jnp.sum(zn[ci] * zn[k], axis=-1, keepdims=True) * (1.0 / L)
            coeffx = coeffx + r * clinv_ref[3 * ci + k:3 * ci + k + 1, :]
    x1 = coeffx * _ln(xn0)
    a1 = _silu(jnp.dot(x1, w11_ref[...],
                       preferred_element_type=jnp.float32) + b11_ref[...])
    b1o_ref[...] = dn * a1


def _tc3_body(s1_ref, degp_ref, w2a_ref, b2a_ref, w2b_ref, b2b_ref, out_ref):
    dn = _dn_from_degp(degp_ref[...])[:, None]
    s1 = dn * (s1_ref[0] + s1_ref[1])
    out_ref[...] = jnp.dot(
        _silu(jnp.dot(s1, w2a_ref[...], preferred_element_type=jnp.float32)
              + b2a_ref[...]),
        w2b_ref[...], preferred_element_type=jnp.float32) + b2b_ref[...]


def _row_spec():
    return pl.BlockSpec((RB, 128), lambda i: (i, 0))


def _pair_spec():
    return pl.BlockSpec((2, RB, 128), lambda i: (0, i, 0))


def _degp_spec():
    return pl.BlockSpec((RB, 32), lambda i: (i, 0))


def _full(shape):
    nd = len(shape)
    return pl.BlockSpec(shape, lambda i: (0,) * nd)


def _pad_bias(b):
    return jnp.pad(b.reshape(1, -1), ((0, 0), (0, 128 - b.shape[-1])))


def kernel(x, edge_index, params):
    row = edge_index[0]
    col = edge_index[1]

    packed = row * 16384 + col
    rc = jnp.concatenate(
        [packed, jnp.full((EP - E,), N * 16384, jnp.int32)])
    z0c = _z0_constant()

    cc = (C + H) ** (-0.5)
    coeff_coeff = min(cc, 1.0 / cc)
    wt = jnp.pad(coeff_coeff * (params['W_clins_0'] @ params['W_linZ_0'].T),
                 ((0, 0), (0, 128 - C)))
    bt = _pad_bias(coeff_coeff * (params['b_clins_0'] @ params['W_linZ_0'].T))
    blinz = _pad_bias(params['b_linZ_0'])
    wv = _pad_bias(params['W_vact_0'].reshape(1, 9)[0])
    bv = _pad_bias(params['b_vact_0'])
    clinv = jnp.pad(params['W_clinv_1'], ((0, 7), (0, 0)))
    bclinv = params['b_clinv_1'].reshape(1, 128)

    sc_deg, sc_spmm, sc_spmm4 = _build_sc()
    degp = sc_deg(row).T

    b0, zb0, zb1, zb2 = pl.pallas_call(
        _tc1_body,
        grid=(NBLK,),
        in_specs=[
            _row_spec(), _degp_spec(), _row_spec(),
            _full((128, 128)), _full((1, 128)),
            _full((128, 128)), _full((1, 128)),
            _full((128, 128)), _full((1, 128)), _full((1, 128)),
        ],
        out_specs=[_row_spec()] * 4,
        out_shape=[jax.ShapeDtypeStruct((N, 128), jnp.float32)] * 4,
    )(x, degp, z0c,
      params['W_xemb'], _pad_bias(params['b_xemb']),
      params['W_lin1_0'], _pad_bias(params['b_lin1_0']),
      wt, bt, blinz)

    sz = sc_spmm4(b0, zb0, zb1, zb2, rc)

    def _m_spec(m):
        return pl.BlockSpec((1, 2, RB, 128), lambda i, m=m: (m, 0, i, 0))

    b1 = pl.pallas_call(
        _tc2_body,
        grid=(NBLK,),
        in_specs=[
            _m_spec(0), _m_spec(1), _m_spec(2), _m_spec(3),
            _degp_spec(),
            _full((128, 128)), _full((1, 128)),
            _full((128, 128)), _full((1, 128)),
            _full((1, 128)), _full((1, 128)),
            _full((16, 128)), _full((1, 128)),
            _full((128, 128)), _full((1, 128)),
        ],
        out_specs=_row_spec(),
        out_shape=jax.ShapeDtypeStruct((N, 128), jnp.float32),
    )(sz, sz, sz, sz, degp,
      params['W_lin2a_0'], _pad_bias(params['b_lin2a_0']),
      params['W_lin2b_0'], _pad_bias(params['b_lin2b_0']),
      wv, bv, clinv, bclinv,
      params['W_lin1_1'], _pad_bias(params['b_lin1_1']))

    s1 = sc_spmm(b1, rc)

    out = pl.pallas_call(
        _tc3_body,
        grid=(NBLK,),
        in_specs=[
            _pair_spec(), _degp_spec(),
            _full((128, 128)), _full((1, 128)),
            _full((128, 128)), _full((1, 128)),
        ],
        out_specs=_row_spec(),
        out_shape=jax.ShapeDtypeStruct((N, 128), jnp.float32),
    )(s1, degp,
      params['W_lin2a_1'], _pad_bias(params['b_lin2a_1']),
      params['W_lin2b_1'], _pad_bias(params['b_lin2b_1']))
    return out

# --- scband reference (transcript-rebuilt; emitter-appended) ---
"""Pipeline reference for scband-equiv-noise-gcn-61512521613945 (READ-ONLY COPY).

The authoritative reference and input builder live on the scoring server;
editing this copy changes nothing except your own understanding.
"""

import jax, jax.numpy as jnp
import numpy as np

N = 10000
E = 320000
D = 128
H = 128
L = 128
C = 3
NUM_LAYERS = 2

def silu(x):
    return x * jax.nn.sigmoid(x)

def layernorm(x, eps=1e-5):
    m = x.mean(-1, keepdims=True)
    v = x.var(-1, keepdims=True)
    return (x - m) / jnp.sqrt(v + eps)

def vnorm_fn(X):
    X = X - X.mean(axis=-2, keepdims=True)
    s = jnp.std(X, axis=-2, keepdims=True, ddof=1)
    return X / (s + 1e-4)

def conv1d_1x1(X, W, b):
    return jnp.einsum('oc,ncl->nol', W, X) + b[None, :, None]

def spmm(val, row, col, X):
    return jax.ops.segment_sum(val[:, None] * X[col], row, num_segments=N)

def nzt(key, shape):
    Ld = shape[-1]
    M = Ld // 3
    prob = jax.random.uniform(key, shape, dtype=jnp.float32)
    topv = jax.lax.top_k(prob, M)[0]
    border = topv.min(axis=-1, keepdims=True)
    return jnp.where(prob >= border, 1.0, -M / (Ld - M)).astype(jnp.float32)

def init_params(key):
    p = {}
    ks = iter(jax.random.split(key, 64))
    p['W_xemb'] = jax.random.normal(next(ks), (D, H), jnp.float32) * (D ** -0.5)
    p['b_xemb'] = jnp.zeros((H,), jnp.float32)
    for i in range(NUM_LAYERS):
        p[f'W_lin1_{i}'] = jax.random.normal(next(ks), (H, H), jnp.float32) * (H ** -0.5)
        p[f'b_lin1_{i}'] = jnp.zeros((H,), jnp.float32)
        p[f'W_lin2a_{i}'] = jax.random.normal(next(ks), (H, H), jnp.float32) * (H ** -0.5)
        p[f'b_lin2a_{i}'] = jnp.zeros((H,), jnp.float32)
        p[f'W_lin2b_{i}'] = jax.random.normal(next(ks), (H, H), jnp.float32) * (H ** -0.5)
        p[f'b_lin2b_{i}'] = jnp.zeros((H,), jnp.float32)
        p[f'W_linZ_{i}'] = jax.random.normal(next(ks), (C, C), jnp.float32) * (C ** -0.5)
        p[f'b_linZ_{i}'] = jnp.zeros((C,), jnp.float32)
        p[f'W_vact_{i}'] = jax.random.normal(next(ks), (C, C), jnp.float32) * (C ** -0.5)
        p[f'b_vact_{i}'] = jnp.zeros((C,), jnp.float32)
        cout = C * C if i > 0 else C
        p[f'W_clins_{i}'] = jax.random.normal(next(ks), (H, cout), jnp.float32) * (H ** -0.5)
        p[f'b_clins_{i}'] = jnp.zeros((cout,), jnp.float32)
        p[f'W_clinv_{i}'] = jax.random.normal(next(ks), (C * C, H), jnp.float32) * ((C * C) ** -0.5)
        p[f'b_clinv_{i}'] = jnp.zeros((H,), jnp.float32)
    return p

def model(x, params, edge_index):
    row = edge_index[0]
    col = edge_index[1]
    # my_gcn_norm: symmetric rsqrt-degree normalization of adjacency values
    deg = jax.ops.segment_sum(jnp.ones((E,), jnp.float32), row, num_segments=N)
    degnorm = 1.0 / jnp.sqrt(jnp.clip(deg, 1.0))
    val = degnorm[row] * degnorm[col]
    # xemb (dropout is identity at eval)
    h = x @ params['W_xemb'] + params['b_xemb']
    # equivariant noise Z ~ nzt_distribution, shape (N, 1, L)
    Z = nzt(jax.random.key(42), (N, 1, L))
    cc = (C + H) ** (-0.5)
    coeff_coeff = min(cc, 1.0 / cc)
    for i in range(NUM_LAYERS):
        x1 = layernorm(h)
        Z1 = Z
        if i > 0:
            Z1 = vnorm_fn(Z)
            rxz = jnp.einsum('ncl,nkl->nck', Z1, Z1) / L
            coeffX = rxz.reshape(-1, C * C) @ params[f'W_clinv_{i}'] + params[f'b_clinv_{i}']
            x1 = coeffX * x1
        xn = silu(x1 @ params[f'W_lin1_{i}'] + params[f'b_lin1_{i}'])
        xn = spmm(val, row, col, xn)  # PureConv sum aggr (SymSpmm)
        xn = silu(xn @ params[f'W_lin2a_{i}'] + params[f'b_lin2a_{i}']) @ params[f'W_lin2b_{i}'] + params[f'b_lin2b_{i}']
        coeffZ = coeff_coeff * (x1 @ params[f'W_clins_{i}'] + params[f'b_clins_{i}'])
        if i > 0:
            Zn = jnp.einsum('nok,nkl->nol', coeffZ.reshape(-1, C, C), Z1)
        else:
            Zn = coeffZ[:, :, None] * Z1
        Zn = silu(conv1d_1x1(Zn, params[f'W_linZ_{i}'], params[f'b_linZ_{i}']))
        Zn = spmm(val, row, col, Zn.reshape(N, C * L)).reshape(N, C, L)
        Zn = conv1d_1x1(silu(Zn), params[f'W_vact_{i}'], params[f'b_vact_{i}'])
        h = xn
        Z = Zn
    return h

def setup_inputs(seed: int = 0):
    key = jax.random.key(seed)
    kx, ke, kp = jax.random.split(key, 3)
    x = jax.random.normal(kx, (N, D), jnp.float32)
    edge_index = jax.random.randint(ke, (2, E), 0, N, dtype=jnp.int32)
    params = init_params(kp)
    return {"x": x, "edge_index": edge_index, "params": params}

def reference(x, edge_index, params):
    return model(x, params, edge_index)

if __name__ == "__main__":
    import jax
    _d = setup_inputs()
    print(jax.jit(kernel)(*tuple(_d.values())))

</pallas_src>

<mosaic_0001>
#map = affine_map<(d0, d1) -> (0, 0)>
#map1 = affine_map<(d0, d1) -> (0)>
#map2 = affine_map<(d0, d1) -> (0, 0, 0)>
module attributes {stable_mosaic.version = 14 : i64} {
  func.func @_spmm_body(%arg0: i32, %arg1: i32, %arg2: memref<10000x128xf32, #tpu.memory_space<hbm>>, %arg3: memref<323584xi32, #tpu.memory_space<hbm>>, %arg4: memref<2x10112x128xf32, #tpu.memory_space<hbm>>, %arg5: memref<10112xi32, #tpu.memory_space<vmem>>, %arg6: memref<128xi32, #tpu.memory_space<vmem>>, %arg7: memref<128xi32, #tpu.memory_space<vmem>>, %arg8: memref<64x128xf32, #tpu.memory_space<vmem>>, %arg9: memref<64x128xf32, #tpu.memory_space<vmem>>, %arg10: memref<10112x128xf32, #tpu.memory_space<vmem_shared>>, %arg11: memref<!tpu.dma_semaphore, #tpu.memory_space<semaphore_mem>>, %arg12: memref<!tpu.dma_semaphore, #tpu.memory_space<semaphore_mem>>) attributes {dimension_semantics = [#tpu.dimension_semantics<core_parallel>, #tpu.dimension_semantics<subcore_parallel>], iteration_bounds = array<i64: 2, 16>, scalar_prefetch = 0 : i64, scratch_operands = 8 : i64, tpu.core_type = #tpu.core_type<sc_vector_subcore>, window_params = [{transform_indices = #map}, {transform_indices = #map1}, {transform_indices = #map2}]} {
    %mul3A = arith.constant 632 : i32
    %mul3A_0 = arith.muli %arg1, %mul3A : i32
    %mul3A_1 = arith.constant 16 : i32
    %mul3A_2 = arith.muli %arg0, %mul3A_1 : i32
    %add3A = arith.addi %mul3A_2, %arg1 : i32
    %scan3A = arith.constant 0 : i32
    %scan3A_3 = arith.constant 0 : i32
    %scan3A_4 = arith.constant 9 : i32
    %scan3A_5 = arith.addi %scan3A_3, %scan3A_4 : i32
    %scan3A_6 = arith.constant 1 : i32
    %scan3A_7 = scf.for %scan3A_57 = %scan3A_3 to %scan3A_5 step %scan3A_6 iter_args(%scan3A_58 = %scan3A) -> (i32)  : i32 {
      %mul3A_59 = arith.constant 10112 : i32
      %mul3A_60 = arith.muli %add3A, %mul3A_59 : i32
      %mul3A_61 = arith.constant 1024 : i32
      %mul3A_62 = arith.muli %scan3A_57, %mul3A_61 : i32
      %add3A_63 = arith.addi %mul3A_60, %mul3A_62 : i32
      %mul3A_64 = arith.constant 1024 : i32
      %mul3A_65 = arith.muli %scan3A_57, %mul3A_64 : i32
      "tpu.region"() ({
        %run_scoped3A = tpu.sem_alloc : memref<!tpu.dma_semaphore, #tpu.memory_space<semaphore_mem>>
        %dma_start3A = tpu.memref_slice %arg5[%mul3A_65] : memref<10112xi32, #tpu.memory_space<vmem>> -> memref<1024xi32, #tpu.memory_space<vmem>>
        %dma_start3A_67 = tpu.memref_slice %arg3[%add3A_63] : memref<323584xi32, #tpu.memory_space<hbm>> -> memref<1024xi32, #tpu.memory_space<hbm>>
        %dma_start3A_68 = tpu.memref_slice %arg5[%mul3A_65] : memref<10112xi32, #tpu.memory_space<vmem>> -> memref<1024xi32, #tpu.memory_space<vmem>>
        %dma_start3A_69 = tpu.memref_slice %arg3[%add3A_63] : memref<323584xi32, #tpu.memory_space<hbm>> -> memref<1024xi32, #tpu.memory_space<hbm>>
        tpu.enqueue_dma source(%dma_start3A_69 : memref<1024xi32, #tpu.memory_space<hbm>>) target(%dma_start3A_68 : memref<1024xi32, #tpu.memory_space<vmem>>) target_semaphore(%run_scoped3A : memref<!tpu.dma_semaphore, #tpu.memory_space<semaphore_mem>>)
        %dma_wait3A = tpu.memref_slice %arg5[%mul3A_65] : memref<10112xi32, #tpu.memory_space<vmem>> -> memref<1024xi32, #tpu.memory_space<vmem>>
        %dma_wait3A_70 = tpu.memref_slice %arg3[%add3A_63] : memref<323584xi32, #tpu.memory_space<hbm>> -> memref<1024xi32, #tpu.memory_space<hbm>>
        %dma_wait3A_71 = tpu.memref_slice %arg5[%mul3A_65] : memref<10112xi32, #tpu.memory_space<vmem>> -> memref<1024xi32, #tpu.memory_space<vmem>>
        %dma_wait3A_72 = tpu.memref_slice %arg3[%add3A_63] : memref<323584xi32, #tpu.memory_space<hbm>> -> memref<1024xi32, #tpu.memory_space<hbm>>
        tpu.wait_dma2 semaphore(%run_scoped3A : memref<!tpu.dma_semaphore, #tpu.memory_space<semaphore_mem>>) src(%dma_wait3A_72 : memref<1024xi32, #tpu.memory_space<hbm>>) dst(%dma_wait3A_71 : memref<1024xi32, #tpu.memory_space<vmem>>)
        tpu.yield
      }) : () -> ()
      %scan3A_66 = arith.constant 0 : i32
      scf.yield %scan3A_66 : i32
    }
    %scan3A_8 = arith.constant 9 : i32
    %mul3A_9 = arith.constant 10112 : i32
    %mul3A_10 = arith.muli %add3A, %mul3A_9 : i32
    %add3A_11 = arith.constant 9216 : i32
    %add3A_12 = arith.addi %mul3A_10, %add3A_11 : i32
    "tpu.region"() ({
      %run_scoped3A = tpu.sem_alloc : memref<!tpu.dma_semaphore, #tpu.memory_space<semaphore_mem>>
      %dma_start3A = arith.constant 9216 : i32
      %dma_start3A_57 = tpu.memref_slice %arg5[%dma_start3A] : memref<10112xi32, #tpu.memory_space<vmem>> -> memref<896xi32, #tpu.memory_space<vmem>>
      %dma_start3A_58 = tpu.memref_slice %arg3[%add3A_12] : memref<323584xi32, #tpu.memory_space<hbm>> -> memref<896xi32, #tpu.memory_space<hbm>>
      %dma_start3A_59 = arith.constant 9216 : i32
      %dma_start3A_60 = tpu.memref_slice %arg5[%dma_start3A_59] : memref<10112xi32, #tpu.memory_space<vmem>> -> memref<896xi32, #tpu.memory_space<vmem>>
      %dma_start3A_61 = tpu.memref_slice %arg3[%add3A_12] : memref<323584xi32, #tpu.memory_space<hbm>> -> memref<896xi32, #tpu.memory_space<hbm>>
      tpu.enqueue_dma source(%dma_start3A_61 : memref<896xi32, #tpu.memory_space<hbm>>) target(%dma_start3A_60 : memref<896xi32, #tpu.memory_space<vmem>>) target_semaphore(%run_scoped3A : memref<!tpu.dma_semaphore, #tpu.memory_space<semaphore_mem>>)
      %dma_wait3A = arith.constant 9216 : i32
      %dma_wait3A_62 = tpu.memref_slice %arg5[%dma_wait3A] : memref<10112xi32, #tpu.memory_space<vmem>> -> memref<896xi32, #tpu.memory_space<vmem>>
      %dma_wait3A_63 = tpu.memref_slice %arg3[%add3A_12] : memref<323584xi32, #tpu.memory_space<hbm>> -> memref<896xi32, #tpu.memory_space<hbm>>
      %dma_wait3A_64 = arith.constant 9216 : i32
      %dma_wait3A_65 = tpu.memref_slice %arg5[%dma_wait3A_64] : memref<10112xi32, #tpu.memory_space<vmem>> -> memref<896xi32, #tpu.memory_space<vmem>>
      %dma_wait3A_66 = tpu.memref_slice %arg3[%add3A_12] : memref<323584xi32, #tpu.memory_space<hbm>> -> memref<896xi32, #tpu.memory_space<hbm>>
      tpu.wait_dma2 semaphore(%run_scoped3A : memref<!tpu.dma_semaphore, #tpu.memory_space<semaphore_mem>>) src(%dma_wait3A_66 : memref<896xi32, #tpu.memory_space<hbm>>) dst(%dma_wait3A_65 : memref<896xi32, #tpu.memory_space<vmem>>)
      tpu.yield
    }) : () -> ()
    %broadcast_in_dim3A = arith.constant 0.000000e+00 : f32
    %broadcast_in_dim3A_13 = vector.broadcast %broadcast_in_dim3A : f32 to vector<16xf32>
    %scan3A_14 = arith.constant 0 : i32
    %scan3A_15 = arith.constant 0 : i32
    %scan3A_16 = arith.constant 512 : i32
    %scan3A_17 = arith.addi %scan3A_15, %scan3A_16 : i32
    %scan3A_18 = arith.constant 1 : i32
    %scan3A_19 = scf.for %scan3A_57 = %scan3A_15 to %scan3A_17 step %scan3A_18 iter_args(%scan3A_58 = %scan3A_14) -> (i32)  : i32 {
      %jit3A = arith.constant 8 : i32
      %div3A = arith.divsi %scan3A_57, %jit3A : i32
      %sign3A = arith.constant 0 : i32
      %sign3A_59 = arith.cmpi sgt, %scan3A_57, %sign3A : i32
      %sign3A_60 = arith.extui %sign3A_59 : i1 to i32
      %sign3A_61 = arith.constant 0 : i32
      %sign3A_62 = arith.cmpi slt, %scan3A_57, %sign3A_61 : i32
      %sign3A_63 = arith.extui %sign3A_62 : i1 to i32
      %sign3A_64 = arith.subi %sign3A_60, %sign3A_63 : i32
      %sign3A_65 = arith.constant 0 : i32
      %sign3A_66 = arith.cmpi sgt, %jit3A, %sign3A_65 : i32
      %sign3A_67 = arith.extui %sign3A_66 : i1 to i32
      %sign3A_68 = arith.constant 0 : i32
      %sign3A_69 = arith.cmpi slt, %jit3A, %sign3A_68 : i32
      %sign3A_70 = arith.extui %sign3A_69 : i1 to i32
      %sign3A_71 = arith.subi %sign3A_67, %sign3A_70 : i32
      %ne3A = arith.cmpi ne, %sign3A_64, %sign3A_71 : i32
      %rem3A = arith.remsi %scan3A_57, %jit3A : i32
      %ne3A_72 = arith.constant 0 : i32
      %ne3A_73 = arith.cmpi ne, %rem3A, %ne3A_72 : i32
      %and3A = arith.andi %ne3A, %ne3A_73 : i1
      %sub3A = arith.constant 1 : i32
      %sub3A_74 = arith.subi %div3A, %sub3A : i32
      %select_n3A = arith.select %and3A, %sub3A_74, %div3A : i32
      %jit3A_75 = arith.constant 8 : i32
      %eq3A_76 = arith.constant 0 : i32
      %eq3A_77 = arith.cmpi eq, %jit3A_75, %eq3A_76 : i32
      %jit3A_78 = arith.constant 1 : i32
      %select_n3A_79 = arith.select %eq3A_77, %jit3A_78, %jit3A_75 : i32
      %rem3A_80 = arith.remsi %scan3A_57, %select_n3A_79 : i32
      %ne3A_81 = arith.constant 0 : i32
      %ne3A_82 = arith.cmpi ne, %rem3A_80, %ne3A_81 : i32
      %lt3A = arith.constant 0 : i32
      %lt3A_83 = arith.cmpi slt, %rem3A_80, %lt3A : i32
      %lt3A_84 = arith.constant 0 : i32
      %lt3A_85 = arith.cmpi slt, %select_n3A_79, %lt3A_84 : i32
      %ne3A_86 = arith.xori %lt3A_83, %lt3A_85 : i1
      %and3A_87 = arith.andi %ne3A_86, %ne3A_82 : i1
      %add3A_88 = arith.addi %rem3A_80, %select_n3A_79 : i32
      %select_n3A_89 = arith.select %and3A_87, %add3A_88, %rem3A_80 : i32
      %mul3A_90 = arith.constant 16 : i32
      %mul3A_91 = arith.muli %select_n3A_89, %mul3A_90 : i32
      %swap3A = arith.index_cast %select_n3A : i32 to index
      %swap3A_92 = arith.index_cast %mul3A_91 : i32 to index
      %swap3A_93 = tpu.vector_load %arg8[%swap3A, %swap3A_92] {strides = array<i32>} : memref<64x128xf32, #tpu.memory_space<vmem>>, vector<16xf32>,
      tpu.vector_store %arg8[%swap3A, %swap3A_92], %broadcast_in_dim3A_13 {strides = array<i32>} : memref<64x128xf32, #tpu.memory_space<vmem>>, vector<16xf32>,
      %scan3A_94 = arith.constant 0 : i32
      scf.yield %scan3A_94 : i32
    }
    %scan3A_20 = arith.constant 512 : i32
    %add3A_21 = arith.constant 0 : i32
    %add3A_22 = arith.addi %mul3A_0, %add3A_21 : i32
    "tpu.region"() ({
      %run_scoped3A = tpu.sem_alloc : memref<!tpu.dma_semaphore, #tpu.memory_space<semaphore_mem>>
      %dma_start3A = arith.constant 0 : i32
      %dma_start3A_57 = tpu.memref_slice %arg10[%add3A_22, %dma_start3A] : memref<10112x128xf32, #tpu.memory_space<vmem_shared>> -> memref<64x128xf32, #tpu.memory_space<vmem_shared>>
      %dma_start3A_58 = arith.constant 0 : i32
      %dma_start3A_59 = tpu.memref_slice %arg10[%add3A_22, %dma_start3A_58] : memref<10112x128xf32, #tpu.memory_space<vmem_shared>> -> memref<64x128xf32, #tpu.memory_space<vmem_shared>>
      tpu.enqueue_dma source(%arg8 : memref<64x128xf32, #tpu.memory_space<vmem>>) target(%dma_start3A_59 : memref<64x128xf32, #tpu.memory_space<vmem_shared>>) target_semaphore(%run_scoped3A : memref<!tpu.dma_semaphore, #tpu.memory_space<semaphore_mem>>)
      %dma_wait3A = arith.constant 0 : i32
      %dma_wait3A_60 = tpu.memref_slice %arg10[%add3A_22, %dma_wait3A] : memref<10112x128xf32, #tpu.memory_space<vmem_shared>> -> memref<64x128xf32, #tpu.memory_space<vmem_shared>>
      %dma_wait3A_61 = arith.constant 0 : i32
      %dma_wait3A_62 = tpu.memref_slice %arg10[%add3A_22, %dma_wait3A_61] : memref<10112x128xf32, #tpu.memory_space<vmem_shared>> -> memref<64x128xf32, #tpu.memory_space<vmem_shared>>
      tpu.wait_dma2 semaphore(%run_scoped3A : memref<!tpu.dma_semaphore, #tpu.memory_space<semaphore_mem>>) src(%arg8 : memref<64x128xf32, #tpu.memory_space<vmem>>) dst(%dma_wait3A_62 : memref<64x128xf32, #tpu.memory_space<vmem_shared>>)
      tpu.yield
    }) : () -> ()
    %add3A_23 = arith.constant 64 : i32
    %add3A_24 = arith.addi %mul3A_0, %add3A_23 : i32
    "tpu.region"() ({
      %run_scoped3A = tpu.sem_alloc : memref<!tpu.dma_semaphore, #tpu.memory_space<semaphore_mem>>
      %dma_start3A = arith.constant 0 : i32
      %dma_start3A_57 = tpu.memref_slice %arg10[%add3A_24, %dma_start3A] : memref<10112x128xf32, #tpu.memory_space<vmem_shared>> -> memref<64x128xf32, #tpu.memory_space<vmem_shared>>
      %dma_start3A_58 = arith.constant 0 : i32
      %dma_start3A_59 = tpu.memref_slice %arg10[%add3A_24, %dma_start3A_58] : memref<10112x128xf32, #tpu.memory_space<vmem_shared>> -> memref<64x128xf32, #tpu.memory_space<vmem_shared>>
      tpu.enqueue_dma source(%arg8 : memref<64x128xf32, #tpu.memory_space<vmem>>) target(%dma_start3A_59 : memref<64x128xf32, #tpu.memory_space<vmem_shared>>) target_semaphore(%run_scoped3A : memref<!tpu.dma_semaphore, #tpu.memory_space<semaphore_mem>>)
      %dma_wait3A = arith.constant 0 : i32
      %dma_wait3A_60 = tpu.memref_slice %arg10[%add3A_24, %dma_wait3A] : memref<10112x128xf32, #tpu.memory_space<vmem_shared>> -> memref<64x128xf32, #tpu.memory_space<vmem_shared>>
      %dma_wait3A_61 = arith.constant 0 : i32
      %dma_wait3A_62 = tpu.memref_slice %arg10[%add3A_24, %dma_wait3A_61] : memref<10112x128xf32, #tpu.memory_space<vmem_shared>> -> memref<64x128xf32, #tpu.memory_space<vmem_shared>>
      tpu.wait_dma2 semaphore(%run_scoped3A : memref<!tpu.dma_semaphore, #tpu.memory_space<semaphore_mem>>) src(%arg8 : memref<64x128xf32, #tpu.memory_space<vmem>>) dst(%dma_wait3A_62 : memref<64x128xf32, #tpu.memory_space<vmem_shared>>)
      tpu.yield
    }) : () -> ()
    %add3A_25 = arith.constant 128 : i32
    %add3A_26 = arith.addi %mul3A_0, %add3A_25 : i32
    "tpu.region"() ({
      %run_scoped3A = tpu.sem_alloc : memref<!tpu.dma_semaphore, #tpu.memory_space<semaphore_mem>>
      %dma_start3A = arith.constant 0 : i32
      %dma_start3A_57 = tpu.memref_slice %arg10[%add3A_26, %dma_start3A] : memref<10112x128xf32, #tpu.memory_space<vmem_shared>> -> memref<64x128xf32, #tpu.memory_space<vmem_shared>>
      %dma_start3A_58 = arith.constant 0 : i32
      %dma_start3A_59 = tpu.memref_slice %arg10[%add3A_26, %dma_start3A_58] : memref<10112x128xf32, #tpu.memory_space<vmem_shared>> -> memref<64x128xf32, #tpu.memory_space<vmem_shared>>
      tpu.enqueue_dma source(%arg8 : memref<64x128xf32, #tpu.memory_space<vmem>>) target(%dma_start3A_59 : memref<64x128xf32, #tpu.memory_space<vmem_shared>>) target_semaphore(%run_scoped3A : memref<!tpu.dma_semaphore, #tpu.memory_space<semaphore_mem>>)
      %dma_wait3A = arith.constant 0 : i32
      %dma_wait3A_60 = tpu.memref_slice %arg10[%add3A_26, %dma_wait3A] : memref<10112x128xf32, #tpu.memory_space<vmem_shared>> -> memref<64x128xf32, #tpu.memory_space<vmem_shared>>
      %dma_wait3A_61 = arith.constant 0 : i32
      %dma_wait3A_62 = tpu.memref_slice %arg10[%add3A_26, %dma_wait3A_61] : memref<10112x128xf32, #tpu.memory_space<vmem_shared>> -> memref<64x128xf32, #tpu.memory_space<vmem_shared>>
      tpu.wait_dma2 semaphore(%run_scoped3A : memref<!tpu.dma_semaphore, #tpu.memory_space<semaphore_mem>>) src(%arg8 : memref<64x128xf32, #tpu.memory_space<vmem>>) dst(%dma_wait3A_62 : memref<64x128xf32, #tpu.memory_space<vmem_shared>>)
      tpu.yield
    }) : () -> ()
    %add3A_27 = arith.constant 192 : i32
    %add3A_28 = arith.addi %mul3A_0, %add3A_27 : i32
    "tpu.region"() ({
      %run_scoped3A = tpu.sem_alloc : memref<!tpu.dma_semaphore, #tpu.memory_space<semaphore_mem>>
      %dma_start3A = arith.constant 0 : i32
      %dma_start3A_57 = tpu.memref_slice %arg10[%add3A_28, %dma_start3A] : memref<10112x128xf32, #tpu.memory_space<vmem_shared>> -> memref<64x128xf32, #tpu.memory_space<vmem_shared>>
      %dma_start3A_58 = arith.constant 0 : i32
      %dma_start3A_59 = tpu.memref_slice %arg10[%add3A_28, %dma_start3A_58] : memref<10112x128xf32, #tpu.memory_space<vmem_shared>> -> memref<64x128xf32, #tpu.memory_space<vmem_shared>>
      tpu.enqueue_dma source(%arg8 : memref<64x128xf32, #tpu.memory_space<vmem>>) target(%dma_start3A_59 : memref<64x128xf32, #tpu.memory_space<vmem_shared>>) target_semaphore(%run_scoped3A : memref<!tpu.dma_semaphore, #tpu.memory_space<semaphore_mem>>)
      %dma_wait3A = arith.constant 0 : i32
      %dma_wait3A_60 = tpu.memref_slice %arg10[%add3A_28, %dma_wait3A] : memref<10112x128xf32, #tpu.memory_space<vmem_shared>> -> memref<64x128xf32, #tpu.memory_space<vmem_shared>>
      %dma_wait3A_61 = arith.constant 0 : i32
      %dma_wait3A_62 = tpu.memref_slice %arg10[%add3A_28, %dma_wait3A_61] : memref<10112x128xf32, #tpu.memory_space<vmem_shared>> -> memref<64x128xf32, #tpu.memory_space<vmem_shared>>
      tpu.wait_dma2 semaphore(%run_scoped3A : memref<!tpu.dma_semaphore, #tpu.memory_space<semaphore_mem>>) src(%arg8 : memref<64x128xf32, #tpu.memory_space<vmem>>) dst(%dma_wait3A_62 : memref<64x128xf32, #tpu.memory_space<vmem_shared>>)
      tpu.yield
    }) : () -> ()
    %add3A_29 = arith.constant 256 : i32
    %add3A_30 = arith.addi %mul3A_0, %add3A_29 : i32
    "tpu.region"() ({
      %run_scoped3A = tpu.sem_alloc : memref<!tpu.dma_semaphore, #tpu.memory_space<semaphore_mem>>
      %dma_start3A = arith.constant 0 : i32
      %dma_start3A_57 = tpu.memref_slice %arg10[%add3A_30, %dma_start3A] : memref<10112x128xf32, #tpu.memory_space<vmem_shared>> -> memref<64x128xf32, #tpu.memory_space<vmem_shared>>
      %dma_start3A_58 = arith.constant 0 : i32
      %dma_start3A_59 = tpu.memref_slice %arg10[%add3A_30, %dma_start3A_58] : memref<10112x128xf32, #tpu.memory_space<vmem_shared>> -> memref<64x128xf32, #tpu.memory_space<vmem_shared>>
      tpu.enqueue_dma source(%arg8 : memref<64x128xf32, #tpu.memory_space<vmem>>) target(%dma_start3A_59 : memref<64x128xf32, #tpu.memory_space<vmem_shared>>) target_semaphore(%run_scoped3A : memref<!tpu.dma_semaphore, #tpu.memory_space<semaphore_mem>>)
      %dma_wait3A = arith.constant 0 : i32
      %dma_wait3A_60 = tpu.memref_slice %arg10[%add3A_30, %dma_wait3A] : memref<10112x128xf32, #tpu.memory_space<vmem_shared>> -> memref<64x128xf32, #tpu.memory_space<vmem_shared>>
      %dma_wait3A_61 = arith.constant 0 : i32
      %dma_wait3A_62 = tpu.memref_slice %arg10[%add3A_30, %dma_wait3A_61] : memref<10112x128xf32, #tpu.memory_space<vmem_shared>> -> memref<64x128xf32, #tpu.memory_space<vmem_shared>>
      tpu.wait_dma2 semaphore(%run_scoped3A : memref<!tpu.dma_semaphore, #tpu.memory_space<semaphore_mem>>) src(%arg8 : memref<64x128xf32, #tpu.memory_space<vmem>>) dst(%dma_wait3A_62 : memref<64x128xf32, #tpu.memory_space<vmem_shared>>)
      tpu.yield
    }) : () -> ()
    %add3A_31 = arith.constant 320 : i32
    %add3A_32 = arith.addi %mul3A_0, %add3A_31 : i32
    "tpu.region"() ({
      %run_scoped3A = tpu.sem_alloc : memref<!tpu.dma_semaphore, #tpu.memory_space<semaphore_mem>>
      %dma_start3A = arith.constant 0 : i32
      %dma_start3A_57 = tpu.memref_slice %arg10[%add3A_32, %dma_start3A] : memref<10112x128xf32, #tpu.memory_space<vmem_shared>> -> memref<64x128xf32, #tpu.memory_space<vmem_shared>>
      %dma_start3A_58 = arith.constant 0 : i32
      %dma_start3A_59 = tpu.memref_slice %arg10[%add3A_32, %dma_start3A_58] : memref<10112x128xf32, #tpu.memory_space<vmem_shared>> -> memref<64x128xf32, #tpu.memory_space<vmem_shared>>
      tpu.enqueue_dma source(%arg8 : memref<64x128xf32, #tpu.memory_space<vmem>>) target(%dma_start3A_59 : memref<64x128xf32, #tpu.memory_space<vmem_shared>>) target_semaphore(%run_scoped3A : memref<!tpu.dma_semaphore, #tpu.memory_space<semaphore_mem>>)
      %dma_wait3A = arith.constant 0 : i32
      %dma_wait3A_60 = tpu.memref_slice %arg10[%add3A_32, %dma_wait3A] : memref<10112x128xf32, #tpu.memory_space<vmem_shared>> -> memref<64x128xf32, #tpu.memory_space<vmem_shared>>
      %dma_wait3A_61 = arith.constant 0 : i32
      %dma_wait3A_62 = tpu.memref_slice %arg10[%add3A_32, %dma_wait3A_61] : memref<10112x128xf32, #tpu.memory_space<vmem_shared>> -> memref<64x128xf32, #tpu.memory_space<vmem_shared>>
      tpu.wait_dma2 semaphore(%run_scoped3A : memref<!tpu.dma_semaphore, #tpu.memory_space<semaphore_mem>>) src(%arg8 : memref<64x128xf32, #tpu.memory_space<vmem>>) dst(%dma_wait3A_62 : memref<64x128xf32, #tpu.memory_space<vmem_shared>>)
      tpu.yield
    }) : () -> ()
    %add3A_33 = arith.constant 384 : i32
    %add3A_34 = arith.addi %mul3A_0, %add3A_33 : i32
    "tpu.region"() ({
      %run_scoped3A = tpu.sem_alloc : memref<!tpu.dma_semaphore, #tpu.memory_space<semaphore_mem>>
      %dma_start3A = arith.constant 0 : i32
      %dma_start3A_57 = tpu.memref_slice %arg10[%add3A_34, %dma_start3A] : memref<10112x128xf32, #tpu.memory_space<vmem_shared>> -> memref<64x128xf32, #tpu.memory_space<vmem_shared>>
      %dma_start3A_58 = arith.constant 0 : i32
      %dma_start3A_59 = tpu.memref_slice %arg10[%add3A_34, %dma_start3A_58] : memref<10112x128xf32, #tpu.memory_space<vmem_shared>> -> memref<64x128xf32, #tpu.memory_space<vmem_shared>>
      tpu.enqueue_dma source(%arg8 : memref<64x128xf32, #tpu.memory_space<vmem>>) target(%dma_start3A_59 : memref<64x128xf32, #tpu.memory_space<vmem_shared>>) target_semaphore(%run_scoped3A : memref<!tpu.dma_semaphore, #tpu.memory_space<semaphore_mem>>)
      %dma_wait3A = arith.constant 0 : i32
      %dma_wait3A_60 = tpu.memref_slice %arg10[%add3A_34, %dma_wait3A] : memref<10112x128xf32, #tpu.memory_space<vmem_shared>> -> memref<64x128xf32, #tpu.memory_space<vmem_shared>>
      %dma_wait3A_61 = arith.constant 0 : i32
      %dma_wait3A_62 = tpu.memref_slice %arg10[%add3A_34, %dma_wait3A_61] : memref<10112x128xf32, #tpu.memory_space<vmem_shared>> -> memref<64x128xf32, #tpu.memory_space<vmem_shared>>
      tpu.wait_dma2 semaphore(%run_scoped3A : memref<!tpu.dma_semaphore, #tpu.memory_space<semaphore_mem>>) src(%arg8 : memref<64x128xf32, #tpu.memory_space<vmem>>) dst(%dma_wait3A_62 : memref<64x128xf32, #tpu.memory_space<vmem_shared>>)
      tpu.yield
    }) : () -> ()
    %add3A_35 = arith.constant 448 : i32
    %add3A_36 = arith.addi %mul3A_0, %add3A_35 : i32
    "tpu.region"() ({
      %run_scoped3A = tpu.sem_alloc : memref<!tpu.dma_semaphore, #tpu.memory_space<semaphore_mem>>
      %dma_start3A = arith.constant 0 : i32
      %dma_start3A_57 = tpu.memref_slice %arg10[%add3A_36, %dma_start3A] : memref<10112x128xf32, #tpu.memory_space<vmem_shared>> -> memref<64x128xf32, #tpu.memory_space<vmem_shared>>
      %dma_start3A_58 = arith.constant 0 : i32
      %dma_start3A_59 = tpu.memref_slice %arg10[%add3A_36, %dma_start3A_58] : memref<10112x128xf32, #tpu.memory_space<vmem_shared>> -> memref<64x128xf32, #tpu.memory_space<vmem_shared>>
      tpu.enqueue_dma source(%arg8 : memref<64x128xf32, #tpu.memory_space<vmem>>) target(%dma_start3A_59 : memref<64x128xf32, #tpu.memory_space<vmem_shared>>) target_semaphore(%run_scoped3A : memref<!tpu.dma_semaphore, #tpu.memory_space<semaphore_mem>>)
      %dma_wait3A = arith.constant 0 : i32
      %dma_wait3A_60 = tpu.memref_slice %arg10[%add3A_36, %dma_wait3A] : memref<10112x128xf32, #tpu.memory_space<vmem_shared>> -> memref<64x128xf32, #tpu.memory_space<vmem_shared>>
      %dma_wait3A_61 = arith.constant 0 : i32
      %dma_wait3A_62 = tpu.memref_slice %arg10[%add3A_36, %dma_wait3A_61] : memref<10112x128xf32, #tpu.memory_space<vmem_shared>> -> memref<64x128xf32, #tpu.memory_space<vmem_shared>>
      tpu.wait_dma2 semaphore(%run_scoped3A : memref<!tpu.dma_semaphore, #tpu.memory_space<semaphore_mem>>) src(%arg8 : memref<64x128xf32, #tpu.memory_space<vmem>>) dst(%dma_wait3A_62 : memref<64x128xf32, #tpu.memory_space<vmem_shared>>)
      tpu.yield
    }) : () -> ()
    %add3A_37 = arith.constant 512 : i32
    %add3A_38 = arith.addi %mul3A_0, %add3A_37 : i32
    "tpu.region"() ({
      %run_scoped3A = tpu.sem_alloc : memref<!tpu.dma_semaphore, #tpu.memory_space<semaphore_mem>>
      %dma_start3A = arith.constant 0 : i32
      %dma_start3A_57 = tpu.memref_slice %arg10[%add3A_38, %dma_start3A] : memref<10112x128xf32, #tpu.memory_space<vmem_shared>> -> memref<64x128xf32, #tpu.memory_space<vmem_shared>>
      %dma_start3A_58 = arith.constant 0 : i32
      %dma_start3A_59 = tpu.memref_slice %arg10[%add3A_38, %dma_start3A_58] : memref<10112x128xf32, #tpu.memory_space<vmem_shared>> -> memref<64x128xf32, #tpu.memory_space<vmem_shared>>
      tpu.enqueue_dma source(%arg8 : memref<64x128xf32, #tpu.memory_space<vmem>>) target(%dma_start3A_59 : memref<64x128xf32, #tpu.memory_space<vmem_shared>>) target_semaphore(%run_scoped3A : memref<!tpu.dma_semaphore, #tpu.memory_space<semaphore_mem>>)
      %dma_wait3A = arith.constant 0 : i32
      %dma_wait3A_60 = tpu.memref_slice %arg10[%add3A_38, %dma_wait3A] : memref<10112x128xf32, #tpu.memory_space<vmem_shared>> -> memref<64x128xf32, #tpu.memory_space<vmem_shared>>
      %dma_wait3A_61 = arith.constant 0 : i32
      %dma_wait3A_62 = tpu.memref_slice %arg10[%add3A_38, %dma_wait3A_61] : memref<10112x128xf32, #tpu.memory_space<vmem_shared>> -> memref<64x128xf32, #tpu.memory_space<vmem_shared>>
      tpu.wait_dma2 semaphore(%run_scoped3A : memref<!tpu.dma_semaphore, #tpu.memory_space<semaphore_mem>>) src(%arg8 : memref<64x128xf32, #tpu.memory_space<vmem>>) dst(%dma_wait3A_62 : memref<64x128xf32, #tpu.memory_space<vmem_shared>>)
      tpu.yield
    }) : () -> ()
    %add3A_39 = arith.constant 576 : i32
    %add3A_40 = arith.addi %mul3A_0, %add3A_39 : i32
    "tpu.region"() ({
      %run_scoped3A = tpu.sem_alloc : memref<!tpu.dma_semaphore, #tpu.memory_space<semaphore_mem>>
      %dma_start3A = arith.constant 0 : i32
      %dma_start3A_57 = arith.constant 0 : i32
      %dma_start3A_58 = tpu.memref_slice %arg8[%dma_start3A, %dma_start3A_57] : memref<64x128xf32, #tpu.memory_space<vmem>> -> memref<56x128xf32, #tpu.memory_space<vmem>>
      %dma_start3A_59 = arith.constant 0 : i32
      %dma_start3A_60 = tpu.memref_slice %arg10[%add3A_40, %dma_start3A_59] : memref<10112x128xf32, #tpu.memory_space<vmem_shared>> -> memref<56x128xf32, #tpu.memory_space<vmem_shared>>
      %dma_start3A_61 = arith.constant 0 : i32
      %dma_start3A_62 = tpu.memref_slice %arg10[%add3A_40, %dma_start3A_61] : memref<10112x128xf32, #tpu.memory_space<vmem_shared>> -> memref<56x128xf32, #tpu.memory_space<vmem_shared>>
      %dma_start3A_63 = arith.constant 0 : i32
      %dma_start3A_64 = arith.constant 0 : i32
      %dma_start3A_65 = tpu.memref_slice %arg8[%dma_start3A_63, %dma_start3A_64] : memref<64x128xf32, #tpu.memory_space<vmem>> -> memref<56x128xf32, #tpu.memory_space<vmem>>
      tpu.enqueue_dma source(%dma_start3A_65 : memref<56x128xf32, #tpu.memory_space<vmem>>) target(%dma_start3A_62 : memref<56x128xf32, #tpu.memory_space<vmem_shared>>) target_semaphore(%run_scoped3A : memref<!tpu.dma_semaphore, #tpu.memory_space<semaphore_mem>>)
      %dma_wait3A = arith.constant 0 : i32
      %dma_wait3A_66 = arith.constant 0 : i32
      %dma_wait3A_67 = tpu.memref_slice %arg8[%dma_wait3A, %dma_wait3A_66] : memref<64x128xf32, #tpu.memory_space<vmem>> -> memref<56x128xf32, #tpu.memory_space<vmem>>
      %dma_wait3A_68 = arith.constant 0 : i32
      %dma_wait3A_69 = tpu.memref_slice %arg10[%add3A_40, %dma_wait3A_68] : memref<10112x128xf32, #tpu.memory_space<vmem_shared>> -> memref<56x128xf32, #tpu.memory_space<vmem_shared>>
      %dma_wait3A_70 = arith.constant 0 : i32
      %dma_wait3A_71 = tpu.memref_slice %arg10[%add3A_40, %dma_wait3A_70] : memref<10112x128xf32, #tpu.memory_space<vmem_shared>> -> memref<56x128xf32, #tpu.memory_space<vmem_shared>>
      %dma_wait3A_72 = arith.constant 0 : i32
      %dma_wait3A_73 = arith.constant 0 : i32
      %dma_wait3A_74 = tpu.memref_slice %arg8[%dma_wait3A_72, %dma_wait3A_73] : memref<64x128xf32, #tpu.memory_space<vmem>> -> memref<56x128xf32, #tpu.memory_space<vmem>>
      tpu.wait_dma2 semaphore(%run_scoped3A : memref<!tpu.dma_semaphore, #tpu.memory_space<semaphore_mem>>) src(%dma_wait3A_74 : memref<56x128xf32, #tpu.memory_space<vmem>>) dst(%dma_wait3A_71 : memref<56x128xf32, #tpu.memory_space<vmem_shared>>)
      tpu.yield
    }) : () -> ()
    %barrier3A = arith.constant 0 : index
    tpu.barrier barrier_id(%barrier3A)
    %scan3A_41 = arith.constant 0 : i32
    %scan3A_42 = arith.constant 0 : i32
    %scan3A_43 = arith.constant 79 : i32
    %scan3A_44 = arith.addi %scan3A_42, %scan3A_43 : i32
    %scan3A_45 = arith.constant 1 : i32
    %scan3A_46 = scf.for %scan3A_57 = %scan3A_42 to %scan3A_44 step %scan3A_45 iter_args(%scan3A_58 = %scan3A_41) -> (i32)  : i32 {
      %mul3A_59 = arith.constant 2 : i32
      %mul3A_60 = arith.muli %mul3A_59, %scan3A_57 : i32
      %mul3A_61 = arith.constant 64 : i32
      %mul3A_62 = arith.muli %mul3A_60, %mul3A_61 : i32
      %add3A_63 = arith.constant 0 : i32
      %add3A_64 = arith.addi %mul3A_62, %add3A_63 : i32
      %get3A = arith.index_cast %add3A_64 : i32 to index
      %get3A_65 = tpu.vector_load %arg5[%get3A] {strides = array<i32>} : memref<10112xi32, #tpu.memory_space<vmem>>, vector<16xi32>,
      %shift_right_logical3A = arith.constant 14 : i32
      %shift_right_logical3A_66 = vector.broadcast %shift_right_logical3A : i32 to vector<16xi32>
      %shift_right_logical3A_67 = arith.shrui %get3A_65, %shift_right_logical3A_66 : vector<16xi32>
      %swap3A = arith.constant 0 : index
      %swap3A_68 = tpu.vector_load %arg6[%swap3A] {strides = array<i32>} : memref<128xi32, #tpu.memory_space<vmem>>, vector<16xi32>,
      tpu.vector_store %arg6[%swap3A], %shift_right_logical3A_67 {strides = array<i32>} : memref<128xi32, #tpu.memory_space<vmem>>, vector<16xi32>,
      %and3A = arith.constant 16383 : i32
      %and3A_69 = vector.broadcast %and3A : i32 to vector<16xi32>
      %and3A_70 = arith.andi %get3A_65, %and3A_69 : vector<16xi32>
      %swap3A_71 = arith.constant 0 : index
      %swap3A_72 = tpu.vector_load %arg7[%swap3A_71] {strides = array<i32>} : memref<128xi32, #tpu.memory_space<vmem>>, vector<16xi32>,
      tpu.vector_store %arg7[%swap3A_71], %and3A_70 {strides = array<i32>} : memref<128xi32, #tpu.memory_space<vmem>>, vector<16xi32>,
      %mul3A_73 = arith.constant 64 : i32
      %mul3A_74 = arith.muli %mul3A_60, %mul3A_73 : i32
      %add3A_75 = arith.constant 16 : i32
      %add3A_76 = arith.addi %mul3A_74, %add3A_75 : i32
      %get3A_77 = arith.index_cast %add3A_76 : i32 to index
      %get3A_78 = tpu.vector_load %arg5[%get3A_77] {strides = array<i32>} : memref<10112xi32, #tpu.memory_space<vmem>>, vector<16xi32>,
      %shift_right_logical3A_79 = arith.constant 14 : i32
      %shift_right_logical3A_80 = vector.broadcast %shift_right_logical3A_79 : i32 to vector<16xi32>
      %shift_right_logical3A_81 = arith.shrui %get3A_78, %shift_right_logical3A_80 : vector<16xi32>
      %swap3A_82 = arith.constant 16 : index
      %swap3A_83 = tpu.vector_load %arg6[%swap3A_82] {strides = array<i32>} : memref<128xi32, #tpu.memory_space<vmem>>, vector<16xi32>,
      tpu.vector_store %arg6[%swap3A_82], %shift_right_logical3A_81 {strides = array<i32>} : memref<128xi32, #tpu.memory_space<vmem>>, vector<16xi32>,
      %and3A_84 = arith.constant 16383 : i32
      %and3A_85 = vector.broadcast %and3A_84 : i32 to vector<16xi32>
      %and3A_86 = arith.andi %get3A_78, %and3A_85 : vector<16xi32>
      %swap3A_87 = arith.constant 16 : index
      %swap3A_88 = tpu.vector_load %arg7[%swap3A_87] {strides = array<i32>} : memref<128xi32, #tpu.memory_space<vmem>>, vector<16xi32>,
      tpu.vector_store %arg7[%swap3A_87], %and3A_86 {strides = array<i32>} : memref<128xi32, #tpu.memory_space<vmem>>, vector<16xi32>,
      %mul3A_89 = arith.constant 64 : i32
      %mul3A_90 = arith.muli %mul3A_60, %mul3A_89 : i32
      %add3A_91 = arith.constant 32 : i32
      %add3A_92 = arith.addi %mul3A_90, %add3A_91 : i32
      %get3A_93 = arith.index_cast %add3A_92 : i32 to index
      %get3A_94 = tpu.vector_load %arg5[%get3A_93] {strides = array<i32>} : memref<10112xi32, #tpu.memory_space<vmem>>, vector<16xi32>,
      %shift_right_logical3A_95 = arith.constant 14 : i32
      %shift_right_logical3A_96 = vector.broadcast %shift_right_logical3A_95 : i32 to vector<16xi32>
      %shift_right_logical3A_97 = arith.shrui %get3A_94, %shift_right_logical3A_96 : vector<16xi32>
      %swap3A_98 = arith.constant 32 : index
      %swap3A_99 = tpu.vector_load %arg6[%swap3A_98] {strides = array<i32>} : memref<128xi32, #tpu.memory_space<vmem>>, vector<16xi32>,
      tpu.vector_store %arg6[%swap3A_98], %shift_right_logical3A_97 {strides = array<i32>} : memref<128xi32, #tpu.memory_space<vmem>>, vector<16xi32>,
      %and3A_100 = arith.constant 16383 : i32
      %and3A_101 = vector.broadcast %and3A_100 : i32 to vector<16xi32>
      %and3A_102 = arith.andi %get3A_94, %and3A_101 : vector<16xi32>
      %swap3A_103 = arith.constant 32 : index
      %swap3A_104 = tpu.vector_load %arg7[%swap3A_103] {strides = array<i32>} : memref<128xi32, #tpu.memory_space<vmem>>, vector<16xi32>,
      tpu.vector_store %arg7[%swap3A_103], %and3A_102 {strides = array<i32>} : memref<128xi32, #tpu.memory_space<vmem>>, vector<16xi32>,
      %mul3A_105 = arith.constant 64 : i32
      %mul3A_106 = arith.muli %mul3A_60, %mul3A_105 : i32
      %add3A_107 = arith.constant 48 : i32
      %add3A_108 = arith.addi %mul3A_106, %add3A_107 : i32
      %get3A_109 = arith.index_cast %add3A_108 : i32 to index
      %get3A_110 = tpu.vector_load %arg5[%get3A_109] {strides = array<i32>} : memref<10112xi32, #tpu.memory_space<vmem>>, vector<16xi32>,
      %shift_right_logical3A_111 = arith.constant 14 : i32
      %shift_right_logical3A_112 = vector.broadcast %shift_right_logical3A_111 : i32 to vector<16xi32>
      %shift_right_logical3A_113 = arith.shrui %get3A_110, %shift_right_logical3A_112 : vector<16xi32>
      %swap3A_114 = arith.constant 48 : index
      %swap3A_115 = tpu.vector_load %arg6[%swap3A_114] {strides = array<i32>} : memref<128xi32, #tpu.memory_space<vmem>>, vector<16xi32>,
      tpu.vector_store %arg6[%swap3A_114], %shift_right_logical3A_113 {strides = array<i32>} : memref<128xi32, #tpu.memory_space<vmem>>, vector<16xi32>,
      %and3A_116 = arith.constant 16383 : i32
      %and3A_117 = vector.broadcast %and3A_116 : i32 to vector<16xi32>
      %and3A_118 = arith.andi %get3A_110, %and3A_117 : vector<16xi32>
      %swap3A_119 = arith.constant 48 : index
      %swap3A_120 = tpu.vector_load %arg7[%swap3A_119] {strides = array<i32>} : memref<128xi32, #tpu.memory_space<vmem>>, vector<16xi32>,
      tpu.vector_store %arg7[%swap3A_119], %and3A_118 {strides = array<i32>} : memref<128xi32, #tpu.memory_space<vmem>>, vector<16xi32>,
      %add3A_121 = arith.constant 1 : i32
      %add3A_122 = arith.addi %mul3A_60, %add3A_121 : i32
      %mul3A_123 = arith.constant 64 : i32
      %mul3A_124 = arith.muli %add3A_122, %mul3A_123 : i32
      %add3A_125 = arith.constant 0 : i32
      %add3A_126 = arith.addi %mul3A_124, %add3A_125 : i32
      %get3A_127 = arith.index_cast %add3A_126 : i32 to index
      %get3A_128 = tpu.vector_load %arg5[%get3A_127] {strides = array<i32>} : memref<10112xi32, #tpu.memory_space<vmem>>, vector<16xi32>,
      %shift_right_logical3A_129 = arith.constant 14 : i32
      %shift_right_logical3A_130 = vector.broadcast %shift_right_logical3A_129 : i32 to vector<16xi32>
      %shift_right_logical3A_131 = arith.shrui %get3A_128, %shift_right_logical3A_130 : vector<16xi32>
      %swap3A_132 = arith.constant 64 : index
      %swap3A_133 = tpu.vector_load %arg6[%swap3A_132] {strides = array<i32>} : memref<128xi32, #tpu.memory_space<vmem>>, vector<16xi32>,
      tpu.vector_store %arg6[%swap3A_132], %shift_right_logical3A_131 {strides = array<i32>} : memref<128xi32, #tpu.memory_space<vmem>>, vector<16xi32>,
      %and3A_134 = arith.constant 16383 : i32
      %and3A_135 = vector.broadcast %and3A_134 : i32 to vector<16xi32>
      %and3A_136 = arith.andi %get3A_128, %and3A_135 : vector<16xi32>
      %swap3A_137 = arith.constant 64 : index
      %swap3A_138 = tpu.vector_load %arg7[%swap3A_137] {strides = array<i32>} : memref<128xi32, #tpu.memory_space<vmem>>, vector<16xi32>,
      tpu.vector_store %arg7[%swap3A_137], %and3A_136 {strides = array<i32>} : memref<128xi32, #tpu.memory_space<vmem>>, vector<16xi32>,
      %mul3A_139 = arith.constant 64 : i32
      %mul3A_140 = arith.muli %add3A_122, %mul3A_139 : i32
      %add3A_141 = arith.constant 16 : i32
      %add3A_142 = arith.addi %mul3A_140, %add3A_141 : i32
      %get3A_143 = arith.index_cast %add3A_142 : i32 to index
      %get3A_144 = tpu.vector_load %arg5[%get3A_143] {strides = array<i32>} : memref<10112xi32, #tpu.memory_space<vmem>>, vector<16xi32>,
      %shift_right_logical3A_145 = arith.constant 14 : i32
      %shift_right_logical3A_146 = vector.broadcast %shift_right_logical3A_145 : i32 to vector<16xi32>
      %shift_right_logical3A_147 = arith.shrui %get3A_144, %shift_right_logical3A_146 : vector<16xi32>
      %swap3A_148 = arith.constant 80 : index
      %swap3A_149 = tpu.vector_load %arg6[%swap3A_148] {strides = array<i32>} : memref<128xi32, #tpu.memory_space<vmem>>, vector<16xi32>,
      tpu.vector_store %arg6[%swap3A_148], %shift_right_logical3A_147 {strides = array<i32>} : memref<128xi32, #tpu.memory_space<vmem>>, vector<16xi32>,
      %and3A_150 = arith.constant 16383 : i32
      %and3A_151 = vector.broadcast %and3A_150 : i32 to vector<16xi32>
      %and3A_152 = arith.andi %get3A_144, %and3A_151 : vector<16xi32>
      %swap3A_153 = arith.constant 80 : index
      %swap3A_154 = tpu.vector_load %arg7[%swap3A_153] {strides = array<i32>} : memref<128xi32, #tpu.memory_space<vmem>>, vector<16xi32>,
      tpu.vector_store %arg7[%swap3A_153], %and3A_152 {strides = array<i32>} : memref<128xi32, #tpu.memory_space<vmem>>, vector<16xi32>,
      %mul3A_155 = arith.constant 64 : i32
      %mul3A_156 = arith.muli %add3A_122, %mul3A_155 : i32
      %add3A_157 = arith.constant 32 : i32
      %add3A_158 = arith.addi %mul3A_156, %add3A_157 : i32
      %get3A_159 = arith.index_cast %add3A_158 : i32 to index
      %get3A_160 = tpu.vector_load %arg5[%get3A_159] {strides = array<i32>} : memref<10112xi32, #tpu.memory_space<vmem>>, vector<16xi32>,
      %shift_right_logical3A_161 = arith.constant 14 : i32
      %shift_right_logical3A_162 = vector.broadcast %shift_right_logical3A_161 : i32 to vector<16xi32>
      %shift_right_logical3A_163 = arith.shrui %get3A_160, %shift_right_logical3A_162 : vector<16xi32>
      %swap3A_164 = arith.constant 96 : index
      %swap3A_165 = tpu.vector_load %arg6[%swap3A_164] {strides = array<i32>} : memref<128xi32, #tpu.memory_space<vmem>>, vector<16xi32>,
      tpu.vector_store %arg6[%swap3A_164], %shift_right_logical3A_163 {strides = array<i32>} : memref<128xi32, #tpu.memory_space<vmem>>, vector<16xi32>,
      %and3A_166 = arith.constant 16383 : i32
      %and3A_167 = vector.broadcast %and3A_166 : i32 to vector<16xi32>
      %and3A_168 = arith.andi %get3A_160, %and3A_167 : vector<16xi32>
      %swap3A_169 = arith.constant 96 : index
      %swap3A_170 = tpu.vector_load %arg7[%swap3A_169] {strides = array<i32>} : memref<128xi32, #tpu.memory_space<vmem>>, vector<16xi32>,
      tpu.vector_store %arg7[%swap3A_169], %and3A_168 {strides = array<i32>} : memref<128xi32, #tpu.memory_space<vmem>>, vector<16xi32>,
      %mul3A_171 = arith.constant 64 : i32
      %mul3A_172 = arith.muli %add3A_122, %mul3A_171 : i32
      %add3A_173 = arith.constant 48 : i32
      %add3A_174 = arith.addi %mul3A_172, %add3A_173 : i32
      %get3A_175 = arith.index_cast %add3A_174 : i32 to index
      %get3A_176 = tpu.vector_load %arg5[%get3A_175] {strides = array<i32>} : memref<10112xi32, #tpu.memory_space<vmem>>, vector<16xi32>,
      %shift_right_logical3A_177 = arith.constant 14 : i32
      %shift_right_logical3A_178 = vector.broadcast %shift_right_logical3A_177 : i32 to vector<16xi32>
      %shift_right_logical3A_179 = arith.shrui %get3A_176, %shift_right_logical3A_178 : vector<16xi32>
      %swap3A_180 = arith.constant 112 : index
      %swap3A_181 = tpu.vector_load %arg6[%swap3A_180] {strides = array<i32>} : memref<128xi32, #tpu.memory_space<vmem>>, vector<16xi32>,
      tpu.vector_store %arg6[%swap3A_180], %shift_right_logical3A_179 {strides = array<i32>} : memref<128xi32, #tpu.memory_space<vmem>>, vector<16xi32>,
      %and3A_182 = arith.constant 16383 : i32
      %and3A_183 = vector.broadcast %and3A_182 : i32 to vector<16xi32>
      %and3A_184 = arith.andi %get3A_176, %and3A_183 : vector<16xi32>
      %swap3A_185 = arith.constant 112 : index
      %swap3A_186 = tpu.vector_load %arg7[%swap3A_185] {strides = array<i32>} : memref<128xi32, #tpu.memory_space<vmem>>, vector<16xi32>,
      tpu.vector_store %arg7[%swap3A_185], %and3A_184 {strides = array<i32>} : memref<128xi32, #tpu.memory_space<vmem>>, vector<16xi32>,
      %dma_start3A = arith.constant 0 : i32
      %dma_start3A_187 = tpu.memref_slice %arg7[%dma_start3A] : memref<128xi32, #tpu.memory_space<vmem>> -> memref<64xi32, #tpu.memory_space<vmem>>
      %dma_start3A_188 = arith.constant 0 : i32
      %dma_start3A_189 = arith.constant 0 : i32
      %dma_start3A_190 = tpu.memref_slice %arg2[%dma_start3A_188, %dma_start3A_189] : memref<10000x128xf32, #tpu.memory_space<hbm>> -> memref<10000x128xf32, #tpu.memory_space<hbm>>
      tpu.enqueue_indirect_dma source(%dma_start3A_190 : memref<10000x128xf32, #tpu.memory_space<hbm>>) target(%arg8 : memref<64x128xf32, #tpu.memory_space<vmem>>) offsets(%dma_start3A_187 : memref<64xi32, #tpu.memory_space<vmem>>) semaphore(%arg11 : memref<!tpu.dma_semaphore, #tpu.memory_space<semaphore_mem>>)
      %dma_start3A_191 = arith.constant 64 : i32
      %dma_start3A_192 = tpu.memref_slice %arg7[%dma_start3A_191] : memref<128xi32, #tpu.memory_space<vmem>> -> memref<64xi32, #tpu.memory_space<vmem>>
      %dma_start3A_193 = arith.constant 0 : i32
      %dma_start3A_194 = arith.constant 0 : i32
      %dma_start3A_195 = tpu.memref_slice %arg2[%dma_start3A_193, %dma_start3A_194] : memref<10000x128xf32, #tpu.memory_space<hbm>> -> memref<10000x128xf32, #tpu.memory_space<hbm>>
      tpu.enqueue_indirect_dma source(%dma_start3A_195 : memref<10000x128xf32, #tpu.memory_space<hbm>>) target(%arg9 : memref<64x128xf32, #tpu.memory_space<vmem>>) offsets(%dma_start3A_192 : memref<64xi32, #tpu.memory_space<vmem>>) semaphore(%arg12 : memref<!tpu.dma_semaphore, #tpu.memory_space<semaphore_mem>>)
      %dma_wait3A = arith.constant 0 : i32
      %dma_wait3A_196 = tpu.memref_slice %arg7[%dma_wait3A] : memref<128xi32, #tpu.memory_space<vmem>> -> memref<64xi32, #tpu.memory_space<vmem>>
      %dma_wait3A_197 = arith.constant 0 : i32
      %dma_wait3A_198 = arith.constant 0 : i32
      %dma_wait3A_199 = tpu.memref_slice %arg2[%dma_wait3A_197, %dma_wait3A_198] : memref<10000x128xf32, #tpu.memory_space<hbm>> -> memref<10000x128xf32, #tpu.memory_space<hbm>>
      tpu.wait_indirect_dma semaphore(%arg11 : memref<!tpu.dma_semaphore, #tpu.memory_space<semaphore_mem>>) src(%dma_wait3A_199 : memref<10000x128xf32, #tpu.memory_space<hbm>>) dst(%arg8 : memref<64x128xf32, #tpu.memory_space<vmem>>)
      %dma_wait3A_200 = arith.constant 64 : i32
      %dma_wait3A_201 = tpu.memref_slice %arg7[%dma_wait3A_200] : memref<128xi32, #tpu.memory_space<vmem>> -> memref<64xi32, #tpu.memory_space<vmem>>
      %dma_wait3A_202 = arith.constant 0 : i32
      %dma_wait3A_203 = arith.constant 0 : i32
      %dma_wait3A_204 = tpu.memref_slice %arg2[%dma_wait3A_202, %dma_wait3A_203] : memref<10000x128xf32, #tpu.memory_space<hbm>> -> memref<10000x128xf32, #tpu.memory_space<hbm>>
      tpu.wait_indirect_dma semaphore(%arg12 : memref<!tpu.dma_semaphore, #tpu.memory_space<semaphore_mem>>) src(%dma_wait3A_204 : memref<10000x128xf32, #tpu.memory_space<hbm>>) dst(%arg9 : memref<64x128xf32, #tpu.memory_space<vmem>>)
      "tpu.region"() ({
        %run_scoped3A = tpu.sem_alloc : memref<!tpu.dma_semaphore, #tpu.memory_space<semaphore_mem>>
        %dma_start3A_206 = arith.constant 0 : i32
        %dma_start3A_207 = tpu.memref_slice %arg6[%dma_start3A_206] : memref<128xi32, #tpu.memory_space<vmem>> -> memref<64xi32, #tpu.memory_space<vmem>>
        %dma_start3A_208 = arith.constant 0 : i32
        %dma_start3A_209 = arith.constant 0 : i32
        %dma_start3A_210 = tpu.memref_slice %arg10[%dma_start3A_208, %dma_start3A_209] : memref<10112x128xf32, #tpu.memory_space<vmem_shared>> -> memref<10112x128xf32, #tpu.memory_space<vmem_shared>>
        tpu.enqueue_indirect_dma source(%arg8 : memref<64x128xf32, #tpu.memory_space<vmem>>) target(%dma_start3A_210 : memref<10112x128xf32, #tpu.memory_space<vmem_shared>>) offsets(%dma_start3A_207 : memref<64xi32, #tpu.memory_space<vmem>>) semaphore(%run_scoped3A : memref<!tpu.dma_semaphore, #tpu.memory_space<semaphore_mem>>) {add = true}
        %dma_wait3A_211 = arith.constant 0 : i32
        %dma_wait3A_212 = tpu.memref_slice %arg6[%dma_wait3A_211] : memref<128xi32, #tpu.memory_space<vmem>> -> memref<64xi32, #tpu.memory_space<vmem>>
        %dma_wait3A_213 = arith.constant 0 : i32
        %dma_wait3A_214 = arith.constant 0 : i32
        %dma_wait3A_215 = tpu.memref_slice %arg10[%dma_wait3A_213, %dma_wait3A_214] : memref<10112x128xf32, #tpu.memory_space<vmem_shared>> -> memref<10112x128xf32, #tpu.memory_space<vmem_shared>>
        tpu.wait_indirect_dma semaphore(%run_scoped3A : memref<!tpu.dma_semaphore, #tpu.memory_space<semaphore_mem>>) src(%arg8 : memref<64x128xf32, #tpu.memory_space<vmem>>) dst(%dma_wait3A_215 : memref<10112x128xf32, #tpu.memory_space<vmem_shared>>)
        tpu.yield
      }) : () -> ()
      "tpu.region"() ({
        %run_scoped3A = tpu.sem_alloc : memref<!tpu.dma_semaphore, #tpu.memory_space<semaphore_mem>>
        %dma_start3A_206 = arith.constant 64 : i32
        %dma_start3A_207 = tpu.memref_slice %arg6[%dma_start3A_206] : memref<128xi32, #tpu.memory_space<vmem>> -> memref<64xi32, #tpu.memory_space<vmem>>
        %dma_start3A_208 = arith.constant 0 : i32
        %dma_start3A_209 = arith.constant 0 : i32
        %dma_start3A_210 = tpu.memref_slice %arg10[%dma_start3A_208, %dma_start3A_209] : memref<10112x128xf32, #tpu.memory_space<vmem_shared>> -> memref<10112x128xf32, #tpu.memory_space<vmem_shared>>
        tpu.enqueue_indirect_dma source(%arg9 : memref<64x128xf32, #tpu.memory_space<vmem>>) target(%dma_start3A_210 : memref<10112x128xf32, #tpu.memory_space<vmem_shared>>) offsets(%dma_start3A_207 : memref<64xi32, #tpu.memory_space<vmem>>) semaphore(%run_scoped3A : memref<!tpu.dma_semaphore, #tpu.memory_space<semaphore_mem>>) {add = true}
        %dma_wait3A_211 = arith.constant 64 : i32
        %dma_wait3A_212 = tpu.memref_slice %arg6[%dma_wait3A_211] : memref<128xi32, #tpu.memory_space<vmem>> -> memref<64xi32, #tpu.memory_space<vmem>>
        %dma_wait3A_213 = arith.constant 0 : i32
        %dma_wait3A_214 = arith.constant 0 : i32
        %dma_wait3A_215 = tpu.memref_slice %arg10[%dma_wait3A_213, %dma_wait3A_214] : memref<10112x128xf32, #tpu.memory_space<vmem_shared>> -> memref<10112x128xf32, #tpu.memory_space<vmem_shared>>
        tpu.wait_indirect_dma semaphore(%run_scoped3A : memref<!tpu.dma_semaphore, #tpu.memory_space<semaphore_mem>>) src(%arg9 : memref<64x128xf32, #tpu.memory_space<vmem>>) dst(%dma_wait3A_215 : memref<10112x128xf32, #tpu.memory_space<vmem_shared>>)
        tpu.yield
      }) : () -> ()
      %scan3A_205 = arith.constant 0 : i32
      scf.yield %scan3A_205 : i32
    }
    %scan3A_47 = arith.constant 79 : i32
    %barrier3A_48 = arith.constant 0 : index
    tpu.barrier barrier_id(%barrier3A_48)
    %eq3A = arith.constant 0 : i32
    %eq3A_49 = arith.cmpi eq, %arg0, %eq3A : i32
    %convert_element_type3A = arith.extui %eq3A_49 : i1 to i32
    %cond3A = arith.constant 0 : i32
    %cond3A_50 = arith.cmpi ne, %convert_element_type3A, %cond3A : i32
    scf.if %cond3A_50 {
      %run_scoped3A = arith.constant 0 : i32
      "tpu.region"() ({
        %run_scoped3A_57 = tpu.sem_alloc : memref<!tpu.dma_semaphore, #tpu.memory_space<semaphore_mem>>
        %dma_start3A = arith.constant 0 : i32
        %dma_start3A_58 = tpu.memref_slice %arg4[%run_scoped3A, %mul3A_0, %dma_start3A] : memref<2x10112x128xf32, #tpu.memory_space<hbm>> -> memref<1x632x128xf32, #tpu.memory_space<hbm>>
        %dma_start3A_59 = tpu.memref_squeeze %dma_start3A_58 : memref<1x632x128xf32, #tpu.memory_space<hbm>> -> memref<632x128xf32, #tpu.memory_space<hbm>>
        %dma_start3A_60 = arith.constant 0 : i32
        %dma_start3A_61 = tpu.memref_slice %arg10[%mul3A_0, %dma_start3A_60] : memref<10112x128xf32, #tpu.memory_space<vmem_shared>> -> memref<632x128xf32, #tpu.memory_space<vmem_shared>>
        tpu.enqueue_dma source(%dma_start3A_61 : memref<632x128xf32, #tpu.memory_space<vmem_shared>>) target(%dma_start3A_59 : memref<632x128xf32, #tpu.memory_space<hbm>>) target_semaphore(%run_scoped3A_57 : memref<!tpu.dma_semaphore, #tpu.memory_space<semaphore_mem>>)
        %dma_wait3A = arith.constant 0 : i32
        %dma_wait3A_62 = tpu.memref_slice %arg4[%run_scoped3A, %mul3A_0, %dma_wait3A] : memref<2x10112x128xf32, #tpu.memory_space<hbm>> -> memref<1x632x128xf32, #tpu.memory_space<hbm>>
        %dma_wait3A_63 = tpu.memref_squeeze %dma_wait3A_62 : memref<1x632x128xf32, #tpu.memory_space<hbm>> -> memref<632x128xf32, #tpu.memory_space<hbm>>
        %dma_wait3A_64 = arith.constant 0 : i32
        %dma_wait3A_65 = tpu.memref_slice %arg10[%mul3A_0, %dma_wait3A_64] : memref<10112x128xf32, #tpu.memory_space<vmem_shared>> -> memref<632x128xf32, #tpu.memory_space<vmem_shared>>
        tpu.wait_dma2 semaphore(%run_scoped3A_57 : memref<!tpu.dma_semaphore, #tpu.memory_space<semaphore_mem>>) src(%dma_wait3A_65 : memref<632x128xf32, #tpu.memory_space<vmem_shared>>) dst(%dma_wait3A_63 : memref<632x128xf32, #tpu.memory_space<hbm>>)
        tpu.yield
      }) : () -> ()
    } else {
    }
    %eq3A_51 = arith.constant 1 : i32
    %eq3A_52 = arith.cmpi eq, %arg0, %eq3A_51 : i32
    %convert_element_type3A_53 = arith.extui %eq3A_52 : i1 to i32
    %cond3A_54 = arith.constant 0 : i32
    %cond3A_55 = arith.cmpi ne, %convert_element_type3A_53, %cond3A_54 : i32
    scf.if %cond3A_55 {
      %run_scoped3A = arith.constant 1 : i32
      "tpu.region"() ({
        %run_scoped3A_57 = tpu.sem_alloc : memref<!tpu.dma_semaphore, #tpu.memory_space<semaphore_mem>>
        %dma_start3A = arith.constant 0 : i32
        %dma_start3A_58 = tpu.memref_slice %arg4[%run_scoped3A, %mul3A_0, %dma_start3A] : memref<2x10112x128xf32, #tpu.memory_space<hbm>> -> memref<1x632x128xf32, #tpu.memory_space<hbm>>
        %dma_start3A_59 = tpu.memref_squeeze %dma_start3A_58 : memref<1x632x128xf32, #tpu.memory_space<hbm>> -> memref<632x128xf32, #tpu.memory_space<hbm>>
        %dma_start3A_60 = arith.constant 0 : i32
        %dma_start3A_61 = tpu.memref_slice %arg10[%mul3A_0, %dma_start3A_60] : memref<10112x128xf32, #tpu.memory_space<vmem_shared>> -> memref<632x128xf32, #tpu.memory_space<vmem_shared>>
        tpu.enqueue_dma source(%dma_start3A_61 : memref<632x128xf32, #tpu.memory_space<vmem_shared>>) target(%dma_start3A_59 : memref<632x128xf32, #tpu.memory_space<hbm>>) target_semaphore(%run_scoped3A_57 : memref<!tpu.dma_semaphore, #tpu.memory_space<semaphore_mem>>)
        %dma_wait3A = arith.constant 0 : i32
        %dma_wait3A_62 = tpu.memref_slice %arg4[%run_scoped3A, %mul3A_0, %dma_wait3A] : memref<2x10112x128xf32, #tpu.memory_space<hbm>> -> memref<1x632x128xf32, #tpu.memory_space<hbm>>
        %dma_wait3A_63 = tpu.memref_squeeze %dma_wait3A_62 : memref<1x632x128xf32, #tpu.memory_space<hbm>> -> memref<632x128xf32, #tpu.memory_space<hbm>>
        %dma_wait3A_64 = arith.constant 0 : i32
        %dma_wait3A_65 = tpu.memref_slice %arg10[%mul3A_0, %dma_wait3A_64] : memref<10112x128xf32, #tpu.memory_space<vmem_shared>> -> memref<632x128xf32, #tpu.memory_space<vmem_shared>>
        tpu.wait_dma2 semaphore(%run_scoped3A_57 : memref<!tpu.dma_semaphore, #tpu.memory_space<semaphore_mem>>) src(%dma_wait3A_65 : memref<632x128xf32, #tpu.memory_space<vmem_shared>>) dst(%dma_wait3A_63 : memref<632x128xf32, #tpu.memory_space<hbm>>)
        tpu.yield
      }) : () -> ()
    } else {
    }
    %barrier3A_56 = arith.constant 0 : index
    tpu.barrier barrier_id(%barrier3A_56)
    return
  }
}

#map = affine_map<(d0, d1) -> (0)>
#map1 = affine_map<(d0, d1) -> (0, 0)>
module attributes {stable_mosaic.version = 14 : i64} {
  func.func @_deg_body(%arg0: i32, %arg1: i32, %arg2: memref<320000xi32, #tpu.memory_space<hbm>>, %arg3: memref<32x10112xf32, #tpu.memory_space<hbm>>, %arg4: memref<2000xi32, #tpu.memory_space<vmem>>, %arg5: memref<10112xf32, #tpu.memory_space<vmem>>) attributes {dimension_semantics = [#tpu.dimension_semantics<core_parallel>, #tpu.dimension_semantics<subcore_parallel>], iteration_bounds = array<i64: 2, 16>, scalar_prefetch = 0 : i64, scratch_operands = 2 : i64, tpu.core_type = #tpu.core_type<sc_vector_subcore>, window_params = [{transform_indices = #map}, {transform_indices = #map1}]} {
    %mul3A = arith.constant 2 : i32
    %mul3A_0 = arith.muli %arg1, %mul3A : i32
    %add3A = arith.addi %mul3A_0, %arg0 : i32
    %broadcast_in_dim3A = arith.constant 0.000000e+00 : f32
    %broadcast_in_dim3A_1 = vector.broadcast %broadcast_in_dim3A : f32 to vector<16xf32>
    %broadcast_in_dim3A_2 = arith.constant 1.000000e+00 : f32
    %broadcast_in_dim3A_3 = vector.broadcast %broadcast_in_dim3A_2 : f32 to vector<16xf32>
    %scan3A = arith.constant 0 : i32
    %scan3A_4 = arith.constant 0 : i32
    %scan3A_5 = arith.constant 632 : i32
    %scan3A_6 = arith.addi %scan3A_4, %scan3A_5 : i32
    %scan3A_7 = arith.constant 1 : i32
    %scan3A_8 = scf.for %scan3A_57 = %scan3A_4 to %scan3A_6 step %scan3A_7 iter_args(%scan3A_58 = %scan3A) -> (i32)  : i32 {
      %mul3A_59 = arith.constant 16 : i32
      %mul3A_60 = arith.muli %scan3A_57, %mul3A_59 : i32
      %swap3A = arith.index_cast %mul3A_60 : i32 to index
      %swap3A_61 = tpu.vector_load %arg5[%swap3A] {strides = array<i32>} : memref<10112xf32, #tpu.memory_space<vmem>>, vector<16xf32>,
      tpu.vector_store %arg5[%swap3A], %broadcast_in_dim3A_1 {strides = array<i32>} : memref<10112xf32, #tpu.memory_space<vmem>>, vector<16xf32>,
      %scan3A_62 = arith.constant 0 : i32
      scf.yield %scan3A_62 : i32
    }
    %scan3A_9 = arith.constant 632 : i32
    %mul3A_10 = arith.constant 10000 : i32
    %mul3A_11 = arith.muli %add3A, %mul3A_10 : i32
    %add3A_12 = arith.constant 0 : i32
    %add3A_13 = arith.addi %mul3A_11, %add3A_12 : i32
    "tpu.region"() ({
      %run_scoped3A = tpu.sem_alloc : memref<!tpu.dma_semaphore, #tpu.memory_space<semaphore_mem>>
      %dma_start3A = tpu.memref_slice %arg2[%add3A_13] : memref<320000xi32, #tpu.memory_space<hbm>> -> memref<2000xi32, #tpu.memory_space<hbm>>
      %dma_start3A_57 = tpu.memref_slice %arg2[%add3A_13] : memref<320000xi32, #tpu.memory_space<hbm>> -> memref<2000xi32, #tpu.memory_space<hbm>>
      tpu.enqueue_dma source(%dma_start3A_57 : memref<2000xi32, #tpu.memory_space<hbm>>) target(%arg4 : memref<2000xi32, #tpu.memory_space<vmem>>) target_semaphore(%run_scoped3A : memref<!tpu.dma_semaphore, #tpu.memory_space<semaphore_mem>>)
      %dma_wait3A = tpu.memref_slice %arg2[%add3A_13] : memref<320000xi32, #tpu.memory_space<hbm>> -> memref<2000xi32, #tpu.memory_space<hbm>>
      %dma_wait3A_58 = tpu.memref_slice %arg2[%add3A_13] : memref<320000xi32, #tpu.memory_space<hbm>> -> memref<2000xi32, #tpu.memory_space<hbm>>
      tpu.wait_dma2 semaphore(%run_scoped3A : memref<!tpu.dma_semaphore, #tpu.memory_space<semaphore_mem>>) src(%dma_wait3A_58 : memref<2000xi32, #tpu.memory_space<hbm>>) dst(%arg4 : memref<2000xi32, #tpu.memory_space<vmem>>)
      tpu.yield
    }) : () -> ()
    %scan3A_14 = arith.constant 0 : i32
    %scan3A_15 = arith.constant 0 : i32
    %scan3A_16 = arith.constant 125 : i32
    %scan3A_17 = arith.addi %scan3A_15, %scan3A_16 : i32
    %scan3A_18 = arith.constant 1 : i32
    %scan3A_19 = scf.for %scan3A_57 = %scan3A_15 to %scan3A_17 step %scan3A_18 iter_args(%scan3A_58 = %scan3A_14) -> (i32)  : i32 {
      %mul3A_59 = arith.constant 16 : i32
      %mul3A_60 = arith.muli %scan3A_57, %mul3A_59 : i32
      %get3A = arith.index_cast %mul3A_60 : i32 to index
      %get3A_61 = tpu.vector_load %arg4[%get3A] {strides = array<i32>} : memref<2000xi32, #tpu.memory_space<vmem>>, vector<16xi32>,
      tpu.vector_store_idx %arg5[%get3A_61], %broadcast_in_dim3A_3 {add = true} : memref<10112xf32, #tpu.memory_space<vmem>>[vector<16xi32>], vector<16xf32>,
      %scan3A_62 = arith.constant 0 : i32
      scf.yield %scan3A_62 : i32
    }
    %scan3A_20 = arith.constant 125 : i32
    %add3A_21 = arith.constant 2000 : i32
    %add3A_22 = arith.addi %mul3A_11, %add3A_21 : i32
    "tpu.region"() ({
      %run_scoped3A = tpu.sem_alloc : memref<!tpu.dma_semaphore, #tpu.memory_space<semaphore_mem>>
      %dma_start3A = tpu.memref_slice %arg2[%add3A_22] : memref<320000xi32, #tpu.memory_space<hbm>> -> memref<2000xi32, #tpu.memory_space<hbm>>
      %dma_start3A_57 = tpu.memref_slice %arg2[%add3A_22] : memref<320000xi32, #tpu.memory_space<hbm>> -> memref<2000xi32, #tpu.memory_space<hbm>>
      tpu.enqueue_dma source(%dma_start3A_57 : memref<2000xi32, #tpu.memory_space<hbm>>) target(%arg4 : memref<2000xi32, #tpu.memory_space<vmem>>) target_semaphore(%run_scoped3A : memref<!tpu.dma_semaphore, #tpu.memory_space<semaphore_mem>>)
      %dma_wait3A = tpu.memref_slice %arg2[%add3A_22] : memref<320000xi32, #tpu.memory_space<hbm>> -> memref<2000xi32, #tpu.memory_space<hbm>>
      %dma_wait3A_58 = tpu.memref_slice %arg2[%add3A_22] : memref<320000xi32, #tpu.memory_space<hbm>> -> memref<2000xi32, #tpu.memory_space<hbm>>
      tpu.wait_dma2 semaphore(%run_scoped3A : memref<!tpu.dma_semaphore, #tpu.memory_space<semaphore_mem>>) src(%dma_wait3A_58 : memref<2000xi32, #tpu.memory_space<hbm>>) dst(%arg4 : memref<2000xi32, #tpu.memory_space<vmem>>)
      tpu.yield
    }) : () -> ()
    %scan3A_23 = arith.constant 0 : i32
    %scan3A_24 = arith.constant 0 : i32
    %scan3A_25 = arith.constant 125 : i32
    %scan3A_26 = arith.addi %scan3A_24, %scan3A_25 : i32
    %scan3A_27 = arith.constant 1 : i32
    %scan3A_28 = scf.for %scan3A_57 = %scan3A_24 to %scan3A_26 step %scan3A_27 iter_args(%scan3A_58 = %scan3A_23) -> (i32)  : i32 {
      %mul3A_59 = arith.constant 16 : i32
      %mul3A_60 = arith.muli %scan3A_57, %mul3A_59 : i32
      %get3A = arith.index_cast %mul3A_60 : i32 to index
      %get3A_61 = tpu.vector_load %arg4[%get3A] {strides = array<i32>} : memref<2000xi32, #tpu.memory_space<vmem>>, vector<16xi32>,
      tpu.vector_store_idx %arg5[%get3A_61], %broadcast_in_dim3A_3 {add = true} : memref<10112xf32, #tpu.memory_space<vmem>>[vector<16xi32>], vector<16xf32>,
      %scan3A_62 = arith.constant 0 : i32
      scf.yield %scan3A_62 : i32
    }
    %scan3A_29 = arith.constant 125 : i32
    %add3A_30 = arith.constant 4000 : i32
    %add3A_31 = arith.addi %mul3A_11, %add3A_30 : i32
    "tpu.region"() ({
      %run_scoped3A = tpu.sem_alloc : memref<!tpu.dma_semaphore, #tpu.memory_space<semaphore_mem>>
      %dma_start3A = tpu.memref_slice %arg2[%add3A_31] : memref<320000xi32, #tpu.memory_space<hbm>> -> memref<2000xi32, #tpu.memory_space<hbm>>
      %dma_start3A_57 = tpu.memref_slice %arg2[%add3A_31] : memref<320000xi32, #tpu.memory_space<hbm>> -> memref<2000xi32, #tpu.memory_space<hbm>>
      tpu.enqueue_dma source(%dma_start3A_57 : memref<2000xi32, #tpu.memory_space<hbm>>) target(%arg4 : memref<2000xi32, #tpu.memory_space<vmem>>) target_semaphore(%run_scoped3A : memref<!tpu.dma_semaphore, #tpu.memory_space<semaphore_mem>>)
      %dma_wait3A = tpu.memref_slice %arg2[%add3A_31] : memref<320000xi32, #tpu.memory_space<hbm>> -> memref<2000xi32, #tpu.memory_space<hbm>>
      %dma_wait3A_58 = tpu.memref_slice %arg2[%add3A_31] : memref<320000xi32, #tpu.memory_space<hbm>> -> memref<2000xi32, #tpu.memory_space<hbm>>
      tpu.wait_dma2 semaphore(%run_scoped3A : memref<!tpu.dma_semaphore, #tpu.memory_space<semaphore_mem>>) src(%dma_wait3A_58 : memref<2000xi32, #tpu.memory_space<hbm>>) dst(%arg4 : memref<2000xi32, #tpu.memory_space<vmem>>)
      tpu.yield
    }) : () -> ()
    %scan3A_32 = arith.constant 0 : i32
    %scan3A_33 = arith.constant 0 : i32
    %scan3A_34 = arith.constant 125 : i32
    %scan3A_35 = arith.addi %scan3A_33, %scan3A_34 : i32
    %scan3A_36 = arith.constant 1 : i32
    %scan3A_37 = scf.for %scan3A_57 = %scan3A_33 to %scan3A_35 step %scan3A_36 iter_args(%scan3A_58 = %scan3A_32) -> (i32)  : i32 {
      %mul3A_59 = arith.constant 16 : i32
      %mul3A_60 = arith.muli %scan3A_57, %mul3A_59 : i32
      %get3A = arith.index_cast %mul3A_60 : i32 to index
      %get3A_61 = tpu.vector_load %arg4[%get3A] {strides = array<i32>} : memref<2000xi32, #tpu.memory_space<vmem>>, vector<16xi32>,
      tpu.vector_store_idx %arg5[%get3A_61], %broadcast_in_dim3A_3 {add = true} : memref<10112xf32, #tpu.memory_space<vmem>>[vector<16xi32>], vector<16xf32>,
      %scan3A_62 = arith.constant 0 : i32
      scf.yield %scan3A_62 : i32
    }
    %scan3A_38 = arith.constant 125 : i32
    %add3A_39 = arith.constant 6000 : i32
    %add3A_40 = arith.addi %mul3A_11, %add3A_39 : i32
    "tpu.region"() ({
      %run_scoped3A = tpu.sem_alloc : memref<!tpu.dma_semaphore, #tpu.memory_space<semaphore_mem>>
      %dma_start3A = tpu.memref_slice %arg2[%add3A_40] : memref<320000xi32, #tpu.memory_space<hbm>> -> memref<2000xi32, #tpu.memory_space<hbm>>
      %dma_start3A_57 = tpu.memref_slice %arg2[%add3A_40] : memref<320000xi32, #tpu.memory_space<hbm>> -> memref<2000xi32, #tpu.memory_space<hbm>>
      tpu.enqueue_dma source(%dma_start3A_57 : memref<2000xi32, #tpu.memory_space<hbm>>) target(%arg4 : memref<2000xi32, #tpu.memory_space<vmem>>) target_semaphore(%run_scoped3A : memref<!tpu.dma_semaphore, #tpu.memory_space<semaphore_mem>>)
      %dma_wait3A = tpu.memref_slice %arg2[%add3A_40] : memref<320000xi32, #tpu.memory_space<hbm>> -> memref<2000xi32, #tpu.memory_space<hbm>>
      %dma_wait3A_58 = tpu.memref_slice %arg2[%add3A_40] : memref<320000xi32, #tpu.memory_space<hbm>> -> memref<2000xi32, #tpu.memory_space<hbm>>
      tpu.wait_dma2 semaphore(%run_scoped3A : memref<!tpu.dma_semaphore, #tpu.memory_space<semaphore_mem>>) src(%dma_wait3A_58 : memref<2000xi32, #tpu.memory_space<hbm>>) dst(%arg4 : memref<2000xi32, #tpu.memory_space<vmem>>)
      tpu.yield
    }) : () -> ()
    %scan3A_41 = arith.constant 0 : i32
    %scan3A_42 = arith.constant 0 : i32
    %scan3A_43 = arith.constant 125 : i32
    %scan3A_44 = arith.addi %scan3A_42, %scan3A_43 : i32
    %scan3A_45 = arith.constant 1 : i32
    %scan3A_46 = scf.for %scan3A_57 = %scan3A_42 to %scan3A_44 step %scan3A_45 iter_args(%scan3A_58 = %scan3A_41) -> (i32)  : i32 {
      %mul3A_59 = arith.constant 16 : i32
      %mul3A_60 = arith.muli %scan3A_57, %mul3A_59 : i32
      %get3A = arith.index_cast %mul3A_60 : i32 to index
      %get3A_61 = tpu.vector_load %arg4[%get3A] {strides = array<i32>} : memref<2000xi32, #tpu.memory_space<vmem>>, vector<16xi32>,
      tpu.vector_store_idx %arg5[%get3A_61], %broadcast_in_dim3A_3 {add = true} : memref<10112xf32, #tpu.memory_space<vmem>>[vector<16xi32>], vector<16xf32>,
      %scan3A_62 = arith.constant 0 : i32
      scf.yield %scan3A_62 : i32
    }
    %scan3A_47 = arith.constant 125 : i32
    %add3A_48 = arith.constant 8000 : i32
    %add3A_49 = arith.addi %mul3A_11, %add3A_48 : i32
    "tpu.region"() ({
      %run_scoped3A = tpu.sem_alloc : memref<!tpu.dma_semaphore, #tpu.memory_space<semaphore_mem>>
      %dma_start3A = tpu.memref_slice %arg2[%add3A_49] : memref<320000xi32, #tpu.memory_space<hbm>> -> memref<2000xi32, #tpu.memory_space<hbm>>
      %dma_start3A_57 = tpu.memref_slice %arg2[%add3A_49] : memref<320000xi32, #tpu.memory_space<hbm>> -> memref<2000xi32, #tpu.memory_space<hbm>>
      tpu.enqueue_dma source(%dma_start3A_57 : memref<2000xi32, #tpu.memory_space<hbm>>) target(%arg4 : memref<2000xi32, #tpu.memory_space<vmem>>) target_semaphore(%run_scoped3A : memref<!tpu.dma_semaphore, #tpu.memory_space<semaphore_mem>>)
      %dma_wait3A = tpu.memref_slice %arg2[%add3A_49] : memref<320000xi32, #tpu.memory_space<hbm>> -> memref<2000xi32, #tpu.memory_space<hbm>>
      %dma_wait3A_58 = tpu.memref_slice %arg2[%add3A_49] : memref<320000xi32, #tpu.memory_space<hbm>> -> memref<2000xi32, #tpu.memory_space<hbm>>
      tpu.wait_dma2 semaphore(%run_scoped3A : memref<!tpu.dma_semaphore, #tpu.memory_space<semaphore_mem>>) src(%dma_wait3A_58 : memref<2000xi32, #tpu.memory_space<hbm>>) dst(%arg4 : memref<2000xi32, #tpu.memory_space<vmem>>)
      tpu.yield
    }) : () -> ()
    %scan3A_50 = arith.constant 0 : i32
    %scan3A_51 = arith.constant 0 : i32
    %scan3A_52 = arith.constant 125 : i32
    %scan3A_53 = arith.addi %scan3A_51, %scan3A_52 : i32
    %scan3A_54 = arith.constant 1 : i32
    %scan3A_55 = scf.for %scan3A_57 = %scan3A_51 to %scan3A_53 step %scan3A_54 iter_args(%scan3A_58 = %scan3A_50) -> (i32)  : i32 {
      %mul3A_59 = arith.constant 16 : i32
      %mul3A_60 = arith.muli %scan3A_57, %mul3A_59 : i32
      %get3A = arith.index_cast %mul3A_60 : i32 to index
      %get3A_61 = tpu.vector_load %arg4[%get3A] {strides = array<i32>} : memref<2000xi32, #tpu.memory_space<vmem>>, vector<16xi32>,
      tpu.vector_store_idx %arg5[%get3A_61], %broadcast_in_dim3A_3 {add = true} : memref<10112xf32, #tpu.memory_space<vmem>>[vector<16xi32>], vector<16xf32>,
      %scan3A_62 = arith.constant 0 : i32
      scf.yield %scan3A_62 : i32
    }
    %scan3A_56 = arith.constant 125 : i32
    "tpu.region"() ({
      %run_scoped3A = tpu.sem_alloc : memref<!tpu.dma_semaphore, #tpu.memory_space<semaphore_mem>>
      %dma_start3A = arith.constant 0 : i32
      %dma_start3A_57 = tpu.memref_slice %arg3[%add3A, %dma_start3A] : memref<32x10112xf32, #tpu.memory_space<hbm>> -> memref<1x10112xf32, #tpu.memory_space<hbm>>
      %dma_start3A_58 = tpu.memref_squeeze %dma_start3A_57 : memref<1x10112xf32, #tpu.memory_space<hbm>> -> memref<10112xf32, #tpu.memory_space<hbm>>
      %dma_start3A_59 = arith.constant 0 : i32
      %dma_start3A_60 = tpu.memref_slice %arg3[%add3A, %dma_start3A_59] : memref<32x10112xf32, #tpu.memory_space<hbm>> -> memref<1x10112xf32, #tpu.memory_space<hbm>>
      %dma_start3A_61 = tpu.memref_squeeze %dma_start3A_60 : memref<1x10112xf32, #tpu.memory_space<hbm>> -> memref<10112xf32, #tpu.memory_space<hbm>>
      tpu.enqueue_dma source(%arg5 : memref<10112xf32, #tpu.memory_space<vmem>>) target(%dma_start3A_61 : memref<10112xf32, #tpu.memory_space<hbm>>) target_semaphore(%run_scoped3A : memref<!tpu.dma_semaphore, #tpu.memory_space<semaphore_mem>>)
      %dma_wait3A = arith.constant 0 : i32
      %dma_wait3A_62 = tpu.memref_slice %arg3[%add3A, %dma_wait3A] : memref<32x10112xf32, #tpu.memory_space<hbm>> -> memref<1x10112xf32, #tpu.memory_space<hbm>>
      %dma_wait3A_63 = tpu.memref_squeeze %dma_wait3A_62 : memref<1x10112xf32, #tpu.memory_space<hbm>> -> memref<10112xf32, #tpu.memory_space<hbm>>
      %dma_wait3A_64 = arith.constant 0 : i32
      %dma_wait3A_65 = tpu.memref_slice %arg3[%add3A, %dma_wait3A_64] : memref<32x10112xf32, #tpu.memory_space<hbm>> -> memref<1x10112xf32, #tpu.memory_space<hbm>>
      %dma_wait3A_66 = tpu.memref_squeeze %dma_wait3A_65 : memref<1x10112xf32, #tpu.memory_space<hbm>> -> memref<10112xf32, #tpu.memory_space<hbm>>
      tpu.wait_dma2 semaphore(%run_scoped3A : memref<!tpu.dma_semaphore, #tpu.memory_space<semaphore_mem>>) src(%arg5 : memref<10112xf32, #tpu.memory_space<vmem>>) dst(%dma_wait3A_66 : memref<10112xf32, #tpu.memory_space<hbm>>)
      tpu.yield
    }) : () -> ()
    return
  }
}

#map = affine_map<(d0, d1) -> (0, 0)>
#map1 = affine_map<(d0, d1) -> (0)>
#map2 = affine_map<(d0, d1) -> (0, 0, 0, 0)>
module attributes {stable_mosaic.version = 14 : i64} {
  func.func @_spmm4_body(%arg0: i32, %arg1: i32, %arg2: memref<10000x128xf32, #tpu.memory_space<hbm>>, %arg3: memref<10000x128xf32, #tpu.memory_space<hbm>>, %arg4: memref<10000x128xf32, #tpu.memory_space<hbm>>, %arg5: memref<10000x128xf32, #tpu.memory_space<hbm>>, %arg6: memref<323584xi32, #tpu.memory_space<hbm>>, %arg7: memref<4x2x10112x128xf32, #tpu.memory_space<hbm>>, %arg8: memref<10112xi32, #tpu.memory_space<vmem>>, %arg9: memref<128xi32, #tpu.memory_space<vmem>>, %arg10: memref<128xi32, #tpu.memory_space<vmem>>, %arg11: memref<64x128xf32, #tpu.memory_space<vmem>>, %arg12: memref<64x128xf32, #tpu.memory_space<vmem>>, %arg13: memref<10112x128xf32, #tpu.memory_space<vmem_shared>>, %arg14: memref<!tpu.dma_semaphore, #tpu.memory_space<semaphore_mem>>, %arg15: memref<!tpu.dma_semaphore, #tpu.memory_space<semaphore_mem>>) attributes {dimension_semantics = [#tpu.dimension_semantics<core_parallel>, #tpu.dimension_semantics<subcore_parallel>], iteration_bounds = array<i64: 2, 16>, scalar_prefetch = 0 : i64, scratch_operands = 8 : i64, tpu.core_type = #tpu.core_type<sc_vector_subcore>, window_params = [{transform_indices = #map}, {transform_indices = #map}, {transform_indices = #map}, {transform_indices = #map}, {transform_indices = #map1}, {transform_indices = #map2}]} {
    %mul3A = arith.constant 632 : i32
    %mul3A_0 = arith.muli %arg1, %mul3A : i32
    %mul3A_1 = arith.constant 16 : i32
    %mul3A_2 = arith.muli %arg0, %mul3A_1 : i32
    %add3A = arith.addi %mul3A_2, %arg1 : i32
    %scan3A = arith.constant 0 : i32
    %scan3A_3 = arith.constant 0 : i32
    %scan3A_4 = arith.constant 9 : i32
    %scan3A_5 = arith.addi %scan3A_3, %scan3A_4 : i32
    %scan3A_6 = arith.constant 1 : i32
    %scan3A_7 = scf.for %scan3A_212 = %scan3A_3 to %scan3A_5 step %scan3A_6 iter_args(%scan3A_213 = %scan3A) -> (i32)  : i32 {
      %mul3A_214 = arith.constant 10112 : i32
      %mul3A_215 = arith.muli %add3A, %mul3A_214 : i32
      %mul3A_216 = arith.constant 1024 : i32
      %mul3A_217 = arith.muli %scan3A_212, %mul3A_216 : i32
      %add3A_218 = arith.addi %mul3A_215, %mul3A_217 : i32
      %mul3A_219 = arith.constant 1024 : i32
      %mul3A_220 = arith.muli %scan3A_212, %mul3A_219 : i32
      "tpu.region"() ({
        %run_scoped3A = tpu.sem_alloc : memref<!tpu.dma_semaphore, #tpu.memory_space<semaphore_mem>>
        %dma_start3A = tpu.memref_slice %arg8[%mul3A_220] : memref<10112xi32, #tpu.memory_space<vmem>> -> memref<1024xi32, #tpu.memory_space<vmem>>
        %dma_start3A_222 = tpu.memref_slice %arg6[%add3A_218] : memref<323584xi32, #tpu.memory_space<hbm>> -> memref<1024xi32, #tpu.memory_space<hbm>>
        %dma_start3A_223 = tpu.memref_slice %arg8[%mul3A_220] : memref<10112xi32, #tpu.memory_space<vmem>> -> memref<1024xi32, #tpu.memory_space<vmem>>
        %dma_start3A_224 = tpu.memref_slice %arg6[%add3A_218] : memref<323584xi32, #tpu.memory_space<hbm>> -> memref<1024xi32, #tpu.memory_space<hbm>>
        tpu.enqueue_dma source(%dma_start3A_224 : memref<1024xi32, #tpu.memory_space<hbm>>) target(%dma_start3A_223 : memref<1024xi32, #tpu.memory_space<vmem>>) target_semaphore(%run_scoped3A : memref<!tpu.dma_semaphore, #tpu.memory_space<semaphore_mem>>)
        %dma_wait3A = tpu.memref_slice %arg8[%mul3A_220] : memref<10112xi32, #tpu.memory_space<vmem>> -> memref<1024xi32, #tpu.memory_space<vmem>>
        %dma_wait3A_225 = tpu.memref_slice %arg6[%add3A_218] : memref<323584xi32, #tpu.memory_space<hbm>> -> memref<1024xi32, #tpu.memory_space<hbm>>
        %dma_wait3A_226 = tpu.memref_slice %arg8[%mul3A_220] : memref<10112xi32, #tpu.memory_space<vmem>> -> memref<1024xi32, #tpu.memory_space<vmem>>
        %dma_wait3A_227 = tpu.memref_slice %arg6[%add3A_218] : memref<323584xi32, #tpu.memory_space<hbm>> -> memref<1024xi32, #tpu.memory_space<hbm>>
        tpu.wait_dma2 semaphore(%run_scoped3A : memref<!tpu.dma_semaphore, #tpu.memory_space<semaphore_mem>>) src(%dma_wait3A_227 : memref<1024xi32, #tpu.memory_space<hbm>>) dst(%dma_wait3A_226 : memref<1024xi32, #tpu.memory_space<vmem>>)
        tpu.yield
      }) : () -> ()
      %scan3A_221 = arith.constant 0 : i32
      scf.yield %scan3A_221 : i32
    }
    %scan3A_8 = arith.constant 9 : i32
    %mul3A_9 = arith.constant 10112 : i32
    %mul3A_10 = arith.muli %add3A, %mul3A_9 : i32
    %add3A_11 = arith.constant 9216 : i32
    %add3A_12 = arith.addi %mul3A_10, %add3A_11 : i32
    "tpu.region"() ({
      %run_scoped3A = tpu.sem_alloc : memref<!tpu.dma_semaphore, #tpu.memory_space<semaphore_mem>>
      %dma_start3A = arith.constant 9216 : i32
      %dma_start3A_212 = tpu.memref_slice %arg8[%dma_start3A] : memref<10112xi32, #tpu.memory_space<vmem>> -> memref<896xi32, #tpu.memory_space<vmem>>
      %dma_start3A_213 = tpu.memref_slice %arg6[%add3A_12] : memref<323584xi32, #tpu.memory_space<hbm>> -> memref<896xi32, #tpu.memory_space<hbm>>
      %dma_start3A_214 = arith.constant 9216 : i32
      %dma_start3A_215 = tpu.memref_slice %arg8[%dma_start3A_214] : memref<10112xi32, #tpu.memory_space<vmem>> -> memref<896xi32, #tpu.memory_space<vmem>>
      %dma_start3A_216 = tpu.memref_slice %arg6[%add3A_12] : memref<323584xi32, #tpu.memory_space<hbm>> -> memref<896xi32, #tpu.memory_space<hbm>>
      tpu.enqueue_dma source(%dma_start3A_216 : memref<896xi32, #tpu.memory_space<hbm>>) target(%dma_start3A_215 : memref<896xi32, #tpu.memory_space<vmem>>) target_semaphore(%run_scoped3A : memref<!tpu.dma_semaphore, #tpu.memory_space<semaphore_mem>>)
      %dma_wait3A = arith.constant 9216 : i32
      %dma_wait3A_217 = tpu.memref_slice %arg8[%dma_wait3A] : memref<10112xi32, #tpu.memory_space<vmem>> -> memref<896xi32, #tpu.memory_space<vmem>>
      %dma_wait3A_218 = tpu.memref_slice %arg6[%add3A_12] : memref<323584xi32, #tpu.memory_space<hbm>> -> memref<896xi32, #tpu.memory_space<hbm>>
      %dma_wait3A_219 = arith.constant 9216 : i32
      %dma_wait3A_220 = tpu.memref_slice %arg8[%dma_wait3A_219] : memref<10112xi32, #tpu.memory_space<vmem>> -> memref<896xi32, #tpu.memory_space<vmem>>
      %dma_wait3A_221 = tpu.memref_slice %arg6[%add3A_12] : memref<323584xi32, #tpu.memory_space<hbm>> -> memref<896xi32, #tpu.memory_space<hbm>>
      tpu.wait_dma2 semaphore(%run_scoped3A : memref<!tpu.dma_semaphore, #tpu.memory_space<semaphore_mem>>) src(%dma_wait3A_221 : memref<896xi32, #tpu.memory_space<hbm>>) dst(%dma_wait3A_220 : memref<896xi32, #tpu.memory_space<vmem>>)
      tpu.yield
    }) : () -> ()
    %broadcast_in_dim3A = arith.constant 0.000000e+00 : f32
    %broadcast_in_dim3A_13 = vector.broadcast %broadcast_in_dim3A : f32 to vector<16xf32>
    %scan3A_14 = arith.constant 0 : i32
    %scan3A_15 = arith.constant 0 : i32
    %scan3A_16 = arith.constant 512 : i32
    %scan3A_17 = arith.addi %scan3A_15, %scan3A_16 : i32
    %scan3A_18 = arith.constant 1 : i32
    %scan3A_19 = scf.for %scan3A_212 = %scan3A_15 to %scan3A_17 step %scan3A_18 iter_args(%scan3A_213 = %scan3A_14) -> (i32)  : i32 {
      %jit3A = arith.constant 8 : i32
      %div3A = arith.divsi %scan3A_212, %jit3A : i32
      %sign3A = arith.constant 0 : i32
      %sign3A_214 = arith.cmpi sgt, %scan3A_212, %sign3A : i32
      %sign3A_215 = arith.extui %sign3A_214 : i1 to i32
      %sign3A_216 = arith.constant 0 : i32
      %sign3A_217 = arith.cmpi slt, %scan3A_212, %sign3A_216 : i32
      %sign3A_218 = arith.extui %sign3A_217 : i1 to i32
      %sign3A_219 = arith.subi %sign3A_215, %sign3A_218 : i32
      %sign3A_220 = arith.constant 0 : i32
      %sign3A_221 = arith.cmpi sgt, %jit3A, %sign3A_220 : i32
      %sign3A_222 = arith.extui %sign3A_221 : i1 to i32
      %sign3A_223 = arith.constant 0 : i32
      %sign3A_224 = arith.cmpi slt, %jit3A, %sign3A_223 : i32
      %sign3A_225 = arith.extui %sign3A_224 : i1 to i32
      %sign3A_226 = arith.subi %sign3A_222, %sign3A_225 : i32
      %ne3A = arith.cmpi ne, %sign3A_219, %sign3A_226 : i32
      %rem3A = arith.remsi %scan3A_212, %jit3A : i32
      %ne3A_227 = arith.constant 0 : i32
      %ne3A_228 = arith.cmpi ne, %rem3A, %ne3A_227 : i32
      %and3A = arith.andi %ne3A, %ne3A_228 : i1
      %sub3A = arith.constant 1 : i32
      %sub3A_229 = arith.subi %div3A, %sub3A : i32
      %select_n3A = arith.select %and3A, %sub3A_229, %div3A : i32
      %jit3A_230 = arith.constant 8 : i32
      %eq3A_231 = arith.constant 0 : i32
      %eq3A_232 = arith.cmpi eq, %jit3A_230, %eq3A_231 : i32
      %jit3A_233 = arith.constant 1 : i32
      %select_n3A_234 = arith.select %eq3A_232, %jit3A_233, %jit3A_230 : i32
      %rem3A_235 = arith.remsi %scan3A_212, %select_n3A_234 : i32
      %ne3A_236 = arith.constant 0 : i32
      %ne3A_237 = arith.cmpi ne, %rem3A_235, %ne3A_236 : i32
      %lt3A = arith.constant 0 : i32
      %lt3A_238 = arith.cmpi slt, %rem3A_235, %lt3A : i32
      %lt3A_239 = arith.constant 0 : i32
      %lt3A_240 = arith.cmpi slt, %select_n3A_234, %lt3A_239 : i32
      %ne3A_241 = arith.xori %lt3A_238, %lt3A_240 : i1
      %and3A_242 = arith.andi %ne3A_241, %ne3A_237 : i1
      %add3A_243 = arith.addi %rem3A_235, %select_n3A_234 : i32
      %select_n3A_244 = arith.select %and3A_242, %add3A_243, %rem3A_235 : i32
      %mul3A_245 = arith.constant 16 : i32
      %mul3A_246 = arith.muli %select_n3A_244, %mul3A_245 : i32
      %swap3A = arith.index_cast %select_n3A : i32 to index
      %swap3A_247 = arith.index_cast %mul3A_246 : i32 to index
      %swap3A_248 = tpu.vector_load %arg11[%swap3A, %swap3A_247] {strides = array<i32>} : memref<64x128xf32, #tpu.memory_space<vmem>>, vector<16xf32>,
      tpu.vector_store %arg11[%swap3A, %swap3A_247], %broadcast_in_dim3A_13 {strides = array<i32>} : memref<64x128xf32, #tpu.memory_space<vmem>>, vector<16xf32>,
      %scan3A_249 = arith.constant 0 : i32
      scf.yield %scan3A_249 : i32
    }
    %scan3A_20 = arith.constant 512 : i32
    %add3A_21 = arith.constant 0 : i32
    %add3A_22 = arith.addi %mul3A_0, %add3A_21 : i32
    "tpu.region"() ({
      %run_scoped3A = tpu.sem_alloc : memref<!tpu.dma_semaphore, #tpu.memory_space<semaphore_mem>>
      %dma_start3A = arith.constant 0 : i32
      %dma_start3A_212 = tpu.memref_slice %arg13[%add3A_22, %dma_start3A] : memref<10112x128xf32, #tpu.memory_space<vmem_shared>> -> memref<64x128xf32, #tpu.memory_space<vmem_shared>>
      %dma_start3A_213 = arith.constant 0 : i32
      %dma_start3A_214 = tpu.memref_slice %arg13[%add3A_22, %dma_start3A_213] : memref<10112x128xf32, #tpu.memory_space<vmem_shared>> -> memref<64x128xf32, #tpu.memory_space<vmem_shared>>
      tpu.enqueue_dma source(%arg11 : memref<64x128xf32, #tpu.memory_space<vmem>>) target(%dma_start3A_214 : memref<64x128xf32, #tpu.memory_space<vmem_shared>>) target_semaphore(%run_scoped3A : memref<!tpu.dma_semaphore, #tpu.memory_space<semaphore_mem>>)
      %dma_wait3A = arith.constant 0 : i32
      %dma_wait3A_215 = tpu.memref_slice %arg13[%add3A_22, %dma_wait3A] : memref<10112x128xf32, #tpu.memory_space<vmem_shared>> -> memref<64x128xf32, #tpu.memory_space<vmem_shared>>
      %dma_wait3A_216 = arith.constant 0 : i32
      %dma_wait3A_217 = tpu.memref_slice %arg13[%add3A_22, %dma_wait3A_216] : memref<10112x128xf32, #tpu.memory_space<vmem_shared>> -> memref<64x128xf32, #tpu.memory_space<vmem_shared>>
      tpu.wait_dma2 semaphore(%run_scoped3A : memref<!tpu.dma_semaphore, #tpu.memory_space<semaphore_mem>>) src(%arg11 : memref<64x128xf32, #tpu.memory_space<vmem>>) dst(%dma_wait3A_217 : memref<64x128xf32, #tpu.memory_space<vmem_shared>>)
      tpu.yield
    }) : () -> ()
    %add3A_23 = arith.constant 64 : i32
    %add3A_24 = arith.addi %mul3A_0, %add3A_23 : i32
    "tpu.region"() ({
      %run_scoped3A = tpu.sem_alloc : memref<!tpu.dma_semaphore, #tpu.memory_space<semaphore_mem>>
      %dma_start3A = arith.constant 0 : i32
      %dma_start3A_212 = tpu.memref_slice %arg13[%add3A_24, %dma_start3A] : memref<10112x128xf32, #tpu.memory_space<vmem_shared>> -> memref<64x128xf32, #tpu.memory_space<vmem_shared>>
      %dma_start3A_213 = arith.constant 0 : i32
      %dma_start3A_214 = tpu.memref_slice %arg13[%add3A_24, %dma_start3A_213] : memref<10112x128xf32, #tpu.memory_space<vmem_shared>> -> memref<64x128xf32, #tpu.memory_space<vmem_shared>>
      tpu.enqueue_dma source(%arg11 : memref<64x128xf32, #tpu.memory_space<vmem>>) target(%dma_start3A_214 : memref<64x128xf32, #tpu.memory_space<vmem_shared>>) target_semaphore(%run_scoped3A : memref<!tpu.dma_semaphore, #tpu.memory_space<semaphore_mem>>)
      %dma_wait3A = arith.constant 0 : i32
      %dma_wait3A_215 = tpu.memref_slice %arg13[%add3A_24, %dma_wait3A] : memref<10112x128xf32, #tpu.memory_space<vmem_shared>> -> memref<64x128xf32, #tpu.memory_space<vmem_shared>>
      %dma_wait3A_216 = arith.constant 0 : i32
      %dma_wait3A_217 = tpu.memref_slice %arg13[%add3A_24, %dma_wait3A_216] : memref<10112x128xf32, #tpu.memory_space<vmem_shared>> -> memref<64x128xf32, #tpu.memory_space<vmem_shared>>
      tpu.wait_dma2 semaphore(%run_scoped3A : memref<!tpu.dma_semaphore, #tpu.memory_space<semaphore_mem>>) src(%arg11 : memref<64x128xf32, #tpu.memory_space<vmem>>) dst(%dma_wait3A_217 : memref<64x128xf32, #tpu.memory_space<vmem_shared>>)
      tpu.yield
    }) : () -> ()
    %add3A_25 = arith.constant 128 : i32
    %add3A_26 = arith.addi %mul3A_0, %add3A_25 : i32
    "tpu.region"() ({
      %run_scoped3A = tpu.sem_alloc : memref<!tpu.dma_semaphore, #tpu.memory_space<semaphore_mem>>
      %dma_start3A = arith.constant 0 : i32
      %dma_start3A_212 = tpu.memref_slice %arg13[%add3A_26, %dma_start3A] : memref<10112x128xf32, #tpu.memory_space<vmem_shared>> -> memref<64x128xf32, #tpu.memory_space<vmem_shared>>
      %dma_start3A_213 = arith.constant 0 : i32
      %dma_start3A_214 = tpu.memref_slice %arg13[%add3A_26, %dma_start3A_213] : memref<10112x128xf32, #tpu.memory_space<vmem_shared>> -> memref<64x128xf32, #tpu.memory_space<vmem_shared>>
      tpu.enqueue_dma source(%arg11 : memref<64x128xf32, #tpu.memory_space<vmem>>) target(%dma_start3A_214 : memref<64x128xf32, #tpu.memory_space<vmem_shared>>) target_semaphore(%run_scoped3A : memref<!tpu.dma_semaphore, #tpu.memory_space<semaphore_mem>>)
      %dma_wait3A = arith.constant 0 : i32
      %dma_wait3A_215 = tpu.memref_slice %arg13[%add3A_26, %dma_wait3A] : memref<10112x128xf32, #tpu.memory_space<vmem_shared>> -> memref<64x128xf32, #tpu.memory_space<vmem_shared>>
      %dma_wait3A_216 = arith.constant 0 : i32
      %dma_wait3A_217 = tpu.memref_slice %arg13[%add3A_26, %dma_wait3A_216] : memref<10112x128xf32, #tpu.memory_space<vmem_shared>> -> memref<64x128xf32, #tpu.memory_space<vmem_shared>>
      tpu.wait_dma2 semaphore(%run_scoped3A : memref<!tpu.dma_semaphore, #tpu.memory_space<semaphore_mem>>) src(%arg11 : memref<64x128xf32, #tpu.memory_space<vmem>>) dst(%dma_wait3A_217 : memref<64x128xf32, #tpu.memory_space<vmem_shared>>)
      tpu.yield
    }) : () -> ()
    %add3A_27 = arith.constant 192 : i32
    %add3A_28 = arith.addi %mul3A_0, %add3A_27 : i32
    "tpu.region"() ({
      %run_scoped3A = tpu.sem_alloc : memref<!tpu.dma_semaphore, #tpu.memory_space<semaphore_mem>>
      %dma_start3A = arith.constant 0 : i32
      %dma_start3A_212 = tpu.memref_slice %arg13[%add3A_28, %dma_start3A] : memref<10112x128xf32, #tpu.memory_space<vmem_shared>> -> memref<64x128xf32, #tpu.memory_space<vmem_shared>>
      %dma_start3A_213 = arith.constant 0 : i32
      %dma_start3A_214 = tpu.memref_slice %arg13[%add3A_28, %dma_start3A_213] : memref<10112x128xf32, #tpu.memory_space<vmem_shared>> -> memref<64x128xf32, #tpu.memory_space<vmem_shared>>
      tpu.enqueue_dma source(%arg11 : memref<64x128xf32, #tpu.memory_space<vmem>>) target(%dma_start3A_214 : memref<64x128xf32, #tpu.memory_space<vmem_shared>>) target_semaphore(%run_scoped3A : memref<!tpu.dma_semaphore, #tpu.memory_space<semaphore_mem>>)
      %dma_wait3A = arith.constant 0 : i32
      %dma_wait3A_215 = tpu.memref_slice %arg13[%add3A_28, %dma_wait3A] : memref<10112x128xf32, #tpu.memory_space<vmem_shared>> -> memref<64x128xf32, #tpu.memory_space<vmem_shared>>
      %dma_wait3A_216 = arith.constant 0 : i32
      %dma_wait3A_217 = tpu.memref_slice %arg13[%add3A_28, %dma_wait3A_216] : memref<10112x128xf32, #tpu.memory_space<vmem_shared>> -> memref<64x128xf32, #tpu.memory_space<vmem_shared>>
      tpu.wait_dma2 semaphore(%run_scoped3A : memref<!tpu.dma_semaphore, #tpu.memory_space<semaphore_mem>>) src(%arg11 : memref<64x128xf32, #tpu.memory_space<vmem>>) dst(%dma_wait3A_217 : memref<64x128xf32, #tpu.memory_space<vmem_shared>>)
      tpu.yield
    }) : () -> ()
    %add3A_29 = arith.constant 256 : i32
    %add3A_30 = arith.addi %mul3A_0, %add3A_29 : i32
    "tpu.region"() ({
      %run_scoped3A = tpu.sem_alloc : memref<!tpu.dma_semaphore, #tpu.memory_space<semaphore_mem>>
      %dma_start3A = arith.constant 0 : i32
      %dma_start3A_212 = tpu.memref_slice %arg13[%add3A_30, %dma_start3A] : memref<10112x128xf32, #tpu.memory_space<vmem_shared>> -> memref<64x128xf32, #tpu.memory_space<vmem_shared>>
      %dma_start3A_213 = arith.constant 0 : i32
      %dma_start3A_214 = tpu.memref_slice %arg13[%add3A_30, %dma_start3A_213] : memref<10112x128xf32, #tpu.memory_space<vmem_shared>> -> memref<64x128xf32, #tpu.memory_space<vmem_shared>>
      tpu.enqueue_dma source(%arg11 : memref<64x128xf32, #tpu.memory_space<vmem>>) target(%dma_start3A_214 : memref<64x128xf32, #tpu.memory_space<vmem_shared>>) target_semaphore(%run_scoped3A : memref<!tpu.dma_semaphore, #tpu.memory_space<semaphore_mem>>)
      %dma_wait3A = arith.constant 0 : i32
      %dma_wait3A_215 = tpu.memref_slice %arg13[%add3A_30, %dma_wait3A] : memref<10112x128xf32, #tpu.memory_space<vmem_shared>> -> memref<64x128xf32, #tpu.memory_space<vmem_shared>>
      %dma_wait3A_216 = arith.constant 0 : i32
      %dma_wait3A_217 = tpu.memref_slice %arg13[%add3A_30, %dma_wait3A_216] : memref<10112x128xf32, #tpu.memory_space<vmem_shared>> -> memref<64x128xf32, #tpu.memory_space<vmem_shared>>
      tpu.wait_dma2 semaphore(%run_scoped3A : memref<!tpu.dma_semaphore, #tpu.memory_space<semaphore_mem>>) src(%arg11 : memref<64x128xf32, #tpu.memory_space<vmem>>) dst(%dma_wait3A_217 : memref<64x128xf32, #tpu.memory_space<vmem_shared>>)
      tpu.yield
    }) : () -> ()
    %add3A_31 = arith.constant 320 : i32
    %add3A_32 = arith.addi %mul3A_0, %add3A_31 : i32
    "tpu.region"() ({
      %run_scoped3A = tpu.sem_alloc : memref<!tpu.dma_semaphore, #tpu.memory_space<semaphore_mem>>
      %dma_start3A = arith.constant 0 : i32
      %dma_start3A_212 = tpu.memref_slice %arg13[%add3A_32, %dma_start3A] : memref<10112x128xf32, #tpu.memory_space<vmem_shared>> -> memref<64x128xf32, #tpu.memory_space<vmem_shared>>
      %dma_start3A_213 = arith.constant 0 : i32
      %dma_start3A_214 = tpu.memref_slice %arg13[%add3A_32, %dma_start3A_213] : memref<10112x128xf32, #tpu.memory_space<vmem_shared>> -> memref<64x128xf32, #tpu.memory_space<vmem_shared>>
      tpu.enqueue_dma source(%arg11 : memref<64x128xf32, #tpu.memory_space<vmem>>) target(%dma_start3A_214 : memref<64x128xf32, #tpu.memory_space<vmem_shared>>) target_semaphore(%run_scoped3A : memref<!tpu.dma_semaphore, #tpu.memory_space<semaphore_mem>>)
      %dma_wait3A = arith.constant 0 : i32
      %dma_wait3A_215 = tpu.memref_slice %arg13[%add3A_32, %dma_wait3A] : memref<10112x128xf32, #tpu.memory_space<vmem_shared>> -> memref<64x128xf32, #tpu.memory_space<vmem_shared>>
      %dma_wait3A_216 = arith.constant 0 : i32
      %dma_wait3A_217 = tpu.memref_slice %arg13[%add3A_32, %dma_wait3A_216] : memref<10112x128xf32, #tpu.memory_space<vmem_shared>> -> memref<64x128xf32, #tpu.memory_space<vmem_shared>>
      tpu.wait_dma2 semaphore(%run_scoped3A : memref<!tpu.dma_semaphore, #tpu.memory_space<semaphore_mem>>) src(%arg11 : memref<64x128xf32, #tpu.memory_space<vmem>>) dst(%dma_wait3A_217 : memref<64x128xf32, #tpu.memory_space<vmem_shared>>)
      tpu.yield
    }) : () -> ()
    %add3A_33 = arith.constant 384 : i32
    %add3A_34 = arith.addi %mul3A_0, %add3A_33 : i32
    "tpu.region"() ({
      %run_scoped3A = tpu.sem_alloc : memref<!tpu.dma_semaphore, #tpu.memory_space<semaphore_mem>>
      %dma_start3A = arith.constant 0 : i32
      %dma_start3A_212 = tpu.memref_slice %arg13[%add3A_34, %dma_start3A] : memref<10112x128xf32, #tpu.memory_space<vmem_shared>> -> memref<64x128xf32, #tpu.memory_space<vmem_shared>>
      %dma_start3A_213 = arith.constant 0 : i32
      %dma_start3A_214 = tpu.memref_slice %arg13[%add3A_34, %dma_start3A_213] : memref<10112x128xf32, #tpu.memory_space<vmem_shared>> -> memref<64x128xf32, #tpu.memory_space<vmem_shared>>
      tpu.enqueue_dma source(%arg11 : memref<64x128xf32, #tpu.memory_space<vmem>>) target(%dma_start3A_214 : memref<64x128xf32, #tpu.memory_space<vmem_shared>>) target_semaphore(%run_scoped3A : memref<!tpu.dma_semaphore, #tpu.memory_space<semaphore_mem>>)
      %dma_wait3A = arith.constant 0 : i32
      %dma_wait3A_215 = tpu.memref_slice %arg13[%add3A_34, %dma_wait3A] : memref<10112x128xf32, #tpu.memory_space<vmem_shared>> -> memref<64x128xf32, #tpu.memory_space<vmem_shared>>
      %dma_wait3A_216 = arith.constant 0 : i32
      %dma_wait3A_217 = tpu.memref_slice %arg13[%add3A_34, %dma_wait3A_216] : memref<10112x128xf32, #tpu.memory_space<vmem_shared>> -> memref<64x128xf32, #tpu.memory_space<vmem_shared>>
      tpu.wait_dma2 semaphore(%run_scoped3A : memref<!tpu.dma_semaphore, #tpu.memory_space<semaphore_mem>>) src(%arg11 : memref<64x128xf32, #tpu.memory_space<vmem>>) dst(%dma_wait3A_217 : memref<64x128xf32, #tpu.memory_space<vmem_shared>>)
      tpu.yield
    }) : () -> ()
    %add3A_35 = arith.constant 448 : i32
    %add3A_36 = arith.addi %mul3A_0, %add3A_35 : i32
    "tpu.region"() ({
      %run_scoped3A = tpu.sem_alloc : memref<!tpu.dma_semaphore, #tpu.memory_space<semaphore_mem>>
      %dma_start3A = arith.constant 0 : i32
      %dma_start3A_212 = tpu.memref_slice %arg13[%add3A_36, %dma_start3A] : memref<10112x128xf32, #tpu.memory_space<vmem_shared>> -> memref<64x128xf32, #tpu.memory_space<vmem_shared>>
      %dma_start3A_213 = arith.constant 0 : i32
      %dma_start3A_214 = tpu.memref_slice %arg13[%add3A_36, %dma_start3A_213] : memref<10112x128xf32, #tpu.memory_space<vmem_shared>> -> memref<64x128xf32, #tpu.memory_space<vmem_shared>>
      tpu.enqueue_dma source(%arg11 : memref<64x128xf32, #tpu.memory_space<vmem>>) target(%dma_start3A_214 : memref<64x128xf32, #tpu.memory_space<vmem_shared>>) target_semaphore(%run_scoped3A : memref<!tpu.dma_semaphore, #tpu.memory_space<semaphore_mem>>)
      %dma_wait3A = arith.constant 0 : i32
      %dma_wait3A_215 = tpu.memref_slice %arg13[%add3A_36, %dma_wait3A] : memref<10112x128xf32, #tpu.memory_space<vmem_shared>> -> memref<64x128xf32, #tpu.memory_space<vmem_shared>>
      %dma_wait3A_216 = arith.constant 0 : i32
      %dma_wait3A_217 = tpu.memref_slice %arg13[%add3A_36, %dma_wait3A_216] : memref<10112x128xf32, #tpu.memory_space<vmem_shared>> -> memref<64x128xf32, #tpu.memory_space<vmem_shared>>
      tpu.wait_dma2 semaphore(%run_scoped3A : memref<!tpu.dma_semaphore, #tpu.memory_space<semaphore_mem>>) src(%arg11 : memref<64x128xf32, #tpu.memory_space<vmem>>) dst(%dma_wait3A_217 : memref<64x128xf32, #tpu.memory_space<vmem_shared>>)
      tpu.yield
    }) : () -> ()
    %add3A_37 = arith.constant 512 : i32
    %add3A_38 = arith.addi %mul3A_0, %add3A_37 : i32
    "tpu.region"() ({
      %run_scoped3A = tpu.sem_alloc : memref<!tpu.dma_semaphore, #tpu.memory_space<semaphore_mem>>
      %dma_start3A = arith.constant 0 : i32
      %dma_start3A_212 = tpu.memref_slice %arg13[%add3A_38, %dma_start3A] : memref<10112x128xf32, #tpu.memory_space<vmem_shared>> -> memref<64x128xf32, #tpu.memory_space<vmem_shared>>
      %dma_start3A_213 = arith.constant 0 : i32
      %dma_start3A_214 = tpu.memref_slice %arg13[%add3A_38, %dma_start3A_213] : memref<10112x128xf32, #tpu.memory_space<vmem_shared>> -> memref<64x128xf32, #tpu.memory_space<vmem_shared>>
      tpu.enqueue_dma source(%arg11 : memref<64x128xf32, #tpu.memory_space<vmem>>) target(%dma_start3A_214 : memref<64x128xf32, #tpu.memory_space<vmem_shared>>) target_semaphore(%run_scoped3A : memref<!tpu.dma_semaphore, #tpu.memory_space<semaphore_mem>>)
      %dma_wait3A = arith.constant 0 : i32
      %dma_wait3A_215 = tpu.memref_slice %arg13[%add3A_38, %dma_wait3A] : memref<10112x128xf32, #tpu.memory_space<vmem_shared>> -> memref<64x128xf32, #tpu.memory_space<vmem_shared>>
      %dma_wait3A_216 = arith.constant 0 : i32
      %dma_wait3A_217 = tpu.memref_slice %arg13[%add3A_38, %dma_wait3A_216] : memref<10112x128xf32, #tpu.memory_space<vmem_shared>> -> memref<64x128xf32, #tpu.memory_space<vmem_shared>>
      tpu.wait_dma2 semaphore(%run_scoped3A : memref<!tpu.dma_semaphore, #tpu.memory_space<semaphore_mem>>) src(%arg11 : memref<64x128xf32, #tpu.memory_space<vmem>>) dst(%dma_wait3A_217 : memref<64x128xf32, #tpu.memory_space<vmem_shared>>)
      tpu.yield
    }) : () -> ()
    %add3A_39 = arith.constant 576 : i32
    %add3A_40 = arith.addi %mul3A_0, %add3A_39 : i32
    "tpu.region"() ({
      %run_scoped3A = tpu.sem_alloc : memref<!tpu.dma_semaphore, #tpu.memory_space<semaphore_mem>>
      %dma_start3A = arith.constant 0 : i32
      %dma_start3A_212 = arith.constant 0 : i32
      %dma_start3A_213 = tpu.memref_slice %arg11[%dma_start3A, %dma_start3A_212] : memref<64x128xf32, #tpu.memory_space<vmem>> -> memref<56x128xf32, #tpu.memory_space<vmem>>
      %dma_start3A_214 = arith.constant 0 : i32
      %dma_start3A_215 = tpu.memref_slice %arg13[%add3A_40, %dma_start3A_214] : memref<10112x128xf32, #tpu.memory_space<vmem_shared>> -> memref<56x128xf32, #tpu.memory_space<vmem_shared>>
      %dma_start3A_216 = arith.constant 0 : i32
      %dma_start3A_217 = tpu.memref_slice %arg13[%add3A_40, %dma_start3A_216] : memref<10112x128xf32, #tpu.memory_space<vmem_shared>> -> memref<56x128xf32, #tpu.memory_space<vmem_shared>>
      %dma_start3A_218 = arith.constant 0 : i32
      %dma_start3A_219 = arith.constant 0 : i32
      %dma_start3A_220 = tpu.memref_slice %arg11[%dma_start3A_218, %dma_start3A_219] : memref<64x128xf32, #tpu.memory_space<vmem>> -> memref<56x128xf32, #tpu.memory_space<vmem>>
      tpu.enqueue_dma source(%dma_start3A_220 : memref<56x128xf32, #tpu.memory_space<vmem>>) target(%dma_start3A_217 : memref<56x128xf32, #tpu.memory_space<vmem_shared>>) target_semaphore(%run_scoped3A : memref<!tpu.dma_semaphore, #tpu.memory_space<semaphore_mem>>)
      %dma_wait3A = arith.constant 0 : i32
      %dma_wait3A_221 = arith.constant 0 : i32
      %dma_wait3A_222 = tpu.memref_slice %arg11[%dma_wait3A, %dma_wait3A_221] : memref<64x128xf32, #tpu.memory_space<vmem>> -> memref<56x128xf32, #tpu.memory_space<vmem>>
      %dma_wait3A_223 = arith.constant 0 : i32
      %dma_wait3A_224 = tpu.memref_slice %arg13[%add3A_40, %dma_wait3A_223] : memref<10112x128xf32, #tpu.memory_space<vmem_shared>> -> memref<56x128xf32, #tpu.memory_space<vmem_shared>>
      %dma_wait3A_225 = arith.constant 0 : i32
      %dma_wait3A_226 = tpu.memref_slice %arg13[%add3A_40, %dma_wait3A_225] : memref<10112x128xf32, #tpu.memory_space<vmem_shared>> -> memref<56x128xf32, #tpu.memory_space<vmem_shared>>
      %dma_wait3A_227 = arith.constant 0 : i32
      %dma_wait3A_228 = arith.constant 0 : i32
      %dma_wait3A_229 = tpu.memref_slice %arg11[%dma_wait3A_227, %dma_wait3A_228] : memref<64x128xf32, #tpu.memory_space<vmem>> -> memref<56x128xf32, #tpu.memory_space<vmem>>
      tpu.wait_dma2 semaphore(%run_scoped3A : memref<!tpu.dma_semaphore, #tpu.memory_space<semaphore_mem>>) src(%dma_wait3A_229 : memref<56x128xf32, #tpu.memory_space<vmem>>) dst(%dma_wait3A_226 : memref<56x128xf32, #tpu.memory_space<vmem_shared>>)
      tpu.yield
    }) : () -> ()
    %barrier3A = arith.constant 0 : index
    tpu.barrier barrier_id(%barrier3A)
    %scan3A_41 = arith.constant 0 : i32
    %scan3A_42 = arith.constant 0 : i32
    %scan3A_43 = arith.constant 79 : i32
    %scan3A_44 = arith.addi %scan3A_42, %scan3A_43 : i32
    %scan3A_45 = arith.constant 1 : i32
    %scan3A_46 = scf.for %scan3A_212 = %scan3A_42 to %scan3A_44 step %scan3A_45 iter_args(%scan3A_213 = %scan3A_41) -> (i32)  : i32 {
      %mul3A_214 = arith.constant 2 : i32
      %mul3A_215 = arith.muli %mul3A_214, %scan3A_212 : i32
      %mul3A_216 = arith.constant 64 : i32
      %mul3A_217 = arith.muli %mul3A_215, %mul3A_216 : i32
      %add3A_218 = arith.constant 0 : i32
      %add3A_219 = arith.addi %mul3A_217, %add3A_218 : i32
      %get3A = arith.index_cast %add3A_219 : i32 to index
      %get3A_220 = tpu.vector_load %arg8[%get3A] {strides = array<i32>} : memref<10112xi32, #tpu.memory_space<vmem>>, vector<16xi32>,
      %shift_right_logical3A = arith.constant 14 : i32
      %shift_right_logical3A_221 = vector.broadcast %shift_right_logical3A : i32 to vector<16xi32>
      %shift_right_logical3A_222 = arith.shrui %get3A_220, %shift_right_logical3A_221 : vector<16xi32>
      %swap3A = arith.constant 0 : index
      %swap3A_223 = tpu.vector_load %arg9[%swap3A] {strides = array<i32>} : memref<128xi32, #tpu.memory_space<vmem>>, vector<16xi32>,
      tpu.vector_store %arg9[%swap3A], %shift_right_logical3A_222 {strides = array<i32>} : memref<128xi32, #tpu.memory_space<vmem>>, vector<16xi32>,
      %and3A = arith.constant 16383 : i32
      %and3A_224 = vector.broadcast %and3A : i32 to vector<16xi32>
      %and3A_225 = arith.andi %get3A_220, %and3A_224 : vector<16xi32>
      %swap3A_226 = arith.constant 0 : index
      %swap3A_227 = tpu.vector_load %arg10[%swap3A_226] {strides = array<i32>} : memref<128xi32, #tpu.memory_space<vmem>>, vector<16xi32>,
      tpu.vector_store %arg10[%swap3A_226], %and3A_225 {strides = array<i32>} : memref<128xi32, #tpu.memory_space<vmem>>, vector<16xi32>,
      %mul3A_228 = arith.constant 64 : i32
      %mul3A_229 = arith.muli %mul3A_215, %mul3A_228 : i32
      %add3A_230 = arith.constant 16 : i32
      %add3A_231 = arith.addi %mul3A_229, %add3A_230 : i32
      %get3A_232 = arith.index_cast %add3A_231 : i32 to index
      %get3A_233 = tpu.vector_load %arg8[%get3A_232] {strides = array<i32>} : memref<10112xi32, #tpu.memory_space<vmem>>, vector<16xi32>,
      %shift_right_logical3A_234 = arith.constant 14 : i32
      %shift_right_logical3A_235 = vector.broadcast %shift_right_logical3A_234 : i32 to vector<16xi32>
      %shift_right_logical3A_236 = arith.shrui %get3A_233, %shift_right_logical3A_235 : vector<16xi32>
      %swap3A_237 = arith.constant 16 : index
      %swap3A_238 = tpu.vector_load %arg9[%swap3A_237] {strides = array<i32>} : memref<128xi32, #tpu.memory_space<vmem>>, vector<16xi32>,
      tpu.vector_store %arg9[%swap3A_237], %shift_right_logical3A_236 {strides = array<i32>} : memref<128xi32, #tpu.memory_space<vmem>>, vector<16xi32>,
      %and3A_239 = arith.constant 16383 : i32
      %and3A_240 = vector.broadcast %and3A_239 : i32 to vector<16xi32>
      %and3A_241 = arith.andi %get3A_233, %and3A_240 : vector<16xi32>
      %swap3A_242 = arith.constant 16 : index
      %swap3A_243 = tpu.vector_load %arg10[%swap3A_242] {strides = array<i32>} : memref<128xi32, #tpu.memory_space<vmem>>, vector<16xi32>,
      tpu.vector_store %arg10[%swap3A_242], %and3A_241 {strides = array<i32>} : memref<128xi32, #tpu.memory_space<vmem>>, vector<16xi32>,
      %mul3A_244 = arith.constant 64 : i32
      %mul3A_245 = arith.muli %mul3A_215, %mul3A_244 : i32
      %add3A_246 = arith.constant 32 : i32
      %add3A_247 = arith.addi %mul3A_245, %add3A_246 : i32
      %get3A_248 = arith.index_cast %add3A_247 : i32 to index
      %get3A_249 = tpu.vector_load %arg8[%get3A_248] {strides = array<i32>} : memref<10112xi32, #tpu.memory_space<vmem>>, vector<16xi32>,
      %shift_right_logical3A_250 = arith.constant 14 : i32
      %shift_right_logical3A_251 = vector.broadcast %shift_right_logical3A_250 : i32 to vector<16xi32>
      %shift_right_logical3A_252 = arith.shrui %get3A_249, %shift_right_logical3A_251 : vector<16xi32>
      %swap3A_253 = arith.constant 32 : index
      %swap3A_254 = tpu.vector_load %arg9[%swap3A_253] {strides = array<i32>} : memref<128xi32, #tpu.memory_space<vmem>>, vector<16xi32>,
      tpu.vector_store %arg9[%swap3A_253], %shift_right_logical3A_252 {strides = array<i32>} : memref<128xi32, #tpu.memory_space<vmem>>, vector<16xi32>,
      %and3A_255 = arith.constant 16383 : i32
      %and3A_256 = vector.broadcast %and3A_255 : i32 to vector<16xi32>
      %and3A_257 = arith.andi %get3A_249, %and3A_256 : vector<16xi32>
      %swap3A_258 = arith.constant 32 : index
      %swap3A_259 = tpu.vector_load %arg10[%swap3A_258] {strides = array<i32>} : memref<128xi32, #tpu.memory_space<vmem>>, vector<16xi32>,
      tpu.vector_store %arg10[%swap3A_258], %and3A_257 {strides = array<i32>} : memref<128xi32, #tpu.memory_space<vmem>>, vector<16xi32>,
      %mul3A_260 = arith.constant 64 : i32
      %mul3A_261 = arith.muli %mul3A_215, %mul3A_260 : i32
      %add3A_262 = arith.constant 48 : i32
      %add3A_263 = arith.addi %mul3A_261, %add3A_262 : i32
      %get3A_264 = arith.index_cast %add3A_263 : i32 to index
      %get3A_265 = tpu.vector_load %arg8[%get3A_264] {strides = array<i32>} : memref<10112xi32, #tpu.memory_space<vmem>>, vector<16xi32>,
      %shift_right_logical3A_266 = arith.constant 14 : i32
      %shift_right_logical3A_267 = vector.broadcast %shift_right_logical3A_266 : i32 to vector<16xi32>
      %shift_right_logical3A_268 = arith.shrui %get3A_265, %shift_right_logical3A_267 : vector<16xi32>
      %swap3A_269 = arith.constant 48 : index
      %swap3A_270 = tpu.vector_load %arg9[%swap3A_269] {strides = array<i32>} : memref<128xi32, #tpu.memory_space<vmem>>, vector<16xi32>,
      tpu.vector_store %arg9[%swap3A_269], %shift_right_logical3A_268 {strides = array<i32>} : memref<128xi32, #tpu.memory_space<vmem>>, vector<16xi32>,
      %and3A_271 = arith.constant 16383 : i32
      %and3A_272 = vector.broadcast %and3A_271 : i32 to vector<16xi32>
      %and3A_273 = arith.andi %get3A_265, %and3A_272 : vector<16xi32>
      %swap3A_274 = arith.constant 48 : index
      %swap3A_275 = tpu.vector_load %arg10[%swap3A_274] {strides = array<i32>} : memref<128xi32, #tpu.memory_space<vmem>>, vector<16xi32>,
      tpu.vector_store %arg10[%swap3A_274], %and3A_273 {strides = array<i32>} : memref<128xi32, #tpu.memory_space<vmem>>, vector<16xi32>,
      %add3A_276 = arith.constant 1 : i32
      %add3A_277 = arith.addi %mul3A_215, %add3A_276 : i32
      %mul3A_278 = arith.constant 64 : i32
      %mul3A_279 = arith.muli %add3A_277, %mul3A_278 : i32
      %add3A_280 = arith.constant 0 : i32
      %add3A_281 = arith.addi %mul3A_279, %add3A_280 : i32
      %get3A_282 = arith.index_cast %add3A_281 : i32 to index
      %get3A_283 = tpu.vector_load %arg8[%get3A_282] {strides = array<i32>} : memref<10112xi32, #tpu.memory_space<vmem>>, vector<16xi32>,
      %shift_right_logical3A_284 = arith.constant 14 : i32
      %shift_right_logical3A_285 = vector.broadcast %shift_right_logical3A_284 : i32 to vector<16xi32>
      %shift_right_logical3A_286 = arith.shrui %get3A_283, %shift_right_logical3A_285 : vector<16xi32>
      %swap3A_287 = arith.constant 64 : index
      %swap3A_288 = tpu.vector_load %arg9[%swap3A_287] {strides = array<i32>} : memref<128xi32, #tpu.memory_space<vmem>>, vector<16xi32>,
      tpu.vector_store %arg9[%swap3A_287], %shift_right_logical3A_286 {strides = array<i32>} : memref<128xi32, #tpu.memory_space<vmem>>, vector<16xi32>,
      %and3A_289 = arith.constant 16383 : i32
      %and3A_290 = vector.broadcast %and3A_289 : i32 to vector<16xi32>
      %and3A_291 = arith.andi %get3A_283, %and3A_290 : vector<16xi32>
      %swap3A_292 = arith.constant 64 : index
      %swap3A_293 = tpu.vector_load %arg10[%swap3A_292] {strides = array<i32>} : memref<128xi32, #tpu.memory_space<vmem>>, vector<16xi32>,
      tpu.vector_store %arg10[%swap3A_292], %and3A_291 {strides = array<i32>} : memref<128xi32, #tpu.memory_space<vmem>>, vector<16xi32>,
      %mul3A_294 = arith.constant 64 : i32
      %mul3A_295 = arith.muli %add3A_277, %mul3A_294 : i32
      %add3A_296 = arith.constant 16 : i32
      %add3A_297 = arith.addi %mul3A_295, %add3A_296 : i32
      %get3A_298 = arith.index_cast %add3A_297 : i32 to index
      %get3A_299 = tpu.vector_load %arg8[%get3A_298] {strides = array<i32>} : memref<10112xi32, #tpu.memory_space<vmem>>, vector<16xi32>,
      %shift_right_logical3A_300 = arith.constant 14 : i32
      %shift_right_logical3A_301 = vector.broadcast %shift_right_logical3A_300 : i32 to vector<16xi32>
      %shift_right_logical3A_302 = arith.shrui %get3A_299, %shift_right_logical3A_301 : vector<16xi32>
      %swap3A_303 = arith.constant 80 : index
      %swap3A_304 = tpu.vector_load %arg9[%swap3A_303] {strides = array<i32>} : memref<128xi32, #tpu.memory_space<vmem>>, vector<16xi32>,
      tpu.vector_store %arg9[%swap3A_303], %shift_right_logical3A_302 {strides = array<i32>} : memref<128xi32, #tpu.memory_space<vmem>>, vector<16xi32>,
      %and3A_305 = arith.constant 16383 : i32
      %and3A_306 = vector.broadcast %and3A_305 : i32 to vector<16xi32>
      %and3A_307 = arith.andi %get3A_299, %and3A_306 : vector<16xi32>
      %swap3A_308 = arith.constant 80 : index
      %swap3A_309 = tpu.vector_load %arg10[%swap3A_308] {strides = array<i32>} : memref<128xi32, #tpu.memory_space<vmem>>, vector<16xi32>,
      tpu.vector_store %arg10[%swap3A_308], %and3A_307 {strides = array<i32>} : memref<128xi32, #tpu.memory_space<vmem>>, vector<16xi32>,
      %mul3A_310 = arith.constant 64 : i32
      %mul3A_311 = arith.muli %add3A_277, %mul3A_310 : i32
      %add3A_312 = arith.constant 32 : i32
      %add3A_313 = arith.addi %mul3A_311, %add3A_312 : i32
      %get3A_314 = arith.index_cast %add3A_313 : i32 to index
      %get3A_315 = tpu.vector_load %arg8[%get3A_314] {strides = array<i32>} : memref<10112xi32, #tpu.memory_space<vmem>>, vector<16xi32>,
      %shift_right_logical3A_316 = arith.constant 14 : i32
      %shift_right_logical3A_317 = vector.broadcast %shift_right_logical3A_316 : i32 to vector<16xi32>
      %shift_right_logical3A_318 = arith.shrui %get3A_315, %shift_right_logical3A_317 : vector<16xi32>
      %swap3A_319 = arith.constant 96 : index
      %swap3A_320 = tpu.vector_load %arg9[%swap3A_319] {strides = array<i32>} : memref<128xi32, #tpu.memory_space<vmem>>, vector<16xi32>,
      tpu.vector_store %arg9[%swap3A_319], %shift_right_logical3A_318 {strides = array<i32>} : memref<128xi32, #tpu.memory_space<vmem>>, vector<16xi32>,
      %and3A_321 = arith.constant 16383 : i32
      %and3A_322 = vector.broadcast %and3A_321 : i32 to vector<16xi32>
      %and3A_323 = arith.andi %get3A_315, %and3A_322 : vector<16xi32>
      %swap3A_324 = arith.constant 96 : index
      %swap3A_325 = tpu.vector_load %arg10[%swap3A_324] {strides = array<i32>} : memref<128xi32, #tpu.memory_space<vmem>>, vector<16xi32>,
      tpu.vector_store %arg10[%swap3A_324], %and3A_323 {strides = array<i32>} : memref<128xi32, #tpu.memory_space<vmem>>, vector<16xi32>,
      %mul3A_326 = arith.constant 64 : i32
      %mul3A_327 = arith.muli %add3A_277, %mul3A_326 : i32
      %add3A_328 = arith.constant 48 : i32
      %add3A_329 = arith.addi %mul3A_327, %add3A_328 : i32
      %get3A_330 = arith.index_cast %add3A_329 : i32 to index
      %get3A_331 = tpu.vector_load %arg8[%get3A_330] {strides = array<i32>} : memref<10112xi32, #tpu.memory_space<vmem>>, vector<16xi32>,
      %shift_right_logical3A_332 = arith.constant 14 : i32
      %shift_right_logical3A_333 = vector.broadcast %shift_right_logical3A_332 : i32 to vector<16xi32>
      %shift_right_logical3A_334 = arith.shrui %get3A_331, %shift_right_logical3A_333 : vector<16xi32>
      %swap3A_335 = arith.constant 112 : index
      %swap3A_336 = tpu.vector_load %arg9[%swap3A_335] {strides = array<i32>} : memref<128xi32, #tpu.memory_space<vmem>>, vector<16xi32>,
      tpu.vector_store %arg9[%swap3A_335], %shift_right_logical3A_334 {strides = array<i32>} : memref<128xi32, #tpu.memory_space<vmem>>, vector<16xi32>,
      %and3A_337 = arith.constant 16383 : i32
      %and3A_338 = vector.broadcast %and3A_337 : i32 to vector<16xi32>
      %and3A_339 = arith.andi %get3A_331, %and3A_338 : vector<16xi32>
      %swap3A_340 = arith.constant 112 : index
      %swap3A_341 = tpu.vector_load %arg10[%swap3A_340] {strides = array<i32>} : memref<128xi32, #tpu.memory_space<vmem>>, vector<16xi32>,
      tpu.vector_store %arg10[%swap3A_340], %and3A_339 {strides = array<i32>} : memref<128xi32, #tpu.memory_space<vmem>>, vector<16xi32>,
      %dma_start3A = arith.constant 0 : i32
      %dma_start3A_342 = tpu.memref_slice %arg10[%dma_start3A] : memref<128xi32, #tpu.memory_space<vmem>> -> memref<64xi32, #tpu.memory_space<vmem>>
      %dma_start3A_343 = arith.constant 0 : i32
      %dma_start3A_344 = arith.constant 0 : i32
      %dma_start3A_345 = tpu.memref_slice %arg2[%dma_start3A_343, %dma_start3A_344] : memref<10000x128xf32, #tpu.memory_space<hbm>> -> memref<10000x128xf32, #tpu.memory_space<hbm>>
      tpu.enqueue_indirect_dma source(%dma_start3A_345 : memref<10000x128xf32, #tpu.memory_space<hbm>>) target(%arg11 : memref<64x128xf32, #tpu.memory_space<vmem>>) offsets(%dma_start3A_342 : memref<64xi32, #tpu.memory_space<vmem>>) semaphore(%arg14 : memref<!tpu.dma_semaphore, #tpu.memory_space<semaphore_mem>>)
      %dma_start3A_346 = arith.constant 64 : i32
      %dma_start3A_347 = tpu.memref_slice %arg10[%dma_start3A_346] : memref<128xi32, #tpu.memory_space<vmem>> -> memref<64xi32, #tpu.memory_space<vmem>>
      %dma_start3A_348 = arith.constant 0 : i32
      %dma_start3A_349 = arith.constant 0 : i32
      %dma_start3A_350 = tpu.memref_slice %arg2[%dma_start3A_348, %dma_start3A_349] : memref<10000x128xf32, #tpu.memory_space<hbm>> -> memref<10000x128xf32, #tpu.memory_space<hbm>>
      tpu.enqueue_indirect_dma source(%dma_start3A_350 : memref<10000x128xf32, #tpu.memory_space<hbm>>) target(%arg12 : memref<64x128xf32, #tpu.memory_space<vmem>>) offsets(%dma_start3A_347 : memref<64xi32, #tpu.memory_space<vmem>>) semaphore(%arg15 : memref<!tpu.dma_semaphore, #tpu.memory_space<semaphore_mem>>)
      %dma_wait3A = arith.constant 0 : i32
      %dma_wait3A_351 = tpu.memref_slice %arg10[%dma_wait3A] : memref<128xi32, #tpu.memory_space<vmem>> -> memref<64xi32, #tpu.memory_space<vmem>>
      %dma_wait3A_352 = arith.constant 0 : i32
      %dma_wait3A_353 = arith.constant 0 : i32
      %dma_wait3A_354 = tpu.memref_slice %arg2[%dma_wait3A_352, %dma_wait3A_353] : memref<10000x128xf32, #tpu.memory_space<hbm>> -> memref<10000x128xf32, #tpu.memory_space<hbm>>
      tpu.wait_indirect_dma semaphore(%arg14 : memref<!tpu.dma_semaphore, #tpu.memory_space<semaphore_mem>>) src(%dma_wait3A_354 : memref<10000x128xf32, #tpu.memory_space<hbm>>) dst(%arg11 : memref<64x128xf32, #tpu.memory_space<vmem>>)
      %dma_wait3A_355 = arith.constant 64 : i32
      %dma_wait3A_356 = tpu.memref_slice %arg10[%dma_wait3A_355] : memref<128xi32, #tpu.memory_space<vmem>> -> memref<64xi32, #tpu.memory_space<vmem>>
      %dma_wait3A_357 = arith.constant 0 : i32
      %dma_wait3A_358 = arith.constant 0 : i32
      %dma_wait3A_359 = tpu.memref_slice %arg2[%dma_wait3A_357, %dma_wait3A_358] : memref<10000x128xf32, #tpu.memory_space<hbm>> -> memref<10000x128xf32, #tpu.memory_space<hbm>>
      tpu.wait_indirect_dma semaphore(%arg15 : memref<!tpu.dma_semaphore, #tpu.memory_space<semaphore_mem>>) src(%dma_wait3A_359 : memref<10000x128xf32, #tpu.memory_space<hbm>>) dst(%arg12 : memref<64x128xf32, #tpu.memory_space<vmem>>)
      "tpu.region"() ({
        %run_scoped3A = tpu.sem_alloc : memref<!tpu.dma_semaphore, #tpu.memory_space<semaphore_mem>>
        %dma_start3A_361 = arith.constant 0 : i32
        %dma_start3A_362 = tpu.memref_slice %arg9[%dma_start3A_361] : memref<128xi32, #tpu.memory_space<vmem>> -> memref<64xi32, #tpu.memory_space<vmem>>
        %dma_start3A_363 = arith.constant 0 : i32
        %dma_start3A_364 = arith.constant 0 : i32
        %dma_start3A_365 = tpu.memref_slice %arg13[%dma_start3A_363, %dma_start3A_364] : memref<10112x128xf32, #tpu.memory_space<vmem_shared>> -> memref<10112x128xf32, #tpu.memory_space<vmem_shared>>
        tpu.enqueue_indirect_dma source(%arg11 : memref<64x128xf32, #tpu.memory_space<vmem>>) target(%dma_start3A_365 : memref<10112x128xf32, #tpu.memory_space<vmem_shared>>) offsets(%dma_start3A_362 : memref<64xi32, #tpu.memory_space<vmem>>) semaphore(%run_scoped3A : memref<!tpu.dma_semaphore, #tpu.memory_space<semaphore_mem>>) {add = true}
        %dma_wait3A_366 = arith.constant 0 : i32
        %dma_wait3A_367 = tpu.memref_slice %arg9[%dma_wait3A_366] : memref<128xi32, #tpu.memory_space<vmem>> -> memref<64xi32, #tpu.memory_space<vmem>>
        %dma_wait3A_368 = arith.constant 0 : i32
        %dma_wait3A_369 = arith.constant 0 : i32
        %dma_wait3A_370 = tpu.memref_slice %arg13[%dma_wait3A_368, %dma_wait3A_369] : memref<10112x128xf32, #tpu.memory_space<vmem_shared>> -> memref<10112x128xf32, #tpu.memory_space<vmem_shared>>
        tpu.wait_indirect_dma semaphore(%run_scoped3A : memref<!tpu.dma_semaphore, #tpu.memory_space<semaphore_mem>>) src(%arg11 : memref<64x128xf32, #tpu.memory_space<vmem>>) dst(%dma_wait3A_370 : memref<10112x128xf32, #tpu.memory_space<vmem_shared>>)
        tpu.yield
      }) : () -> ()
      "tpu.region"() ({
        %run_scoped3A = tpu.sem_alloc : memref<!tpu.dma_semaphore, #tpu.memory_space<semaphore_mem>>
        %dma_start3A_361 = arith.constant 64 : i32
        %dma_start3A_362 = tpu.memref_slice %arg9[%dma_start3A_361] : memref<128xi32, #tpu.memory_space<vmem>> -> memref<64xi32, #tpu.memory_space<vmem>>
        %dma_start3A_363 = arith.constant 0 : i32
        %dma_start3A_364 = arith.constant 0 : i32
        %dma_start3A_365 = tpu.memref_slice %arg13[%dma_start3A_363, %dma_start3A_364] : memref<10112x128xf32, #tpu.memory_space<vmem_shared>> -> memref<10112x128xf32, #tpu.memory_space<vmem_shared>>
        tpu.enqueue_indirect_dma source(%arg12 : memref<64x128xf32, #tpu.memory_space<vmem>>) target(%dma_start3A_365 : memref<10112x128xf32, #tpu.memory_space<vmem_shared>>) offsets(%dma_start3A_362 : memref<64xi32, #tpu.memory_space<vmem>>) semaphore(%run_scoped3A : memref<!tpu.dma_semaphore, #tpu.memory_space<semaphore_mem>>) {add = true}
        %dma_wait3A_366 = arith.constant 64 : i32
        %dma_wait3A_367 = tpu.memref_slice %arg9[%dma_wait3A_366] : memref<128xi32, #tpu.memory_space<vmem>> -> memref<64xi32, #tpu.memory_space<vmem>>
        %dma_wait3A_368 = arith.constant 0 : i32
        %dma_wait3A_369 = arith.constant 0 : i32
        %dma_wait3A_370 = tpu.memref_slice %arg13[%dma_wait3A_368, %dma_wait3A_369] : memref<10112x128xf32, #tpu.memory_space<vmem_shared>> -> memref<10112x128xf32, #tpu.memory_space<vmem_shared>>
        tpu.wait_indirect_dma semaphore(%run_scoped3A : memref<!tpu.dma_semaphore, #tpu.memory_space<semaphore_mem>>) src(%arg12 : memref<64x128xf32, #tpu.memory_space<vmem>>) dst(%dma_wait3A_370 : memref<10112x128xf32, #tpu.memory_space<vmem_shared>>)
        tpu.yield
      }) : () -> ()
      %scan3A_360 = arith.constant 0 : i32
      scf.yield %scan3A_360 : i32
    }
    %scan3A_47 = arith.constant 79 : i32
    %barrier3A_48 = arith.constant 0 : index
    tpu.barrier barrier_id(%barrier3A_48)
    %eq3A = arith.constant 0 : i32
    %eq3A_49 = arith.cmpi eq, %arg0, %eq3A : i32
    %convert_element_type3A = arith.extui %eq3A_49 : i1 to i32
    %cond3A = arith.constant 0 : i32
    %cond3A_50 = arith.constant 0 : i32
    %cond3A_51 = arith.cmpi ne, %convert_element_type3A, %cond3A_50 : i32
    scf.if %cond3A_51 {
      %run_scoped3A = arith.constant 0 : i32
      "tpu.region"() ({
        %run_scoped3A_212 = tpu.sem_alloc : memref<!tpu.dma_semaphore, #tpu.memory_space<semaphore_mem>>
        %dma_start3A = arith.constant 0 : i32
        %dma_start3A_213 = arith.constant 0 : i32
        %dma_start3A_214 = arith.constant 0 : i32
        %dma_start3A_215 = tpu.memref_slice %arg7[%cond3A, %dma_start3A, %dma_start3A_213, %dma_start3A_214] : memref<4x2x10112x128xf32, #tpu.memory_space<hbm>> -> memref<1x2x10112x128xf32, #tpu.memory_space<hbm>>
        %dma_start3A_216 = tpu.memref_squeeze %dma_start3A_215 : memref<1x2x10112x128xf32, #tpu.memory_space<hbm>> -> memref<2x10112x128xf32, #tpu.memory_space<hbm>>
        %dma_start3A_217 = arith.constant 0 : i32
        %dma_start3A_218 = tpu.memref_slice %dma_start3A_216[%run_scoped3A, %mul3A_0, %dma_start3A_217] : memref<2x10112x128xf32, #tpu.memory_space<hbm>> -> memref<1x632x128xf32, #tpu.memory_space<hbm>>
        %dma_start3A_219 = tpu.memref_squeeze %dma_start3A_218 : memref<1x632x128xf32, #tpu.memory_space<hbm>> -> memref<632x128xf32, #tpu.memory_space<hbm>>
        %dma_start3A_220 = arith.constant 0 : i32
        %dma_start3A_221 = tpu.memref_slice %arg13[%mul3A_0, %dma_start3A_220] : memref<10112x128xf32, #tpu.memory_space<vmem_shared>> -> memref<632x128xf32, #tpu.memory_space<vmem_shared>>
        tpu.enqueue_dma source(%dma_start3A_221 : memref<632x128xf32, #tpu.memory_space<vmem_shared>>) target(%dma_start3A_219 : memref<632x128xf32, #tpu.memory_space<hbm>>) target_semaphore(%run_scoped3A_212 : memref<!tpu.dma_semaphore, #tpu.memory_space<semaphore_mem>>)
        %dma_wait3A = arith.constant 0 : i32
        %dma_wait3A_222 = arith.constant 0 : i32
        %dma_wait3A_223 = arith.constant 0 : i32
        %dma_wait3A_224 = tpu.memref_slice %arg7[%cond3A, %dma_wait3A, %dma_wait3A_222, %dma_wait3A_223] : memref<4x2x10112x128xf32, #tpu.memory_space<hbm>> -> memref<1x2x10112x128xf32, #tpu.memory_space<hbm>>
        %dma_wait3A_225 = tpu.memref_squeeze %dma_wait3A_224 : memref<1x2x10112x128xf32, #tpu.memory_space<hbm>> -> memref<2x10112x128xf32, #tpu.memory_space<hbm>>
        %dma_wait3A_226 = arith.constant 0 : i32
        %dma_wait3A_227 = tpu.memref_slice %dma_wait3A_225[%run_scoped3A, %mul3A_0, %dma_wait3A_226] : memref<2x10112x128xf32, #tpu.memory_space<hbm>> -> memref<1x632x128xf32, #tpu.memory_space<hbm>>
        %dma_wait3A_228 = tpu.memref_squeeze %dma_wait3A_227 : memref<1x632x128xf32, #tpu.memory_space<hbm>> -> memref<632x128xf32, #tpu.memory_space<hbm>>
        %dma_wait3A_229 = arith.constant 0 : i32
        %dma_wait3A_230 = tpu.memref_slice %arg13[%mul3A_0, %dma_wait3A_229] : memref<10112x128xf32, #tpu.memory_space<vmem_shared>> -> memref<632x128xf32, #tpu.memory_space<vmem_shared>>
        tpu.wait_dma2 semaphore(%run_scoped3A_212 : memref<!tpu.dma_semaphore, #tpu.memory_space<semaphore_mem>>) src(%dma_wait3A_230 : memref<632x128xf32, #tpu.memory_space<vmem_shared>>) dst(%dma_wait3A_228 : memref<632x128xf32, #tpu.memory_space<hbm>>)
        tpu.yield
      }) : () -> ()
    } else {
    }
    %eq3A_52 = arith.constant 1 : i32
    %eq3A_53 = arith.cmpi eq, %arg0, %eq3A_52 : i32
    %convert_element_type3A_54 = arith.extui %eq3A_53 : i1 to i32
    %cond3A_55 = arith.constant 0 : i32
    %cond3A_56 = arith.constant 0 : i32
    %cond3A_57 = arith.cmpi ne, %convert_element_type3A_54, %cond3A_56 : i32
    scf.if %cond3A_57 {
      %run_scoped3A = arith.constant 1 : i32
      "tpu.region"() ({
        %run_scoped3A_212 = tpu.sem_alloc : memref<!tpu.dma_semaphore, #tpu.memory_space<semaphore_mem>>
        %dma_start3A = arith.constant 0 : i32
        %dma_start3A_213 = arith.constant 0 : i32
        %dma_start3A_214 = arith.constant 0 : i32
        %dma_start3A_215 = tpu.memref_slice %arg7[%cond3A_55, %dma_start3A, %dma_start3A_213, %dma_start3A_214] : memref<4x2x10112x128xf32, #tpu.memory_space<hbm>> -> memref<1x2x10112x128xf32, #tpu.memory_space<hbm>>
        %dma_start3A_216 = tpu.memref_squeeze %dma_start3A_215 : memref<1x2x10112x128xf32, #tpu.memory_space<hbm>> -> memref<2x10112x128xf32, #tpu.memory_space<hbm>>
        %dma_start3A_217 = arith.constant 0 : i32
        %dma_start3A_218 = tpu.memref_slice %dma_start3A_216[%run_scoped3A, %mul3A_0, %dma_start3A_217] : memref<2x10112x128xf32, #tpu.memory_space<hbm>> -> memref<1x632x128xf32, #tpu.memory_space<hbm>>
        %dma_start3A_219 = tpu.memref_squeeze %dma_start3A_218 : memref<1x632x128xf32, #tpu.memory_space<hbm>> -> memref<632x128xf32, #tpu.memory_space<hbm>>
        %dma_start3A_220 = arith.constant 0 : i32
        %dma_start3A_221 = tpu.memref_slice %arg13[%mul3A_0, %dma_start3A_220] : memref<10112x128xf32, #tpu.memory_space<vmem_shared>> -> memref<632x128xf32, #tpu.memory_space<vmem_shared>>
        tpu.enqueue_dma source(%dma_start3A_221 : memref<632x128xf32, #tpu.memory_space<vmem_shared>>) target(%dma_start3A_219 : memref<632x128xf32, #tpu.memory_space<hbm>>) target_semaphore(%run_scoped3A_212 : memref<!tpu.dma_semaphore, #tpu.memory_space<semaphore_mem>>)
        %dma_wait3A = arith.constant 0 : i32
        %dma_wait3A_222 = arith.constant 0 : i32
        %dma_wait3A_223 = arith.constant 0 : i32
        %dma_wait3A_224 = tpu.memref_slice %arg7[%cond3A_55, %dma_wait3A, %dma_wait3A_222, %dma_wait3A_223] : memref<4x2x10112x128xf32, #tpu.memory_space<hbm>> -> memref<1x2x10112x128xf32, #tpu.memory_space<hbm>>
        %dma_wait3A_225 = tpu.memref_squeeze %dma_wait3A_224 : memref<1x2x10112x128xf32, #tpu.memory_space<hbm>> -> memref<2x10112x128xf32, #tpu.memory_space<hbm>>
        %dma_wait3A_226 = arith.constant 0 : i32
        %dma_wait3A_227 = tpu.memref_slice %dma_wait3A_225[%run_scoped3A, %mul3A_0, %dma_wait3A_226] : memref<2x10112x128xf32, #tpu.memory_space<hbm>> -> memref<1x632x128xf32, #tpu.memory_space<hbm>>
        %dma_wait3A_228 = tpu.memref_squeeze %dma_wait3A_227 : memref<1x632x128xf32, #tpu.memory_space<hbm>> -> memref<632x128xf32, #tpu.memory_space<hbm>>
        %dma_wait3A_229 = arith.constant 0 : i32
        %dma_wait3A_230 = tpu.memref_slice %arg13[%mul3A_0, %dma_wait3A_229] : memref<10112x128xf32, #tpu.memory_space<vmem_shared>> -> memref<632x128xf32, #tpu.memory_space<vmem_shared>>
        tpu.wait_dma2 semaphore(%run_scoped3A_212 : memref<!tpu.dma_semaphore, #tpu.memory_space<semaphore_mem>>) src(%dma_wait3A_230 : memref<632x128xf32, #tpu.memory_space<vmem_shared>>) dst(%dma_wait3A_228 : memref<632x128xf32, #tpu.memory_space<hbm>>)
        tpu.yield
      }) : () -> ()
    } else {
    }
    %barrier3A_58 = arith.constant 0 : index
    tpu.barrier barrier_id(%barrier3A_58)
    %broadcast_in_dim3A_59 = arith.constant 0.000000e+00 : f32
    %broadcast_in_dim3A_60 = vector.broadcast %broadcast_in_dim3A_59 : f32 to vector<16xf32>
    %scan3A_61 = arith.constant 0 : i32
    %scan3A_62 = arith.constant 0 : i32
    %scan3A_63 = arith.constant 512 : i32
    %scan3A_64 = arith.addi %scan3A_62, %scan3A_63 : i32
    %scan3A_65 = arith.constant 1 : i32
    %scan3A_66 = scf.for %scan3A_212 = %scan3A_62 to %scan3A_64 step %scan3A_65 iter_args(%scan3A_213 = %scan3A_61) -> (i32)  : i32 {
      %jit3A = arith.constant 8 : i32
      %div3A = arith.divsi %scan3A_212, %jit3A : i32
      %sign3A = arith.constant 0 : i32
      %sign3A_214 = arith.cmpi sgt, %scan3A_212, %sign3A : i32
      %sign3A_215 = arith.extui %sign3A_214 : i1 to i32
      %sign3A_216 = arith.constant 0 : i32
      %sign3A_217 = arith.cmpi slt, %scan3A_212, %sign3A_216 : i32
      %sign3A_218 = arith.extui %sign3A_217 : i1 to i32
      %sign3A_219 = arith.subi %sign3A_215, %sign3A_218 : i32
      %sign3A_220 = arith.constant 0 : i32
      %sign3A_221 = arith.cmpi sgt, %jit3A, %sign3A_220 : i32
      %sign3A_222 = arith.extui %sign3A_221 : i1 to i32
      %sign3A_223 = arith.constant 0 : i32
      %sign3A_224 = arith.cmpi slt, %jit3A, %sign3A_223 : i32
      %sign3A_225 = arith.extui %sign3A_224 : i1 to i32
      %sign3A_226 = arith.subi %sign3A_222, %sign3A_225 : i32
      %ne3A = arith.cmpi ne, %sign3A_219, %sign3A_226 : i32
      %rem3A = arith.remsi %scan3A_212, %jit3A : i32
      %ne3A_227 = arith.constant 0 : i32
      %ne3A_228 = arith.cmpi ne, %rem3A, %ne3A_227 : i32
      %and3A = arith.andi %ne3A, %ne3A_228 : i1
      %sub3A = arith.constant 1 : i32
      %sub3A_229 = arith.subi %div3A, %sub3A : i32
      %select_n3A = arith.select %and3A, %sub3A_229, %div3A : i32
      %jit3A_230 = arith.constant 8 : i32
      %eq3A_231 = arith.constant 0 : i32
      %eq3A_232 = arith.cmpi eq, %jit3A_230, %eq3A_231 : i32
      %jit3A_233 = arith.constant 1 : i32
      %select_n3A_234 = arith.select %eq3A_232, %jit3A_233, %jit3A_230 : i32
      %rem3A_235 = arith.remsi %scan3A_212, %select_n3A_234 : i32
      %ne3A_236 = arith.constant 0 : i32
      %ne3A_237 = arith.cmpi ne, %rem3A_235, %ne3A_236 : i32
      %lt3A = arith.constant 0 : i32
      %lt3A_238 = arith.cmpi slt, %rem3A_235, %lt3A : i32
      %lt3A_239 = arith.constant 0 : i32
      %lt3A_240 = arith.cmpi slt, %select_n3A_234, %lt3A_239 : i32
      %ne3A_241 = arith.xori %lt3A_238, %lt3A_240 : i1
      %and3A_242 = arith.andi %ne3A_241, %ne3A_237 : i1
      %add3A_243 = arith.addi %rem3A_235, %select_n3A_234 : i32
      %select_n3A_244 = arith.select %and3A_242, %add3A_243, %rem3A_235 : i32
      %mul3A_245 = arith.constant 16 : i32
      %mul3A_246 = arith.muli %select_n3A_244, %mul3A_245 : i32
      %swap3A = arith.index_cast %select_n3A : i32 to index
      %swap3A_247 = arith.index_cast %mul3A_246 : i32 to index
      %swap3A_248 = tpu.vector_load %arg11[%swap3A, %swap3A_247] {strides = array<i32>} : memref<64x128xf32, #tpu.memory_space<vmem>>, vector<16xf32>,
      tpu.vector_store %arg11[%swap3A, %swap3A_247], %broadcast_in_dim3A_60 {strides = array<i32>} : memref<64x128xf32, #tpu.memory_space<vmem>>, vector<16xf32>,
      %scan3A_249 = arith.constant 0 : i32
      scf.yield %scan3A_249 : i32
    }
    %scan3A_67 = arith.constant 512 : i32
    %add3A_68 = arith.constant 0 : i32
    %add3A_69 = arith.addi %mul3A_0, %add3A_68 : i32
    "tpu.region"() ({
      %run_scoped3A = tpu.sem_alloc : memref<!tpu.dma_semaphore, #tpu.memory_space<semaphore_mem>>
      %dma_start3A = arith.constant 0 : i32
      %dma_start3A_212 = tpu.memref_slice %arg13[%add3A_69, %dma_start3A] : memref<10112x128xf32, #tpu.memory_space<vmem_shared>> -> memref<64x128xf32, #tpu.memory_space<vmem_shared>>
      %dma_start3A_213 = arith.constant 0 : i32
      %dma_start3A_214 = tpu.memref_slice %arg13[%add3A_69, %dma_start3A_213] : memref<10112x128xf32, #tpu.memory_space<vmem_shared>> -> memref<64x128xf32, #tpu.memory_space<vmem_shared>>
      tpu.enqueue_dma source(%arg11 : memref<64x128xf32, #tpu.memory_space<vmem>>) target(%dma_start3A_214 : memref<64x128xf32, #tpu.memory_space<vmem_shared>>) target_semaphore(%run_scoped3A : memref<!tpu.dma_semaphore, #tpu.memory_space<semaphore_mem>>)
      %dma_wait3A = arith.constant 0 : i32
      %dma_wait3A_215 = tpu.memref_slice %arg13[%add3A_69, %dma_wait3A] : memref<10112x128xf32, #tpu.memory_space<vmem_shared>> -> memref<64x128xf32, #tpu.memory_space<vmem_shared>>
      %dma_wait3A_216 = arith.constant 0 : i32
      %dma_wait3A_217 = tpu.memref_slice %arg13[%add3A_69, %dma_wait3A_216] : memref<10112x128xf32, #tpu.memory_space<vmem_shared>> -> memref<64x128xf32, #tpu.memory_space<vmem_shared>>
      tpu.wait_dma2 semaphore(%run_scoped3A : memref<!tpu.dma_semaphore, #tpu.memory_space<semaphore_mem>>) src(%arg11 : memref<64x128xf32, #tpu.memory_space<vmem>>) dst(%dma_wait3A_217 : memref<64x128xf32, #tpu.memory_space<vmem_shared>>)
      tpu.yield
    }) : () -> ()
    %add3A_70 = arith.constant 64 : i32
    %add3A_71 = arith.addi %mul3A_0, %add3A_70 : i32
    "tpu.region"() ({
      %run_scoped3A = tpu.sem_alloc : memref<!tpu.dma_semaphore, #tpu.memory_space<semaphore_mem>>
      %dma_start3A = arith.constant 0 : i32
      %dma_start3A_212 = tpu.memref_slice %arg13[%add3A_71, %dma_start3A] : memref<10112x128xf32, #tpu.memory_space<vmem_shared>> -> memref<64x128xf32, #tpu.memory_space<vmem_shared>>
      %dma_start3A_213 = arith.constant 0 : i32
      %dma_start3A_214 = tpu.memref_slice %arg13[%add3A_71, %dma_start3A_213] : memref<10112x128xf32, #tpu.memory_space<vmem_shared>> -> memref<64x128xf32, #tpu.memory_space<vmem_shared>>
      tpu.enqueue_dma source(%arg11 : memref<64x128xf32, #tpu.memory_space<vmem>>) target(%dma_start3A_214 : memref<64x128xf32, #tpu.memory_space<vmem_shared>>) target_semaphore(%run_scoped3A : memref<!tpu.dma_semaphore, #tpu.memory_space<semaphore_mem>>)
      %dma_wait3A = arith.constant 0 : i32
      %dma_wait3A_215 = tpu.memref_slice %arg13[%add3A_71, %dma_wait3A] : memref<10112x128xf32, #tpu.memory_space<vmem_shared>> -> memref<64x128xf32, #tpu.memory_space<vmem_shared>>
      %dma_wait3A_216 = arith.constant 0 : i32
      %dma_wait3A_217 = tpu.memref_slice %arg13[%add3A_71, %dma_wait3A_216] : memref<10112x128xf32, #tpu.memory_space<vmem_shared>> -> memref<64x128xf32, #tpu.memory_space<vmem_shared>>
      tpu.wait_dma2 semaphore(%run_scoped3A : memref<!tpu.dma_semaphore, #tpu.memory_space<semaphore_mem>>) src(%arg11 : memref<64x128xf32, #tpu.memory_space<vmem>>) dst(%dma_wait3A_217 : memref<64x128xf32, #tpu.memory_space<vmem_shared>>)
      tpu.yield
    }) : () -> ()
    %add3A_72 = arith.constant 128 : i32
    %add3A_73 = arith.addi %mul3A_0, %add3A_72 : i32
    "tpu.region"() ({
      %run_scoped3A = tpu.sem_alloc : memref<!tpu.dma_semaphore, #tpu.memory_space<semaphore_mem>>
      %dma_start3A = arith.constant 0 : i32
      %dma_start3A_212 = tpu.memref_slice %arg13[%add3A_73, %dma_start3A] : memref<10112x128xf32, #tpu.memory_space<vmem_shared>> -> memref<64x128xf32, #tpu.memory_space<vmem_shared>>
      %dma_start3A_213 = arith.constant 0 : i32
      %dma_start3A_214 = tpu.memref_slice %arg13[%add3A_73, %dma_start3A_213] : memref<10112x128xf32, #tpu.memory_space<vmem_shared>> -> memref<64x128xf32, #tpu.memory_space<vmem_shared>>
      tpu.enqueue_dma source(%arg11 : memref<64x128xf32, #tpu.memory_space<vmem>>) target(%dma_start3A_214 : memref<64x128xf32, #tpu.memory_space<vmem_shared>>) target_semaphore(%run_scoped3A : memref<!tpu.dma_semaphore, #tpu.memory_space<semaphore_mem>>)
      %dma_wait3A = arith.constant 0 : i32
      %dma_wait3A_215 = tpu.memref_slice %arg13[%add3A_73, %dma_wait3A] : memref<10112x128xf32, #tpu.memory_space<vmem_shared>> -> memref<64x128xf32, #tpu.memory_space<vmem_shared>>
      %dma_wait3A_216 = arith.constant 0 : i32
      %dma_wait3A_217 = tpu.memref_slice %arg13[%add3A_73, %dma_wait3A_216] : memref<10112x128xf32, #tpu.memory_space<vmem_shared>> -> memref<64x128xf32, #tpu.memory_space<vmem_shared>>
      tpu.wait_dma2 semaphore(%run_scoped3A : memref<!tpu.dma_semaphore, #tpu.memory_space<semaphore_mem>>) src(%arg11 : memref<64x128xf32, #tpu.memory_space<vmem>>) dst(%dma_wait3A_217 : memref<64x128xf32, #tpu.memory_space<vmem_shared>>)
      tpu.yield
    }) : () -> ()
    %add3A_74 = arith.constant 192 : i32
    %add3A_75 = arith.addi %mul3A_0, %add3A_74 : i32
    "tpu.region"() ({
      %run_scoped3A = tpu.sem_alloc : memref<!tpu.dma_semaphore, #tpu.memory_space<semaphore_mem>>
      %dma_start3A = arith.constant 0 : i32
      %dma_start3A_212 = tpu.memref_slice %arg13[%add3A_75, %dma_start3A] : memref<10112x128xf32, #tpu.memory_space<vmem_shared>> -> memref<64x128xf32, #tpu.memory_space<vmem_shared>>
      %dma_start3A_213 = arith.constant 0 : i32
      %dma_start3A_214 = tpu.memref_slice %arg13[%add3A_75, %dma_start3A_213] : memref<10112x128xf32, #tpu.memory_space<vmem_shared>> -> memref<64x128xf32, #tpu.memory_space<vmem_shared>>
      tpu.enqueue_dma source(%arg11 : memref<64x128xf32, #tpu.memory_space<vmem>>) target(%dma_start3A_214 : memref<64x128xf32, #tpu.memory_space<vmem_shared>>) target_semaphore(%run_scoped3A : memref<!tpu.dma_semaphore, #tpu.memory_space<semaphore_mem>>)
      %dma_wait3A = arith.constant 0 : i32
      %dma_wait3A_215 = tpu.memref_slice %arg13[%add3A_75, %dma_wait3A] : memref<10112x128xf32, #tpu.memory_space<vmem_shared>> -> memref<64x128xf32, #tpu.memory_space<vmem_shared>>
      %dma_wait3A_216 = arith.constant 0 : i32
      %dma_wait3A_217 = tpu.memref_slice %arg13[%add3A_75, %dma_wait3A_216] : memref<10112x128xf32, #tpu.memory_space<vmem_shared>> -> memref<64x128xf32, #tpu.memory_space<vmem_shared>>
      tpu.wait_dma2 semaphore(%run_scoped3A : memref<!tpu.dma_semaphore, #tpu.memory_space<semaphore_mem>>) src(%arg11 : memref<64x128xf32, #tpu.memory_space<vmem>>) dst(%dma_wait3A_217 : memref<64x128xf32, #tpu.memory_space<vmem_shared>>)
      tpu.yield
    }) : () -> ()
    %add3A_76 = arith.constant 256 : i32
    %add3A_77 = arith.addi %mul3A_0, %add3A_76 : i32
    "tpu.region"() ({
      %run_scoped3A = tpu.sem_alloc : memref<!tpu.dma_semaphore, #tpu.memory_space<semaphore_mem>>
      %dma_start3A = arith.constant 0 : i32
      %dma_start3A_212 = tpu.memref_slice %arg13[%add3A_77, %dma_start3A] : memref<10112x128xf32, #tpu.memory_space<vmem_shared>> -> memref<64x128xf32, #tpu.memory_space<vmem_shared>>
      %dma_start3A_213 = arith.constant 0 : i32
      %dma_start3A_214 = tpu.memref_slice %arg13[%add3A_77, %dma_start3A_213] : memref<10112x128xf32, #tpu.memory_space<vmem_shared>> -> memref<64x128xf32, #tpu.memory_space<vmem_shared>>
      tpu.enqueue_dma source(%arg11 : memref<64x128xf32, #tpu.memory_space<vmem>>) target(%dma_start3A_214 : memref<64x128xf32, #tpu.memory_space<vmem_shared>>) target_semaphore(%run_scoped3A : memref<!tpu.dma_semaphore, #tpu.memory_space<semaphore_mem>>)
      %dma_wait3A = arith.constant 0 : i32
      %dma_wait3A_215 = tpu.memref_slice %arg13[%add3A_77, %dma_wait3A] : memref<10112x128xf32, #tpu.memory_space<vmem_shared>> -> memref<64x128xf32, #tpu.memory_space<vmem_shared>>
      %dma_wait3A_216 = arith.constant 0 : i32
      %dma_wait3A_217 = tpu.memref_slice %arg13[%add3A_77, %dma_wait3A_216] : memref<10112x128xf32, #tpu.memory_space<vmem_shared>> -> memref<64x128xf32, #tpu.memory_space<vmem_shared>>
      tpu.wait_dma2 semaphore(%run_scoped3A : memref<!tpu.dma_semaphore, #tpu.memory_space<semaphore_mem>>) src(%arg11 : memref<64x128xf32, #tpu.memory_space<vmem>>) dst(%dma_wait3A_217 : memref<64x128xf32, #tpu.memory_space<vmem_shared>>)
      tpu.yield
    }) : () -> ()
    %add3A_78 = arith.constant 320 : i32
    %add3A_79 = arith.addi %mul3A_0, %add3A_78 : i32
    "tpu.region"() ({
      %run_scoped3A = tpu.sem_alloc : memref<!tpu.dma_semaphore, #tpu.memory_space<semaphore_mem>>
      %dma_start3A = arith.constant 0 : i32
      %dma_start3A_212 = tpu.memref_slice %arg13[%add3A_79, %dma_start3A] : memref<10112x128xf32, #tpu.memory_space<vmem_shared>> -> memref<64x128xf32, #tpu.memory_space<vmem_shared>>
      %dma_start3A_213 = arith.constant 0 : i32
      %dma_start3A_214 = tpu.memref_slice %arg13[%add3A_79, %dma_start3A_213] : memref<10112x128xf32, #tpu.memory_space<vmem_shared>> -> memref<64x128xf32, #tpu.memory_space<vmem_shared>>
      tpu.enqueue_dma source(%arg11 : memref<64x128xf32, #tpu.memory_space<vmem>>) target(%dma_start3A_214 : memref<64x128xf32, #tpu.memory_space<vmem_shared>>) target_semaphore(%run_scoped3A : memref<!tpu.dma_semaphore, #tpu.memory_space<semaphore_mem>>)
      %dma_wait3A = arith.constant 0 : i32
      %dma_wait3A_215 = tpu.memref_slice %arg13[%add3A_79, %dma_wait3A] : memref<10112x128xf32, #tpu.memory_space<vmem_shared>> -> memref<64x128xf32, #tpu.memory_space<vmem_shared>>
      %dma_wait3A_216 = arith.constant 0 : i32
      %dma_wait3A_217 = tpu.memref_slice %arg13[%add3A_79, %dma_wait3A_216] : memref<10112x128xf32, #tpu.memory_space<vmem_shared>> -> memref<64x128xf32, #tpu.memory_space<vmem_shared>>
      tpu.wait_dma2 semaphore(%run_scoped3A : memref<!tpu.dma_semaphore, #tpu.memory_space<semaphore_mem>>) src(%arg11 : memref<64x128xf32, #tpu.memory_space<vmem>>) dst(%dma_wait3A_217 : memref<64x128xf32, #tpu.memory_space<vmem_shared>>)
      tpu.yield
    }) : () -> ()
    %add3A_80 = arith.constant 384 : i32
    %add3A_81 = arith.addi %mul3A_0, %add3A_80 : i32
    "tpu.region"() ({
      %run_scoped3A = tpu.sem_alloc : memref<!tpu.dma_semaphore, #tpu.memory_space<semaphore_mem>>
      %dma_start3A = arith.constant 0 : i32
      %dma_start3A_212 = tpu.memref_slice %arg13[%add3A_81, %dma_start3A] : memref<10112x128xf32, #tpu.memory_space<vmem_shared>> -> memref<64x128xf32, #tpu.memory_space<vmem_shared>>
      %dma_start3A_213 = arith.constant 0 : i32
      %dma_start3A_214 = tpu.memref_slice %arg13[%add3A_81, %dma_start3A_213] : memref<10112x128xf32, #tpu.memory_space<vmem_shared>> -> memref<64x128xf32, #tpu.memory_space<vmem_shared>>
      tpu.enqueue_dma source(%arg11 : memref<64x128xf32, #tpu.memory_space<vmem>>) target(%dma_start3A_214 : memref<64x128xf32, #tpu.memory_space<vmem_shared>>) target_semaphore(%run_scoped3A : memref<!tpu.dma_semaphore, #tpu.memory_space<semaphore_mem>>)
      %dma_wait3A = arith.constant 0 : i32
      %dma_wait3A_215 = tpu.memref_slice %arg13[%add3A_81, %dma_wait3A] : memref<10112x128xf32, #tpu.memory_space<vmem_shared>> -> memref<64x128xf32, #tpu.memory_space<vmem_shared>>
      %dma_wait3A_216 = arith.constant 0 : i32
      %dma_wait3A_217 = tpu.memref_slice %arg13[%add3A_81, %dma_wait3A_216] : memref<10112x128xf32, #tpu.memory_space<vmem_shared>> -> memref<64x128xf32, #tpu.memory_space<vmem_shared>>
      tpu.wait_dma2 semaphore(%run_scoped3A : memref<!tpu.dma_semaphore, #tpu.memory_space<semaphore_mem>>) src(%arg11 : memref<64x128xf32, #tpu.memory_space<vmem>>) dst(%dma_wait3A_217 : memref<64x128xf32, #tpu.memory_space<vmem_shared>>)
      tpu.yield
    }) : () -> ()
    %add3A_82 = arith.constant 448 : i32
    %add3A_83 = arith.addi %mul3A_0, %add3A_82 : i32
    "tpu.region"() ({
      %run_scoped3A = tpu.sem_alloc : memref<!tpu.dma_semaphore, #tpu.memory_space<semaphore_mem>>
      %dma_start3A = arith.constant 0 : i32
      %dma_start3A_212 = tpu.memref_slice %arg13[%add3A_83, %dma_start3A] : memref<10112x128xf32, #tpu.memory_space<vmem_shared>> -> memref<64x128xf32, #tpu.memory_space<vmem_shared>>
      %dma_start3A_213 = arith.constant 0 : i32
      %dma_start3A_214 = tpu.memref_slice %arg13[%add3A_83, %dma_start3A_213] : memref<10112x128xf32, #tpu.memory_space<vmem_shared>> -> memref<64x128xf32, #tpu.memory_space<vmem_shared>>
      tpu.enqueue_dma source(%arg11 : memref<64x128xf32, #tpu.memory_space<vmem>>) target(%dma_start3A_214 : memref<64x128xf32, #tpu.memory_space<vmem_shared>>) target_semaphore(%run_scoped3A : memref<!tpu.dma_semaphore, #tpu.memory_space<semaphore_mem>>)
      %dma_wait3A = arith.constant 0 : i32
      %dma_wait3A_215 = tpu.memref_slice %arg13[%add3A_83, %dma_wait3A] : memref<10112x128xf32, #tpu.memory_space<vmem_shared>> -> memref<64x128xf32, #tpu.memory_space<vmem_shared>>
      %dma_wait3A_216 = arith.constant 0 : i32
      %dma_wait3A_217 = tpu.memref_slice %arg13[%add3A_83, %dma_wait3A_216] : memref<10112x128xf32, #tpu.memory_space<vmem_shared>> -> memref<64x128xf32, #tpu.memory_space<vmem_shared>>
      tpu.wait_dma2 semaphore(%run_scoped3A : memref<!tpu.dma_semaphore, #tpu.memory_space<semaphore_mem>>) src(%arg11 : memref<64x128xf32, #tpu.memory_space<vmem>>) dst(%dma_wait3A_217 : memref<64x128xf32, #tpu.memory_space<vmem_shared>>)
      tpu.yield
    }) : () -> ()
    %add3A_84 = arith.constant 512 : i32
    %add3A_85 = arith.addi %mul3A_0, %add3A_84 : i32
    "tpu.region"() ({
      %run_scoped3A = tpu.sem_alloc : memref<!tpu.dma_semaphore, #tpu.memory_space<semaphore_mem>>
      %dma_start3A = arith.constant 0 : i32
      %dma_start3A_212 = tpu.memref_slice %arg13[%add3A_85, %dma_start3A] : memref<10112x128xf32, #tpu.memory_space<vmem_shared>> -> memref<64x128xf32, #tpu.memory_space<vmem_shared>>
      %dma_start3A_213 = arith.constant 0 : i32
      %dma_start3A_214 = tpu.memref_slice %arg13[%add3A_85, %dma_start3A_213] : memref<10112x128xf32, #tpu.memory_space<vmem_shared>> -> memref<64x128xf32, #tpu.memory_space<vmem_shared>>
      tpu.enqueue_dma source(%arg11 : memref<64x128xf32, #tpu.memory_space<vmem>>) target(%dma_start3A_214 : memref<64x128xf32, #tpu.memory_space<vmem_shared>>) target_semaphore(%run_scoped3A : memref<!tpu.dma_semaphore, #tpu.memory_space<semaphore_mem>>)
      %dma_wait3A = arith.constant 0 : i32
      %dma_wait3A_215 = tpu.memref_slice %arg13[%add3A_85, %dma_wait3A] : memref<10112x128xf32, #tpu.memory_space<vmem_shared>> -> memref<64x128xf32, #tpu.memory_space<vmem_shared>>
      %dma_wait3A_216 = arith.constant 0 : i32
      %dma_wait3A_217 = tpu.memref_slice %arg13[%add3A_85, %dma_wait3A_216] : memref<10112x128xf32, #tpu.memory_space<vmem_shared>> -> memref<64x128xf32, #tpu.memory_space<vmem_shared>>
      tpu.wait_dma2 semaphore(%run_scoped3A : memref<!tpu.dma_semaphore, #tpu.memory_space<semaphore_mem>>) src(%arg11 : memref<64x128xf32, #tpu.memory_space<vmem>>) dst(%dma_wait3A_217 : memref<64x128xf32, #tpu.memory_space<vmem_shared>>)
      tpu.yield
    }) : () -> ()
    %add3A_86 = arith.constant 576 : i32
    %add3A_87 = arith.addi %mul3A_0, %add3A_86 : i32
    "tpu.region"() ({
      %run_scoped3A = tpu.sem_alloc : memref<!tpu.dma_semaphore, #tpu.memory_space<semaphore_mem>>
      %dma_start3A = arith.constant 0 : i32
      %dma_start3A_212 = arith.constant 0 : i32
      %dma_start3A_213 = tpu.memref_slice %arg11[%dma_start3A, %dma_start3A_212] : memref<64x128xf32, #tpu.memory_space<vmem>> -> memref<56x128xf32, #tpu.memory_space<vmem>>
      %dma_start3A_214 = arith.constant 0 : i32
      %dma_start3A_215 = tpu.memref_slice %arg13[%add3A_87, %dma_start3A_214] : memref<10112x128xf32, #tpu.memory_space<vmem_shared>> -> memref<56x128xf32, #tpu.memory_space<vmem_shared>>
      %dma_start3A_216 = arith.constant 0 : i32
      %dma_start3A_217 = tpu.memref_slice %arg13[%add3A_87, %dma_start3A_216] : memref<10112x128xf32, #tpu.memory_space<vmem_shared>> -> memref<56x128xf32, #tpu.memory_space<vmem_shared>>
      %dma_start3A_218 = arith.constant 0 : i32
      %dma_start3A_219 = arith.constant 0 : i32
      %dma_start3A_220 = tpu.memref_slice %arg11[%dma_start3A_218, %dma_start3A_219] : memref<64x128xf32, #tpu.memory_space<vmem>> -> memref<56x128xf32, #tpu.memory_space<vmem>>
      tpu.enqueue_dma source(%dma_start3A_220 : memref<56x128xf32, #tpu.memory_space<vmem>>) target(%dma_start3A_217 : memref<56x128xf32, #tpu.memory_space<vmem_shared>>) target_semaphore(%run_scoped3A : memref<!tpu.dma_semaphore, #tpu.memory_space<semaphore_mem>>)
      %dma_wait3A = arith.constant 0 : i32
      %dma_wait3A_221 = arith.constant 0 : i32
      %dma_wait3A_222 = tpu.memref_slice %arg11[%dma_wait3A, %dma_wait3A_221] : memref<64x128xf32, #tpu.memory_space<vmem>> -> memref<56x128xf32, #tpu.memory_space<vmem>>
      %dma_wait3A_223 = arith.constant 0 : i32
      %dma_wait3A_224 = tpu.memref_slice %arg13[%add3A_87, %dma_wait3A_223] : memref<10112x128xf32, #tpu.memory_space<vmem_shared>> -> memref<56x128xf32, #tpu.memory_space<vmem_shared>>
      %dma_wait3A_225 = arith.constant 0 : i32
      %dma_wait3A_226 = tpu.memref_slice %arg13[%add3A_87, %dma_wait3A_225] : memref<10112x128xf32, #tpu.memory_space<vmem_shared>> -> memref<56x128xf32, #tpu.memory_space<vmem_shared>>
      %dma_wait3A_227 = arith.constant 0 : i32
      %dma_wait3A_228 = arith.constant 0 : i32
      %dma_wait3A_229 = tpu.memref_slice %arg11[%dma_wait3A_227, %dma_wait3A_228] : memref<64x128xf32, #tpu.memory_space<vmem>> -> memref<56x128xf32, #tpu.memory_space<vmem>>
      tpu.wait_dma2 semaphore(%run_scoped3A : memref<!tpu.dma_semaphore, #tpu.memory_space<semaphore_mem>>) src(%dma_wait3A_229 : memref<56x128xf32, #tpu.memory_space<vmem>>) dst(%dma_wait3A_226 : memref<56x128xf32, #tpu.memory_space<vmem_shared>>)
      tpu.yield
    }) : () -> ()
    %barrier3A_88 = arith.constant 0 : index
    tpu.barrier barrier_id(%barrier3A_88)
    %scan3A_89 = arith.constant 0 : i32
    %scan3A_90 = arith.constant 0 : i32
    %scan3A_91 = arith.constant 79 : i32
    %scan3A_92 = arith.addi %scan3A_90, %scan3A_91 : i32
    %scan3A_93 = arith.constant 1 : i32
    %scan3A_94 = scf.for %scan3A_212 = %scan3A_90 to %scan3A_92 step %scan3A_93 iter_args(%scan3A_213 = %scan3A_89) -> (i32)  : i32 {
      %mul3A_214 = arith.constant 2 : i32
      %mul3A_215 = arith.muli %mul3A_214, %scan3A_212 : i32
      %mul3A_216 = arith.constant 64 : i32
      %mul3A_217 = arith.muli %mul3A_215, %mul3A_216 : i32
      %add3A_218 = arith.constant 0 : i32
      %add3A_219 = arith.addi %mul3A_217, %add3A_218 : i32
      %get3A = arith.index_cast %add3A_219 : i32 to index
      %get3A_220 = tpu.vector_load %arg8[%get3A] {strides = array<i32>} : memref<10112xi32, #tpu.memory_space<vmem>>, vector<16xi32>,
      %shift_right_logical3A = arith.constant 14 : i32
      %shift_right_logical3A_221 = vector.broadcast %shift_right_logical3A : i32 to vector<16xi32>
      %shift_right_logical3A_222 = arith.shrui %get3A_220, %shift_right_logical3A_221 : vector<16xi32>
      %swap3A = arith.constant 0 : index
      %swap3A_223 = tpu.vector_load %arg9[%swap3A] {strides = array<i32>} : memref<128xi32, #tpu.memory_space<vmem>>, vector<16xi32>,
      tpu.vector_store %arg9[%swap3A], %shift_right_logical3A_222 {strides = array<i32>} : memref<128xi32, #tpu.memory_space<vmem>>, vector<16xi32>,
      %and3A = arith.constant 16383 : i32
      %and3A_224 = vector.broadcast %and3A : i32 to vector<16xi32>
      %and3A_225 = arith.andi %get3A_220, %and3A_224 : vector<16xi32>
      %swap3A_226 = arith.constant 0 : index
      %swap3A_227 = tpu.vector_load %arg10[%swap3A_226] {strides = array<i32>} : memref<128xi32, #tpu.memory_space<vmem>>, vector<16xi32>,
      tpu.vector_store %arg10[%swap3A_226], %and3A_225 {strides = array<i32>} : memref<128xi32, #tpu.memory_space<vmem>>, vector<16xi32>,
      %mul3A_228 = arith.constant 64 : i32
      %mul3A_229 = arith.muli %mul3A_215, %mul3A_228 : i32
      %add3A_230 = arith.constant 16 : i32
      %add3A_231 = arith.addi %mul3A_229, %add3A_230 : i32
      %get3A_232 = arith.index_cast %add3A_231 : i32 to index
      %get3A_233 = tpu.vector_load %arg8[%get3A_232] {strides = array<i32>} : memref<10112xi32, #tpu.memory_space<vmem>>, vector<16xi32>,
      %shift_right_logical3A_234 = arith.constant 14 : i32
      %shift_right_logical3A_235 = vector.broadcast %shift_right_logical3A_234 : i32 to vector<16xi32>
      %shift_right_logical3A_236 = arith.shrui %get3A_233, %shift_right_logical3A_235 : vector<16xi32>
      %swap3A_237 = arith.constant 16 : index
      %swap3A_238 = tpu.vector_load %arg9[%swap3A_237] {strides = array<i32>} : memref<128xi32, #tpu.memory_space<vmem>>, vector<16xi32>,
      tpu.vector_store %arg9[%swap3A_237], %shift_right_logical3A_236 {strides = array<i32>} : memref<128xi32, #tpu.memory_space<vmem>>, vector<16xi32>,
      %and3A_239 = arith.constant 16383 : i32
      %and3A_240 = vector.broadcast %and3A_239 : i32 to vector<16xi32>
      %and3A_241 = arith.andi %get3A_233, %and3A_240 : vector<16xi32>
      %swap3A_242 = arith.constant 16 : index
      %swap3A_243 = tpu.vector_load %arg10[%swap3A_242] {strides = array<i32>} : memref<128xi32, #tpu.memory_space<vmem>>, vector<16xi32>,
      tpu.vector_store %arg10[%swap3A_242], %and3A_241 {strides = array<i32>} : memref<128xi32, #tpu.memory_space<vmem>>, vector<16xi32>,
      %mul3A_244 = arith.constant 64 : i32
      %mul3A_245 = arith.muli %mul3A_215, %mul3A_244 : i32
      %add3A_246 = arith.constant 32 : i32
      %add3A_247 = arith.addi %mul3A_245, %add3A_246 : i32
      %get3A_248 = arith.index_cast %add3A_247 : i32 to index
      %get3A_249 = tpu.vector_load %arg8[%get3A_248] {strides = array<i32>} : memref<10112xi32, #tpu.memory_space<vmem>>, vector<16xi32>,
      %shift_right_logical3A_250 = arith.constant 14 : i32
      %shift_right_logical3A_251 = vector.broadcast %shift_right_logical3A_250 : i32 to vector<16xi32>
      %shift_right_logical3A_252 = arith.shrui %get3A_249, %shift_right_logical3A_251 : vector<16xi32>
      %swap3A_253 = arith.constant 32 : index
      %swap3A_254 = tpu.vector_load %arg9[%swap3A_253] {strides = array<i32>} : memref<128xi32, #tpu.memory_space<vmem>>, vector<16xi32>,
      tpu.vector_store %arg9[%swap3A_253], %shift_right_logical3A_252 {strides = array<i32>} : memref<128xi32, #tpu.memory_space<vmem>>, vector<16xi32>,
      %and3A_255 = arith.constant 16383 : i32
      %and3A_256 = vector.broadcast %and3A_255 : i32 to vector<16xi32>
      %and3A_257 = arith.andi %get3A_249, %and3A_256 : vector<16xi32>
      %swap3A_258 = arith.constant 32 : index
      %swap3A_259 = tpu.vector_load %arg10[%swap3A_258] {strides = array<i32>} : memref<128xi32, #tpu.memory_space<vmem>>, vector<16xi32>,
      tpu.vector_store %arg10[%swap3A_258], %and3A_257 {strides = array<i32>} : memref<128xi32, #tpu.memory_space<vmem>>, vector<16xi32>,
      %mul3A_260 = arith.constant 64 : i32
      %mul3A_261 = arith.muli %mul3A_215, %mul3A_260 : i32
      %add3A_262 = arith.constant 48 : i32
      %add3A_263 = arith.addi %mul3A_261, %add3A_262 : i32
      %get3A_264 = arith.index_cast %add3A_263 : i32 to index
      %get3A_265 = tpu.vector_load %arg8[%get3A_264] {strides = array<i32>} : memref<10112xi32, #tpu.memory_space<vmem>>, vector<16xi32>,
      %shift_right_logical3A_266 = arith.constant 14 : i32
      %shift_right_logical3A_267 = vector.broadcast %shift_right_logical3A_266 : i32 to vector<16xi32>
      %shift_right_logical3A_268 = arith.shrui %get3A_265, %shift_right_logical3A_267 : vector<16xi32>
      %swap3A_269 = arith.constant 48 : index
      %swap3A_270 = tpu.vector_load %arg9[%swap3A_269] {strides = array<i32>} : memref<128xi32, #tpu.memory_space<vmem>>, vector<16xi32>,
      tpu.vector_store %arg9[%swap3A_269], %shift_right_logical3A_268 {strides = array<i32>} : memref<128xi32, #tpu.memory_space<vmem>>, vector<16xi32>,
      %and3A_271 = arith.constant 16383 : i32
      %and3A_272 = vector.broadcast %and3A_271 : i32 to vector<16xi32>
      %and3A_273 = arith.andi %get3A_265, %and3A_272 : vector<16xi32>
      %swap3A_274 = arith.constant 48 : index
      %swap3A_275 = tpu.vector_load %arg10[%swap3A_274] {strides = array<i32>} : memref<128xi32, #tpu.memory_space<vmem>>, vector<16xi32>,
      tpu.vector_store %arg10[%swap3A_274], %and3A_273 {strides = array<i32>} : memref<128xi32, #tpu.memory_space<vmem>>, vector<16xi32>,
      %add3A_276 = arith.constant 1 : i32
      %add3A_277 = arith.addi %mul3A_215, %add3A_276 : i32
      %mul3A_278 = arith.constant 64 : i32
      %mul3A_279 = arith.muli %add3A_277, %mul3A_278 : i32
      %add3A_280 = arith.constant 0 : i32
      %add3A_281 = arith.addi %mul3A_279, %add3A_280 : i32
      %get3A_282 = arith.index_cast %add3A_281 : i32 to index
      %get3A_283 = tpu.vector_load %arg8[%get3A_282] {strides = array<i32>} : memref<10112xi32, #tpu.memory_space<vmem>>, vector<16xi32>,
      %shift_right_logical3A_284 = arith.constant 14 : i32
      %shift_right_logical3A_285 = vector.broadcast %shift_right_logical3A_284 : i32 to vector<16xi32>
      %shift_right_logical3A_286 = arith.shrui %get3A_283, %shift_right_logical3A_285 : vector<16xi32>
      %swap3A_287 = arith.constant 64 : index
      %swap3A_288 = tpu.vector_load %arg9[%swap3A_287] {strides = array<i32>} : memref<128xi32, #tpu.memory_space<vmem>>, vector<16xi32>,
      tpu.vector_store %arg9[%swap3A_287], %shift_right_logical3A_286 {strides = array<i32>} : memref<128xi32, #tpu.memory_space<vmem>>, vector<16xi32>,
      %and3A_289 = arith.constant 16383 : i32
      %and3A_290 = vector.broadcast %and3A_289 : i32 to vector<16xi32>
      %and3A_291 = arith.andi %get3A_283, %and3A_290 : vector<16xi32>
      %swap3A_292 = arith.constant 64 : index
      %swap3A_293 = tpu.vector_load %arg10[%swap3A_292] {strides = array<i32>} : memref<128xi32, #tpu.memory_space<vmem>>, vector<16xi32>,
      tpu.vector_store %arg10[%swap3A_292], %and3A_291 {strides = array<i32>} : memref<128xi32, #tpu.memory_space<vmem>>, vector<16xi32>,
      %mul3A_294 = arith.constant 64 : i32
      %mul3A_295 = arith.muli %add3A_277, %mul3A_294 : i32
      %add3A_296 = arith.constant 16 : i32
      %add3A_297 = arith.addi %mul3A_295, %add3A_296 : i32
      %get3A_298 = arith.index_cast %add3A_297 : i32 to index
      %get3A_299 = tpu.vector_load %arg8[%get3A_298] {strides = array<i32>} : memref<10112xi32, #tpu.memory_space<vmem>>, vector<16xi32>,
      %shift_right_logical3A_300 = arith.constant 14 : i32
      %shift_right_logical3A_301 = vector.broadcast %shift_right_logical3A_300 : i32 to vector<16xi32>
      %shift_right_logical3A_302 = arith.shrui %get3A_299, %shift_right_logical3A_301 : vector<16xi32>
      %swap3A_303 = arith.constant 80 : index
      %swap3A_304 = tpu.vector_load %arg9[%swap3A_303] {strides = array<i32>} : memref<128xi32, #tpu.memory_space<vmem>>, vector<16xi32>,
      tpu.vector_store %arg9[%swap3A_303], %shift_right_logical3A_302 {strides = array<i32>} : memref<128xi32, #tpu.memory_space<vmem>>, vector<16xi32>,
      %and3A_305 = arith.constant 16383 : i32
      %and3A_306 = vector.broadcast %and3A_305 : i32 to vector<16xi32>
      %and3A_307 = arith.andi %get3A_299, %and3A_306 : vector<16xi32>
      %swap3A_308 = arith.constant 80 : index
      %swap3A_309 = tpu.vector_load %arg10[%swap3A_308] {strides = array<i32>} : memref<128xi32, #tpu.memory_space<vmem>>, vector<16xi32>,
      tpu.vector_store %arg10[%swap3A_308], %and3A_307 {strides = array<i32>} : memref<128xi32, #tpu.memory_space<vmem>>, vector<16xi32>,
      %mul3A_310 = arith.constant 64 : i32
      %mul3A_311 = arith.muli %add3A_277, %mul3A_310 : i32
      %add3A_312 = arith.constant 32 : i32
      %add3A_313 = arith.addi %mul3A_311, %add3A_312 : i32
      %get3A_314 = arith.index_cast %add3A_313 : i32 to index
      %get3A_315 = tpu.vector_load %arg8[%get3A_314] {strides = array<i32>} : memref<10112xi32, #tpu.memory_space<vmem>>, vector<16xi32>,
      %shift_right_logical3A_316 = arith.constant 14 : i32
      %shift_right_logical3A_317 = vector.broadcast %shift_right_logical3A_316 : i32 to vector<16xi32>
      %shift_right_logical3A_318 = arith.shrui %get3A_315, %shift_right_logical3A_317 : vector<16xi32>
      %swap3A_319 = arith.constant 96 : index
      %swap3A_320 = tpu.vector_load %arg9[%swap3A_319] {strides = array<i32>} : memref<128xi32, #tpu.memory_space<vmem>>, vector<16xi32>,
      tpu.vector_store %arg9[%swap3A_319], %shift_right_logical3A_318 {strides = array<i32>} : memref<128xi32, #tpu.memory_space<vmem>>, vector<16xi32>,
      %and3A_321 = arith.constant 16383 : i32
      %and3A_322 = vector.broadcast %and3A_321 : i32 to vector<16xi32>
      %and3A_323 = arith.andi %get3A_315, %and3A_322 : vector<16xi32>
      %swap3A_324 = arith.constant 96 : index
      %swap3A_325 = tpu.vector_load %arg10[%swap3A_324] {strides = array<i32>} : memref<128xi32, #tpu.memory_space<vmem>>, vector<16xi32>,
      tpu.vector_store %arg10[%swap3A_324], %and3A_323 {strides = array<i32>} : memref<128xi32, #tpu.memory_space<vmem>>, vector<16xi32>,
      %mul3A_326 = arith.constant 64 : i32
      %mul3A_327 = arith.muli %add3A_277, %mul3A_326 : i32
      %add3A_328 = arith.constant 48 : i32
      %add3A_329 = arith.addi %mul3A_327, %add3A_328 : i32
      %get3A_330 = arith.index_cast %add3A_329 : i32 to index
      %get3A_331 = tpu.vector_load %arg8[%get3A_330] {strides = array<i32>} : memref<10112xi32, #tpu.memory_space<vmem>>, vector<16xi32>,
      %shift_right_logical3A_332 = arith.constant 14 : i32
      %shift_right_logical3A_333 = vector.broadcast %shift_right_logical3A_332 : i32 to vector<16xi32>
      %shift_right_logical3A_334 = arith.shrui %get3A_331, %shift_right_logical3A_333 : vector<16xi32>
      %swap3A_335 = arith.constant 112 : index
      %swap3A_336 = tpu.vector_load %arg9[%swap3A_335] {strides = array<i32>} : memref<128xi32, #tpu.memory_space<vmem>>, vector<16xi32>,
      tpu.vector_store %arg9[%swap3A_335], %shift_right_logical3A_334 {strides = array<i32>} : memref<128xi32, #tpu.memory_space<vmem>>, vector<16xi32>,
      %and3A_337 = arith.constant 16383 : i32
      %and3A_338 = vector.broadcast %and3A_337 : i32 to vector<16xi32>
      %and3A_339 = arith.andi %get3A_331, %and3A_338 : vector<16xi32>
      %swap3A_340 = arith.constant 112 : index
      %swap3A_341 = tpu.vector_load %arg10[%swap3A_340] {strides = array<i32>} : memref<128xi32, #tpu.memory_space<vmem>>, vector<16xi32>,
      tpu.vector_store %arg10[%swap3A_340], %and3A_339 {strides = array<i32>} : memref<128xi32, #tpu.memory_space<vmem>>, vector<16xi32>,
      %dma_start3A = arith.constant 0 : i32
      %dma_start3A_342 = tpu.memref_slice %arg10[%dma_start3A] : memref<128xi32, #tpu.memory_space<vmem>> -> memref<64xi32, #tpu.memory_space<vmem>>
      %dma_start3A_343 = arith.constant 0 : i32
      %dma_start3A_344 = arith.constant 0 : i32
      %dma_start3A_345 = tpu.memref_slice %arg3[%dma_start3A_343, %dma_start3A_344] : memref<10000x128xf32, #tpu.memory_space<hbm>> -> memref<10000x128xf32, #tpu.memory_space<hbm>>
      tpu.enqueue_indirect_dma source(%dma_start3A_345 : memref<10000x128xf32, #tpu.memory_space<hbm>>) target(%arg11 : memref<64x128xf32, #tpu.memory_space<vmem>>) offsets(%dma_start3A_342 : memref<64xi32, #tpu.memory_space<vmem>>) semaphore(%arg14 : memref<!tpu.dma_semaphore, #tpu.memory_space<semaphore_mem>>)
      %dma_start3A_346 = arith.constant 64 : i32
      %dma_start3A_347 = tpu.memref_slice %arg10[%dma_start3A_346] : memref<128xi32, #tpu.memory_space<vmem>> -> memref<64xi32, #tpu.memory_space<vmem>>
      %dma_start3A_348 = arith.constant 0 : i32
      %dma_start3A_349 = arith.constant 0 : i32
      %dma_start3A_350 = tpu.memref_slice %arg3[%dma_start3A_348, %dma_start3A_349] : memref<10000x128xf32, #tpu.memory_space<hbm>> -> memref<10000x128xf32, #tpu.memory_space<hbm>>
      tpu.enqueue_indirect_dma source(%dma_start3A_350 : memref<10000x128xf32, #tpu.memory_space<hbm>>) target(%arg12 : memref<64x128xf32, #tpu.memory_space<vmem>>) offsets(%dma_start3A_347 : memref<64xi32, #tpu.memory_space<vmem>>) semaphore(%arg15 : memref<!tpu.dma_semaphore, #tpu.memory_space<semaphore_mem>>)
      %dma_wait3A = arith.constant 0 : i32
      %dma_wait3A_351 = tpu.memref_slice %arg10[%dma_wait3A] : memref<128xi32, #tpu.memory_space<vmem>> -> memref<64xi32, #tpu.memory_space<vmem>>
      %dma_wait3A_352 = arith.constant 0 : i32
      %dma_wait3A_353 = arith.constant 0 : i32
      %dma_wait3A_354 = tpu.memref_slice %arg3[%dma_wait3A_352, %dma_wait3A_353] : memref<10000x128xf32, #tpu.memory_space<hbm>> -> memref<10000x128xf32, #tpu.memory_space<hbm>>
      tpu.wait_indirect_dma semaphore(%arg14 : memref<!tpu.dma_semaphore, #tpu.memory_space<semaphore_mem>>) src(%dma_wait3A_354 : memref<10000x128xf32, #tpu.memory_space<hbm>>) dst(%arg11 : memref<64x128xf32, #tpu.memory_space<vmem>>)
      %dma_wait3A_355 = arith.constant 64 : i32
      %dma_wait3A_356 = tpu.memref_slice %arg10[%dma_wait3A_355] : memref<128xi32, #tpu.memory_space<vmem>> -> memref<64xi32, #tpu.memory_space<vmem>>
      %dma_wait3A_357 = arith.constant 0 : i32
      %dma_wait3A_358 = arith.constant 0 : i32
      %dma_wait3A_359 = tpu.memref_slice %arg3[%dma_wait3A_357, %dma_wait3A_358] : memref<10000x128xf32, #tpu.memory_space<hbm>> -> memref<10000x128xf32, #tpu.memory_space<hbm>>
      tpu.wait_indirect_dma semaphore(%arg15 : memref<!tpu.dma_semaphore, #tpu.memory_space<semaphore_mem>>) src(%dma_wait3A_359 : memref<10000x128xf32, #tpu.memory_space<hbm>>) dst(%arg12 : memref<64x128xf32, #tpu.memory_space<vmem>>)
      "tpu.region"() ({
        %run_scoped3A = tpu.sem_alloc : memref<!tpu.dma_semaphore, #tpu.memory_space<semaphore_mem>>
        %dma_start3A_361 = arith.constant 0 : i32
        %dma_start3A_362 = tpu.memref_slice %arg9[%dma_start3A_361] : memref<128xi32, #tpu.memory_space<vmem>> -> memref<64xi32, #tpu.memory_space<vmem>>
        %dma_start3A_363 = arith.constant 0 : i32
        %dma_start3A_364 = arith.constant 0 : i32
        %dma_start3A_365 = tpu.memref_slice %arg13[%dma_start3A_363, %dma_start3A_364] : memref<10112x128xf32, #tpu.memory_space<vmem_shared>> -> memref<10112x128xf32, #tpu.memory_space<vmem_shared>>
        tpu.enqueue_indirect_dma source(%arg11 : memref<64x128xf32, #tpu.memory_space<vmem>>) target(%dma_start3A_365 : memref<10112x128xf32, #tpu.memory_space<vmem_shared>>) offsets(%dma_start3A_362 : memref<64xi32, #tpu.memory_space<vmem>>) semaphore(%run_scoped3A : memref<!tpu.dma_semaphore, #tpu.memory_space<semaphore_mem>>) {add = true}
        %dma_wait3A_366 = arith.constant 0 : i32
        %dma_wait3A_367 = tpu.memref_slice %arg9[%dma_wait3A_366] : memref<128xi32, #tpu.memory_space<vmem>> -> memref<64xi32, #tpu.memory_space<vmem>>
        %dma_wait3A_368 = arith.constant 0 : i32
        %dma_wait3A_369 = arith.constant 0 : i32
        %dma_wait3A_370 = tpu.memref_slice %arg13[%dma_wait3A_368, %dma_wait3A_369] : memref<10112x128xf32, #tpu.memory_space<vmem_shared>> -> memref<10112x128xf32, #tpu.memory_space<vmem_shared>>
        tpu.wait_indirect_dma semaphore(%run_scoped3A : memref<!tpu.dma_semaphore, #tpu.memory_space<semaphore_mem>>) src(%arg11 : memref<64x128xf32, #tpu.memory_space<vmem>>) dst(%dma_wait3A_370 : memref<10112x128xf32, #tpu.memory_space<vmem_shared>>)
        tpu.yield
      }) : () -> ()
      "tpu.region"() ({
        %run_scoped3A = tpu.sem_alloc : memref<!tpu.dma_semaphore, #tpu.memory_space<semaphore_mem>>
        %dma_start3A_361 = arith.constant 64 : i32
        %dma_start3A_362 = tpu.memref_slice %arg9[%dma_start3A_361] : memref<128xi32, #tpu.memory_space<vmem>> -> memref<64xi32, #tpu.memory_space<vmem>>
        %dma_start3A_363 = arith.constant 0 : i32
        %dma_start3A_364 = arith.constant 0 : i32
        %dma_start3A_365 = tpu.memref_slice %arg13[%dma_start3A_363, %dma_start3A_364] : memref<10112x128xf32, #tpu.memory_space<vmem_shared>> -> memref<10112x128xf32, #tpu.memory_space<vmem_shared>>
        tpu.enqueue_indirect_dma source(%arg12 : memref<64x128xf32, #tpu.memory_space<vmem>>) target(%dma_start3A_365 : memref<10112x128xf32, #tpu.memory_space<vmem_shared>>) offsets(%dma_start3A_362 : memref<64xi32, #tpu.memory_space<vmem>>) semaphore(%run_scoped3A : memref<!tpu.dma_semaphore, #tpu.memory_space<semaphore_mem>>) {add = true}
        %dma_wait3A_366 = arith.constant 64 : i32
        %dma_wait3A_367 = tpu.memref_slice %arg9[%dma_wait3A_366] : memref<128xi32, #tpu.memory_space<vmem>> -> memref<64xi32, #tpu.memory_space<vmem>>
        %dma_wait3A_368 = arith.constant 0 : i32
        %dma_wait3A_369 = arith.constant 0 : i32
        %dma_wait3A_370 = tpu.memref_slice %arg13[%dma_wait3A_368, %dma_wait3A_369] : memref<10112x128xf32, #tpu.memory_space<vmem_shared>> -> memref<10112x128xf32, #tpu.memory_space<vmem_shared>>
        tpu.wait_indirect_dma semaphore(%run_scoped3A : memref<!tpu.dma_semaphore, #tpu.memory_space<semaphore_mem>>) src(%arg12 : memref<64x128xf32, #tpu.memory_space<vmem>>) dst(%dma_wait3A_370 : memref<10112x128xf32, #tpu.memory_space<vmem_shared>>)
        tpu.yield
      }) : () -> ()
      %scan3A_360 = arith.constant 0 : i32
      scf.yield %scan3A_360 : i32
    }
    %scan3A_95 = arith.constant 79 : i32
    %barrier3A_96 = arith.constant 0 : index
    tpu.barrier barrier_id(%barrier3A_96)
    %eq3A_97 = arith.constant 0 : i32
    %eq3A_98 = arith.cmpi eq, %arg0, %eq3A_97 : i32
    %convert_element_type3A_99 = arith.extui %eq3A_98 : i1 to i32
    %cond3A_100 = arith.constant 1 : i32
    %cond3A_101 = arith.constant 0 : i32
    %cond3A_102 = arith.cmpi ne, %convert_element_type3A_99, %cond3A_101 : i32
    scf.if %cond3A_102 {
      %run_scoped3A = arith.constant 0 : i32
      "tpu.region"() ({
        %run_scoped3A_212 = tpu.sem_alloc : memref<!tpu.dma_semaphore, #tpu.memory_space<semaphore_mem>>
        %dma_start3A = arith.constant 0 : i32
        %dma_start3A_213 = arith.constant 0 : i32
        %dma_start3A_214 = arith.constant 0 : i32
        %dma_start3A_215 = tpu.memref_slice %arg7[%cond3A_100, %dma_start3A, %dma_start3A_213, %dma_start3A_214] : memref<4x2x10112x128xf32, #tpu.memory_space<hbm>> -> memref<1x2x10112x128xf32, #tpu.memory_space<hbm>>
        %dma_start3A_216 = tpu.memref_squeeze %dma_start3A_215 : memref<1x2x10112x128xf32, #tpu.memory_space<hbm>> -> memref<2x10112x128xf32, #tpu.memory_space<hbm>>
        %dma_start3A_217 = arith.constant 0 : i32
        %dma_start3A_218 = tpu.memref_slice %dma_start3A_216[%run_scoped3A, %mul3A_0, %dma_start3A_217] : memref<2x10112x128xf32, #tpu.memory_space<hbm>> -> memref<1x632x128xf32, #tpu.memory_space<hbm>>
        %dma_start3A_219 = tpu.memref_squeeze %dma_start3A_218 : memref<1x632x128xf32, #tpu.memory_space<hbm>> -> memref<632x128xf32, #tpu.memory_space<hbm>>
        %dma_start3A_220 = arith.constant 0 : i32
        %dma_start3A_221 = tpu.memref_slice %arg13[%mul3A_0, %dma_start3A_220] : memref<10112x128xf32, #tpu.memory_space<vmem_shared>> -> memref<632x128xf32, #tpu.memory_space<vmem_shared>>
        tpu.enqueue_dma source(%dma_start3A_221 : memref<632x128xf32, #tpu.memory_space<vmem_shared>>) target(%dma_start3A_219 : memref<632x128xf32, #tpu.memory_space<hbm>>) target_semaphore(%run_scoped3A_212 : memref<!tpu.dma_semaphore, #tpu.memory_space<semaphore_mem>>)
        %dma_wait3A = arith.constant 0 : i32
        %dma_wait3A_222 = arith.constant 0 : i32
        %dma_wait3A_223 = arith.constant 0 : i32
        %dma_wait3A_224 = tpu.memref_slice %arg7[%cond3A_100, %dma_wait3A, %dma_wait3A_222, %dma_wait3A_223] : memref<4x2x10112x128xf32, #tpu.memory_space<hbm>> -> memref<1x2x10112x128xf32, #tpu.memory_space<hbm>>
        %dma_wait3A_225 = tpu.memref_squeeze %dma_wait3A_224 : memref<1x2x10112x128xf32, #tpu.memory_space<hbm>> -> memref<2x10112x128xf32, #tpu.memory_space<hbm>>
        %dma_wait3A_226 = arith.constant 0 : i32
        %dma_wait3A_227 = tpu.memref_slice %dma_wait3A_225[%run_scoped3A, %mul3A_0, %dma_wait3A_226] : memref<2x10112x128xf32, #tpu.memory_space<hbm>> -> memref<1x632x128xf32, #tpu.memory_space<hbm>>
        %dma_wait3A_228 = tpu.memref_squeeze %dma_wait3A_227 : memref<1x632x128xf32, #tpu.memory_space<hbm>> -> memref<632x128xf32, #tpu.memory_space<hbm>>
        %dma_wait3A_229 = arith.constant 0 : i32
        %dma_wait3A_230 = tpu.memref_slice %arg13[%mul3A_0, %dma_wait3A_229] : memref<10112x128xf32, #tpu.memory_space<vmem_shared>> -> memref<632x128xf32, #tpu.memory_space<vmem_shared>>
        tpu.wait_dma2 semaphore(%run_scoped3A_212 : memref<!tpu.dma_semaphore, #tpu.memory_space<semaphore_mem>>) src(%dma_wait3A_230 : memref<632x128xf32, #tpu.memory_space<vmem_shared>>) dst(%dma_wait3A_228 : memref<632x128xf32, #tpu.memory_space<hbm>>)
        tpu.yield
      }) : () -> ()
    } else {
    }
    %eq3A_103 = arith.constant 1 : i32
    %eq3A_104 = arith.cmpi eq, %arg0, %eq3A_103 : i32
    %convert_element_type3A_105 = arith.extui %eq3A_104 : i1 to i32
    %cond3A_106 = arith.constant 1 : i32
    %cond3A_107 = arith.constant 0 : i32
    %cond3A_108 = arith.cmpi ne, %convert_element_type3A_105, %cond3A_107 : i32
    scf.if %cond3A_108 {
      %run_scoped3A = arith.constant 1 : i32
      "tpu.region"() ({
        %run_scoped3A_212 = tpu.sem_alloc : memref<!tpu.dma_semaphore, #tpu.memory_space<semaphore_mem>>
        %dma_start3A = arith.constant 0 : i32
        %dma_start3A_213 = arith.constant 0 : i32
        %dma_start3A_214 = arith.constant 0 : i32
        %dma_start3A_215 = tpu.memref_slice %arg7[%cond3A_106, %dma_start3A, %dma_start3A_213, %dma_start3A_214] : memref<4x2x10112x128xf32, #tpu.memory_space<hbm>> -> memref<1x2x10112x128xf32, #tpu.memory_space<hbm>>
        %dma_start3A_216 = tpu.memref_squeeze %dma_start3A_215 : memref<1x2x10112x128xf32, #tpu.memory_space<hbm>> -> memref<2x10112x128xf32, #tpu.memory_space<hbm>>
        %dma_start3A_217 = arith.constant 0 : i32
        %dma_start3A_218 = tpu.memref_slice %dma_start3A_216[%run_scoped3A, %mul3A_0, %dma_start3A_217] : memref<2x10112x128xf32, #tpu.memory_space<hbm>> -> memref<1x632x128xf32, #tpu.memory_space<hbm>>
        %dma_start3A_219 = tpu.memref_squeeze %dma_start3A_218 : memref<1x632x128xf32, #tpu.memory_space<hbm>> -> memref<632x128xf32, #tpu.memory_space<hbm>>
        %dma_start3A_220 = arith.constant 0 : i32
        %dma_start3A_221 = tpu.memref_slice %arg13[%mul3A_0, %dma_start3A_220] : memref<10112x128xf32, #tpu.memory_space<vmem_shared>> -> memref<632x128xf32, #tpu.memory_space<vmem_shared>>
        tpu.enqueue_dma source(%dma_start3A_221 : memref<632x128xf32, #tpu.memory_space<vmem_shared>>) target(%dma_start3A_219 : memref<632x128xf32, #tpu.memory_space<hbm>>) target_semaphore(%run_scoped3A_212 : memref<!tpu.dma_semaphore, #tpu.memory_space<semaphore_mem>>)
        %dma_wait3A = arith.constant 0 : i32
        %dma_wait3A_222 = arith.constant 0 : i32
        %dma_wait3A_223 = arith.constant 0 : i32
        %dma_wait3A_224 = tpu.memref_slice %arg7[%cond3A_106, %dma_wait3A, %dma_wait3A_222, %dma_wait3A_223] : memref<4x2x10112x128xf32, #tpu.memory_space<hbm>> -> memref<1x2x10112x128xf32, #tpu.memory_space<hbm>>
        %dma_wait3A_225 = tpu.memref_squeeze %dma_wait3A_224 : memref<1x2x10112x128xf32, #tpu.memory_space<hbm>> -> memref<2x10112x128xf32, #tpu.memory_space<hbm>>
        %dma_wait3A_226 = arith.constant 0 : i32
        %dma_wait3A_227 = tpu.memref_slice %dma_wait3A_225[%run_scoped3A, %mul3A_0, %dma_wait3A_226] : memref<2x10112x128xf32, #tpu.memory_space<hbm>> -> memref<1x632x128xf32, #tpu.memory_space<hbm>>
        %dma_wait3A_228 = tpu.memref_squeeze %dma_wait3A_227 : memref<1x632x128xf32, #tpu.memory_space<hbm>> -> memref<632x128xf32, #tpu.memory_space<hbm>>
        %dma_wait3A_229 = arith.constant 0 : i32
        %dma_wait3A_230 = tpu.memref_slice %arg13[%mul3A_0, %dma_wait3A_229] : memref<10112x128xf32, #tpu.memory_space<vmem_shared>> -> memref<632x128xf32, #tpu.memory_space<vmem_shared>>
        tpu.wait_dma2 semaphore(%run_scoped3A_212 : memref<!tpu.dma_semaphore, #tpu.memory_space<semaphore_mem>>) src(%dma_wait3A_230 : memref<632x128xf32, #tpu.memory_space<vmem_shared>>) dst(%dma_wait3A_228 : memref<632x128xf32, #tpu.memory_space<hbm>>)
        tpu.yield
      }) : () -> ()
    } else {
    }
    %barrier3A_109 = arith.constant 0 : index
    tpu.barrier barrier_id(%barrier3A_109)
    %broadcast_in_dim3A_110 = arith.constant 0.000000e+00 : f32
    %broadcast_in_dim3A_111 = vector.broadcast %broadcast_in_dim3A_110 : f32 to vector<16xf32>
    %scan3A_112 = arith.constant 0 : i32
    %scan3A_113 = arith.constant 0 : i32
    %scan3A_114 = arith.constant 512 : i32
    %scan3A_115 = arith.addi %scan3A_113, %scan3A_114 : i32
    %scan3A_116 = arith.constant 1 : i32
    %scan3A_117 = scf.for %scan3A_212 = %scan3A_113 to %scan3A_115 step %scan3A_116 iter_args(%scan3A_213 = %scan3A_112) -> (i32)  : i32 {
      %jit3A = arith.constant 8 : i32
      %div3A = arith.divsi %scan3A_212, %jit3A : i32
      %sign3A = arith.constant 0 : i32
      %sign3A_214 = arith.cmpi sgt, %scan3A_212, %sign3A : i32
      %sign3A_215 = arith.extui %sign3A_214 : i1 to i32
      %sign3A_216 = arith.constant 0 : i32
      %sign3A_217 = arith.cmpi slt, %scan3A_212, %sign3A_216 : i32
      %sign3A_218 = arith.extui %sign3A_217 : i1 to i32
      %sign3A_219 = arith.subi %sign3A_215, %sign3A_218 : i32
      %sign3A_220 = arith.constant 0 : i32
      %sign3A_221 = arith.cmpi sgt, %jit3A, %sign3A_220 : i32
      %sign3A_222 = arith.extui %sign3A_221 : i1 to i32
      %sign3A_223 = arith.constant 0 : i32
      %sign3A_224 = arith.cmpi slt, %jit3A, %sign3A_223 : i32
      %sign3A_225 = arith.extui %sign3A_224 : i1 to i32
      %sign3A_226 = arith.subi %sign3A_222, %sign3A_225 : i32
      %ne3A = arith.cmpi ne, %sign3A_219, %sign3A_226 : i32
      %rem3A = arith.remsi %scan3A_212, %jit3A : i32
      %ne3A_227 = arith.constant 0 : i32
      %ne3A_228 = arith.cmpi ne, %rem3A, %ne3A_227 : i32
      %and3A = arith.andi %ne3A, %ne3A_228 : i1
      %sub3A = arith.constant 1 : i32
      %sub3A_229 = arith.subi %div3A, %sub3A : i32
      %select_n3A = arith.select %and3A, %sub3A_229, %div3A : i32
      %jit3A_230 = arith.constant 8 : i32
      %eq3A_231 = arith.constant 0 : i32
      %eq3A_232 = arith.cmpi eq, %jit3A_230, %eq3A_231 : i32
      %jit3A_233 = arith.constant 1 : i32
      %select_n3A_234 = arith.select %eq3A_232, %jit3A_233, %jit3A_230 : i32
      %rem3A_235 = arith.remsi %scan3A_212, %select_n3A_234 : i32
      %ne3A_236 = arith.constant 0 : i32
      %ne3A_237 = arith.cmpi ne, %rem3A_235, %ne3A_236 : i32
      %lt3A = arith.constant 0 : i32
      %lt3A_238 = arith.cmpi slt, %rem3A_235, %lt3A : i32
      %lt3A_239 = arith.constant 0 : i32
      %lt3A_240 = arith.cmpi slt, %select_n3A_234, %lt3A_239 : i32
      %ne3A_241 = arith.xori %lt3A_238, %lt3A_240 : i1
      %and3A_242 = arith.andi %ne3A_241, %ne3A_237 : i1
      %add3A_243 = arith.addi %rem3A_235, %select_n3A_234 : i32
      %select_n3A_244 = arith.select %and3A_242, %add3A_243, %rem3A_235 : i32
      %mul3A_245 = arith.constant 16 : i32
      %mul3A_246 = arith.muli %select_n3A_244, %mul3A_245 : i32
      %swap3A = arith.index_cast %select_n3A : i32 to index
      %swap3A_247 = arith.index_cast %mul3A_246 : i32 to index
      %swap3A_248 = tpu.vector_load %arg11[%swap3A, %swap3A_247] {strides = array<i32>} : memref<64x128xf32, #tpu.memory_space<vmem>>, vector<16xf32>,
      tpu.vector_store %arg11[%swap3A, %swap3A_247], %broadcast_in_dim3A_111 {strides = array<i32>} : memref<64x128xf32, #tpu.memory_space<vmem>>, vector<16xf32>,
      %scan3A_249 = arith.constant 0 : i32
      scf.yield %scan3A_249 : i32
    }
    %scan3A_118 = arith.constant 512 : i32
    %add3A_119 = arith.constant 0 : i32
    %add3A_120 = arith.addi %mul3A_0, %add3A_119 : i32
    "tpu.region"() ({
      %run_scoped3A = tpu.sem_alloc : memref<!tpu.dma_semaphore, #tpu.memory_space<semaphore_mem>>
      %dma_start3A = arith.constant 0 : i32
      %dma_start3A_212 = tpu.memref_slice %arg13[%add3A_120, %dma_start3A] : memref<10112x128xf32, #tpu.memory_space<vmem_shared>> -> memref<64x128xf32, #tpu.memory_space<vmem_shared>>
      %dma_start3A_213 = arith.constant 0 : i32
      %dma_start3A_214 = tpu.memref_slice %arg13[%add3A_120, %dma_start3A_213] : memref<10112x128xf32, #tpu.memory_space<vmem_shared>> -> memref<64x128xf32, #tpu.memory_space<vmem_shared>>
      tpu.enqueue_dma source(%arg11 : memref<64x128xf32, #tpu.memory_space<vmem>>) target(%dma_start3A_214 : memref<64x128xf32, #tpu.memory_space<vmem_shared>>) target_semaphore(%run_scoped3A : memref<!tpu.dma_semaphore, #tpu.memory_space<semaphore_mem>>)
      %dma_wait3A = arith.constant 0 : i32
      %dma_wait3A_215 = tpu.memref_slice %arg13[%add3A_120, %dma_wait3A] : memref<10112x128xf32, #tpu.memory_space<vmem_shared>> -> memref<64x128xf32, #tpu.memory_space<vmem_shared>>
      %dma_wait3A_216 = arith.constant 0 : i32
      %dma_wait3A_217 = tpu.memref_slice %arg13[%add3A_120, %dma_wait3A_216] : memref<10112x128xf32, #tpu.memory_space<vmem_shared>> -> memref<64x128xf32, #tpu.memory_space<vmem_shared>>
      tpu.wait_dma2 semaphore(%run_scoped3A : memref<!tpu.dma_semaphore, #tpu.memory_space<semaphore_mem>>) src(%arg11 : memref<64x128xf32, #tpu.memory_space<vmem>>) dst(%dma_wait3A_217 : memref<64x128xf32, #tpu.memory_space<vmem_shared>>)
      tpu.yield
    }) : () -> ()
    %add3A_121 = arith.constant 64 : i32
    %add3A_122 = arith.addi %mul3A_0, %add3A_121 : i32
    "tpu.region"() ({
      %run_scoped3A = tpu.sem_alloc : memref<!tpu.dma_semaphore, #tpu.memory_space<semaphore_mem>>
      %dma_start3A = arith.constant 0 : i32
      %dma_start3A_212 = tpu.memref_slice %arg13[%add3A_122, %dma_start3A] : memref<10112x128xf32, #tpu.memory_space<vmem_shared>> -> memref<64x128xf32, #tpu.memory_space<vmem_shared>>
      %dma_start3A_213 = arith.constant 0 : i32
      %dma_start3A_214 = tpu.memref_slice %arg13[%add3A_122, %dma_start3A_213] : memref<10112x128xf32, #tpu.memory_space<vmem_shared>> -> memref<64x128xf32, #tpu.memory_space<vmem_shared>>
      tpu.enqueue_dma source(%arg11 : memref<64x128xf32, #tpu.memory_space<vmem>>) target(%dma_start3A_214 : memref<64x128xf32, #tpu.memory_space<vmem_shared>>) target_semaphore(%run_scoped3A : memref<!tpu.dma_semaphore, #tpu.memory_space<semaphore_mem>>)
      %dma_wait3A = arith.constant 0 : i32
      %dma_wait3A_215 = tpu.memref_slice %arg13[%add3A_122, %dma_wait3A] : memref<10112x128xf32, #tpu.memory_space<vmem_shared>> -> memref<64x128xf32, #tpu.memory_space<vmem_shared>>
      %dma_wait3A_216 = arith.constant 0 : i32
      %dma_wait3A_217 = tpu.memref_slice %arg13[%add3A_122, %dma_wait3A_216] : memref<10112x128xf32, #tpu.memory_space<vmem_shared>> -> memref<64x128xf32, #tpu.memory_space<vmem_shared>>
      tpu.wait_dma2 semaphore(%run_scoped3A : memref<!tpu.dma_semaphore, #tpu.memory_space<semaphore_mem>>) src(%arg11 : memref<64x128xf32, #tpu.memory_space<vmem>>) dst(%dma_wait3A_217 : memref<64x128xf32, #tpu.memory_space<vmem_shared>>)
      tpu.yield
    }) : () -> ()
    %add3A_123 = arith.constant 128 : i32
    %add3A_124 = arith.addi %mul3A_0, %add3A_123 : i32
    "tpu.region"() ({
      %run_scoped3A = tpu.sem_alloc : memref<!tpu.dma_semaphore, #tpu.memory_space<semaphore_mem>>
      %dma_start3A = arith.constant 0 : i32
      %dma_start3A_212 = tpu.memref_slice %arg13[%add3A_124, %dma_start3A] : memref<10112x128xf32, #tpu.memory_space<vmem_shared>> -> memref<64x128xf32, #tpu.memory_space<vmem_shared>>
      %dma_start3A_213 = arith.constant 0 : i32
      %dma_start3A_214 = tpu.memref_slice %arg13[%add3A_124, %dma_start3A_213] : memref<10112x128xf32, #tpu.memory_space<vmem_shared>> -> memref<64x128xf32, #tpu.memory_space<vmem_shared>>
      tpu.enqueue_dma source(%arg11 : memref<64x128xf32, #tpu.memory_space<vmem>>) target(%dma_start3A_214 : memref<64x128xf32, #tpu.memory_space<vmem_shared>>) target_semaphore(%run_scoped3A : memref<!tpu.dma_semaphore, #tpu.memory_space<semaphore_mem>>)
      %dma_wait3A = arith.constant 0 : i32
      %dma_wait3A_215 = tpu.memref_slice %arg13[%add3A_124, %dma_wait3A] : memref<10112x128xf32, #tpu.memory_space<vmem_shared>> -> memref<64x128xf32, #tpu.memory_space<vmem_shared>>
      %dma_wait3A_216 = arith.constant 0 : i32
      %dma_wait3A_217 = tpu.memref_slice %arg13[%add3A_124, %dma_wait3A_216] : memref<10112x128xf32, #tpu.memory_space<vmem_shared>> -> memref<64x128xf32, #tpu.memory_space<vmem_shared>>
      tpu.wait_dma2 semaphore(%run_scoped3A : memref<!tpu.dma_semaphore, #tpu.memory_space<semaphore_mem>>) src(%arg11 : memref<64x128xf32, #tpu.memory_space<vmem>>) dst(%dma_wait3A_217 : memref<64x128xf32, #tpu.memory_space<vmem_shared>>)
      tpu.yield
    }) : () -> ()
    %add3A_125 = arith.constant 192 : i32
    %add3A_126 = arith.addi %mul3A_0, %add3A_125 : i32
    "tpu.region"() ({
      %run_scoped3A = tpu.sem_alloc : memref<!tpu.dma_semaphore, #tpu.memory_space<semaphore_mem>>
      %dma_start3A = arith.constant 0 : i32
      %dma_start3A_212 = tpu.memref_slice %arg13[%add3A_126, %dma_start3A] : memref<10112x128xf32, #tpu.memory_space<vmem_shared>> -> memref<64x128xf32, #tpu.memory_space<vmem_shared>>
      %dma_start3A_213 = arith.constant 0 : i32
      %dma_start3A_214 = tpu.memref_slice %arg13[%add3A_126, %dma_start3A_213] : memref<10112x128xf32, #tpu.memory_space<vmem_shared>> -> memref<64x128xf32, #tpu.memory_space<vmem_shared>>
      tpu.enqueue_dma source(%arg11 : memref<64x128xf32, #tpu.memory_space<vmem>>) target(%dma_start3A_214 : memref<64x128xf32, #tpu.memory_space<vmem_shared>>) target_semaphore(%run_scoped3A : memref<!tpu.dma_semaphore, #tpu.memory_space<semaphore_mem>>)
      %dma_wait3A = arith.constant 0 : i32
      %dma_wait3A_215 = tpu.memref_slice %arg13[%add3A_126, %dma_wait3A] : memref<10112x128xf32, #tpu.memory_space<vmem_shared>> -> memref<64x128xf32, #tpu.memory_space<vmem_shared>>
      %dma_wait3A_216 = arith.constant 0 : i32
      %dma_wait3A_217 = tpu.memref_slice %arg13[%add3A_126, %dma_wait3A_216] : memref<10112x128xf32, #tpu.memory_space<vmem_shared>> -> memref<64x128xf32, #tpu.memory_space<vmem_shared>>
      tpu.wait_dma2 semaphore(%run_scoped3A : memref<!tpu.dma_semaphore, #tpu.memory_space<semaphore_mem>>) src(%arg11 : memref<64x128xf32, #tpu.memory_space<vmem>>) dst(%dma_wait3A_217 : memref<64x128xf32, #tpu.memory_space<vmem_shared>>)
      tpu.yield
    }) : () -> ()
    %add3A_127 = arith.constant 256 : i32
    %add3A_128 = arith.addi %mul3A_0, %add3A_127 : i32
    "tpu.region"() ({
      %run_scoped3A = tpu.sem_alloc : memref<!tpu.dma_semaphore, #tpu.memory_space<semaphore_mem>>
      %dma_start3A = arith.constant 0 : i32
      %dma_start3A_212 = tpu.memref_slice %arg13[%add3A_128, %dma_start3A] : memref<10112x128xf32, #tpu.memory_space<vmem_shared>> -> memref<64x128xf32, #tpu.memory_space<vmem_shared>>
      %dma_start3A_213 = arith.constant 0 : i32
      %dma_start3A_214 = tpu.memref_slice %arg13[%add3A_128, %dma_start3A_213] : memref<10112x128xf32, #tpu.memory_space<vmem_shared>> -> memref<64x128xf32, #tpu.memory_space<vmem_shared>>
      tpu.enqueue_dma source(%arg11 : memref<64x128xf32, #tpu.memory_space<vmem>>) target(%dma_start3A_214 : memref<64x128xf32, #tpu.memory_space<vmem_shared>>) target_semaphore(%run_scoped3A : memref<!tpu.dma_semaphore, #tpu.memory_space<semaphore_mem>>)
      %dma_wait3A = arith.constant 0 : i32
      %dma_wait3A_215 = tpu.memref_slice %arg13[%add3A_128, %dma_wait3A] : memref<10112x128xf32, #tpu.memory_space<vmem_shared>> -> memref<64x128xf32, #tpu.memory_space<vmem_shared>>
      %dma_wait3A_216 = arith.constant 0 : i32
      %dma_wait3A_217 = tpu.memref_slice %arg13[%add3A_128, %dma_wait3A_216] : memref<10112x128xf32, #tpu.memory_space<vmem_shared>> -> memref<64x128xf32, #tpu.memory_space<vmem_shared>>
      tpu.wait_dma2 semaphore(%run_scoped3A : memref<!tpu.dma_semaphore, #tpu.memory_space<semaphore_mem>>) src(%arg11 : memref<64x128xf32, #tpu.memory_space<vmem>>) dst(%dma_wait3A_217 : memref<64x128xf32, #tpu.memory_space<vmem_shared>>)
      tpu.yield
    }) : () -> ()
    %add3A_129 = arith.constant 320 : i32
    %add3A_130 = arith.addi %mul3A_0, %add3A_129 : i32
    "tpu.region"() ({
      %run_scoped3A = tpu.sem_alloc : memref<!tpu.dma_semaphore, #tpu.memory_space<semaphore_mem>>
      %dma_start3A = arith.constant 0 : i32
      %dma_start3A_212 = tpu.memref_slice %arg13[%add3A_130, %dma_start3A] : memref<10112x128xf32, #tpu.memory_space<vmem_shared>> -> memref<64x128xf32, #tpu.memory_space<vmem_shared>>
      %dma_start3A_213 = arith.constant 0 : i32
      %dma_start3A_214 = tpu.memref_slice %arg13[%add3A_130, %dma_start3A_213] : memref<10112x128xf32, #tpu.memory_space<vmem_shared>> -> memref<64x128xf32, #tpu.memory_space<vmem_shared>>
      tpu.enqueue_dma source(%arg11 : memref<64x128xf32, #tpu.memory_space<vmem>>) target(%dma_start3A_214 : memref<64x128xf32, #tpu.memory_space<vmem_shared>>) target_semaphore(%run_scoped3A : memref<!tpu.dma_semaphore, #tpu.memory_space<semaphore_mem>>)
      %dma_wait3A = arith.constant 0 : i32
      %dma_wait3A_215 = tpu.memref_slice %arg13[%add3A_130, %dma_wait3A] : memref<10112x128xf32, #tpu.memory_space<vmem_shared>> -> memref<64x128xf32, #tpu.memory_space<vmem_shared>>
      %dma_wait3A_216 = arith.constant 0 : i32
      %dma_wait3A_217 = tpu.memref_slice %arg13[%add3A_130, %dma_wait3A_216] : memref<10112x128xf32, #tpu.memory_space<vmem_shared>> -> memref<64x128xf32, #tpu.memory_space<vmem_shared>>
      tpu.wait_dma2 semaphore(%run_scoped3A : memref<!tpu.dma_semaphore, #tpu.memory_space<semaphore_mem>>) src(%arg11 : memref<64x128xf32, #tpu.memory_space<vmem>>) dst(%dma_wait3A_217 : memref<64x128xf32, #tpu.memory_space<vmem_shared>>)
      tpu.yield
    }) : () -> ()
    %add3A_131 = arith.constant 384 : i32
    %add3A_132 = arith.addi %mul3A_0, %add3A_131 : i32
    "tpu.region"() ({
      %run_scoped3A = tpu.sem_alloc : memref<!tpu.dma_semaphore, #tpu.memory_space<semaphore_mem>>
      %dma_start3A = arith.constant 0 : i32
      %dma_start3A_212 = tpu.memref_slice %arg13[%add3A_132, %dma_start3A] : memref<10112x128xf32, #tpu.memory_space<vmem_shared>> -> memref<64x128xf32, #tpu.memory_space<vmem_shared>>
      %dma_start3A_213 = arith.constant 0 : i32
      %dma_start3A_214 = tpu.memref_slice %arg13[%add3A_132, %dma_start3A_213] : memref<10112x128xf32, #tpu.memory_space<vmem_shared>> -> memref<64x128xf32, #tpu.memory_space<vmem_shared>>
      tpu.enqueue_dma source(%arg11 : memref<64x128xf32, #tpu.memory_space<vmem>>) target(%dma_start3A_214 : memref<64x128xf32, #tpu.memory_space<vmem_shared>>) target_semaphore(%run_scoped3A : memref<!tpu.dma_semaphore, #tpu.memory_space<semaphore_mem>>)
      %dma_wait3A = arith.constant 0 : i32
      %dma_wait3A_215 = tpu.memref_slice %arg13[%add3A_132, %dma_wait3A] : memref<10112x128xf32, #tpu.memory_space<vmem_shared>> -> memref<64x128xf32, #tpu.memory_space<vmem_shared>>
      %dma_wait3A_216 = arith.constant 0 : i32
      %dma_wait3A_217 = tpu.memref_slice %arg13[%add3A_132, %dma_wait3A_216] : memref<10112x128xf32, #tpu.memory_space<vmem_shared>> -> memref<64x128xf32, #tpu.memory_space<vmem_shared>>
      tpu.wait_dma2 semaphore(%run_scoped3A : memref<!tpu.dma_semaphore, #tpu.memory_space<semaphore_mem>>) src(%arg11 : memref<64x128xf32, #tpu.memory_space<vmem>>) dst(%dma_wait3A_217 : memref<64x128xf32, #tpu.memory_space<vmem_shared>>)
      tpu.yield
    }) : () -> ()
    %add3A_133 = arith.constant 448 : i32
    %add3A_134 = arith.addi %mul3A_0, %add3A_133 : i32
    "tpu.region"() ({
      %run_scoped3A = tpu.sem_alloc : memref<!tpu.dma_semaphore, #tpu.memory_space<semaphore_mem>>
      %dma_start3A = arith.constant 0 : i32
      %dma_start3A_212 = tpu.memref_slice %arg13[%add3A_134, %dma_start3A] : memref<10112x128xf32, #tpu.memory_space<vmem_shared>> -> memref<64x128xf32, #tpu.memory_space<vmem_shared>>
      %dma_start3A_213 = arith.constant 0 : i32
      %dma_start3A_214 = tpu.memref_slice %arg13[%add3A_134, %dma_start3A_213] : memref<10112x128xf32, #tpu.memory_space<vmem_shared>> -> memref<64x128xf32, #tpu.memory_space<vmem_shared>>
      tpu.enqueue_dma source(%arg11 : memref<64x128xf32, #tpu.memory_space<vmem>>) target(%dma_start3A_214 : memref<64x128xf32, #tpu.memory_space<vmem_shared>>) target_semaphore(%run_scoped3A : memref<!tpu.dma_semaphore, #tpu.memory_space<semaphore_mem>>)
      %dma_wait3A = arith.constant 0 : i32
      %dma_wait3A_215 = tpu.memref_slice %arg13[%add3A_134, %dma_wait3A] : memref<10112x128xf32, #tpu.memory_space<vmem_shared>> -> memref<64x128xf32, #tpu.memory_space<vmem_shared>>
      %dma_wait3A_216 = arith.constant 0 : i32
      %dma_wait3A_217 = tpu.memref_slice %arg13[%add3A_134, %dma_wait3A_216] : memref<10112x128xf32, #tpu.memory_space<vmem_shared>> -> memref<64x128xf32, #tpu.memory_space<vmem_shared>>
      tpu.wait_dma2 semaphore(%run_scoped3A : memref<!tpu.dma_semaphore, #tpu.memory_space<semaphore_mem>>) src(%arg11 : memref<64x128xf32, #tpu.memory_space<vmem>>) dst(%dma_wait3A_217 : memref<64x128xf32, #tpu.memory_space<vmem_shared>>)
      tpu.yield
    }) : () -> ()
    %add3A_135 = arith.constant 512 : i32
    %add3A_136 = arith.addi %mul3A_0, %add3A_135 : i32
    "tpu.region"() ({
      %run_scoped3A = tpu.sem_alloc : memref<!tpu.dma_semaphore, #tpu.memory_space<semaphore_mem>>
      %dma_start3A = arith.constant 0 : i32
      %dma_start3A_212 = tpu.memref_slice %arg13[%add3A_136, %dma_start3A] : memref<10112x128xf32, #tpu.memory_space<vmem_shared>> -> memref<64x128xf32, #tpu.memory_space<vmem_shared>>
      %dma_start3A_213 = arith.constant 0 : i32
      %dma_start3A_214 = tpu.memref_slice %arg13[%add3A_136, %dma_start3A_213] : memref<10112x128xf32, #tpu.memory_space<vmem_shared>> -> memref<64x128xf32, #tpu.memory_space<vmem_shared>>
      tpu.enqueue_dma source(%arg11 : memref<64x128xf32, #tpu.memory_space<vmem>>) target(%dma_start3A_214 : memref<64x128xf32, #tpu.memory_space<vmem_shared>>) target_semaphore(%run_scoped3A : memref<!tpu.dma_semaphore, #tpu.memory_space<semaphore_mem>>)
      %dma_wait3A = arith.constant 0 : i32
      %dma_wait3A_215 = tpu.memref_slice %arg13[%add3A_136, %dma_wait3A] : memref<10112x128xf32, #tpu.memory_space<vmem_shared>> -> memref<64x128xf32, #tpu.memory_space<vmem_shared>>
      %dma_wait3A_216 = arith.constant 0 : i32
      %dma_wait3A_217 = tpu.memref_slice %arg13[%add3A_136, %dma_wait3A_216] : memref<10112x128xf32, #tpu.memory_space<vmem_shared>> -> memref<64x128xf32, #tpu.memory_space<vmem_shared>>
      tpu.wait_dma2 semaphore(%run_scoped3A : memref<!tpu.dma_semaphore, #tpu.memory_space<semaphore_mem>>) src(%arg11 : memref<64x128xf32, #tpu.memory_space<vmem>>) dst(%dma_wait3A_217 : memref<64x128xf32, #tpu.memory_space<vmem_shared>>)
      tpu.yield
    }) : () -> ()
    %add3A_137 = arith.constant 576 : i32
    %add3A_138 = arith.addi %mul3A_0, %add3A_137 : i32
    "tpu.region"() ({
      %run_scoped3A = tpu.sem_alloc : memref<!tpu.dma_semaphore, #tpu.memory_space<semaphore_mem>>
      %dma_start3A = arith.constant 0 : i32
      %dma_start3A_212 = arith.constant 0 : i32
      %dma_start3A_213 = tpu.memref_slice %arg11[%dma_start3A, %dma_start3A_212] : memref<64x128xf32, #tpu.memory_space<vmem>> -> memref<56x128xf32, #tpu.memory_space<vmem>>
      %dma_start3A_214 = arith.constant 0 : i32
      %dma_start3A_215 = tpu.memref_slice %arg13[%add3A_138, %dma_start3A_214] : memref<10112x128xf32, #tpu.memory_space<vmem_shared>> -> memref<56x128xf32, #tpu.memory_space<vmem_shared>>
      %dma_start3A_216 = arith.constant 0 : i32
      %dma_start3A_217 = tpu.memref_slice %arg13[%add3A_138, %dma_start3A_216] : memref<10112x128xf32, #tpu.memory_space<vmem_shared>> -> memref<56x128xf32, #tpu.memory_space<vmem_shared>>
      %dma_start3A_218 = arith.constant 0 : i32
      %dma_start3A_219 = arith.constant 0 : i32
      %dma_start3A_220 = tpu.memref_slice %arg11[%dma_start3A_218, %dma_start3A_219] : memref<64x128xf32, #tpu.memory_space<vmem>> -> memref<56x128xf32, #tpu.memory_space<vmem>>
      tpu.enqueue_dma source(%dma_start3A_220 : memref<56x128xf32, #tpu.memory_space<vmem>>) target(%dma_start3A_217 : memref<56x128xf32, #tpu.memory_space<vmem_shared>>) target_semaphore(%run_scoped3A : memref<!tpu.dma_semaphore, #tpu.memory_space<semaphore_mem>>)
      %dma_wait3A = arith.constant 0 : i32
      %dma_wait3A_221 = arith.constant 0 : i32
      %dma_wait3A_222 = tpu.memref_slice %arg11[%dma_wait3A, %dma_wait3A_221] : memref<64x128xf32, #tpu.memory_space<vmem>> -> memref<56x128xf32, #tpu.memory_space<vmem>>
      %dma_wait3A_223 = arith.constant 0 : i32
      %dma_wait3A_224 = tpu.memref_slice %arg13[%add3A_138, %dma_wait3A_223] : memref<10112x128xf32, #tpu.memory_space<vmem_shared>> -> memref<56x128xf32, #tpu.memory_space<vmem_shared>>
      %dma_wait3A_225 = arith.constant 0 : i32
      %dma_wait3A_226 = tpu.memref_slice %arg13[%add3A_138, %dma_wait3A_225] : memref<10112x128xf32, #tpu.memory_space<vmem_shared>> -> memref<56x128xf32, #tpu.memory_space<vmem_shared>>
      %dma_wait3A_227 = arith.constant 0 : i32
      %dma_wait3A_228 = arith.constant 0 : i32
      %dma_wait3A_229 = tpu.memref_slice %arg11[%dma_wait3A_227, %dma_wait3A_228] : memref<64x128xf32, #tpu.memory_space<vmem>> -> memref<56x128xf32, #tpu.memory_space<vmem>>
      tpu.wait_dma2 semaphore(%run_scoped3A : memref<!tpu.dma_semaphore, #tpu.memory_space<semaphore_mem>>) src(%dma_wait3A_229 : memref<56x128xf32, #tpu.memory_space<vmem>>) dst(%dma_wait3A_226 : memref<56x128xf32, #tpu.memory_space<vmem_shared>>)
      tpu.yield
    }) : () -> ()
    %barrier3A_139 = arith.constant 0 : index
    tpu.barrier barrier_id(%barrier3A_139)
    %scan3A_140 = arith.constant 0 : i32
    %scan3A_141 = arith.constant 0 : i32
    %scan3A_142 = arith.constant 79 : i32
    %scan3A_143 = arith.addi %scan3A_141, %scan3A_142 : i32
    %scan3A_144 = arith.constant 1 : i32
    %scan3A_145 = scf.for %scan3A_212 = %scan3A_141 to %scan3A_143 step %scan3A_144 iter_args(%scan3A_213 = %scan3A_140) -> (i32)  : i32 {
      %mul3A_214 = arith.constant 2 : i32
      %mul3A_215 = arith.muli %mul3A_214, %scan3A_212 : i32
      %mul3A_216 = arith.constant 64 : i32
      %mul3A_217 = arith.muli %mul3A_215, %mul3A_216 : i32
      %add3A_218 = arith.constant 0 : i32
      %add3A_219 = arith.addi %mul3A_217, %add3A_218 : i32
      %get3A = arith.index_cast %add3A_219 : i32 to index
      %get3A_220 = tpu.vector_load %arg8[%get3A] {strides = array<i32>} : memref<10112xi32, #tpu.memory_space<vmem>>, vector<16xi32>,
      %shift_right_logical3A = arith.constant 14 : i32
      %shift_right_logical3A_221 = vector.broadcast %shift_right_logical3A : i32 to vector<16xi32>
      %shift_right_logical3A_222 = arith.shrui %get3A_220, %shift_right_logical3A_221 : vector<16xi32>
      %swap3A = arith.constant 0 : index
      %swap3A_223 = tpu.vector_load %arg9[%swap3A] {strides = array<i32>} : memref<128xi32, #tpu.memory_space<vmem>>, vector<16xi32>,
      tpu.vector_store %arg9[%swap3A], %shift_right_logical3A_222 {strides = array<i32>} : memref<128xi32, #tpu.memory_space<vmem>>, vector<16xi32>,
      %and3A = arith.constant 16383 : i32
      %and3A_224 = vector.broadcast %and3A : i32 to vector<16xi32>
      %and3A_225 = arith.andi %get3A_220, %and3A_224 : vector<16xi32>
      %swap3A_226 = arith.constant 0 : index
      %swap3A_227 = tpu.vector_load %arg10[%swap3A_226] {strides = array<i32>} : memref<128xi32, #tpu.memory_space<vmem>>, vector<16xi32>,
      tpu.vector_store %arg10[%swap3A_226], %and3A_225 {strides = array<i32>} : memref<128xi32, #tpu.memory_space<vmem>>, vector<16xi32>,
      %mul3A_228 = arith.constant 64 : i32
      %mul3A_229 = arith.muli %mul3A_215, %mul3A_228 : i32
      %add3A_230 = arith.constant 16 : i32
      %add3A_231 = arith.addi %mul3A_229, %add3A_230 : i32
      %get3A_232 = arith.index_cast %add3A_231 : i32 to index
      %get3A_233 = tpu.vector_load %arg8[%get3A_232] {strides = array<i32>} : memref<10112xi32, #tpu.memory_space<vmem>>, vector<16xi32>,
      %shift_right_logical3A_234 = arith.constant 14 : i32
      %shift_right_logical3A_235 = vector.broadcast %shift_right_logical3A_234 : i32 to vector<16xi32>
      %shift_right_logical3A_236 = arith.shrui %get3A_233, %shift_right_logical3A_235 : vector<16xi32>
      %swap3A_237 = arith.constant 16 : index
      %swap3A_238 = tpu.vector_load %arg9[%swap3A_237] {strides = array<i32>} : memref<128xi32, #tpu.memory_space<vmem>>, vector<16xi32>,
      tpu.vector_store %arg9[%swap3A_237], %shift_right_logical3A_236 {strides = array<i32>} : memref<128xi32, #tpu.memory_space<vmem>>, vector<16xi32>,
      %and3A_239 = arith.constant 16383 : i32
      %and3A_240 = vector.broadcast %and3A_239 : i32 to vector<16xi32>
      %and3A_241 = arith.andi %get3A_233, %and3A_240 : vector<16xi32>
      %swap3A_242 = arith.constant 16 : index
      %swap3A_243 = tpu.vector_load %arg10[%swap3A_242] {strides = array<i32>} : memref<128xi32, #tpu.memory_space<vmem>>, vector<16xi32>,
      tpu.vector_store %arg10[%swap3A_242], %and3A_241 {strides = array<i32>} : memref<128xi32, #tpu.memory_space<vmem>>, vector<16xi32>,
      %mul3A_244 = arith.constant 64 : i32
      %mul3A_245 = arith.muli %mul3A_215, %mul3A_244 : i32
      %add3A_246 = arith.constant 32 : i32
      %add3A_247 = arith.addi %mul3A_245, %add3A_246 : i32
      %get3A_248 = arith.index_cast %add3A_247 : i32 to index
      %get3A_249 = tpu.vector_load %arg8[%get3A_248] {strides = array<i32>} : memref<10112xi32, #tpu.memory_space<vmem>>, vector<16xi32>,
      %shift_right_logical3A_250 = arith.constant 14 : i32
      %shift_right_logical3A_251 = vector.broadcast %shift_right_logical3A_250 : i32 to vector<16xi32>
      %shift_right_logical3A_252 = arith.shrui %get3A_249, %shift_right_logical3A_251 : vector<16xi32>
      %swap3A_253 = arith.constant 32 : index
      %swap3A_254 = tpu.vector_load %arg9[%swap3A_253] {strides = array<i32>} : memref<128xi32, #tpu.memory_space<vmem>>, vector<16xi32>,
      tpu.vector_store %arg9[%swap3A_253], %shift_right_logical3A_252 {strides = array<i32>} : memref<128xi32, #tpu.memory_space<vmem>>, vector<16xi32>,
      %and3A_255 = arith.constant 16383 : i32
      %and3A_256 = vector.broadcast %and3A_255 : i32 to vector<16xi32>
      %and3A_257 = arith.andi %get3A_249, %and3A_256 : vector<16xi32>
      %swap3A_258 = arith.constant 32 : index
      %swap3A_259 = tpu.vector_load %arg10[%swap3A_258] {strides = array<i32>} : memref<128xi32, #tpu.memory_space<vmem>>, vector<16xi32>,
      tpu.vector_store %arg10[%swap3A_258], %and3A_257 {strides = array<i32>} : memref<128xi32, #tpu.memory_space<vmem>>, vector<16xi32>,
      %mul3A_260 = arith.constant 64 : i32
      %mul3A_261 = arith.muli %mul3A_215, %mul3A_260 : i32
      %add3A_262 = arith.constant 48 : i32
      %add3A_263 = arith.addi %mul3A_261, %add3A_262 : i32
      %get3A_264 = arith.index_cast %add3A_263 : i32 to index
      %get3A_265 = tpu.vector_load %arg8[%get3A_264] {strides = array<i32>} : memref<10112xi32, #tpu.memory_space<vmem>>, vector<16xi32>,
      %shift_right_logical3A_266 = arith.constant 14 : i32
      %shift_right_logical3A_267 = vector.broadcast %shift_right_logical3A_266 : i32 to vector<16xi32>
      %shift_right_logical3A_268 = arith.shrui %get3A_265, %shift_right_logical3A_267 : vector<16xi32>
      %swap3A_269 = arith.constant 48 : index
      %swap3A_270 = tpu.vector_load %arg9[%swap3A_269] {strides = array<i32>} : memref<128xi32, #tpu.memory_space<vmem>>, vector<16xi32>,
      tpu.vector_store %arg9[%swap3A_269], %shift_right_logical3A_268 {strides = array<i32>} : memref<128xi32, #tpu.memory_space<vmem>>, vector<16xi32>,
      %and3A_271 = arith.constant 16383 : i32
      %and3A_272 = vector.broadcast %and3A_271 : i32 to vector<16xi32>
      %and3A_273 = arith.andi %get3A_265, %and3A_272 : vector<16xi32>
      %swap3A_274 = arith.constant 48 : index
      %swap3A_275 = tpu.vector_load %arg10[%swap3A_274] {strides = array<i32>} : memref<128xi32, #tpu.memory_space<vmem>>, vector<16xi32>,
      tpu.vector_store %arg10[%swap3A_274], %and3A_273 {strides = array<i32>} : memref<128xi32, #tpu.memory_space<vmem>>, vector<16xi32>,
      %add3A_276 = arith.constant 1 : i32
      %add3A_277 = arith.addi %mul3A_215, %add3A_276 : i32
      %mul3A_278 = arith.constant 64 : i32
      %mul3A_279 = arith.muli %add3A_277, %mul3A_278 : i32
      %add3A_280 = arith.constant 0 : i32
      %add3A_281 = arith.addi %mul3A_279, %add3A_280 : i32
      %get3A_282 = arith.index_cast %add3A_281 : i32 to index
      %get3A_283 = tpu.vector_load %arg8[%get3A_282] {strides = array<i32>} : memref<10112xi32, #tpu.memory_space<vmem>>, vector<16xi32>,
      %shift_right_logical3A_284 = arith.constant 14 : i32
      %shift_right_logical3A_285 = vector.broadcast %shift_right_logical3A_284 : i32 to vector<16xi32>
      %shift_right_logical3A_286 = arith.shrui %get3A_283, %shift_right_logical3A_285 : vector<16xi32>
      %swap3A_287 = arith.constant 64 : index
      %swap3A_288 = tpu.vector_load %arg9[%swap3A_287] {strides = array<i32>} : memref<128xi32, #tpu.memory_space<vmem>>, vector<16xi32>,
      tpu.vector_store %arg9[%swap3A_287], %shift_right_logical3A_286 {strides = array<i32>} : memref<128xi32, #tpu.memory_space<vmem>>, vector<16xi32>,
      %and3A_289 = arith.constant 16383 : i32
      %and3A_290 = vector.broadcast %and3A_289 : i32 to vector<16xi32>
      %and3A_291 = arith.andi %get3A_283, %and3A_290 : vector<16xi32>
      %swap3A_292 = arith.constant 64 : index
      %swap3A_293 = tpu.vector_load %arg10[%swap3A_292] {strides = array<i32>} : memref<128xi32, #tpu.memory_space<vmem>>, vector<16xi32>,
      tpu.vector_store %arg10[%swap3A_292], %and3A_291 {strides = array<i32>} : memref<128xi32, #tpu.memory_space<vmem>>, vector<16xi32>,
      %mul3A_294 = arith.constant 64 : i32
      %mul3A_295 = arith.muli %add3A_277, %mul3A_294 : i32
      %add3A_296 = arith.constant 16 : i32
      %add3A_297 = arith.addi %mul3A_295, %add3A_296 : i32
      %get3A_298 = arith.index_cast %add3A_297 : i32 to index
      %get3A_299 = tpu.vector_load %arg8[%get3A_298] {strides = array<i32>} : memref<10112xi32, #tpu.memory_space<vmem>>, vector<16xi32>,
      %shift_right_logical3A_300 = arith.constant 14 : i32
      %shift_right_logical3A_301 = vector.broadcast %shift_right_logical3A_300 : i32 to vector<16xi32>
      %shift_right_logical3A_302 = arith.shrui %get3A_299, %shift_right_logical3A_301 : vector<16xi32>
      %swap3A_303 = arith.constant 80 : index
      %swap3A_304 = tpu.vector_load %arg9[%swap3A_303] {strides = array<i32>} : memref<128xi32, #tpu.memory_space<vmem>>, vector<16xi32>,
      tpu.vector_store %arg9[%swap3A_303], %shift_right_logical3A_302 {strides = array<i32>} : memref<128xi32, #tpu.memory_space<vmem>>, vector<16xi32>,
      %and3A_305 = arith.constant 16383 : i32
      %and3A_306 = vector.broadcast %and3A_305 : i32 to vector<16xi32>
      %and3A_307 = arith.andi %get3A_299, %and3A_306 : vector<16xi32>
      %swap3A_308 = arith.constant 80 : index
      %swap3A_309 = tpu.vector_load %arg10[%swap3A_308] {strides = array<i32>} : memref<128xi32, #tpu.memory_space<vmem>>, vector<16xi32>,
      tpu.vector_store %arg10[%swap3A_308], %and3A_307 {strides = array<i32>} : memref<128xi32, #tpu.memory_space<vmem>>, vector<16xi32>,
      %mul3A_310 = arith.constant 64 : i32
      %mul3A_311 = arith.muli %add3A_277, %mul3A_310 : i32
      %add3A_312 = arith.constant 32 : i32
      %add3A_313 = arith.addi %mul3A_311, %add3A_312 : i32
      %get3A_314 = arith.index_cast %add3A_313 : i32 to index
      %get3A_315 = tpu.vector_load %arg8[%get3A_314] {strides = array<i32>} : memref<10112xi32, #tpu.memory_space<vmem>>, vector<16xi32>,
      %shift_right_logical3A_316 = arith.constant 14 : i32
      %shift_right_logical3A_317 = vector.broadcast %shift_right_logical3A_316 : i32 to vector<16xi32>
      %shift_right_logical3A_318 = arith.shrui %get3A_315, %shift_right_logical3A_317 : vector<16xi32>
      %swap3A_319 = arith.constant 96 : index
      %swap3A_320 = tpu.vector_load %arg9[%swap3A_319] {strides = array<i32>} : memref<128xi32, #tpu.memory_space<vmem>>, vector<16xi32>,
      tpu.vector_store %arg9[%swap3A_319], %shift_right_logical3A_318 {strides = array<i32>} : memref<128xi32, #tpu.memory_space<vmem>>, vector<16xi32>,
      %and3A_321 = arith.constant 16383 : i32
      %and3A_322 = vector.broadcast %and3A_321 : i32 to vector<16xi32>
      %and3A_323 = arith.andi %get3A_315, %and3A_322 : vector<16xi32>
      %swap3A_324 = arith.constant 96 : index
      %swap3A_325 = tpu.vector_load %arg10[%swap3A_324] {strides = array<i32>} : memref<128xi32, #tpu.memory_space<vmem>>, vector<16xi32>,
      tpu.vector_store %arg10[%swap3A_324], %and3A_323 {strides = array<i32>} : memref<128xi32, #tpu.memory_space<vmem>>, vector<16xi32>,
      %mul3A_326 = arith.constant 64 : i32
      %mul3A_327 = arith.muli %add3A_277, %mul3A_326 : i32
      %add3A_328 = arith.constant 48 : i32
      %add3A_329 = arith.addi %mul3A_327, %add3A_328 : i32
      %get3A_330 = arith.index_cast %add3A_329 : i32 to index
      %get3A_331 = tpu.vector_load %arg8[%get3A_330] {strides = array<i32>} : memref<10112xi32, #tpu.memory_space<vmem>>, vector<16xi32>,
      %shift_right_logical3A_332 = arith.constant 14 : i32
      %shift_right_logical3A_333 = vector.broadcast %shift_right_logical3A_332 : i32 to vector<16xi32>
      %shift_right_logical3A_334 = arith.shrui %get3A_331, %shift_right_logical3A_333 : vector<16xi32>
      %swap3A_335 = arith.constant 112 : index
      %swap3A_336 = tpu.vector_load %arg9[%swap3A_335] {strides = array<i32>} : memref<128xi32, #tpu.memory_space<vmem>>, vector<16xi32>,
      tpu.vector_store %arg9[%swap3A_335], %shift_right_logical3A_334 {strides = array<i32>} : memref<128xi32, #tpu.memory_space<vmem>>, vector<16xi32>,
      %and3A_337 = arith.constant 16383 : i32
      %and3A_338 = vector.broadcast %and3A_337 : i32 to vector<16xi32>
      %and3A_339 = arith.andi %get3A_331, %and3A_338 : vector<16xi32>
      %swap3A_340 = arith.constant 112 : index
      %swap3A_341 = tpu.vector_load %arg10[%swap3A_340] {strides = array<i32>} : memref<128xi32, #tpu.memory_space<vmem>>, vector<16xi32>,
      tpu.vector_store %arg10[%swap3A_340], %and3A_339 {strides = array<i32>} : memref<128xi32, #tpu.memory_space<vmem>>, vector<16xi32>,
      %dma_start3A = arith.constant 0 : i32
      %dma_start3A_342 = tpu.memref_slice %arg10[%dma_start3A] : memref<128xi32, #tpu.memory_space<vmem>> -> memref<64xi32, #tpu.memory_space<vmem>>
      %dma_start3A_343 = arith.constant 0 : i32
      %dma_start3A_344 = arith.constant 0 : i32
      %dma_start3A_345 = tpu.memref_slice %arg4[%dma_start3A_343, %dma_start3A_344] : memref<10000x128xf32, #tpu.memory_space<hbm>> -> memref<10000x128xf32, #tpu.memory_space<hbm>>
      tpu.enqueue_indirect_dma source(%dma_start3A_345 : memref<10000x128xf32, #tpu.memory_space<hbm>>) target(%arg11 : memref<64x128xf32, #tpu.memory_space<vmem>>) offsets(%dma_start3A_342 : memref<64xi32, #tpu.memory_space<vmem>>) semaphore(%arg14 : memref<!tpu.dma_semaphore, #tpu.memory_space<semaphore_mem>>)
      %dma_start3A_346 = arith.constant 64 : i32
      %dma_start3A_347 = tpu.memref_slice %arg10[%dma_start3A_346] : memref<128xi32, #tpu.memory_space<vmem>> -> memref<64xi32, #tpu.memory_space<vmem>>
      %dma_start3A_348 = arith.constant 0 : i32
      %dma_start3A_349 = arith.constant 0 : i32
      %dma_start3A_350 = tpu.memref_slice %arg4[%dma_start3A_348, %dma_start3A_349] : memref<10000x128xf32, #tpu.memory_space<hbm>> -> memref<10000x128xf32, #tpu.memory_space<hbm>>
      tpu.enqueue_indirect_dma source(%dma_start3A_350 : memref<10000x128xf32, #tpu.memory_space<hbm>>) target(%arg12 : memref<64x128xf32, #tpu.memory_space<vmem>>) offsets(%dma_start3A_347 : memref<64xi32, #tpu.memory_space<vmem>>) semaphore(%arg15 : memref<!tpu.dma_semaphore, #tpu.memory_space<semaphore_mem>>)
      %dma_wait3A = arith.constant 0 : i32
      %dma_wait3A_351 = tpu.memref_slice %arg10[%dma_wait3A] : memref<128xi32, #tpu.memory_space<vmem>> -> memref<64xi32, #tpu.memory_space<vmem>>
      %dma_wait3A_352 = arith.constant 0 : i32
      %dma_wait3A_353 = arith.constant 0 : i32
      %dma_wait3A_354 = tpu.memref_slice %arg4[%dma_wait3A_352, %dma_wait3A_353] : memref<10000x128xf32, #tpu.memory_space<hbm>> -> memref<10000x128xf32, #tpu.memory_space<hbm>>
      tpu.wait_indirect_dma semaphore(%arg14 : memref<!tpu.dma_semaphore, #tpu.memory_space<semaphore_mem>>) src(%dma_wait3A_354 : memref<10000x128xf32, #tpu.memory_space<hbm>>) dst(%arg11 : memref<64x128xf32, #tpu.memory_space<vmem>>)
      %dma_wait3A_355 = arith.constant 64 : i32
      %dma_wait3A_356 = tpu.memref_slice %arg10[%dma_wait3A_355] : memref<128xi32, #tpu.memory_space<vmem>> -> memref<64xi32, #tpu.memory_space<vmem>>
      %dma_wait3A_357 = arith.constant 0 : i32
      %dma_wait3A_358 = arith.constant 0 : i32
      %dma_wait3A_359 = tpu.memref_slice %arg4[%dma_wait3A_357, %dma_wait3A_358] : memref<10000x128xf32, #tpu.memory_space<hbm>> -> memref<10000x128xf32, #tpu.memory_space<hbm>>
      tpu.wait_indirect_dma semaphore(%arg15 : memref<!tpu.dma_semaphore, #tpu.memory_space<semaphore_mem>>) src(%dma_wait3A_359 : memref<10000x128xf32, #tpu.memory_space<hbm>>) dst(%arg12 : memref<64x128xf32, #tpu.memory_space<vmem>>)
      "tpu.region"() ({
        %run_scoped3A = tpu.sem_alloc : memref<!tpu.dma_semaphore, #tpu.memory_space<semaphore_mem>>
        %dma_start3A_361 = arith.constant 0 : i32
        %dma_start3A_362 = tpu.memref_slice %arg9[%dma_start3A_361] : memref<128xi32, #tpu.memory_space<vmem>> -> memref<64xi32, #tpu.memory_space<vmem>>
        %dma_start3A_363 = arith.constant 0 : i32
        %dma_start3A_364 = arith.constant 0 : i32
        %dma_start3A_365 = tpu.memref_slice %arg13[%dma_start3A_363, %dma_start3A_364] : memref<10112x128xf32, #tpu.memory_space<vmem_shared>> -> memref<10112x128xf32, #tpu.memory_space<vmem_shared>>
        tpu.enqueue_indirect_dma source(%arg11 : memref<64x128xf32, #tpu.memory_space<vmem>>) target(%dma_start3A_365 : memref<10112x128xf32, #tpu.memory_space<vmem_shared>>) offsets(%dma_start3A_362 : memref<64xi32, #tpu.memory_space<vmem>>) semaphore(%run_scoped3A : memref<!tpu.dma_semaphore, #tpu.memory_space<semaphore_mem>>) {add = true}
        %dma_wait3A_366 = arith.constant 0 : i32
        %dma_wait3A_367 = tpu.memref_slice %arg9[%dma_wait3A_366] : memref<128xi32, #tpu.memory_space<vmem>> -> memref<64xi32, #tpu.memory_space<vmem>>
        %dma_wait3A_368 = arith.constant 0 : i32
        %dma_wait3A_369 = arith.constant 0 : i32
        %dma_wait3A_370 = tpu.memref_slice %arg13[%dma_wait3A_368, %dma_wait3A_369] : memref<10112x128xf32, #tpu.memory_space<vmem_shared>> -> memref<10112x128xf32, #tpu.memory_space<vmem_shared>>
        tpu.wait_indirect_dma semaphore(%run_scoped3A : memref<!tpu.dma_semaphore, #tpu.memory_space<semaphore_mem>>) src(%arg11 : memref<64x128xf32, #tpu.memory_space<vmem>>) dst(%dma_wait3A_370 : memref<10112x128xf32, #tpu.memory_space<vmem_shared>>)
        tpu.yield
      }) : () -> ()
      "tpu.region"() ({
        %run_scoped3A = tpu.sem_alloc : memref<!tpu.dma_semaphore, #tpu.memory_space<semaphore_mem>>
        %dma_start3A_361 = arith.constant 64 : i32
        %dma_start3A_362 = tpu.memref_slice %arg9[%dma_start3A_361] : memref<128xi32, #tpu.memory_space<vmem>> -> memref<64xi32, #tpu.memory_space<vmem>>
        %dma_start3A_363 = arith.constant 0 : i32
        %dma_start3A_364 = arith.constant 0 : i32
        %dma_start3A_365 = tpu.memref_slice %arg13[%dma_start3A_363, %dma_start3A_364] : memref<10112x128xf32, #tpu.memory_space<vmem_shared>> -> memref<10112x128xf32, #tpu.memory_space<vmem_shared>>
        tpu.enqueue_indirect_dma source(%arg12 : memref<64x128xf32, #tpu.memory_space<vmem>>) target(%dma_start3A_365 : memref<10112x128xf32, #tpu.memory_space<vmem_shared>>) offsets(%dma_start3A_362 : memref<64xi32, #tpu.memory_space<vmem>>) semaphore(%run_scoped3A : memref<!tpu.dma_semaphore, #tpu.memory_space<semaphore_mem>>) {add = true}
        %dma_wait3A_366 = arith.constant 64 : i32
        %dma_wait3A_367 = tpu.memref_slice %arg9[%dma_wait3A_366] : memref<128xi32, #tpu.memory_space<vmem>> -> memref<64xi32, #tpu.memory_space<vmem>>
        %dma_wait3A_368 = arith.constant 0 : i32
        %dma_wait3A_369 = arith.constant 0 : i32
        %dma_wait3A_370 = tpu.memref_slice %arg13[%dma_wait3A_368, %dma_wait3A_369] : memref<10112x128xf32, #tpu.memory_space<vmem_shared>> -> memref<10112x128xf32, #tpu.memory_space<vmem_shared>>
        tpu.wait_indirect_dma semaphore(%run_scoped3A : memref<!tpu.dma_semaphore, #tpu.memory_space<semaphore_mem>>) src(%arg12 : memref<64x128xf32, #tpu.memory_space<vmem>>) dst(%dma_wait3A_370 : memref<10112x128xf32, #tpu.memory_space<vmem_shared>>)
        tpu.yield
      }) : () -> ()
      %scan3A_360 = arith.constant 0 : i32
      scf.yield %scan3A_360 : i32
    }
    %scan3A_146 = arith.constant 79 : i32
    %barrier3A_147 = arith.constant 0 : index
    tpu.barrier barrier_id(%barrier3A_147)
    %eq3A_148 = arith.constant 0 : i32
    %eq3A_149 = arith.cmpi eq, %arg0, %eq3A_148 : i32
    %convert_element_type3A_150 = arith.extui %eq3A_149 : i1 to i32
    %cond3A_151 = arith.constant 2 : i32
    %cond3A_152 = arith.constant 0 : i32
    %cond3A_153 = arith.cmpi ne, %convert_element_type3A_150, %cond3A_152 : i32
    scf.if %cond3A_153 {
      %run_scoped3A = arith.constant 0 : i32
      "tpu.region"() ({
        %run_scoped3A_212 = tpu.sem_alloc : memref<!tpu.dma_semaphore, #tpu.memory_space<semaphore_mem>>
        %dma_start3A = arith.constant 0 : i32
        %dma_start3A_213 = arith.constant 0 : i32
        %dma_start3A_214 = arith.constant 0 : i32
        %dma_start3A_215 = tpu.memref_slice %arg7[%cond3A_151, %dma_start3A, %dma_start3A_213, %dma_start3A_214] : memref<4x2x10112x128xf32, #tpu.memory_space<hbm>> -> memref<1x2x10112x128xf32, #tpu.memory_space<hbm>>
        %dma_start3A_216 = tpu.memref_squeeze %dma_start3A_215 : memref<1x2x10112x128xf32, #tpu.memory_space<hbm>> -> memref<2x10112x128xf32, #tpu.memory_space<hbm>>
        %dma_start3A_217 = arith.constant 0 : i32
        %dma_start3A_218 = tpu.memref_slice %dma_start3A_216[%run_scoped3A, %mul3A_0, %dma_start3A_217] : memref<2x10112x128xf32, #tpu.memory_space<hbm>> -> memref<1x632x128xf32, #tpu.memory_space<hbm>>
        %dma_start3A_219 = tpu.memref_squeeze %dma_start3A_218 : memref<1x632x128xf32, #tpu.memory_space<hbm>> -> memref<632x128xf32, #tpu.memory_space<hbm>>
        %dma_start3A_220 = arith.constant 0 : i32
        %dma_start3A_221 = tpu.memref_slice %arg13[%mul3A_0, %dma_start3A_220] : memref<10112x128xf32, #tpu.memory_space<vmem_shared>> -> memref<632x128xf32, #tpu.memory_space<vmem_shared>>
        tpu.enqueue_dma source(%dma_start3A_221 : memref<632x128xf32, #tpu.memory_space<vmem_shared>>) target(%dma_start3A_219 : memref<632x128xf32, #tpu.memory_space<hbm>>) target_semaphore(%run_scoped3A_212 : memref<!tpu.dma_semaphore, #tpu.memory_space<semaphore_mem>>)
        %dma_wait3A = arith.constant 0 : i32
        %dma_wait3A_222 = arith.constant 0 : i32
        %dma_wait3A_223 = arith.constant 0 : i32
        %dma_wait3A_224 = tpu.memref_slice %arg7[%cond3A_151, %dma_wait3A, %dma_wait3A_222, %dma_wait3A_223] : memref<4x2x10112x128xf32, #tpu.memory_space<hbm>> -> memref<1x2x10112x128xf32, #tpu.memory_space<hbm>>
        %dma_wait3A_225 = tpu.memref_squeeze %dma_wait3A_224 : memref<1x2x10112x128xf32, #tpu.memory_space<hbm>> -> memref<2x10112x128xf32, #tpu.memory_space<hbm>>
        %dma_wait3A_226 = arith.constant 0 : i32
        %dma_wait3A_227 = tpu.memref_slice %dma_wait3A_225[%run_scoped3A, %mul3A_0, %dma_wait3A_226] : memref<2x10112x128xf32, #tpu.memory_space<hbm>> -> memref<1x632x128xf32, #tpu.memory_space<hbm>>
        %dma_wait3A_228 = tpu.memref_squeeze %dma_wait3A_227 : memref<1x632x128xf32, #tpu.memory_space<hbm>> -> memref<632x128xf32, #tpu.memory_space<hbm>>
        %dma_wait3A_229 = arith.constant 0 : i32
        %dma_wait3A_230 = tpu.memref_slice %arg13[%mul3A_0, %dma_wait3A_229] : memref<10112x128xf32, #tpu.memory_space<vmem_shared>> -> memref<632x128xf32, #tpu.memory_space<vmem_shared>>
        tpu.wait_dma2 semaphore(%run_scoped3A_212 : memref<!tpu.dma_semaphore, #tpu.memory_space<semaphore_mem>>) src(%dma_wait3A_230 : memref<632x128xf32, #tpu.memory_space<vmem_shared>>) dst(%dma_wait3A_228 : memref<632x128xf32, #tpu.memory_space<hbm>>)
        tpu.yield
      }) : () -> ()
    } else {
    }
    %eq3A_154 = arith.constant 1 : i32
    %eq3A_155 = arith.cmpi eq, %arg0, %eq3A_154 : i32
    %convert_element_type3A_156 = arith.extui %eq3A_155 : i1 to i32
    %cond3A_157 = arith.constant 2 : i32
    %cond3A_158 = arith.constant 0 : i32
    %cond3A_159 = arith.cmpi ne, %convert_element_type3A_156, %cond3A_158 : i32
    scf.if %cond3A_159 {
      %run_scoped3A = arith.constant 1 : i32
      "tpu.region"() ({
        %run_scoped3A_212 = tpu.sem_alloc : memref<!tpu.dma_semaphore, #tpu.memory_space<semaphore_mem>>
        %dma_start3A = arith.constant 0 : i32
        %dma_start3A_213 = arith.constant 0 : i32
        %dma_start3A_214 = arith.constant 0 : i32
        %dma_start3A_215 = tpu.memref_slice %arg7[%cond3A_157, %dma_start3A, %dma_start3A_213, %dma_start3A_214] : memref<4x2x10112x128xf32, #tpu.memory_space<hbm>> -> memref<1x2x10112x128xf32, #tpu.memory_space<hbm>>
        %dma_start3A_216 = tpu.memref_squeeze %dma_start3A_215 : memref<1x2x10112x128xf32, #tpu.memory_space<hbm>> -> memref<2x10112x128xf32, #tpu.memory_space<hbm>>
        %dma_start3A_217 = arith.constant 0 : i32
        %dma_start3A_218 = tpu.memref_slice %dma_start3A_216[%run_scoped3A, %mul3A_0, %dma_start3A_217] : memref<2x10112x128xf32, #tpu.memory_space<hbm>> -> memref<1x632x128xf32, #tpu.memory_space<hbm>>
        %dma_start3A_219 = tpu.memref_squeeze %dma_start3A_218 : memref<1x632x128xf32, #tpu.memory_space<hbm>> -> memref<632x128xf32, #tpu.memory_space<hbm>>
        %dma_start3A_220 = arith.constant 0 : i32
        %dma_start3A_221 = tpu.memref_slice %arg13[%mul3A_0, %dma_start3A_220] : memref<10112x128xf32, #tpu.memory_space<vmem_shared>> -> memref<632x128xf32, #tpu.memory_space<vmem_shared>>
        tpu.enqueue_dma source(%dma_start3A_221 : memref<632x128xf32, #tpu.memory_space<vmem_shared>>) target(%dma_start3A_219 : memref<632x128xf32, #tpu.memory_space<hbm>>) target_semaphore(%run_scoped3A_212 : memref<!tpu.dma_semaphore, #tpu.memory_space<semaphore_mem>>)
        %dma_wait3A = arith.constant 0 : i32
        %dma_wait3A_222 = arith.constant 0 : i32
        %dma_wait3A_223 = arith.constant 0 : i32
        %dma_wait3A_224 = tpu.memref_slice %arg7[%cond3A_157, %dma_wait3A, %dma_wait3A_222, %dma_wait3A_223] : memref<4x2x10112x128xf32, #tpu.memory_space<hbm>> -> memref<1x2x10112x128xf32, #tpu.memory_space<hbm>>
        %dma_wait3A_225 = tpu.memref_squeeze %dma_wait3A_224 : memref<1x2x10112x128xf32, #tpu.memory_space<hbm>> -> memref<2x10112x128xf32, #tpu.memory_space<hbm>>
        %dma_wait3A_226 = arith.constant 0 : i32
        %dma_wait3A_227 = tpu.memref_slice %dma_wait3A_225[%run_scoped3A, %mul3A_0, %dma_wait3A_226] : memref<2x10112x128xf32, #tpu.memory_space<hbm>> -> memref<1x632x128xf32, #tpu.memory_space<hbm>>
        %dma_wait3A_228 = tpu.memref_squeeze %dma_wait3A_227 : memref<1x632x128xf32, #tpu.memory_space<hbm>> -> memref<632x128xf32, #tpu.memory_space<hbm>>
        %dma_wait3A_229 = arith.constant 0 : i32
        %dma_wait3A_230 = tpu.memref_slice %arg13[%mul3A_0, %dma_wait3A_229] : memref<10112x128xf32, #tpu.memory_space<vmem_shared>> -> memref<632x128xf32, #tpu.memory_space<vmem_shared>>
        tpu.wait_dma2 semaphore(%run_scoped3A_212 : memref<!tpu.dma_semaphore, #tpu.memory_space<semaphore_mem>>) src(%dma_wait3A_230 : memref<632x128xf32, #tpu.memory_space<vmem_shared>>) dst(%dma_wait3A_228 : memref<632x128xf32, #tpu.memory_space<hbm>>)
        tpu.yield
      }) : () -> ()
    } else {
    }
    %barrier3A_160 = arith.constant 0 : index
    tpu.barrier barrier_id(%barrier3A_160)
    %broadcast_in_dim3A_161 = arith.constant 0.000000e+00 : f32
    %broadcast_in_dim3A_162 = vector.broadcast %broadcast_in_dim3A_161 : f32 to vector<16xf32>
    %scan3A_163 = arith.constant 0 : i32
    %scan3A_164 = arith.constant 0 : i32
    %scan3A_165 = arith.constant 512 : i32
    %scan3A_166 = arith.addi %scan3A_164, %scan3A_165 : i32
    %scan3A_167 = arith.constant 1 : i32
    %scan3A_168 = scf.for %scan3A_212 = %scan3A_164 to %scan3A_166 step %scan3A_167 iter_args(%scan3A_213 = %scan3A_163) -> (i32)  : i32 {
      %jit3A = arith.constant 8 : i32
      %div3A = arith.divsi %scan3A_212, %jit3A : i32
      %sign3A = arith.constant 0 : i32
      %sign3A_214 = arith.cmpi sgt, %scan3A_212, %sign3A : i32
      %sign3A_215 = arith.extui %sign3A_214 : i1 to i32
      %sign3A_216 = arith.constant 0 : i32
      %sign3A_217 = arith.cmpi slt, %scan3A_212, %sign3A_216 : i32
      %sign3A_218 = arith.extui %sign3A_217 : i1 to i32
      %sign3A_219 = arith.subi %sign3A_215, %sign3A_218 : i32
      %sign3A_220 = arith.constant 0 : i32
      %sign3A_221 = arith.cmpi sgt, %jit3A, %sign3A_220 : i32
      %sign3A_222 = arith.extui %sign3A_221 : i1 to i32
      %sign3A_223 = arith.constant 0 : i32
      %sign3A_224 = arith.cmpi slt, %jit3A, %sign3A_223 : i32
      %sign3A_225 = arith.extui %sign3A_224 : i1 to i32
      %sign3A_226 = arith.subi %sign3A_222, %sign3A_225 : i32
      %ne3A = arith.cmpi ne, %sign3A_219, %sign3A_226 : i32
      %rem3A = arith.remsi %scan3A_212, %jit3A : i32
      %ne3A_227 = arith.constant 0 : i32
      %ne3A_228 = arith.cmpi ne, %rem3A, %ne3A_227 : i32
      %and3A = arith.andi %ne3A, %ne3A_228 : i1
      %sub3A = arith.constant 1 : i32
      %sub3A_229 = arith.subi %div3A, %sub3A : i32
      %select_n3A = arith.select %and3A, %sub3A_229, %div3A : i32
      %jit3A_230 = arith.constant 8 : i32
      %eq3A_231 = arith.constant 0 : i32
      %eq3A_232 = arith.cmpi eq, %jit3A_230, %eq3A_231 : i32
      %jit3A_233 = arith.constant 1 : i32
      %select_n3A_234 = arith.select %eq3A_232, %jit3A_233, %jit3A_230 : i32
      %rem3A_235 = arith.remsi %scan3A_212, %select_n3A_234 : i32
      %ne3A_236 = arith.constant 0 : i32
      %ne3A_237 = arith.cmpi ne, %rem3A_235, %ne3A_236 : i32
      %lt3A = arith.constant 0 : i32
      %lt3A_238 = arith.cmpi slt, %rem3A_235, %lt3A : i32
      %lt3A_239 = arith.constant 0 : i32
      %lt3A_240 = arith.cmpi slt, %select_n3A_234, %lt3A_239 : i32
      %ne3A_241 = arith.xori %lt3A_238, %lt3A_240 : i1
      %and3A_242 = arith.andi %ne3A_241, %ne3A_237 : i1
      %add3A_243 = arith.addi %rem3A_235, %select_n3A_234 : i32
      %select_n3A_244 = arith.select %and3A_242, %add3A_243, %rem3A_235 : i32
      %mul3A_245 = arith.constant 16 : i32
      %mul3A_246 = arith.muli %select_n3A_244, %mul3A_245 : i32
      %swap3A = arith.index_cast %select_n3A : i32 to index
      %swap3A_247 = arith.index_cast %mul3A_246 : i32 to index
      %swap3A_248 = tpu.vector_load %arg11[%swap3A, %swap3A_247] {strides = array<i32>} : memref<64x128xf32, #tpu.memory_space<vmem>>, vector<16xf32>,
      tpu.vector_store %arg11[%swap3A, %swap3A_247], %broadcast_in_dim3A_162 {strides = array<i32>} : memref<64x128xf32, #tpu.memory_space<vmem>>, vector<16xf32>,
      %scan3A_249 = arith.constant 0 : i32
      scf.yield %scan3A_249 : i32
    }
    %scan3A_169 = arith.constant 512 : i32
    %add3A_170 = arith.constant 0 : i32
    %add3A_171 = arith.addi %mul3A_0, %add3A_170 : i32
    "tpu.region"() ({
      %run_scoped3A = tpu.sem_alloc : memref<!tpu.dma_semaphore, #tpu.memory_space<semaphore_mem>>
      %dma_start3A = arith.constant 0 : i32
      %dma_start3A_212 = tpu.memref_slice %arg13[%add3A_171, %dma_start3A] : memref<10112x128xf32, #tpu.memory_space<vmem_shared>> -> memref<64x128xf32, #tpu.memory_space<vmem_shared>>
      %dma_start3A_213 = arith.constant 0 : i32
      %dma_start3A_214 = tpu.memref_slice %arg13[%add3A_171, %dma_start3A_213] : memref<10112x128xf32, #tpu.memory_space<vmem_shared>> -> memref<64x128xf32, #tpu.memory_space<vmem_shared>>
      tpu.enqueue_dma source(%arg11 : memref<64x128xf32, #tpu.memory_space<vmem>>) target(%dma_start3A_214 : memref<64x128xf32, #tpu.memory_space<vmem_shared>>) target_semaphore(%run_scoped3A : memref<!tpu.dma_semaphore, #tpu.memory_space<semaphore_mem>>)
      %dma_wait3A = arith.constant 0 : i32
      %dma_wait3A_215 = tpu.memref_slice %arg13[%add3A_171, %dma_wait3A] : memref<10112x128xf32, #tpu.memory_space<vmem_shared>> -> memref<64x128xf32, #tpu.memory_space<vmem_shared>>
      %dma_wait3A_216 = arith.constant 0 : i32
      %dma_wait3A_217 = tpu.memref_slice %arg13[%add3A_171, %dma_wait3A_216] : memref<10112x128xf32, #tpu.memory_space<vmem_shared>> -> memref<64x128xf32, #tpu.memory_space<vmem_shared>>
      tpu.wait_dma2 semaphore(%run_scoped3A : memref<!tpu.dma_semaphore, #tpu.memory_space<semaphore_mem>>) src(%arg11 : memref<64x128xf32, #tpu.memory_space<vmem>>) dst(%dma_wait3A_217 : memref<64x128xf32, #tpu.memory_space<vmem_shared>>)
      tpu.yield
    }) : () -> ()
    %add3A_172 = arith.constant 64 : i32
    %add3A_173 = arith.addi %mul3A_0, %add3A_172 : i32
    "tpu.region"() ({
      %run_scoped3A = tpu.sem_alloc : memref<!tpu.dma_semaphore, #tpu.memory_space<semaphore_mem>>
      %dma_start3A = arith.constant 0 : i32
      %dma_start3A_212 = tpu.memref_slice %arg13[%add3A_173, %dma_start3A] : memref<10112x128xf32, #tpu.memory_space<vmem_shared>> -> memref<64x128xf32, #tpu.memory_space<vmem_shared>>
      %dma_start3A_213 = arith.constant 0 : i32
      %dma_start3A_214 = tpu.memref_slice %arg13[%add3A_173, %dma_start3A_213] : memref<10112x128xf32, #tpu.memory_space<vmem_shared>> -> memref<64x128xf32, #tpu.memory_space<vmem_shared>>
      tpu.enqueue_dma source(%arg11 : memref<64x128xf32, #tpu.memory_space<vmem>>) target(%dma_start3A_214 : memref<64x128xf32, #tpu.memory_space<vmem_shared>>) target_semaphore(%run_scoped3A : memref<!tpu.dma_semaphore, #tpu.memory_space<semaphore_mem>>)
      %dma_wait3A = arith.constant 0 : i32
      %dma_wait3A_215 = tpu.memref_slice %arg13[%add3A_173, %dma_wait3A] : memref<10112x128xf32, #tpu.memory_space<vmem_shared>> -> memref<64x128xf32, #tpu.memory_space<vmem_shared>>
      %dma_wait3A_216 = arith.constant 0 : i32
      %dma_wait3A_217 = tpu.memref_slice %arg13[%add3A_173, %dma_wait3A_216] : memref<10112x128xf32, #tpu.memory_space<vmem_shared>> -> memref<64x128xf32, #tpu.memory_space<vmem_shared>>
      tpu.wait_dma2 semaphore(%run_scoped3A : memref<!tpu.dma_semaphore, #tpu.memory_space<semaphore_mem>>) src(%arg11 : memref<64x128xf32, #tpu.memory_space<vmem>>) dst(%dma_wait3A_217 : memref<64x128xf32, #tpu.memory_space<vmem_shared>>)
      tpu.yield
    }) : () -> ()
    %add3A_174 = arith.constant 128 : i32
    %add3A_175 = arith.addi %mul3A_0, %add3A_174 : i32
    "tpu.region"() ({
      %run_scoped3A = tpu.sem_alloc : memref<!tpu.dma_semaphore, #tpu.memory_space<semaphore_mem>>
      %dma_start3A = arith.constant 0 : i32
      %dma_start3A_212 = tpu.memref_slice %arg13[%add3A_175, %dma_start3A] : memref<10112x128xf32, #tpu.memory_space<vmem_shared>> -> memref<64x128xf32, #tpu.memory_space<vmem_shared>>
      %dma_start3A_213 = arith.constant 0 : i32
      %dma_start3A_214 = tpu.memref_slice %arg13[%add3A_175, %dma_start3A_213] : memref<10112x128xf32, #tpu.memory_space<vmem_shared>> -> memref<64x128xf32, #tpu.memory_space<vmem_shared>>
      tpu.enqueue_dma source(%arg11 : memref<64x128xf32, #tpu.memory_space<vmem>>) target(%dma_start3A_214 : memref<64x128xf32, #tpu.memory_space<vmem_shared>>) target_semaphore(%run_scoped3A : memref<!tpu.dma_semaphore, #tpu.memory_space<semaphore_mem>>)
      %dma_wait3A = arith.constant 0 : i32
      %dma_wait3A_215 = tpu.memref_slice %arg13[%add3A_175, %dma_wait3A] : memref<10112x128xf32, #tpu.memory_space<vmem_shared>> -> memref<64x128xf32, #tpu.memory_space<vmem_shared>>
      %dma_wait3A_216 = arith.constant 0 : i32
      %dma_wait3A_217 = tpu.memref_slice %arg13[%add3A_175, %dma_wait3A_216] : memref<10112x128xf32, #tpu.memory_space<vmem_shared>> -> memref<64x128xf32, #tpu.memory_space<vmem_shared>>
      tpu.wait_dma2 semaphore(%run_scoped3A : memref<!tpu.dma_semaphore, #tpu.memory_space<semaphore_mem>>) src(%arg11 : memref<64x128xf32, #tpu.memory_space<vmem>>) dst(%dma_wait3A_217 : memref<64x128xf32, #tpu.memory_space<vmem_shared>>)
      tpu.yield
    }) : () -> ()
    %add3A_176 = arith.constant 192 : i32
    %add3A_177 = arith.addi %mul3A_0, %add3A_176 : i32
    "tpu.region"() ({
      %run_scoped3A = tpu.sem_alloc : memref<!tpu.dma_semaphore, #tpu.memory_space<semaphore_mem>>
      %dma_start3A = arith.constant 0 : i32
      %dma_start3A_212 = tpu.memref_slice %arg13[%add3A_177, %dma_start3A] : memref<10112x128xf32, #tpu.memory_space<vmem_shared>> -> memref<64x128xf32, #tpu.memory_space<vmem_shared>>
      %dma_start3A_213 = arith.constant 0 : i32
      %dma_start3A_214 = tpu.memref_slice %arg13[%add3A_177, %dma_start3A_213] : memref<10112x128xf32, #tpu.memory_space<vmem_shared>> -> memref<64x128xf32, #tpu.memory_space<vmem_shared>>
      tpu.enqueue_dma source(%arg11 : memref<64x128xf32, #tpu.memory_space<vmem>>) target(%dma_start3A_214 : memref<64x128xf32, #tpu.memory_space<vmem_shared>>) target_semaphore(%run_scoped3A : memref<!tpu.dma_semaphore, #tpu.memory_space<semaphore_mem>>)
      %dma_wait3A = arith.constant 0 : i32
      %dma_wait3A_215 = tpu.memref_slice %arg13[%add3A_177, %dma_wait3A] : memref<10112x128xf32, #tpu.memory_space<vmem_shared>> -> memref<64x128xf32, #tpu.memory_space<vmem_shared>>
      %dma_wait3A_216 = arith.constant 0 : i32
      %dma_wait3A_217 = tpu.memref_slice %arg13[%add3A_177, %dma_wait3A_216] : memref<10112x128xf32, #tpu.memory_space<vmem_shared>> -> memref<64x128xf32, #tpu.memory_space<vmem_shared>>
      tpu.wait_dma2 semaphore(%run_scoped3A : memref<!tpu.dma_semaphore, #tpu.memory_space<semaphore_mem>>) src(%arg11 : memref<64x128xf32, #tpu.memory_space<vmem>>) dst(%dma_wait3A_217 : memref<64x128xf32, #tpu.memory_space<vmem_shared>>)
      tpu.yield
    }) : () -> ()
    %add3A_178 = arith.constant 256 : i32
    %add3A_179 = arith.addi %mul3A_0, %add3A_178 : i32
    "tpu.region"() ({
      %run_scoped3A = tpu.sem_alloc : memref<!tpu.dma_semaphore, #tpu.memory_space<semaphore_mem>>
      %dma_start3A = arith.constant 0 : i32
      %dma_start3A_212 = tpu.memref_slice %arg13[%add3A_179, %dma_start3A] : memref<10112x128xf32, #tpu.memory_space<vmem_shared>> -> memref<64x128xf32, #tpu.memory_space<vmem_shared>>
      %dma_start3A_213 = arith.constant 0 : i32
      %dma_start3A_214 = tpu.memref_slice %arg13[%add3A_179, %dma_start3A_213] : memref<10112x128xf32, #tpu.memory_space<vmem_shared>> -> memref<64x128xf32, #tpu.memory_space<vmem_shared>>
      tpu.enqueue_dma source(%arg11 : memref<64x128xf32, #tpu.memory_space<vmem>>) target(%dma_start3A_214 : memref<64x128xf32, #tpu.memory_space<vmem_shared>>) target_semaphore(%run_scoped3A : memref<!tpu.dma_semaphore, #tpu.memory_space<semaphore_mem>>)
      %dma_wait3A = arith.constant 0 : i32
      %dma_wait3A_215 = tpu.memref_slice %arg13[%add3A_179, %dma_wait3A] : memref<10112x128xf32, #tpu.memory_space<vmem_shared>> -> memref<64x128xf32, #tpu.memory_space<vmem_shared>>
      %dma_wait3A_216 = arith.constant 0 : i32
      %dma_wait3A_217 = tpu.memref_slice %arg13[%add3A_179, %dma_wait3A_216] : memref<10112x128xf32, #tpu.memory_space<vmem_shared>> -> memref<64x128xf32, #tpu.memory_space<vmem_shared>>
      tpu.wait_dma2 semaphore(%run_scoped3A : memref<!tpu.dma_semaphore, #tpu.memory_space<semaphore_mem>>) src(%arg11 : memref<64x128xf32, #tpu.memory_space<vmem>>) dst(%dma_wait3A_217 : memref<64x128xf32, #tpu.memory_space<vmem_shared>>)
      tpu.yield
    }) : () -> ()
    %add3A_180 = arith.constant 320 : i32
    %add3A_181 = arith.addi %mul3A_0, %add3A_180 : i32
    "tpu.region"() ({
      %run_scoped3A = tpu.sem_alloc : memref<!tpu.dma_semaphore, #tpu.memory_space<semaphore_mem>>
      %dma_start3A = arith.constant 0 : i32
      %dma_start3A_212 = tpu.memref_slice %arg13[%add3A_181, %dma_start3A] : memref<10112x128xf32, #tpu.memory_space<vmem_shared>> -> memref<64x128xf32, #tpu.memory_space<vmem_shared>>
      %dma_start3A_213 = arith.constant 0 : i32
      %dma_start3A_214 = tpu.memref_slice %arg13[%add3A_181, %dma_start3A_213] : memref<10112x128xf32, #tpu.memory_space<vmem_shared>> -> memref<64x128xf32, #tpu.memory_space<vmem_shared>>
      tpu.enqueue_dma source(%arg11 : memref<64x128xf32, #tpu.memory_space<vmem>>) target(%dma_start3A_214 : memref<64x128xf32, #tpu.memory_space<vmem_shared>>) target_semaphore(%run_scoped3A : memref<!tpu.dma_semaphore, #tpu.memory_space<semaphore_mem>>)
      %dma_wait3A = arith.constant 0 : i32
      %dma_wait3A_215 = tpu.memref_slice %arg13[%add3A_181, %dma_wait3A] : memref<10112x128xf32, #tpu.memory_space<vmem_shared>> -> memref<64x128xf32, #tpu.memory_space<vmem_shared>>
      %dma_wait3A_216 = arith.constant 0 : i32
      %dma_wait3A_217 = tpu.memref_slice %arg13[%add3A_181, %dma_wait3A_216] : memref<10112x128xf32, #tpu.memory_space<vmem_shared>> -> memref<64x128xf32, #tpu.memory_space<vmem_shared>>
      tpu.wait_dma2 semaphore(%run_scoped3A : memref<!tpu.dma_semaphore, #tpu.memory_space<semaphore_mem>>) src(%arg11 : memref<64x128xf32, #tpu.memory_space<vmem>>) dst(%dma_wait3A_217 : memref<64x128xf32, #tpu.memory_space<vmem_shared>>)
      tpu.yield
    }) : () -> ()
    %add3A_182 = arith.constant 384 : i32
    %add3A_183 = arith.addi %mul3A_0, %add3A_182 : i32
    "tpu.region"() ({
      %run_scoped3A = tpu.sem_alloc : memref<!tpu.dma_semaphore, #tpu.memory_space<semaphore_mem>>
      %dma_start3A = arith.constant 0 : i32
      %dma_start3A_212 = tpu.memref_slice %arg13[%add3A_183, %dma_start3A] : memref<10112x128xf32, #tpu.memory_space<vmem_shared>> -> memref<64x128xf32, #tpu.memory_space<vmem_shared>>
      %dma_start3A_213 = arith.constant 0 : i32
      %dma_start3A_214 = tpu.memref_slice %arg13[%add3A_183, %dma_start3A_213] : memref<10112x128xf32, #tpu.memory_space<vmem_shared>> -> memref<64x128xf32, #tpu.memory_space<vmem_shared>>
      tpu.enqueue_dma source(%arg11 : memref<64x128xf32, #tpu.memory_space<vmem>>) target(%dma_start3A_214 : memref<64x128xf32, #tpu.memory_space<vmem_shared>>) target_semaphore(%run_scoped3A : memref<!tpu.dma_semaphore, #tpu.memory_space<semaphore_mem>>)
      %dma_wait3A = arith.constant 0 : i32
      %dma_wait3A_215 = tpu.memref_slice %arg13[%add3A_183, %dma_wait3A] : memref<10112x128xf32, #tpu.memory_space<vmem_shared>> -> memref<64x128xf32, #tpu.memory_space<vmem_shared>>
      %dma_wait3A_216 = arith.constant 0 : i32
      %dma_wait3A_217 = tpu.memref_slice %arg13[%add3A_183, %dma_wait3A_216] : memref<10112x128xf32, #tpu.memory_space<vmem_shared>> -> memref<64x128xf32, #tpu.memory_space<vmem_shared>>
      tpu.wait_dma2 semaphore(%run_scoped3A : memref<!tpu.dma_semaphore, #tpu.memory_space<semaphore_mem>>) src(%arg11 : memref<64x128xf32, #tpu.memory_space<vmem>>) dst(%dma_wait3A_217 : memref<64x128xf32, #tpu.memory_space<vmem_shared>>)
      tpu.yield
    }) : () -> ()
    %add3A_184 = arith.constant 448 : i32
    %add3A_185 = arith.addi %mul3A_0, %add3A_184 : i32
    "tpu.region"() ({
      %run_scoped3A = tpu.sem_alloc : memref<!tpu.dma_semaphore, #tpu.memory_space<semaphore_mem>>
      %dma_start3A = arith.constant 0 : i32
      %dma_start3A_212 = tpu.memref_slice %arg13[%add3A_185, %dma_start3A] : memref<10112x128xf32, #tpu.memory_space<vmem_shared>> -> memref<64x128xf32, #tpu.memory_space<vmem_shared>>
      %dma_start3A_213 = arith.constant 0 : i32
      %dma_start3A_214 = tpu.memref_slice %arg13[%add3A_185, %dma_start3A_213] : memref<10112x128xf32, #tpu.memory_space<vmem_shared>> -> memref<64x128xf32, #tpu.memory_space<vmem_shared>>
      tpu.enqueue_dma source(%arg11 : memref<64x128xf32, #tpu.memory_space<vmem>>) target(%dma_start3A_214 : memref<64x128xf32, #tpu.memory_space<vmem_shared>>) target_semaphore(%run_scoped3A : memref<!tpu.dma_semaphore, #tpu.memory_space<semaphore_mem>>)
      %dma_wait3A = arith.constant 0 : i32
      %dma_wait3A_215 = tpu.memref_slice %arg13[%add3A_185, %dma_wait3A] : memref<10112x128xf32, #tpu.memory_space<vmem_shared>> -> memref<64x128xf32, #tpu.memory_space<vmem_shared>>
      %dma_wait3A_216 = arith.constant 0 : i32
      %dma_wait3A_217 = tpu.memref_slice %arg13[%add3A_185, %dma_wait3A_216] : memref<10112x128xf32, #tpu.memory_space<vmem_shared>> -> memref<64x128xf32, #tpu.memory_space<vmem_shared>>
      tpu.wait_dma2 semaphore(%run_scoped3A : memref<!tpu.dma_semaphore, #tpu.memory_space<semaphore_mem>>) src(%arg11 : memref<64x128xf32, #tpu.memory_space<vmem>>) dst(%dma_wait3A_217 : memref<64x128xf32, #tpu.memory_space<vmem_shared>>)
      tpu.yield
    }) : () -> ()
    %add3A_186 = arith.constant 512 : i32
    %add3A_187 = arith.addi %mul3A_0, %add3A_186 : i32
    "tpu.region"() ({
      %run_scoped3A = tpu.sem_alloc : memref<!tpu.dma_semaphore, #tpu.memory_space<semaphore_mem>>
      %dma_start3A = arith.constant 0 : i32
      %dma_start3A_212 = tpu.memref_slice %arg13[%add3A_187, %dma_start3A] : memref<10112x128xf32, #tpu.memory_space<vmem_shared>> -> memref<64x128xf32, #tpu.memory_space<vmem_shared>>
      %dma_start3A_213 = arith.constant 0 : i32
      %dma_start3A_214 = tpu.memref_slice %arg13[%add3A_187, %dma_start3A_213] : memref<10112x128xf32, #tpu.memory_space<vmem_shared>> -> memref<64x128xf32, #tpu.memory_space<vmem_shared>>
      tpu.enqueue_dma source(%arg11 : memref<64x128xf32, #tpu.memory_space<vmem>>) target(%dma_start3A_214 : memref<64x128xf32, #tpu.memory_space<vmem_shared>>) target_semaphore(%run_scoped3A : memref<!tpu.dma_semaphore, #tpu.memory_space<semaphore_mem>>)
      %dma_wait3A = arith.constant 0 : i32
      %dma_wait3A_215 = tpu.memref_slice %arg13[%add3A_187, %dma_wait3A] : memref<10112x128xf32, #tpu.memory_space<vmem_shared>> -> memref<64x128xf32, #tpu.memory_space<vmem_shared>>
      %dma_wait3A_216 = arith.constant 0 : i32
      %dma_wait3A_217 = tpu.memref_slice %arg13[%add3A_187, %dma_wait3A_216] : memref<10112x128xf32, #tpu.memory_space<vmem_shared>> -> memref<64x128xf32, #tpu.memory_space<vmem_shared>>
      tpu.wait_dma2 semaphore(%run_scoped3A : memref<!tpu.dma_semaphore, #tpu.memory_space<semaphore_mem>>) src(%arg11 : memref<64x128xf32, #tpu.memory_space<vmem>>) dst(%dma_wait3A_217 : memref<64x128xf32, #tpu.memory_space<vmem_shared>>)
      tpu.yield
    }) : () -> ()
    %add3A_188 = arith.constant 576 : i32
    %add3A_189 = arith.addi %mul3A_0, %add3A_188 : i32
    "tpu.region"() ({
      %run_scoped3A = tpu.sem_alloc : memref<!tpu.dma_semaphore, #tpu.memory_space<semaphore_mem>>
      %dma_start3A = arith.constant 0 : i32
      %dma_start3A_212 = arith.constant 0 : i32
      %dma_start3A_213 = tpu.memref_slice %arg11[%dma_start3A, %dma_start3A_212] : memref<64x128xf32, #tpu.memory_space<vmem>> -> memref<56x128xf32, #tpu.memory_space<vmem>>
      %dma_start3A_214 = arith.constant 0 : i32
      %dma_start3A_215 = tpu.memref_slice %arg13[%add3A_189, %dma_start3A_214] : memref<10112x128xf32, #tpu.memory_space<vmem_shared>> -> memref<56x128xf32, #tpu.memory_space<vmem_shared>>
      %dma_start3A_216 = arith.constant 0 : i32
      %dma_start3A_217 = tpu.memref_slice %arg13[%add3A_189, %dma_start3A_216] : memref<10112x128xf32, #tpu.memory_space<vmem_shared>> -> memref<56x128xf32, #tpu.memory_space<vmem_shared>>
      %dma_start3A_218 = arith.constant 0 : i32
      %dma_start3A_219 = arith.constant 0 : i32
      %dma_start3A_220 = tpu.memref_slice %arg11[%dma_start3A_218, %dma_start3A_219] : memref<64x128xf32, #tpu.memory_space<vmem>> -> memref<56x128xf32, #tpu.memory_space<vmem>>
      tpu.enqueue_dma source(%dma_start3A_220 : memref<56x128xf32, #tpu.memory_space<vmem>>) target(%dma_start3A_217 : memref<56x128xf32, #tpu.memory_space<vmem_shared>>) target_semaphore(%run_scoped3A : memref<!tpu.dma_semaphore, #tpu.memory_space<semaphore_mem>>)
      %dma_wait3A = arith.constant 0 : i32
      %dma_wait3A_221 = arith.constant 0 : i32
      %dma_wait3A_222 = tpu.memref_slice %arg11[%dma_wait3A, %dma_wait3A_221] : memref<64x128xf32, #tpu.memory_space<vmem>> -> memref<56x128xf32, #tpu.memory_space<vmem>>
      %dma_wait3A_223 = arith.constant 0 : i32
      %dma_wait3A_224 = tpu.memref_slice %arg13[%add3A_189, %dma_wait3A_223] : memref<10112x128xf32, #tpu.memory_space<vmem_shared>> -> memref<56x128xf32, #tpu.memory_space<vmem_shared>>
      %dma_wait3A_225 = arith.constant 0 : i32
      %dma_wait3A_226 = tpu.memref_slice %arg13[%add3A_189, %dma_wait3A_225] : memref<10112x128xf32, #tpu.memory_space<vmem_shared>> -> memref<56x128xf32, #tpu.memory_space<vmem_shared>>
      %dma_wait3A_227 = arith.constant 0 : i32
      %dma_wait3A_228 = arith.constant 0 : i32
      %dma_wait3A_229 = tpu.memref_slice %arg11[%dma_wait3A_227, %dma_wait3A_228] : memref<64x128xf32, #tpu.memory_space<vmem>> -> memref<56x128xf32, #tpu.memory_space<vmem>>
      tpu.wait_dma2 semaphore(%run_scoped3A : memref<!tpu.dma_semaphore, #tpu.memory_space<semaphore_mem>>) src(%dma_wait3A_229 : memref<56x128xf32, #tpu.memory_space<vmem>>) dst(%dma_wait3A_226 : memref<56x128xf32, #tpu.memory_space<vmem_shared>>)
      tpu.yield
    }) : () -> ()
    %barrier3A_190 = arith.constant 0 : index
    tpu.barrier barrier_id(%barrier3A_190)
    %scan3A_191 = arith.constant 0 : i32
    %scan3A_192 = arith.constant 0 : i32
    %scan3A_193 = arith.constant 79 : i32
    %scan3A_194 = arith.addi %scan3A_192, %scan3A_193 : i32
    %scan3A_195 = arith.constant 1 : i32
    %scan3A_196 = scf.for %scan3A_212 = %scan3A_192 to %scan3A_194 step %scan3A_195 iter_args(%scan3A_213 = %scan3A_191) -> (i32)  : i32 {
      %mul3A_214 = arith.constant 2 : i32
      %mul3A_215 = arith.muli %mul3A_214, %scan3A_212 : i32
      %mul3A_216 = arith.constant 64 : i32
      %mul3A_217 = arith.muli %mul3A_215, %mul3A_216 : i32
      %add3A_218 = arith.constant 0 : i32
      %add3A_219 = arith.addi %mul3A_217, %add3A_218 : i32
      %get3A = arith.index_cast %add3A_219 : i32 to index
      %get3A_220 = tpu.vector_load %arg8[%get3A] {strides = array<i32>} : memref<10112xi32, #tpu.memory_space<vmem>>, vector<16xi32>,
      %shift_right_logical3A = arith.constant 14 : i32
      %shift_right_logical3A_221 = vector.broadcast %shift_right_logical3A : i32 to vector<16xi32>
      %shift_right_logical3A_222 = arith.shrui %get3A_220, %shift_right_logical3A_221 : vector<16xi32>
      %swap3A = arith.constant 0 : index
      %swap3A_223 = tpu.vector_load %arg9[%swap3A] {strides = array<i32>} : memref<128xi32, #tpu.memory_space<vmem>>, vector<16xi32>,
      tpu.vector_store %arg9[%swap3A], %shift_right_logical3A_222 {strides = array<i32>} : memref<128xi32, #tpu.memory_space<vmem>>, vector<16xi32>,
      %and3A = arith.constant 16383 : i32
      %and3A_224 = vector.broadcast %and3A : i32 to vector<16xi32>
      %and3A_225 = arith.andi %get3A_220, %and3A_224 : vector<16xi32>
      %swap3A_226 = arith.constant 0 : index
      %swap3A_227 = tpu.vector_load %arg10[%swap3A_226] {strides = array<i32>} : memref<128xi32, #tpu.memory_space<vmem>>, vector<16xi32>,
      tpu.vector_store %arg10[%swap3A_226], %and3A_225 {strides = array<i32>} : memref<128xi32, #tpu.memory_space<vmem>>, vector<16xi32>,
      %mul3A_228 = arith.constant 64 : i32
      %mul3A_229 = arith.muli %mul3A_215, %mul3A_228 : i32
      %add3A_230 = arith.constant 16 : i32
      %add3A_231 = arith.addi %mul3A_229, %add3A_230 : i32
      %get3A_232 = arith.index_cast %add3A_231 : i32 to index
      %get3A_233 = tpu.vector_load %arg8[%get3A_232] {strides = array<i32>} : memref<10112xi32, #tpu.memory_space<vmem>>, vector<16xi32>,
      %shift_right_logical3A_234 = arith.constant 14 : i32
      %shift_right_logical3A_235 = vector.broadcast %shift_right_logical3A_234 : i32 to vector<16xi32>
      %shift_right_logical3A_236 = arith.shrui %get3A_233, %shift_right_logical3A_235 : vector<16xi32>
      %swap3A_237 = arith.constant 16 : index
      %swap3A_238 = tpu.vector_load %arg9[%swap3A_237] {strides = array<i32>} : memref<128xi32, #tpu.memory_space<vmem>>, vector<16xi32>,
      tpu.vector_store %arg9[%swap3A_237], %shift_right_logical3A_236 {strides = array<i32>} : memref<128xi32, #tpu.memory_space<vmem>>, vector<16xi32>,
      %and3A_239 = arith.constant 16383 : i32
      %and3A_240 = vector.broadcast %and3A_239 : i32 to vector<16xi32>
      %and3A_241 = arith.andi %get3A_233, %and3A_240 : vector<16xi32>
      %swap3A_242 = arith.constant 16 : index
      %swap3A_243 = tpu.vector_load %arg10[%swap3A_242] {strides = array<i32>} : memref<128xi32, #tpu.memory_space<vmem>>, vector<16xi32>,
      tpu.vector_store %arg10[%swap3A_242], %and3A_241 {strides = array<i32>} : memref<128xi32, #tpu.memory_space<vmem>>, vector<16xi32>,
      %mul3A_244 = arith.constant 64 : i32
      %mul3A_245 = arith.muli %mul3A_215, %mul3A_244 : i32
      %add3A_246 = arith.constant 32 : i32
      %add3A_247 = arith.addi %mul3A_245, %add3A_246 : i32
      %get3A_248 = arith.index_cast %add3A_247 : i32 to index
      %get3A_249 = tpu.vector_load %arg8[%get3A_248] {strides = array<i32>} : memref<10112xi32, #tpu.memory_space<vmem>>, vector<16xi32>,
      %shift_right_logical3A_250 = arith.constant 14 : i32
      %shift_right_logical3A_251 = vector.broadcast %shift_right_logical3A_250 : i32 to vector<16xi32>
      %shift_right_logical3A_252 = arith.shrui %get3A_249, %shift_right_logical3A_251 : vector<16xi32>
      %swap3A_253 = arith.constant 32 : index
      %swap3A_254 = tpu.vector_load %arg9[%swap3A_253] {strides = array<i32>} : memref<128xi32, #tpu.memory_space<vmem>>, vector<16xi32>,
      tpu.vector_store %arg9[%swap3A_253], %shift_right_logical3A_252 {strides = array<i32>} : memref<128xi32, #tpu.memory_space<vmem>>, vector<16xi32>,
      %and3A_255 = arith.constant 16383 : i32
      %and3A_256 = vector.broadcast %and3A_255 : i32 to vector<16xi32>
      %and3A_257 = arith.andi %get3A_249, %and3A_256 : vector<16xi32>
      %swap3A_258 = arith.constant 32 : index
      %swap3A_259 = tpu.vector_load %arg10[%swap3A_258] {strides = array<i32>} : memref<128xi32, #tpu.memory_space<vmem>>, vector<16xi32>,
      tpu.vector_store %arg10[%swap3A_258], %and3A_257 {strides = array<i32>} : memref<128xi32, #tpu.memory_space<vmem>>, vector<16xi32>,
      %mul3A_260 = arith.constant 64 : i32
      %mul3A_261 = arith.muli %mul3A_215, %mul3A_260 : i32
      %add3A_262 = arith.constant 48 : i32
      %add3A_263 = arith.addi %mul3A_261, %add3A_262 : i32
      %get3A_264 = arith.index_cast %add3A_263 : i32 to index
      %get3A_265 = tpu.vector_load %arg8[%get3A_264] {strides = array<i32>} : memref<10112xi32, #tpu.memory_space<vmem>>, vector<16xi32>,
      %shift_right_logical3A_266 = arith.constant 14 : i32
      %shift_right_logical3A_267 = vector.broadcast %shift_right_logical3A_266 : i32 to vector<16xi32>
      %shift_right_logical3A_268 = arith.shrui %get3A_265, %shift_right_logical3A_267 : vector<16xi32>
      %swap3A_269 = arith.constant 48 : index
      %swap3A_270 = tpu.vector_load %arg9[%swap3A_269] {strides = array<i32>} : memref<128xi32, #tpu.memory_space<vmem>>, vector<16xi32>,
      tpu.vector_store %arg9[%swap3A_269], %shift_right_logical3A_268 {strides = array<i32>} : memref<128xi32, #tpu.memory_space<vmem>>, vector<16xi32>,
      %and3A_271 = arith.constant 16383 : i32
      %and3A_272 = vector.broadcast %and3A_271 : i32 to vector<16xi32>
      %and3A_273 = arith.andi %get3A_265, %and3A_272 : vector<16xi32>
      %swap3A_274 = arith.constant 48 : index
      %swap3A_275 = tpu.vector_load %arg10[%swap3A_274] {strides = array<i32>} : memref<128xi32, #tpu.memory_space<vmem>>, vector<16xi32>,
      tpu.vector_store %arg10[%swap3A_274], %and3A_273 {strides = array<i32>} : memref<128xi32, #tpu.memory_space<vmem>>, vector<16xi32>,
      %add3A_276 = arith.constant 1 : i32
      %add3A_277 = arith.addi %mul3A_215, %add3A_276 : i32
      %mul3A_278 = arith.constant 64 : i32
      %mul3A_279 = arith.muli %add3A_277, %mul3A_278 : i32
      %add3A_280 = arith.constant 0 : i32
      %add3A_281 = arith.addi %mul3A_279, %add3A_280 : i32
      %get3A_282 = arith.index_cast %add3A_281 : i32 to index
      %get3A_283 = tpu.vector_load %arg8[%get3A_282] {strides = array<i32>} : memref<10112xi32, #tpu.memory_space<vmem>>, vector<16xi32>,
      %shift_right_logical3A_284 = arith.constant 14 : i32
      %shift_right_logical3A_285 = vector.broadcast %shift_right_logical3A_284 : i32 to vector<16xi32>
      %shift_right_logical3A_286 = arith.shrui %get3A_283, %shift_right_logical3A_285 : vector<16xi32>
      %swap3A_287 = arith.constant 64 : index
      %swap3A_288 = tpu.vector_load %arg9[%swap3A_287] {strides = array<i32>} : memref<128xi32, #tpu.memory_space<vmem>>, vector<16xi32>,
      tpu.vector_store %arg9[%swap3A_287], %shift_right_logical3A_286 {strides = array<i32>} : memref<128xi32, #tpu.memory_space<vmem>>, vector<16xi32>,
      %and3A_289 = arith.constant 16383 : i32
      %and3A_290 = vector.broadcast %and3A_289 : i32 to vector<16xi32>
      %and3A_291 = arith.andi %get3A_283, %and3A_290 : vector<16xi32>
      %swap3A_292 = arith.constant 64 : index
      %swap3A_293 = tpu.vector_load %arg10[%swap3A_292] {strides = array<i32>} : memref<128xi32, #tpu.memory_space<vmem>>, vector<16xi32>,
      tpu.vector_store %arg10[%swap3A_292], %and3A_291 {strides = array<i32>} : memref<128xi32, #tpu.memory_space<vmem>>, vector<16xi32>,
      %mul3A_294 = arith.constant 64 : i32
      %mul3A_295 = arith.muli %add3A_277, %mul3A_294 : i32
      %add3A_296 = arith.constant 16 : i32
      %add3A_297 = arith.addi %mul3A_295, %add3A_296 : i32
      %get3A_298 = arith.index_cast %add3A_297 : i32 to index
      %get3A_299 = tpu.vector_load %arg8[%get3A_298] {strides = array<i32>} : memref<10112xi32, #tpu.memory_space<vmem>>, vector<16xi32>,
      %shift_right_logical3A_300 = arith.constant 14 : i32
      %shift_right_logical3A_301 = vector.broadcast %shift_right_logical3A_300 : i32 to vector<16xi32>
      %shift_right_logical3A_302 = arith.shrui %get3A_299, %shift_right_logical3A_301 : vector<16xi32>
      %swap3A_303 = arith.constant 80 : index
      %swap3A_304 = tpu.vector_load %arg9[%swap3A_303] {strides = array<i32>} : memref<128xi32, #tpu.memory_space<vmem>>, vector<16xi32>,
      tpu.vector_store %arg9[%swap3A_303], %shift_right_logical3A_302 {strides = array<i32>} : memref<128xi32, #tpu.memory_space<vmem>>, vector<16xi32>,
      %and3A_305 = arith.constant 16383 : i32
      %and3A_306 = vector.broadcast %and3A_305 : i32 to vector<16xi32>
      %and3A_307 = arith.andi %get3A_299, %and3A_306 : vector<16xi32>
      %swap3A_308 = arith.constant 80 : index
      %swap3A_309 = tpu.vector_load %arg10[%swap3A_308] {strides = array<i32>} : memref<128xi32, #tpu.memory_space<vmem>>, vector<16xi32>,
      tpu.vector_store %arg10[%swap3A_308], %and3A_307 {strides = array<i32>} : memref<128xi32, #tpu.memory_space<vmem>>, vector<16xi32>,
      %mul3A_310 = arith.constant 64 : i32
      %mul3A_311 = arith.muli %add3A_277, %mul3A_310 : i32
      %add3A_312 = arith.constant 32 : i32
      %add3A_313 = arith.addi %mul3A_311, %add3A_312 : i32
      %get3A_314 = arith.index_cast %add3A_313 : i32 to index
      %get3A_315 = tpu.vector_load %arg8[%get3A_314] {strides = array<i32>} : memref<10112xi32, #tpu.memory_space<vmem>>, vector<16xi32>,
      %shift_right_logical3A_316 = arith.constant 14 : i32
      %shift_right_logical3A_317 = vector.broadcast %shift_right_logical3A_316 : i32 to vector<16xi32>
      %shift_right_logical3A_318 = arith.shrui %get3A_315, %shift_right_logical3A_317 : vector<16xi32>
      %swap3A_319 = arith.constant 96 : index
      %swap3A_320 = tpu.vector_load %arg9[%swap3A_319] {strides = array<i32>} : memref<128xi32, #tpu.memory_space<vmem>>, vector<16xi32>,
      tpu.vector_store %arg9[%swap3A_319], %shift_right_logical3A_318 {strides = array<i32>} : memref<128xi32, #tpu.memory_space<vmem>>, vector<16xi32>,
      %and3A_321 = arith.constant 16383 : i32
      %and3A_322 = vector.broadcast %and3A_321 : i32 to vector<16xi32>
      %and3A_323 = arith.andi %get3A_315, %and3A_322 : vector<16xi32>
      %swap3A_324 = arith.constant 96 : index
      %swap3A_325 = tpu.vector_load %arg10[%swap3A_324] {strides = array<i32>} : memref<128xi32, #tpu.memory_space<vmem>>, vector<16xi32>,
      tpu.vector_store %arg10[%swap3A_324], %and3A_323 {strides = array<i32>} : memref<128xi32, #tpu.memory_space<vmem>>, vector<16xi32>,
      %mul3A_326 = arith.constant 64 : i32
      %mul3A_327 = arith.muli %add3A_277, %mul3A_326 : i32
      %add3A_328 = arith.constant 48 : i32
      %add3A_329 = arith.addi %mul3A_327, %add3A_328 : i32
      %get3A_330 = arith.index_cast %add3A_329 : i32 to index
      %get3A_331 = tpu.vector_load %arg8[%get3A_330] {strides = array<i32>} : memref<10112xi32, #tpu.memory_space<vmem>>, vector<16xi32>,
      %shift_right_logical3A_332 = arith.constant 14 : i32
      %shift_right_logical3A_333 = vector.broadcast %shift_right_logical3A_332 : i32 to vector<16xi32>
      %shift_right_logical3A_334 = arith.shrui %get3A_331, %shift_right_logical3A_333 : vector<16xi32>
      %swap3A_335 = arith.constant 112 : index
      %swap3A_336 = tpu.vector_load %arg9[%swap3A_335] {strides = array<i32>} : memref<128xi32, #tpu.memory_space<vmem>>, vector<16xi32>,
      tpu.vector_store %arg9[%swap3A_335], %shift_right_logical3A_334 {strides = array<i32>} : memref<128xi32, #tpu.memory_space<vmem>>, vector<16xi32>,
      %and3A_337 = arith.constant 16383 : i32
      %and3A_338 = vector.broadcast %and3A_337 : i32 to vector<16xi32>
      %and3A_339 = arith.andi %get3A_331, %and3A_338 : vector<16xi32>
      %swap3A_340 = arith.constant 112 : index
      %swap3A_341 = tpu.vector_load %arg10[%swap3A_340] {strides = array<i32>} : memref<128xi32, #tpu.memory_space<vmem>>, vector<16xi32>,
      tpu.vector_store %arg10[%swap3A_340], %and3A_339 {strides = array<i32>} : memref<128xi32, #tpu.memory_space<vmem>>, vector<16xi32>,
      %dma_start3A = arith.constant 0 : i32
      %dma_start3A_342 = tpu.memref_slice %arg10[%dma_start3A] : memref<128xi32, #tpu.memory_space<vmem>> -> memref<64xi32, #tpu.memory_space<vmem>>
      %dma_start3A_343 = arith.constant 0 : i32
      %dma_start3A_344 = arith.constant 0 : i32
      %dma_start3A_345 = tpu.memref_slice %arg5[%dma_start3A_343, %dma_start3A_344] : memref<10000x128xf32, #tpu.memory_space<hbm>> -> memref<10000x128xf32, #tpu.memory_space<hbm>>
      tpu.enqueue_indirect_dma source(%dma_start3A_345 : memref<10000x128xf32, #tpu.memory_space<hbm>>) target(%arg11 : memref<64x128xf32, #tpu.memory_space<vmem>>) offsets(%dma_start3A_342 : memref<64xi32, #tpu.memory_space<vmem>>) semaphore(%arg14 : memref<!tpu.dma_semaphore, #tpu.memory_space<semaphore_mem>>)
      %dma_start3A_346 = arith.constant 64 : i32
      %dma_start3A_347 = tpu.memref_slice %arg10[%dma_start3A_346] : memref<128xi32, #tpu.memory_space<vmem>> -> memref<64xi32, #tpu.memory_space<vmem>>
      %dma_start3A_348 = arith.constant 0 : i32
      %dma_start3A_349 = arith.constant 0 : i32
      %dma_start3A_350 = tpu.memref_slice %arg5[%dma_start3A_348, %dma_start3A_349] : memref<10000x128xf32, #tpu.memory_space<hbm>> -> memref<10000x128xf32, #tpu.memory_space<hbm>>
      tpu.enqueue_indirect_dma source(%dma_start3A_350 : memref<10000x128xf32, #tpu.memory_space<hbm>>) target(%arg12 : memref<64x128xf32, #tpu.memory_space<vmem>>) offsets(%dma_start3A_347 : memref<64xi32, #tpu.memory_space<vmem>>) semaphore(%arg15 : memref<!tpu.dma_semaphore, #tpu.memory_space<semaphore_mem>>)
      %dma_wait3A = arith.constant 0 : i32
      %dma_wait3A_351 = tpu.memref_slice %arg10[%dma_wait3A] : memref<128xi32, #tpu.memory_space<vmem>> -> memref<64xi32, #tpu.memory_space<vmem>>
      %dma_wait3A_352 = arith.constant 0 : i32
      %dma_wait3A_353 = arith.constant 0 : i32
      %dma_wait3A_354 = tpu.memref_slice %arg5[%dma_wait3A_352, %dma_wait3A_353] : memref<10000x128xf32, #tpu.memory_space<hbm>> -> memref<10000x128xf32, #tpu.memory_space<hbm>>
      tpu.wait_indirect_dma semaphore(%arg14 : memref<!tpu.dma_semaphore, #tpu.memory_space<semaphore_mem>>) src(%dma_wait3A_354 : memref<10000x128xf32, #tpu.memory_space<hbm>>) dst(%arg11 : memref<64x128xf32, #tpu.memory_space<vmem>>)
      %dma_wait3A_355 = arith.constant 64 : i32
      %dma_wait3A_356 = tpu.memref_slice %arg10[%dma_wait3A_355] : memref<128xi32, #tpu.memory_space<vmem>> -> memref<64xi32, #tpu.memory_space<vmem>>
      %dma_wait3A_357 = arith.constant 0 : i32
      %dma_wait3A_358 = arith.constant 0 : i32
      %dma_wait3A_359 = tpu.memref_slice %arg5[%dma_wait3A_357, %dma_wait3A_358] : memref<10000x128xf32, #tpu.memory_space<hbm>> -> memref<10000x128xf32, #tpu.memory_space<hbm>>
      tpu.wait_indirect_dma semaphore(%arg15 : memref<!tpu.dma_semaphore, #tpu.memory_space<semaphore_mem>>) src(%dma_wait3A_359 : memref<10000x128xf32, #tpu.memory_space<hbm>>) dst(%arg12 : memref<64x128xf32, #tpu.memory_space<vmem>>)
      "tpu.region"() ({
        %run_scoped3A = tpu.sem_alloc : memref<!tpu.dma_semaphore, #tpu.memory_space<semaphore_mem>>
        %dma_start3A_361 = arith.constant 0 : i32
        %dma_start3A_362 = tpu.memref_slice %arg9[%dma_start3A_361] : memref<128xi32, #tpu.memory_space<vmem>> -> memref<64xi32, #tpu.memory_space<vmem>>
        %dma_start3A_363 = arith.constant 0 : i32
        %dma_start3A_364 = arith.constant 0 : i32
        %dma_start3A_365 = tpu.memref_slice %arg13[%dma_start3A_363, %dma_start3A_364] : memref<10112x128xf32, #tpu.memory_space<vmem_shared>> -> memref<10112x128xf32, #tpu.memory_space<vmem_shared>>
        tpu.enqueue_indirect_dma source(%arg11 : memref<64x128xf32, #tpu.memory_space<vmem>>) target(%dma_start3A_365 : memref<10112x128xf32, #tpu.memory_space<vmem_shared>>) offsets(%dma_start3A_362 : memref<64xi32, #tpu.memory_space<vmem>>) semaphore(%run_scoped3A : memref<!tpu.dma_semaphore, #tpu.memory_space<semaphore_mem>>) {add = true}
        %dma_wait3A_366 = arith.constant 0 : i32
        %dma_wait3A_367 = tpu.memref_slice %arg9[%dma_wait3A_366] : memref<128xi32, #tpu.memory_space<vmem>> -> memref<64xi32, #tpu.memory_space<vmem>>
        %dma_wait3A_368 = arith.constant 0 : i32
        %dma_wait3A_369 = arith.constant 0 : i32
        %dma_wait3A_370 = tpu.memref_slice %arg13[%dma_wait3A_368, %dma_wait3A_369] : memref<10112x128xf32, #tpu.memory_space<vmem_shared>> -> memref<10112x128xf32, #tpu.memory_space<vmem_shared>>
        tpu.wait_indirect_dma semaphore(%run_scoped3A : memref<!tpu.dma_semaphore, #tpu.memory_space<semaphore_mem>>) src(%arg11 : memref<64x128xf32, #tpu.memory_space<vmem>>) dst(%dma_wait3A_370 : memref<10112x128xf32, #tpu.memory_space<vmem_shared>>)
        tpu.yield
      }) : () -> ()
      "tpu.region"() ({
        %run_scoped3A = tpu.sem_alloc : memref<!tpu.dma_semaphore, #tpu.memory_space<semaphore_mem>>
        %dma_start3A_361 = arith.constant 64 : i32
        %dma_start3A_362 = tpu.memref_slice %arg9[%dma_start3A_361] : memref<128xi32, #tpu.memory_space<vmem>> -> memref<64xi32, #tpu.memory_space<vmem>>
        %dma_start3A_363 = arith.constant 0 : i32
        %dma_start3A_364 = arith.constant 0 : i32
        %dma_start3A_365 = tpu.memref_slice %arg13[%dma_start3A_363, %dma_start3A_364] : memref<10112x128xf32, #tpu.memory_space<vmem_shared>> -> memref<10112x128xf32, #tpu.memory_space<vmem_shared>>
        tpu.enqueue_indirect_dma source(%arg12 : memref<64x128xf32, #tpu.memory_space<vmem>>) target(%dma_start3A_365 : memref<10112x128xf32, #tpu.memory_space<vmem_shared>>) offsets(%dma_start3A_362 : memref<64xi32, #tpu.memory_space<vmem>>) semaphore(%run_scoped3A : memref<!tpu.dma_semaphore, #tpu.memory_space<semaphore_mem>>) {add = true}
        %dma_wait3A_366 = arith.constant 64 : i32
        %dma_wait3A_367 = tpu.memref_slice %arg9[%dma_wait3A_366] : memref<128xi32, #tpu.memory_space<vmem>> -> memref<64xi32, #tpu.memory_space<vmem>>
        %dma_wait3A_368 = arith.constant 0 : i32
        %dma_wait3A_369 = arith.constant 0 : i32
        %dma_wait3A_370 = tpu.memref_slice %arg13[%dma_wait3A_368, %dma_wait3A_369] : memref<10112x128xf32, #tpu.memory_space<vmem_shared>> -> memref<10112x128xf32, #tpu.memory_space<vmem_shared>>
        tpu.wait_indirect_dma semaphore(%run_scoped3A : memref<!tpu.dma_semaphore, #tpu.memory_space<semaphore_mem>>) src(%arg12 : memref<64x128xf32, #tpu.memory_space<vmem>>) dst(%dma_wait3A_370 : memref<10112x128xf32, #tpu.memory_space<vmem_shared>>)
        tpu.yield
      }) : () -> ()
      %scan3A_360 = arith.constant 0 : i32
      scf.yield %scan3A_360 : i32
    }
    %scan3A_197 = arith.constant 79 : i32
    %barrier3A_198 = arith.constant 0 : index
    tpu.barrier barrier_id(%barrier3A_198)
    %eq3A_199 = arith.constant 0 : i32
    %eq3A_200 = arith.cmpi eq, %arg0, %eq3A_199 : i32
    %convert_element_type3A_201 = arith.extui %eq3A_200 : i1 to i32
    %cond3A_202 = arith.constant 3 : i32
    %cond3A_203 = arith.constant 0 : i32
    %cond3A_204 = arith.cmpi ne, %convert_element_type3A_201, %cond3A_203 : i32
    scf.if %cond3A_204 {
      %run_scoped3A = arith.constant 0 : i32
      "tpu.region"() ({
        %run_scoped3A_212 = tpu.sem_alloc : memref<!tpu.dma_semaphore, #tpu.memory_space<semaphore_mem>>
        %dma_start3A = arith.constant 0 : i32
        %dma_start3A_213 = arith.constant 0 : i32
        %dma_start3A_214 = arith.constant 0 : i32
        %dma_start3A_215 = tpu.memref_slice %arg7[%cond3A_202, %dma_start3A, %dma_start3A_213, %dma_start3A_214] : memref<4x2x10112x128xf32, #tpu.memory_space<hbm>> -> memref<1x2x10112x128xf32, #tpu.memory_space<hbm>>
        %dma_start3A_216 = tpu.memref_squeeze %dma_start3A_215 : memref<1x2x10112x128xf32, #tpu.memory_space<hbm>> -> memref<2x10112x128xf32, #tpu.memory_space<hbm>>
        %dma_start3A_217 = arith.constant 0 : i32
        %dma_start3A_218 = tpu.memref_slice %dma_start3A_216[%run_scoped3A, %mul3A_0, %dma_start3A_217] : memref<2x10112x128xf32, #tpu.memory_space<hbm>> -> memref<1x632x128xf32, #tpu.memory_space<hbm>>
        %dma_start3A_219 = tpu.memref_squeeze %dma_start3A_218 : memref<1x632x128xf32, #tpu.memory_space<hbm>> -> memref<632x128xf32, #tpu.memory_space<hbm>>
        %dma_start3A_220 = arith.constant 0 : i32
        %dma_start3A_221 = tpu.memref_slice %arg13[%mul3A_0, %dma_start3A_220] : memref<10112x128xf32, #tpu.memory_space<vmem_shared>> -> memref<632x128xf32, #tpu.memory_space<vmem_shared>>
        tpu.enqueue_dma source(%dma_start3A_221 : memref<632x128xf32, #tpu.memory_space<vmem_shared>>) target(%dma_start3A_219 : memref<632x128xf32, #tpu.memory_space<hbm>>) target_semaphore(%run_scoped3A_212 : memref<!tpu.dma_semaphore, #tpu.memory_space<semaphore_mem>>)
        %dma_wait3A = arith.constant 0 : i32
        %dma_wait3A_222 = arith.constant 0 : i32
        %dma_wait3A_223 = arith.constant 0 : i32
        %dma_wait3A_224 = tpu.memref_slice %arg7[%cond3A_202, %dma_wait3A, %dma_wait3A_222, %dma_wait3A_223] : memref<4x2x10112x128xf32, #tpu.memory_space<hbm>> -> memref<1x2x10112x128xf32, #tpu.memory_space<hbm>>
        %dma_wait3A_225 = tpu.memref_squeeze %dma_wait3A_224 : memref<1x2x10112x128xf32, #tpu.memory_space<hbm>> -> memref<2x10112x128xf32, #tpu.memory_space<hbm>>
        %dma_wait3A_226 = arith.constant 0 : i32
        %dma_wait3A_227 = tpu.memref_slice %dma_wait3A_225[%run_scoped3A, %mul3A_0, %dma_wait3A_226] : memref<2x10112x128xf32, #tpu.memory_space<hbm>> -> memref<1x632x128xf32, #tpu.memory_space<hbm>>
        %dma_wait3A_228 = tpu.memref_squeeze %dma_wait3A_227 : memref<1x632x128xf32, #tpu.memory_space<hbm>> -> memref<632x128xf32, #tpu.memory_space<hbm>>
        %dma_wait3A_229 = arith.constant 0 : i32
        %dma_wait3A_230 = tpu.memref_slice %arg13[%mul3A_0, %dma_wait3A_229] : memref<10112x128xf32, #tpu.memory_space<vmem_shared>> -> memref<632x128xf32, #tpu.memory_space<vmem_shared>>
        tpu.wait_dma2 semaphore(%run_scoped3A_212 : memref<!tpu.dma_semaphore, #tpu.memory_space<semaphore_mem>>) src(%dma_wait3A_230 : memref<632x128xf32, #tpu.memory_space<vmem_shared>>) dst(%dma_wait3A_228 : memref<632x128xf32, #tpu.memory_space<hbm>>)
        tpu.yield
      }) : () -> ()
    } else {
    }
    %eq3A_205 = arith.constant 1 : i32
    %eq3A_206 = arith.cmpi eq, %arg0, %eq3A_205 : i32
    %convert_element_type3A_207 = arith.extui %eq3A_206 : i1 to i32
    %cond3A_208 = arith.constant 3 : i32
    %cond3A_209 = arith.constant 0 : i32
    %cond3A_210 = arith.cmpi ne, %convert_element_type3A_207, %cond3A_209 : i32
    scf.if %cond3A_210 {
      %run_scoped3A = arith.constant 1 : i32
      "tpu.region"() ({
        %run_scoped3A_212 = tpu.sem_alloc : memref<!tpu.dma_semaphore, #tpu.memory_space<semaphore_mem>>
        %dma_start3A = arith.constant 0 : i32
        %dma_start3A_213 = arith.constant 0 : i32
        %dma_start3A_214 = arith.constant 0 : i32
        %dma_start3A_215 = tpu.memref_slice %arg7[%cond3A_208, %dma_start3A, %dma_start3A_213, %dma_start3A_214] : memref<4x2x10112x128xf32, #tpu.memory_space<hbm>> -> memref<1x2x10112x128xf32, #tpu.memory_space<hbm>>
        %dma_start3A_216 = tpu.memref_squeeze %dma_start3A_215 : memref<1x2x10112x128xf32, #tpu.memory_space<hbm>> -> memref<2x10112x128xf32, #tpu.memory_space<hbm>>
        %dma_start3A_217 = arith.constant 0 : i32
        %dma_start3A_218 = tpu.memref_slice %dma_start3A_216[%run_scoped3A, %mul3A_0, %dma_start3A_217] : memref<2x10112x128xf32, #tpu.memory_space<hbm>> -> memref<1x632x128xf32, #tpu.memory_space<hbm>>
        %dma_start3A_219 = tpu.memref_squeeze %dma_start3A_218 : memref<1x632x128xf32, #tpu.memory_space<hbm>> -> memref<632x128xf32, #tpu.memory_space<hbm>>
        %dma_start3A_220 = arith.constant 0 : i32
        %dma_start3A_221 = tpu.memref_slice %arg13[%mul3A_0, %dma_start3A_220] : memref<10112x128xf32, #tpu.memory_space<vmem_shared>> -> memref<632x128xf32, #tpu.memory_space<vmem_shared>>
        tpu.enqueue_dma source(%dma_start3A_221 : memref<632x128xf32, #tpu.memory_space<vmem_shared>>) target(%dma_start3A_219 : memref<632x128xf32, #tpu.memory_space<hbm>>) target_semaphore(%run_scoped3A_212 : memref<!tpu.dma_semaphore, #tpu.memory_space<semaphore_mem>>)
        %dma_wait3A = arith.constant 0 : i32
        %dma_wait3A_222 = arith.constant 0 : i32
        %dma_wait3A_223 = arith.constant 0 : i32
        %dma_wait3A_224 = tpu.memref_slice %arg7[%cond3A_208, %dma_wait3A, %dma_wait3A_222, %dma_wait3A_223] : memref<4x2x10112x128xf32, #tpu.memory_space<hbm>> -> memref<1x2x10112x128xf32, #tpu.memory_space<hbm>>
        %dma_wait3A_225 = tpu.memref_squeeze %dma_wait3A_224 : memref<1x2x10112x128xf32, #tpu.memory_space<hbm>> -> memref<2x10112x128xf32, #tpu.memory_space<hbm>>
        %dma_wait3A_226 = arith.constant 0 : i32
        %dma_wait3A_227 = tpu.memref_slice %dma_wait3A_225[%run_scoped3A, %mul3A_0, %dma_wait3A_226] : memref<2x10112x128xf32, #tpu.memory_space<hbm>> -> memref<1x632x128xf32, #tpu.memory_space<hbm>>
        %dma_wait3A_228 = tpu.memref_squeeze %dma_wait3A_227 : memref<1x632x128xf32, #tpu.memory_space<hbm>> -> memref<632x128xf32, #tpu.memory_space<hbm>>
        %dma_wait3A_229 = arith.constant 0 : i32
        %dma_wait3A_230 = tpu.memref_slice %arg13[%mul3A_0, %dma_wait3A_229] : memref<10112x128xf32, #tpu.memory_space<vmem_shared>> -> memref<632x128xf32, #tpu.memory_space<vmem_shared>>
        tpu.wait_dma2 semaphore(%run_scoped3A_212 : memref<!tpu.dma_semaphore, #tpu.memory_space<semaphore_mem>>) src(%dma_wait3A_230 : memref<632x128xf32, #tpu.memory_space<vmem_shared>>) dst(%dma_wait3A_228 : memref<632x128xf32, #tpu.memory_space<hbm>>)
        tpu.yield
      }) : () -> ()
    } else {
    }
    %barrier3A_211 = arith.constant 0 : index
    tpu.barrier barrier_id(%barrier3A_211)
    return
  }
}

module attributes {stable_mosaic.version = 14 : i64} {
  func.func @_tc1_body(%arg0: i32, %arg1: memref<400x128xf32, #tpu.memory_space<vmem>>, %arg2: memref<400x32xf32, #tpu.memory_space<vmem>>, %arg3: memref<400x128xf32, #tpu.memory_space<vmem>>, %arg4: memref<128x128xf32, #tpu.memory_space<vmem>>, %arg5: memref<1x128xf32, #tpu.memory_space<vmem>>, %arg6: memref<128x128xf32, #tpu.memory_space<vmem>>, %arg7: memref<1x128xf32, #tpu.memory_space<vmem>>, %arg8: memref<128x128xf32, #tpu.memory_space<vmem>>, %arg9: memref<1x128xf32, #tpu.memory_space<vmem>>, %arg10: memref<1x128xf32, #tpu.memory_space<vmem>>, %arg11: memref<400x128xf32, #tpu.memory_space<vmem>>, %arg12: memref<400x128xf32, #tpu.memory_space<vmem>>, %arg13: memref<400x128xf32, #tpu.memory_space<vmem>>, %arg14: memref<400x128xf32, #tpu.memory_space<vmem>>) attributes {dimension_semantics = [#tpu.dimension_semantics<arbitrary>], iteration_bounds = array<i64: 25>, scalar_prefetch = 0 : i64, scratch_operands = 0 : i64, tpu.core_type = #tpu.core_type<tc>, window_params = [{transform_indices = @transform_0, window_bounds = array<i64: 400, 128>}, {transform_indices = @transform_1, window_bounds = array<i64: 400, 32>}, {transform_indices = @transform_2, window_bounds = array<i64: 400, 128>}, {pipeline_mode = #tpu.pipeline_mode<synchronous>, transform_indices = @transform_3, window_bounds = array<i64: 128, 128>}, {pipeline_mode = #tpu.pipeline_mode<synchronous>, transform_indices = @transform_4, window_bounds = array<i64: 1, 128>}, {pipeline_mode = #tpu.pipeline_mode<synchronous>, transform_indices = @transform_5, window_bounds = array<i64: 128, 128>}, {pipeline_mode = #tpu.pipeline_mode<synchronous>, transform_indices = @transform_6, window_bounds = array<i64: 1, 128>}, {pipeline_mode = #tpu.pipeline_mode<synchronous>, transform_indices = @transform_7, window_bounds = array<i64: 128, 128>}, {pipeline_mode = #tpu.pipeline_mode<synchronous>, transform_indices = @transform_8, window_bounds = array<i64: 1, 128>}, {pipeline_mode = #tpu.pipeline_mode<synchronous>, transform_indices = @transform_9, window_bounds = array<i64: 1, 128>}, {transform_indices = @transform_10, window_bounds = array<i64: 400, 128>}, {transform_indices = @transform_11, window_bounds = array<i64: 400, 128>}, {transform_indices = @transform_12, window_bounds = array<i64: 400, 128>}, {transform_indices = @transform_13, window_bounds = array<i64: 400, 128>}]} {
    %get3A = arith.constant 0 : index
    %get3A_0 = arith.constant 0 : index
    %get3A_1 = vector.load %arg2[%get3A, %get3A_0] : memref<400x32xf32, #tpu.memory_space<vmem>>, vector<400x32xf32>
    %reduce_sum3A = arith.constant dense<0.000000e+00> : vector<400xf32>
    %reduce_sum3A_2 = vector.multi_reduction <add>, %get3A_1, %reduce_sum3A [1] : vector<400x32xf32> to vector<400xf32>
    %max3A = arith.constant 1.000000e+00 : f32
    %max3A_3 = vector.broadcast %max3A : f32 to vector<400xf32>
    %max3A_4 = arith.maximumf %reduce_sum3A_2, %max3A_3 : vector<400xf32>
    %rsqrt3A = math.rsqrt %max3A_4 : vector<400xf32>
    %broadcast_in_dim3A = vector.shape_cast %rsqrt3A : vector<400xf32> to vector<400x1xf32>
    %get3A_5 = arith.constant 0 : index
    %get3A_6 = arith.constant 0 : index
    %get3A_7 = vector.load %arg1[%get3A_5, %get3A_6] : memref<400x128xf32, #tpu.memory_space<vmem>>, vector<400x128xf32>
    %get3A_8 = arith.constant 0 : index
    %get3A_9 = arith.constant 0 : index
    %get3A_10 = vector.load %arg4[%get3A_8, %get3A_9] : memref<128x128xf32, #tpu.memory_space<vmem>>, vector<128x128xf32>
    %dot_general3A = arith.constant dense<0.000000e+00> : vector<400x128xf32>
    %dot_general3A_11 = tpu.matmul %get3A_7, %get3A_10, %dot_general3A {dimension_numbers = #tpu.dot_dimension_numbers<[1], [0], [0], [1], [0, 0, 1, 1], [], []>, transpose_lhs_hint = false} : vector<400x128xf32>, vector<128x128xf32>, vector<400x128xf32> -> vector<400x128xf32>
    %get3A_12 = arith.constant 0 : index
    %get3A_13 = arith.constant 0 : index
    %get3A_14 = vector.load %arg5[%get3A_12, %get3A_13] : memref<1x128xf32, #tpu.memory_space<vmem>>, vector<1x128xf32>
    %add3A = vector.broadcast %get3A_14 : vector<1x128xf32> to vector<400x128xf32>
    %add3A_15 = arith.addf %dot_general3A_11, %add3A : vector<400x128xf32>
    %reduce_sum3A_16 = arith.constant dense<0.000000e+00> : vector<400xf32>
    %reduce_sum3A_17 = vector.multi_reduction <add>, %add3A_15, %reduce_sum3A_16 [1] : vector<400x128xf32> to vector<400xf32>
    %broadcast_in_dim3A_18 = vector.shape_cast %reduce_sum3A_17 : vector<400xf32> to vector<400x1xf32>
    %div3A = arith.constant 1.280000e+02 : f32
    %div3A_19 = vector.broadcast %div3A : f32 to vector<400x1xf32>
    %div3A_20 = arith.divf %broadcast_in_dim3A_18, %div3A_19 : vector<400x1xf32>
    %sub3A = vector.broadcast %div3A_20 : vector<400x1xf32> to vector<400x128xf32>
    %sub3A_21 = arith.subf %add3A_15, %sub3A : vector<400x128xf32>
    %integer_pow3A = arith.mulf %sub3A_21, %sub3A_21 : vector<400x128xf32>
    %reduce_sum3A_22 = arith.constant dense<0.000000e+00> : vector<400xf32>
    %reduce_sum3A_23 = vector.multi_reduction <add>, %integer_pow3A, %reduce_sum3A_22 [1] : vector<400x128xf32> to vector<400xf32>
    %broadcast_in_dim3A_24 = vector.shape_cast %reduce_sum3A_23 : vector<400xf32> to vector<400x1xf32>
    %div3A_25 = arith.constant 1.280000e+02 : f32
    %div3A_26 = vector.broadcast %div3A_25 : f32 to vector<400x1xf32>
    %div3A_27 = arith.divf %broadcast_in_dim3A_24, %div3A_26 : vector<400x1xf32>
    %sub3A_28 = vector.broadcast %div3A_20 : vector<400x1xf32> to vector<400x128xf32>
    %sub3A_29 = arith.subf %add3A_15, %sub3A_28 : vector<400x128xf32>
    %add3A_30 = arith.constant 9.99999974E-6 : f32
    %add3A_31 = vector.broadcast %add3A_30 : f32 to vector<400x1xf32>
    %add3A_32 = arith.addf %div3A_27, %add3A_31 : vector<400x1xf32>
    %rsqrt3A_33 = math.rsqrt %add3A_32 : vector<400x1xf32>
    %mul3A = vector.broadcast %rsqrt3A_33 : vector<400x1xf32> to vector<400x128xf32>
    %mul3A_34 = arith.mulf %sub3A_29, %mul3A : vector<400x128xf32>
    %get3A_35 = arith.constant 0 : index
    %get3A_36 = arith.constant 0 : index
    %get3A_37 = vector.load %arg6[%get3A_35, %get3A_36] : memref<128x128xf32, #tpu.memory_space<vmem>>, vector<128x128xf32>
    %dot_general3A_38 = arith.constant dense<0.000000e+00> : vector<400x128xf32>
    %dot_general3A_39 = tpu.matmul %mul3A_34, %get3A_37, %dot_general3A_38 {dimension_numbers = #tpu.dot_dimension_numbers<[1], [0], [0], [1], [0, 0, 1, 1], [], []>, transpose_lhs_hint = false} : vector<400x128xf32>, vector<128x128xf32>, vector<400x128xf32> -> vector<400x128xf32>
    %get3A_40 = arith.constant 0 : index
    %get3A_41 = arith.constant 0 : index
    %get3A_42 = vector.load %arg7[%get3A_40, %get3A_41] : memref<1x128xf32, #tpu.memory_space<vmem>>, vector<1x128xf32>
    %add3A_43 = vector.broadcast %get3A_42 : vector<1x128xf32> to vector<400x128xf32>
    %add3A_44 = arith.addf %dot_general3A_39, %add3A_43 : vector<400x128xf32>
    %logistic3A = arith.negf %add3A_44 : vector<400x128xf32>
    %logistic3A_45 = math.exp %logistic3A : vector<400x128xf32>
    %logistic3A_46 = arith.constant 1.000000e+00 : f32
    %logistic3A_47 = vector.broadcast %logistic3A_46 : f32 to vector<400x128xf32>
    %logistic3A_48 = arith.addf %logistic3A_47, %logistic3A_45 : vector<400x128xf32>
    %logistic3A_49 = arith.divf %logistic3A_47, %logistic3A_48 : vector<400x128xf32>
    %mul3A_50 = arith.mulf %add3A_44, %logistic3A_49 : vector<400x128xf32>
    %mul3A_51 = vector.broadcast %broadcast_in_dim3A : vector<400x1xf32> to vector<400x128xf32>
    %mul3A_52 = arith.mulf %mul3A_51, %mul3A_50 : vector<400x128xf32>
    %swap3A = arith.constant 0 : index
    %swap3A_53 = arith.constant 0 : index
    %swap3A_54 = vector.load %arg11[%swap3A, %swap3A_53] : memref<400x128xf32, #tpu.memory_space<vmem>>, vector<400x128xf32>
    tpu.vector_store %arg11[%swap3A, %swap3A_53], %mul3A_52 {strides = array<i32>} : memref<400x128xf32, #tpu.memory_space<vmem>>, vector<400x128xf32>,
    %get3A_55 = arith.constant 0 : index
    %get3A_56 = arith.constant 0 : index
    %get3A_57 = vector.load %arg8[%get3A_55, %get3A_56] : memref<128x128xf32, #tpu.memory_space<vmem>>, vector<128x128xf32>
    %dot_general3A_58 = arith.constant dense<0.000000e+00> : vector<400x128xf32>
    %dot_general3A_59 = tpu.matmul %mul3A_34, %get3A_57, %dot_general3A_58 {dimension_numbers = #tpu.dot_dimension_numbers<[1], [0], [0], [1], [0, 0, 1, 1], [], []>, transpose_lhs_hint = false} : vector<400x128xf32>, vector<128x128xf32>, vector<400x128xf32> -> vector<400x128xf32>
    %get3A_60 = arith.constant 0 : index
    %get3A_61 = arith.constant 0 : index
    %get3A_62 = vector.load %arg9[%get3A_60, %get3A_61] : memref<1x128xf32, #tpu.memory_space<vmem>>, vector<1x128xf32>
    %add3A_63 = vector.broadcast %get3A_62 : vector<1x128xf32> to vector<400x128xf32>
    %add3A_64 = arith.addf %dot_general3A_59, %add3A_63 : vector<400x128xf32>
    %get3A_65 = arith.constant 0 : index
    %get3A_66 = arith.constant 0 : index
    %get3A_67 = vector.load %arg3[%get3A_65, %get3A_66] : memref<400x128xf32, #tpu.memory_space<vmem>>, vector<400x128xf32>
    %slice3A = vector.extract_strided_slice %add3A_64 {offsets = [0, 0], sizes = [400, 1], strides = [1, 1]} : vector<400x128xf32> to vector<400x1xf32>
    %mul3A_68 = vector.broadcast %slice3A : vector<400x1xf32> to vector<400x128xf32>
    %mul3A_69 = arith.mulf %mul3A_68, %get3A_67 : vector<400x128xf32>
    %get3A_70 = arith.constant 0 : index
    %get3A_71 = arith.constant 0 : index
    %get3A_72 = vector.load %arg10[%get3A_70, %get3A_71] : memref<1x128xf32, #tpu.memory_space<vmem>>, vector<1x1xf32>
    %get3A_73 = vector.extract %get3A_72[0, 0] : f32 from vector<1x1xf32>
    %add3A_74 = vector.broadcast %get3A_73 : f32 to vector<400x128xf32>
    %add3A_75 = arith.addf %mul3A_69, %add3A_74 : vector<400x128xf32>
    %logistic3A_76 = arith.negf %add3A_75 : vector<400x128xf32>
    %logistic3A_77 = math.exp %logistic3A_76 : vector<400x128xf32>
    %logistic3A_78 = arith.constant 1.000000e+00 : f32
    %logistic3A_79 = vector.broadcast %logistic3A_78 : f32 to vector<400x128xf32>
    %logistic3A_80 = arith.addf %logistic3A_79, %logistic3A_77 : vector<400x128xf32>
    %logistic3A_81 = arith.divf %logistic3A_79, %logistic3A_80 : vector<400x128xf32>
    %mul3A_82 = arith.mulf %add3A_75, %logistic3A_81 : vector<400x128xf32>
    %mul3A_83 = vector.broadcast %broadcast_in_dim3A : vector<400x1xf32> to vector<400x128xf32>
    %mul3A_84 = arith.mulf %mul3A_83, %mul3A_82 : vector<400x128xf32>
    %swap3A_85 = arith.constant 0 : index
    %swap3A_86 = arith.constant 0 : index
    %swap3A_87 = vector.load %arg12[%swap3A_85, %swap3A_86] : memref<400x128xf32, #tpu.memory_space<vmem>>, vector<400x128xf32>
    tpu.vector_store %arg12[%swap3A_85, %swap3A_86], %mul3A_84 {strides = array<i32>} : memref<400x128xf32, #tpu.memory_space<vmem>>, vector<400x128xf32>,
    %slice3A_88 = vector.extract_strided_slice %add3A_64 {offsets = [0, 1], sizes = [400, 1], strides = [1, 1]} : vector<400x128xf32> to vector<400x1xf32>
    %mul3A_89 = vector.broadcast %slice3A_88 : vector<400x1xf32> to vector<400x128xf32>
    %mul3A_90 = arith.mulf %mul3A_89, %get3A_67 : vector<400x128xf32>
    %get3A_91 = arith.constant 0 : index
    %get3A_92 = arith.constant 1 : index
    %get3A_93 = vector.load %arg10[%get3A_91, %get3A_92] : memref<1x128xf32, #tpu.memory_space<vmem>>, vector<1x1xf32>
    %get3A_94 = vector.extract %get3A_93[0, 0] : f32 from vector<1x1xf32>
    %add3A_95 = vector.broadcast %get3A_94 : f32 to vector<400x128xf32>
    %add3A_96 = arith.addf %mul3A_90, %add3A_95 : vector<400x128xf32>
    %logistic3A_97 = arith.negf %add3A_96 : vector<400x128xf32>
    %logistic3A_98 = math.exp %logistic3A_97 : vector<400x128xf32>
    %logistic3A_99 = arith.constant 1.000000e+00 : f32
    %logistic3A_100 = vector.broadcast %logistic3A_99 : f32 to vector<400x128xf32>
    %logistic3A_101 = arith.addf %logistic3A_100, %logistic3A_98 : vector<400x128xf32>
    %logistic3A_102 = arith.divf %logistic3A_100, %logistic3A_101 : vector<400x128xf32>
    %mul3A_103 = arith.mulf %add3A_96, %logistic3A_102 : vector<400x128xf32>
    %mul3A_104 = vector.broadcast %broadcast_in_dim3A : vector<400x1xf32> to vector<400x128xf32>
    %mul3A_105 = arith.mulf %mul3A_104, %mul3A_103 : vector<400x128xf32>
    %swap3A_106 = arith.constant 0 : index
    %swap3A_107 = arith.constant 0 : index
    %swap3A_108 = vector.load %arg13[%swap3A_106, %swap3A_107] : memref<400x128xf32, #tpu.memory_space<vmem>>, vector<400x128xf32>
    tpu.vector_store %arg13[%swap3A_106, %swap3A_107], %mul3A_105 {strides = array<i32>} : memref<400x128xf32, #tpu.memory_space<vmem>>, vector<400x128xf32>,
    %slice3A_109 = vector.extract_strided_slice %add3A_64 {offsets = [0, 2], sizes = [400, 1], strides = [1, 1]} : vector<400x128xf32> to vector<400x1xf32>
    %mul3A_110 = vector.broadcast %slice3A_109 : vector<400x1xf32> to vector<400x128xf32>
    %mul3A_111 = arith.mulf %mul3A_110, %get3A_67 : vector<400x128xf32>
    %get3A_112 = arith.constant 0 : index
    %get3A_113 = arith.constant 2 : index
    %get3A_114 = vector.load %arg10[%get3A_112, %get3A_113] : memref<1x128xf32, #tpu.memory_space<vmem>>, vector<1x1xf32>
    %get3A_115 = vector.extract %get3A_114[0, 0] : f32 from vector<1x1xf32>
    %add3A_116 = vector.broadcast %get3A_115 : f32 to vector<400x128xf32>
    %add3A_117 = arith.addf %mul3A_111, %add3A_116 : vector<400x128xf32>
    %logistic3A_118 = arith.negf %add3A_117 : vector<400x128xf32>
    %logistic3A_119 = math.exp %logistic3A_118 : vector<400x128xf32>
    %logistic3A_120 = arith.constant 1.000000e+00 : f32
    %logistic3A_121 = vector.broadcast %logistic3A_120 : f32 to vector<400x128xf32>
    %logistic3A_122 = arith.addf %logistic3A_121, %logistic3A_119 : vector<400x128xf32>
    %logistic3A_123 = arith.divf %logistic3A_121, %logistic3A_122 : vector<400x128xf32>
    %mul3A_124 = arith.mulf %add3A_117, %logistic3A_123 : vector<400x128xf32>
    %mul3A_125 = vector.broadcast %broadcast_in_dim3A : vector<400x1xf32> to vector<400x128xf32>
    %mul3A_126 = arith.mulf %mul3A_125, %mul3A_124 : vector<400x128xf32>
    %swap3A_127 = arith.constant 0 : index
    %swap3A_128 = arith.constant 0 : index
    %swap3A_129 = vector.load %arg14[%swap3A_127, %swap3A_128] : memref<400x128xf32, #tpu.memory_space<vmem>>, vector<400x128xf32>
    tpu.vector_store %arg14[%swap3A_127, %swap3A_128], %mul3A_126 {strides = array<i32>} : memref<400x128xf32, #tpu.memory_space<vmem>>, vector<400x128xf32>,
    return
  }
  func.func @transform_0(%arg0: i32) -> (i32, i32) {
    %c0_i32 = arith.constant 0 : i32
    %c0_i32_0 = arith.constant 0 : i32
    return %arg0, %c0_i32 : i32, i32
  }
  func.func @transform_1(%arg0: i32) -> (i32, i32) {
    %c0_i32 = arith.constant 0 : i32
    %c0_i32_0 = arith.constant 0 : i32
    return %arg0, %c0_i32 : i32, i32
  }
  func.func @transform_2(%arg0: i32) -> (i32, i32) {
    %c0_i32 = arith.constant 0 : i32
    %c0_i32_0 = arith.constant 0 : i32
    return %arg0, %c0_i32 : i32, i32
  }
  func.func @transform_3(%arg0: i32) -> (i32, i32) {
    %c0_i32 = arith.constant 0 : i32
    %c0_i32_0 = arith.constant 0 : i32
    %c0_i32_1 = arith.constant 0 : i32
    return %c0_i32, %c0_i32_0 : i32, i32
  }
  func.func @transform_4(%arg0: i32) -> (i32, i32) {
    %c0_i32 = arith.constant 0 : i32
    %c0_i32_0 = arith.constant 0 : i32
    %c0_i32_1 = arith.constant 0 : i32
    return %c0_i32, %c0_i32_0 : i32, i32
  }
  func.func @transform_5(%arg0: i32) -> (i32, i32) {
    %c0_i32 = arith.constant 0 : i32
    %c0_i32_0 = arith.constant 0 : i32
    %c0_i32_1 = arith.constant 0 : i32
    return %c0_i32, %c0_i32_0 : i32, i32
  }
  func.func @transform_6(%arg0: i32) -> (i32, i32) {
    %c0_i32 = arith.constant 0 : i32
    %c0_i32_0 = arith.constant 0 : i32
    %c0_i32_1 = arith.constant 0 : i32
    return %c0_i32, %c0_i32_0 : i32, i32
  }
  func.func @transform_7(%arg0: i32) -> (i32, i32) {
    %c0_i32 = arith.constant 0 : i32
    %c0_i32_0 = arith.constant 0 : i32
    %c0_i32_1 = arith.constant 0 : i32
    return %c0_i32, %c0_i32_0 : i32, i32
  }
  func.func @transform_8(%arg0: i32) -> (i32, i32) {
    %c0_i32 = arith.constant 0 : i32
    %c0_i32_0 = arith.constant 0 : i32
    %c0_i32_1 = arith.constant 0 : i32
    return %c0_i32, %c0_i32_0 : i32, i32
  }
  func.func @transform_9(%arg0: i32) -> (i32, i32) {
    %c0_i32 = arith.constant 0 : i32
    %c0_i32_0 = arith.constant 0 : i32
    %c0_i32_1 = arith.constant 0 : i32
    return %c0_i32, %c0_i32_0 : i32, i32
  }
  func.func @transform_10(%arg0: i32) -> (i32, i32) {
    %c0_i32 = arith.constant 0 : i32
    %c0_i32_0 = arith.constant 0 : i32
    return %arg0, %c0_i32 : i32, i32
  }
  func.func @transform_11(%arg0: i32) -> (i32, i32) {
    %c0_i32 = arith.constant 0 : i32
    %c0_i32_0 = arith.constant 0 : i32
    return %arg0, %c0_i32 : i32, i32
  }
  func.func @transform_12(%arg0: i32) -> (i32, i32) {
    %c0_i32 = arith.constant 0 : i32
    %c0_i32_0 = arith.constant 0 : i32
    return %arg0, %c0_i32 : i32, i32
  }
  func.func @transform_13(%arg0: i32) -> (i32, i32) {
    %c0_i32 = arith.constant 0 : i32
    %c0_i32_0 = arith.constant 0 : i32
    return %arg0, %c0_i32 : i32, i32
  }
}

module attributes {stable_mosaic.version = 14 : i64} {
  func.func @_tc2_body(%arg0: i32, %arg1: memref<1x2x400x128xf32, #tpu.memory_space<vmem>>, %arg2: memref<1x2x400x128xf32, #tpu.memory_space<vmem>>, %arg3: memref<1x2x400x128xf32, #tpu.memory_space<vmem>>, %arg4: memref<1x2x400x128xf32, #tpu.memory_space<vmem>>, %arg5: memref<400x32xf32, #tpu.memory_space<vmem>>, %arg6: memref<128x128xf32, #tpu.memory_space<vmem>>, %arg7: memref<1x128xf32, #tpu.memory_space<vmem>>, %arg8: memref<128x128xf32, #tpu.memory_space<vmem>>, %arg9: memref<1x128xf32, #tpu.memory_space<vmem>>, %arg10: memref<1x128xf32, #tpu.memory_space<vmem>>, %arg11: memref<1x128xf32, #tpu.memory_space<vmem>>, %arg12: memref<16x128xf32, #tpu.memory_space<vmem>>, %arg13: memref<1x128xf32, #tpu.memory_space<vmem>>, %arg14: memref<128x128xf32, #tpu.memory_space<vmem>>, %arg15: memref<1x128xf32, #tpu.memory_space<vmem>>, %arg16: memref<400x128xf32, #tpu.memory_space<vmem>>) attributes {dimension_semantics = [#tpu.dimension_semantics<arbitrary>], iteration_bounds = array<i64: 25>, scalar_prefetch = 0 : i64, scratch_operands = 0 : i64, tpu.core_type = #tpu.core_type<tc>, window_params = [{transform_indices = @transform_0, window_bounds = array<i64: 1, 2, 400, 128>}, {transform_indices = @transform_1, window_bounds = array<i64: 1, 2, 400, 128>}, {transform_indices = @transform_2, window_bounds = array<i64: 1, 2, 400, 128>}, {transform_indices = @transform_3, window_bounds = array<i64: 1, 2, 400, 128>}, {transform_indices = @transform_4, window_bounds = array<i64: 400, 32>}, {pipeline_mode = #tpu.pipeline_mode<synchronous>, transform_indices = @transform_5, window_bounds = array<i64: 128, 128>}, {pipeline_mode = #tpu.pipeline_mode<synchronous>, transform_indices = @transform_6, window_bounds = array<i64: 1, 128>}, {pipeline_mode = #tpu.pipeline_mode<synchronous>, transform_indices = @transform_7, window_bounds = array<i64: 128, 128>}, {pipeline_mode = #tpu.pipeline_mode<synchronous>, transform_indices = @transform_8, window_bounds = array<i64: 1, 128>}, {pipeline_mode = #tpu.pipeline_mode<synchronous>, transform_indices = @transform_9, window_bounds = array<i64: 1, 128>}, {pipeline_mode = #tpu.pipeline_mode<synchronous>, transform_indices = @transform_10, window_bounds = array<i64: 1, 128>}, {pipeline_mode = #tpu.pipeline_mode<synchronous>, transform_indices = @transform_11, window_bounds = array<i64: 16, 128>}, {pipeline_mode = #tpu.pipeline_mode<synchronous>, transform_indices = @transform_12, window_bounds = array<i64: 1, 128>}, {pipeline_mode = #tpu.pipeline_mode<synchronous>, transform_indices = @transform_13, window_bounds = array<i64: 128, 128>}, {pipeline_mode = #tpu.pipeline_mode<synchronous>, transform_indices = @transform_14, window_bounds = array<i64: 1, 128>}, {transform_indices = @transform_15, window_bounds = array<i64: 400, 128>}]} {
    %get3A = arith.constant 0 : index
    %get3A_0 = arith.constant 0 : index
    %get3A_1 = vector.load %arg5[%get3A, %get3A_0] : memref<400x32xf32, #tpu.memory_space<vmem>>, vector<400x32xf32>
    %reduce_sum3A = arith.constant dense<0.000000e+00> : vector<400xf32>
    %reduce_sum3A_2 = vector.multi_reduction <add>, %get3A_1, %reduce_sum3A [1] : vector<400x32xf32> to vector<400xf32>
    %max3A = arith.constant 1.000000e+00 : f32
    %max3A_3 = vector.broadcast %max3A : f32 to vector<400xf32>
    %max3A_4 = arith.maximumf %reduce_sum3A_2, %max3A_3 : vector<400xf32>
    %rsqrt3A = math.rsqrt %max3A_4 : vector<400xf32>
    %broadcast_in_dim3A = vector.shape_cast %rsqrt3A : vector<400xf32> to vector<400x1xf32>
    %get3A_5 = arith.constant 0 : index
    %get3A_6 = arith.constant 0 : index
    %get3A_7 = arith.constant 0 : index
    %get3A_8 = arith.constant 0 : index
    %get3A_9 = vector.load %arg1[%get3A_5, %get3A_6, %get3A_7, %get3A_8] : memref<1x2x400x128xf32, #tpu.memory_space<vmem>>, vector<1x1x400x128xf32>
    %get3A_10 = vector.shape_cast %get3A_9 : vector<1x1x400x128xf32> to vector<400x128xf32>
    %get3A_11 = arith.constant 0 : index
    %get3A_12 = arith.constant 1 : index
    %get3A_13 = arith.constant 0 : index
    %get3A_14 = arith.constant 0 : index
    %get3A_15 = vector.load %arg1[%get3A_11, %get3A_12, %get3A_13, %get3A_14] : memref<1x2x400x128xf32, #tpu.memory_space<vmem>>, vector<1x1x400x128xf32>
    %get3A_16 = vector.shape_cast %get3A_15 : vector<1x1x400x128xf32> to vector<400x128xf32>
    %add3A = arith.addf %get3A_10, %get3A_16 : vector<400x128xf32>
    %mul3A = vector.broadcast %broadcast_in_dim3A : vector<400x1xf32> to vector<400x128xf32>
    %mul3A_17 = arith.mulf %mul3A, %add3A : vector<400x128xf32>
    %get3A_18 = arith.constant 0 : index
    %get3A_19 = arith.constant 0 : index
    %get3A_20 = vector.load %arg6[%get3A_18, %get3A_19] : memref<128x128xf32, #tpu.memory_space<vmem>>, vector<128x128xf32>
    %dot_general3A = arith.constant dense<0.000000e+00> : vector<400x128xf32>
    %dot_general3A_21 = tpu.matmul %mul3A_17, %get3A_20, %dot_general3A {dimension_numbers = #tpu.dot_dimension_numbers<[1], [0], [0], [1], [0, 0, 1, 1], [], []>, transpose_lhs_hint = false} : vector<400x128xf32>, vector<128x128xf32>, vector<400x128xf32> -> vector<400x128xf32>
    %get3A_22 = arith.constant 0 : index
    %get3A_23 = arith.constant 0 : index
    %get3A_24 = vector.load %arg7[%get3A_22, %get3A_23] : memref<1x128xf32, #tpu.memory_space<vmem>>, vector<1x128xf32>
    %add3A_25 = vector.broadcast %get3A_24 : vector<1x128xf32> to vector<400x128xf32>
    %add3A_26 = arith.addf %dot_general3A_21, %add3A_25 : vector<400x128xf32>
    %logistic3A = arith.negf %add3A_26 : vector<400x128xf32>
    %logistic3A_27 = math.exp %logistic3A : vector<400x128xf32>
    %logistic3A_28 = arith.constant 1.000000e+00 : f32
    %logistic3A_29 = vector.broadcast %logistic3A_28 : f32 to vector<400x128xf32>
    %logistic3A_30 = arith.addf %logistic3A_29, %logistic3A_27 : vector<400x128xf32>
    %logistic3A_31 = arith.divf %logistic3A_29, %logistic3A_30 : vector<400x128xf32>
    %mul3A_32 = arith.mulf %add3A_26, %logistic3A_31 : vector<400x128xf32>
    %get3A_33 = arith.constant 0 : index
    %get3A_34 = arith.constant 0 : index
    %get3A_35 = vector.load %arg8[%get3A_33, %get3A_34] : memref<128x128xf32, #tpu.memory_space<vmem>>, vector<128x128xf32>
    %dot_general3A_36 = arith.constant dense<0.000000e+00> : vector<400x128xf32>
    %dot_general3A_37 = tpu.matmul %mul3A_32, %get3A_35, %dot_general3A_36 {dimension_numbers = #tpu.dot_dimension_numbers<[1], [0], [0], [1], [0, 0, 1, 1], [], []>, transpose_lhs_hint = false} : vector<400x128xf32>, vector<128x128xf32>, vector<400x128xf32> -> vector<400x128xf32>
    %get3A_38 = arith.constant 0 : index
    %get3A_39 = arith.constant 0 : index
    %get3A_40 = vector.load %arg9[%get3A_38, %get3A_39] : memref<1x128xf32, #tpu.memory_space<vmem>>, vector<1x128xf32>
    %add3A_41 = vector.broadcast %get3A_40 : vector<1x128xf32> to vector<400x128xf32>
    %add3A_42 = arith.addf %dot_general3A_37, %add3A_41 : vector<400x128xf32>
    %get3A_43 = arith.constant 0 : index
    %get3A_44 = arith.constant 0 : index
    %get3A_45 = arith.constant 0 : index
    %get3A_46 = arith.constant 0 : index
    %get3A_47 = vector.load %arg2[%get3A_43, %get3A_44, %get3A_45, %get3A_46] : memref<1x2x400x128xf32, #tpu.memory_space<vmem>>, vector<1x1x400x128xf32>
    %get3A_48 = vector.shape_cast %get3A_47 : vector<1x1x400x128xf32> to vector<400x128xf32>
    %get3A_49 = arith.constant 0 : index
    %get3A_50 = arith.constant 1 : index
    %get3A_51 = arith.constant 0 : index
    %get3A_52 = arith.constant 0 : index
    %get3A_53 = vector.load %arg2[%get3A_49, %get3A_50, %get3A_51, %get3A_52] : memref<1x2x400x128xf32, #tpu.memory_space<vmem>>, vector<1x1x400x128xf32>
    %get3A_54 = vector.shape_cast %get3A_53 : vector<1x1x400x128xf32> to vector<400x128xf32>
    %add3A_55 = arith.addf %get3A_48, %get3A_54 : vector<400x128xf32>
    %mul3A_56 = vector.broadcast %broadcast_in_dim3A : vector<400x1xf32> to vector<400x128xf32>
    %mul3A_57 = arith.mulf %mul3A_56, %add3A_55 : vector<400x128xf32>
    %logistic3A_58 = arith.negf %mul3A_57 : vector<400x128xf32>
    %logistic3A_59 = math.exp %logistic3A_58 : vector<400x128xf32>
    %logistic3A_60 = arith.constant 1.000000e+00 : f32
    %logistic3A_61 = vector.broadcast %logistic3A_60 : f32 to vector<400x128xf32>
    %logistic3A_62 = arith.addf %logistic3A_61, %logistic3A_59 : vector<400x128xf32>
    %logistic3A_63 = arith.divf %logistic3A_61, %logistic3A_62 : vector<400x128xf32>
    %mul3A_64 = arith.mulf %mul3A_57, %logistic3A_63 : vector<400x128xf32>
    %get3A_65 = arith.constant 0 : index
    %get3A_66 = arith.constant 0 : index
    %get3A_67 = arith.constant 0 : index
    %get3A_68 = arith.constant 0 : index
    %get3A_69 = vector.load %arg3[%get3A_65, %get3A_66, %get3A_67, %get3A_68] : memref<1x2x400x128xf32, #tpu.memory_space<vmem>>, vector<1x1x400x128xf32>
    %get3A_70 = vector.shape_cast %get3A_69 : vector<1x1x400x128xf32> to vector<400x128xf32>
    %get3A_71 = arith.constant 0 : index
    %get3A_72 = arith.constant 1 : index
    %get3A_73 = arith.constant 0 : index
    %get3A_74 = arith.constant 0 : index
    %get3A_75 = vector.load %arg3[%get3A_71, %get3A_72, %get3A_73, %get3A_74] : memref<1x2x400x128xf32, #tpu.memory_space<vmem>>, vector<1x1x400x128xf32>
    %get3A_76 = vector.shape_cast %get3A_75 : vector<1x1x400x128xf32> to vector<400x128xf32>
    %add3A_77 = arith.addf %get3A_70, %get3A_76 : vector<400x128xf32>
    %mul3A_78 = vector.broadcast %broadcast_in_dim3A : vector<400x1xf32> to vector<400x128xf32>
    %mul3A_79 = arith.mulf %mul3A_78, %add3A_77 : vector<400x128xf32>
    %logistic3A_80 = arith.negf %mul3A_79 : vector<400x128xf32>
    %logistic3A_81 = math.exp %logistic3A_80 : vector<400x128xf32>
    %logistic3A_82 = arith.constant 1.000000e+00 : f32
    %logistic3A_83 = vector.broadcast %logistic3A_82 : f32 to vector<400x128xf32>
    %logistic3A_84 = arith.addf %logistic3A_83, %logistic3A_81 : vector<400x128xf32>
    %logistic3A_85 = arith.divf %logistic3A_83, %logistic3A_84 : vector<400x128xf32>
    %mul3A_86 = arith.mulf %mul3A_79, %logistic3A_85 : vector<400x128xf32>
    %get3A_87 = arith.constant 0 : index
    %get3A_88 = arith.constant 0 : index
    %get3A_89 = arith.constant 0 : index
    %get3A_90 = arith.constant 0 : index
    %get3A_91 = vector.load %arg4[%get3A_87, %get3A_88, %get3A_89, %get3A_90] : memref<1x2x400x128xf32, #tpu.memory_space<vmem>>, vector<1x1x400x128xf32>
    %get3A_92 = vector.shape_cast %get3A_91 : vector<1x1x400x128xf32> to vector<400x128xf32>
    %get3A_93 = arith.constant 0 : index
    %get3A_94 = arith.constant 1 : index
    %get3A_95 = arith.constant 0 : index
    %get3A_96 = arith.constant 0 : index
    %get3A_97 = vector.load %arg4[%get3A_93, %get3A_94, %get3A_95, %get3A_96] : memref<1x2x400x128xf32, #tpu.memory_space<vmem>>, vector<1x1x400x128xf32>
    %get3A_98 = vector.shape_cast %get3A_97 : vector<1x1x400x128xf32> to vector<400x128xf32>
    %add3A_99 = arith.addf %get3A_92, %get3A_98 : vector<400x128xf32>
    %mul3A_100 = vector.broadcast %broadcast_in_dim3A : vector<400x1xf32> to vector<400x128xf32>
    %mul3A_101 = arith.mulf %mul3A_100, %add3A_99 : vector<400x128xf32>
    %logistic3A_102 = arith.negf %mul3A_101 : vector<400x128xf32>
    %logistic3A_103 = math.exp %logistic3A_102 : vector<400x128xf32>
    %logistic3A_104 = arith.constant 1.000000e+00 : f32
    %logistic3A_105 = vector.broadcast %logistic3A_104 : f32 to vector<400x128xf32>
    %logistic3A_106 = arith.addf %logistic3A_105, %logistic3A_103 : vector<400x128xf32>
    %logistic3A_107 = arith.divf %logistic3A_105, %logistic3A_106 : vector<400x128xf32>
    %mul3A_108 = arith.mulf %mul3A_101, %logistic3A_107 : vector<400x128xf32>
    %get3A_109 = arith.constant 0 : index
    %get3A_110 = arith.constant 0 : index
    %get3A_111 = vector.load %arg10[%get3A_109, %get3A_110] : memref<1x128xf32, #tpu.memory_space<vmem>>, vector<1x1xf32>
    %get3A_112 = vector.extract %get3A_111[0, 0] : f32 from vector<1x1xf32>
    %mul3A_113 = vector.broadcast %get3A_112 : f32 to vector<400x128xf32>
    %mul3A_114 = arith.mulf %mul3A_64, %mul3A_113 : vector<400x128xf32>
    %get3A_115 = arith.constant 0 : index
    %get3A_116 = arith.constant 1 : index
    %get3A_117 = vector.load %arg10[%get3A_115, %get3A_116] : memref<1x128xf32, #tpu.memory_space<vmem>>, vector<1x1xf32>
    %get3A_118 = vector.extract %get3A_117[0, 0] : f32 from vector<1x1xf32>
    %mul3A_119 = vector.broadcast %get3A_118 : f32 to vector<400x128xf32>
    %mul3A_120 = arith.mulf %mul3A_86, %mul3A_119 : vector<400x128xf32>
    %add3A_121 = arith.addf %mul3A_114, %mul3A_120 : vector<400x128xf32>
    %get3A_122 = arith.constant 0 : index
    %get3A_123 = arith.constant 2 : index
    %get3A_124 = vector.load %arg10[%get3A_122, %get3A_123] : memref<1x128xf32, #tpu.memory_space<vmem>>, vector<1x1xf32>
    %get3A_125 = vector.extract %get3A_124[0, 0] : f32 from vector<1x1xf32>
    %mul3A_126 = vector.broadcast %get3A_125 : f32 to vector<400x128xf32>
    %mul3A_127 = arith.mulf %mul3A_108, %mul3A_126 : vector<400x128xf32>
    %add3A_128 = arith.addf %add3A_121, %mul3A_127 : vector<400x128xf32>
    %get3A_129 = arith.constant 0 : index
    %get3A_130 = arith.constant 0 : index
    %get3A_131 = vector.load %arg11[%get3A_129, %get3A_130] : memref<1x128xf32, #tpu.memory_space<vmem>>, vector<1x1xf32>
    %get3A_132 = vector.extract %get3A_131[0, 0] : f32 from vector<1x1xf32>
    %add3A_133 = vector.broadcast %get3A_132 : f32 to vector<400x128xf32>
    %add3A_134 = arith.addf %add3A_128, %add3A_133 : vector<400x128xf32>
    %get3A_135 = arith.constant 0 : index
    %get3A_136 = arith.constant 3 : index
    %get3A_137 = vector.load %arg10[%get3A_135, %get3A_136] : memref<1x128xf32, #tpu.memory_space<vmem>>, vector<1x1xf32>
    %get3A_138 = vector.extract %get3A_137[0, 0] : f32 from vector<1x1xf32>
    %mul3A_139 = vector.broadcast %get3A_138 : f32 to vector<400x128xf32>
    %mul3A_140 = arith.mulf %mul3A_64, %mul3A_139 : vector<400x128xf32>
    %get3A_141 = arith.constant 0 : index
    %get3A_142 = arith.constant 4 : index
    %get3A_143 = vector.load %arg10[%get3A_141, %get3A_142] : memref<1x128xf32, #tpu.memory_space<vmem>>, vector<1x1xf32>
    %get3A_144 = vector.extract %get3A_143[0, 0] : f32 from vector<1x1xf32>
    %mul3A_145 = vector.broadcast %get3A_144 : f32 to vector<400x128xf32>
    %mul3A_146 = arith.mulf %mul3A_86, %mul3A_145 : vector<400x128xf32>
    %add3A_147 = arith.addf %mul3A_140, %mul3A_146 : vector<400x128xf32>
    %get3A_148 = arith.constant 0 : index
    %get3A_149 = arith.constant 5 : index
    %get3A_150 = vector.load %arg10[%get3A_148, %get3A_149] : memref<1x128xf32, #tpu.memory_space<vmem>>, vector<1x1xf32>
    %get3A_151 = vector.extract %get3A_150[0, 0] : f32 from vector<1x1xf32>
    %mul3A_152 = vector.broadcast %get3A_151 : f32 to vector<400x128xf32>
    %mul3A_153 = arith.mulf %mul3A_108, %mul3A_152 : vector<400x128xf32>
    %add3A_154 = arith.addf %add3A_147, %mul3A_153 : vector<400x128xf32>
    %get3A_155 = arith.constant 0 : index
    %get3A_156 = arith.constant 1 : index
    %get3A_157 = vector.load %arg11[%get3A_155, %get3A_156] : memref<1x128xf32, #tpu.memory_space<vmem>>, vector<1x1xf32>
    %get3A_158 = vector.extract %get3A_157[0, 0] : f32 from vector<1x1xf32>
    %add3A_159 = vector.broadcast %get3A_158 : f32 to vector<400x128xf32>
    %add3A_160 = arith.addf %add3A_154, %add3A_159 : vector<400x128xf32>
    %get3A_161 = arith.constant 0 : index
    %get3A_162 = arith.constant 6 : index
    %get3A_163 = vector.load %arg10[%get3A_161, %get3A_162] : memref<1x128xf32, #tpu.memory_space<vmem>>, vector<1x1xf32>
    %get3A_164 = vector.extract %get3A_163[0, 0] : f32 from vector<1x1xf32>
    %mul3A_165 = vector.broadcast %get3A_164 : f32 to vector<400x128xf32>
    %mul3A_166 = arith.mulf %mul3A_64, %mul3A_165 : vector<400x128xf32>
    %get3A_167 = arith.constant 0 : index
    %get3A_168 = arith.constant 7 : index
    %get3A_169 = vector.load %arg10[%get3A_167, %get3A_168] : memref<1x128xf32, #tpu.memory_space<vmem>>, vector<1x1xf32>
    %get3A_170 = vector.extract %get3A_169[0, 0] : f32 from vector<1x1xf32>
    %mul3A_171 = vector.broadcast %get3A_170 : f32 to vector<400x128xf32>
    %mul3A_172 = arith.mulf %mul3A_86, %mul3A_171 : vector<400x128xf32>
    %add3A_173 = arith.addf %mul3A_166, %mul3A_172 : vector<400x128xf32>
    %get3A_174 = arith.constant 0 : index
    %get3A_175 = arith.constant 8 : index
    %get3A_176 = vector.load %arg10[%get3A_174, %get3A_175] : memref<1x128xf32, #tpu.memory_space<vmem>>, vector<1x1xf32>
    %get3A_177 = vector.extract %get3A_176[0, 0] : f32 from vector<1x1xf32>
    %mul3A_178 = vector.broadcast %get3A_177 : f32 to vector<400x128xf32>
    %mul3A_179 = arith.mulf %mul3A_108, %mul3A_178 : vector<400x128xf32>
    %add3A_180 = arith.addf %add3A_173, %mul3A_179 : vector<400x128xf32>
    %get3A_181 = arith.constant 0 : index
    %get3A_182 = arith.constant 2 : index
    %get3A_183 = vector.load %arg11[%get3A_181, %get3A_182] : memref<1x128xf32, #tpu.memory_space<vmem>>, vector<1x1xf32>
    %get3A_184 = vector.extract %get3A_183[0, 0] : f32 from vector<1x1xf32>
    %add3A_185 = vector.broadcast %get3A_184 : f32 to vector<400x128xf32>
    %add3A_186 = arith.addf %add3A_180, %add3A_185 : vector<400x128xf32>
    %add3A_187 = arith.addf %add3A_134, %add3A_160 : vector<400x128xf32>
    %add3A_188 = arith.addf %add3A_187, %add3A_186 : vector<400x128xf32>
    %mul3A_189 = arith.constant 0.333333343 : f32
    %mul3A_190 = vector.broadcast %mul3A_189 : f32 to vector<400x128xf32>
    %mul3A_191 = arith.mulf %add3A_188, %mul3A_190 : vector<400x128xf32>
    %sub3A = arith.subf %add3A_134, %mul3A_191 : vector<400x128xf32>
    %sub3A_192 = arith.subf %add3A_160, %mul3A_191 : vector<400x128xf32>
    %sub3A_193 = arith.subf %add3A_186, %mul3A_191 : vector<400x128xf32>
    %mul3A_194 = arith.mulf %sub3A, %sub3A : vector<400x128xf32>
    %mul3A_195 = arith.mulf %sub3A_192, %sub3A_192 : vector<400x128xf32>
    %add3A_196 = arith.addf %mul3A_194, %mul3A_195 : vector<400x128xf32>
    %mul3A_197 = arith.mulf %sub3A_193, %sub3A_193 : vector<400x128xf32>
    %add3A_198 = arith.addf %add3A_196, %mul3A_197 : vector<400x128xf32>
    %mul3A_199 = arith.constant 5.000000e-01 : f32
    %mul3A_200 = vector.broadcast %mul3A_199 : f32 to vector<400x128xf32>
    %mul3A_201 = arith.mulf %add3A_198, %mul3A_200 : vector<400x128xf32>
    %sqrt3A = math.sqrt %mul3A_201 : vector<400x128xf32>
    %add3A_202 = arith.constant 9.99999974E-5 : f32
    %add3A_203 = vector.broadcast %add3A_202 : f32 to vector<400x128xf32>
    %add3A_204 = arith.addf %sqrt3A, %add3A_203 : vector<400x128xf32>
    %div3A = arith.constant 1.000000e+00 : f32
    %div3A_205 = vector.broadcast %div3A : f32 to vector<400x128xf32>
    %div3A_206 = arith.divf %div3A_205, %add3A_204 : vector<400x128xf32>
    %mul3A_207 = arith.mulf %sub3A, %div3A_206 : vector<400x128xf32>
    %mul3A_208 = arith.mulf %sub3A_192, %div3A_206 : vector<400x128xf32>
    %mul3A_209 = arith.mulf %sub3A_193, %div3A_206 : vector<400x128xf32>
    %get3A_210 = arith.constant 0 : index
    %get3A_211 = arith.constant 0 : index
    %get3A_212 = vector.load %arg13[%get3A_210, %get3A_211] : memref<1x128xf32, #tpu.memory_space<vmem>>, vector<1x128xf32>
    %mul3A_213 = arith.mulf %mul3A_207, %mul3A_207 : vector<400x128xf32>
    %reduce_sum3A_214 = arith.constant dense<0.000000e+00> : vector<400xf32>
    %reduce_sum3A_215 = vector.multi_reduction <add>, %mul3A_213, %reduce_sum3A_214 [1] : vector<400x128xf32> to vector<400xf32>
    %broadcast_in_dim3A_216 = vector.shape_cast %reduce_sum3A_215 : vector<400xf32> to vector<400x1xf32>
    %mul3A_217 = arith.constant 7.812500e-03 : f32
    %mul3A_218 = vector.broadcast %mul3A_217 : f32 to vector<400x1xf32>
    %mul3A_219 = arith.mulf %broadcast_in_dim3A_216, %mul3A_218 : vector<400x1xf32>
    %get3A_220 = arith.constant 0 : index
    %get3A_221 = arith.constant 0 : index
    %get3A_222 = vector.load %arg12[%get3A_220, %get3A_221] : memref<16x128xf32, #tpu.memory_space<vmem>>, vector<1x128xf32>
    %mul3A_223 = vector.broadcast %mul3A_219 : vector<400x1xf32> to vector<400x128xf32>
    %mul3A_224 = vector.broadcast %get3A_222 : vector<1x128xf32> to vector<400x128xf32>
    %mul3A_225 = arith.mulf %mul3A_223, %mul3A_224 : vector<400x128xf32>
    %add3A_226 = vector.broadcast %get3A_212 : vector<1x128xf32> to vector<400x128xf32>
    %add3A_227 = arith.addf %add3A_226, %mul3A_225 : vector<400x128xf32>
    %mul3A_228 = arith.mulf %mul3A_207, %mul3A_208 : vector<400x128xf32>
    %reduce_sum3A_229 = arith.constant dense<0.000000e+00> : vector<400xf32>
    %reduce_sum3A_230 = vector.multi_reduction <add>, %mul3A_228, %reduce_sum3A_229 [1] : vector<400x128xf32> to vector<400xf32>
    %broadcast_in_dim3A_231 = vector.shape_cast %reduce_sum3A_230 : vector<400xf32> to vector<400x1xf32>
    %mul3A_232 = arith.constant 7.812500e-03 : f32
    %mul3A_233 = vector.broadcast %mul3A_232 : f32 to vector<400x1xf32>
    %mul3A_234 = arith.mulf %broadcast_in_dim3A_231, %mul3A_233 : vector<400x1xf32>
    %get3A_235 = arith.constant 1 : index
    %get3A_236 = arith.constant 0 : index
    %get3A_237 = vector.load %arg12[%get3A_235, %get3A_236] : memref<16x128xf32, #tpu.memory_space<vmem>>, vector<1x128xf32>
    %mul3A_238 = vector.broadcast %mul3A_234 : vector<400x1xf32> to vector<400x128xf32>
    %mul3A_239 = vector.broadcast %get3A_237 : vector<1x128xf32> to vector<400x128xf32>
    %mul3A_240 = arith.mulf %mul3A_238, %mul3A_239 : vector<400x128xf32>
    %add3A_241 = arith.addf %add3A_227, %mul3A_240 : vector<400x128xf32>
    %mul3A_242 = arith.mulf %mul3A_207, %mul3A_209 : vector<400x128xf32>
    %reduce_sum3A_243 = arith.constant dense<0.000000e+00> : vector<400xf32>
    %reduce_sum3A_244 = vector.multi_reduction <add>, %mul3A_242, %reduce_sum3A_243 [1] : vector<400x128xf32> to vector<400xf32>
    %broadcast_in_dim3A_245 = vector.shape_cast %reduce_sum3A_244 : vector<400xf32> to vector<400x1xf32>
    %mul3A_246 = arith.constant 7.812500e-03 : f32
    %mul3A_247 = vector.broadcast %mul3A_246 : f32 to vector<400x1xf32>
    %mul3A_248 = arith.mulf %broadcast_in_dim3A_245, %mul3A_247 : vector<400x1xf32>
    %get3A_249 = arith.constant 2 : index
    %get3A_250 = arith.constant 0 : index
    %get3A_251 = vector.load %arg12[%get3A_249, %get3A_250] : memref<16x128xf32, #tpu.memory_space<vmem>>, vector<1x128xf32>
    %mul3A_252 = vector.broadcast %mul3A_248 : vector<400x1xf32> to vector<400x128xf32>
    %mul3A_253 = vector.broadcast %get3A_251 : vector<1x128xf32> to vector<400x128xf32>
    %mul3A_254 = arith.mulf %mul3A_252, %mul3A_253 : vector<400x128xf32>
    %add3A_255 = arith.addf %add3A_241, %mul3A_254 : vector<400x128xf32>
    %mul3A_256 = arith.mulf %mul3A_208, %mul3A_207 : vector<400x128xf32>
    %reduce_sum3A_257 = arith.constant dense<0.000000e+00> : vector<400xf32>
    %reduce_sum3A_258 = vector.multi_reduction <add>, %mul3A_256, %reduce_sum3A_257 [1] : vector<400x128xf32> to vector<400xf32>
    %broadcast_in_dim3A_259 = vector.shape_cast %reduce_sum3A_258 : vector<400xf32> to vector<400x1xf32>
    %mul3A_260 = arith.constant 7.812500e-03 : f32
    %mul3A_261 = vector.broadcast %mul3A_260 : f32 to vector<400x1xf32>
    %mul3A_262 = arith.mulf %broadcast_in_dim3A_259, %mul3A_261 : vector<400x1xf32>
    %get3A_263 = arith.constant 3 : index
    %get3A_264 = arith.constant 0 : index
    %get3A_265 = vector.load %arg12[%get3A_263, %get3A_264] : memref<16x128xf32, #tpu.memory_space<vmem>>, vector<1x128xf32>
    %mul3A_266 = vector.broadcast %mul3A_262 : vector<400x1xf32> to vector<400x128xf32>
    %mul3A_267 = vector.broadcast %get3A_265 : vector<1x128xf32> to vector<400x128xf32>
    %mul3A_268 = arith.mulf %mul3A_266, %mul3A_267 : vector<400x128xf32>
    %add3A_269 = arith.addf %add3A_255, %mul3A_268 : vector<400x128xf32>
    %mul3A_270 = arith.mulf %mul3A_208, %mul3A_208 : vector<400x128xf32>
    %reduce_sum3A_271 = arith.constant dense<0.000000e+00> : vector<400xf32>
    %reduce_sum3A_272 = vector.multi_reduction <add>, %mul3A_270, %reduce_sum3A_271 [1] : vector<400x128xf32> to vector<400xf32>
    %broadcast_in_dim3A_273 = vector.shape_cast %reduce_sum3A_272 : vector<400xf32> to vector<400x1xf32>
    %mul3A_274 = arith.constant 7.812500e-03 : f32
    %mul3A_275 = vector.broadcast %mul3A_274 : f32 to vector<400x1xf32>
    %mul3A_276 = arith.mulf %broadcast_in_dim3A_273, %mul3A_275 : vector<400x1xf32>
    %get3A_277 = arith.constant 4 : index
    %get3A_278 = arith.constant 0 : index
    %get3A_279 = vector.load %arg12[%get3A_277, %get3A_278] : memref<16x128xf32, #tpu.memory_space<vmem>>, vector<1x128xf32>
    %mul3A_280 = vector.broadcast %mul3A_276 : vector<400x1xf32> to vector<400x128xf32>
    %mul3A_281 = vector.broadcast %get3A_279 : vector<1x128xf32> to vector<400x128xf32>
    %mul3A_282 = arith.mulf %mul3A_280, %mul3A_281 : vector<400x128xf32>
    %add3A_283 = arith.addf %add3A_269, %mul3A_282 : vector<400x128xf32>
    %mul3A_284 = arith.mulf %mul3A_208, %mul3A_209 : vector<400x128xf32>
    %reduce_sum3A_285 = arith.constant dense<0.000000e+00> : vector<400xf32>
    %reduce_sum3A_286 = vector.multi_reduction <add>, %mul3A_284, %reduce_sum3A_285 [1] : vector<400x128xf32> to vector<400xf32>
    %broadcast_in_dim3A_287 = vector.shape_cast %reduce_sum3A_286 : vector<400xf32> to vector<400x1xf32>
    %mul3A_288 = arith.constant 7.812500e-03 : f32
    %mul3A_289 = vector.broadcast %mul3A_288 : f32 to vector<400x1xf32>
    %mul3A_290 = arith.mulf %broadcast_in_dim3A_287, %mul3A_289 : vector<400x1xf32>
    %get3A_291 = arith.constant 5 : index
    %get3A_292 = arith.constant 0 : index
    %get3A_293 = vector.load %arg12[%get3A_291, %get3A_292] : memref<16x128xf32, #tpu.memory_space<vmem>>, vector<1x128xf32>
    %mul3A_294 = vector.broadcast %mul3A_290 : vector<400x1xf32> to vector<400x128xf32>
    %mul3A_295 = vector.broadcast %get3A_293 : vector<1x128xf32> to vector<400x128xf32>
    %mul3A_296 = arith.mulf %mul3A_294, %mul3A_295 : vector<400x128xf32>
    %add3A_297 = arith.addf %add3A_283, %mul3A_296 : vector<400x128xf32>
    %mul3A_298 = arith.mulf %mul3A_209, %mul3A_207 : vector<400x128xf32>
    %reduce_sum3A_299 = arith.constant dense<0.000000e+00> : vector<400xf32>
    %reduce_sum3A_300 = vector.multi_reduction <add>, %mul3A_298, %reduce_sum3A_299 [1] : vector<400x128xf32> to vector<400xf32>
    %broadcast_in_dim3A_301 = vector.shape_cast %reduce_sum3A_300 : vector<400xf32> to vector<400x1xf32>
    %mul3A_302 = arith.constant 7.812500e-03 : f32
    %mul3A_303 = vector.broadcast %mul3A_302 : f32 to vector<400x1xf32>
    %mul3A_304 = arith.mulf %broadcast_in_dim3A_301, %mul3A_303 : vector<400x1xf32>
    %get3A_305 = arith.constant 6 : index
    %get3A_306 = arith.constant 0 : index
    %get3A_307 = vector.load %arg12[%get3A_305, %get3A_306] : memref<16x128xf32, #tpu.memory_space<vmem>>, vector<1x128xf32>
    %mul3A_308 = vector.broadcast %mul3A_304 : vector<400x1xf32> to vector<400x128xf32>
    %mul3A_309 = vector.broadcast %get3A_307 : vector<1x128xf32> to vector<400x128xf32>
    %mul3A_310 = arith.mulf %mul3A_308, %mul3A_309 : vector<400x128xf32>
    %add3A_311 = arith.addf %add3A_297, %mul3A_310 : vector<400x128xf32>
    %mul3A_312 = arith.mulf %mul3A_209, %mul3A_208 : vector<400x128xf32>
    %reduce_sum3A_313 = arith.constant dense<0.000000e+00> : vector<400xf32>
    %reduce_sum3A_314 = vector.multi_reduction <add>, %mul3A_312, %reduce_sum3A_313 [1] : vector<400x128xf32> to vector<400xf32>
    %broadcast_in_dim3A_315 = vector.shape_cast %reduce_sum3A_314 : vector<400xf32> to vector<400x1xf32>
    %mul3A_316 = arith.constant 7.812500e-03 : f32
    %mul3A_317 = vector.broadcast %mul3A_316 : f32 to vector<400x1xf32>
    %mul3A_318 = arith.mulf %broadcast_in_dim3A_315, %mul3A_317 : vector<400x1xf32>
    %get3A_319 = arith.constant 7 : index
    %get3A_320 = arith.constant 0 : index
    %get3A_321 = vector.load %arg12[%get3A_319, %get3A_320] : memref<16x128xf32, #tpu.memory_space<vmem>>, vector<1x128xf32>
    %mul3A_322 = vector.broadcast %mul3A_318 : vector<400x1xf32> to vector<400x128xf32>
    %mul3A_323 = vector.broadcast %get3A_321 : vector<1x128xf32> to vector<400x128xf32>
    %mul3A_324 = arith.mulf %mul3A_322, %mul3A_323 : vector<400x128xf32>
    %add3A_325 = arith.addf %add3A_311, %mul3A_324 : vector<400x128xf32>
    %mul3A_326 = arith.mulf %mul3A_209, %mul3A_209 : vector<400x128xf32>
    %reduce_sum3A_327 = arith.constant dense<0.000000e+00> : vector<400xf32>
    %reduce_sum3A_328 = vector.multi_reduction <add>, %mul3A_326, %reduce_sum3A_327 [1] : vector<400x128xf32> to vector<400xf32>
    %broadcast_in_dim3A_329 = vector.shape_cast %reduce_sum3A_328 : vector<400xf32> to vector<400x1xf32>
    %mul3A_330 = arith.constant 7.812500e-03 : f32
    %mul3A_331 = vector.broadcast %mul3A_330 : f32 to vector<400x1xf32>
    %mul3A_332 = arith.mulf %broadcast_in_dim3A_329, %mul3A_331 : vector<400x1xf32>
    %get3A_333 = arith.constant 8 : index
    %get3A_334 = arith.constant 0 : index
    %get3A_335 = vector.load %arg12[%get3A_333, %get3A_334] : memref<16x128xf32, #tpu.memory_space<vmem>>, vector<1x128xf32>
    %mul3A_336 = vector.broadcast %mul3A_332 : vector<400x1xf32> to vector<400x128xf32>
    %mul3A_337 = vector.broadcast %get3A_335 : vector<1x128xf32> to vector<400x128xf32>
    %mul3A_338 = arith.mulf %mul3A_336, %mul3A_337 : vector<400x128xf32>
    %add3A_339 = arith.addf %add3A_325, %mul3A_338 : vector<400x128xf32>
    %reduce_sum3A_340 = arith.constant dense<0.000000e+00> : vector<400xf32>
    %reduce_sum3A_341 = vector.multi_reduction <add>, %add3A_42, %reduce_sum3A_340 [1] : vector<400x128xf32> to vector<400xf32>
    %broadcast_in_dim3A_342 = vector.shape_cast %reduce_sum3A_341 : vector<400xf32> to vector<400x1xf32>
    %div3A_343 = arith.constant 1.280000e+02 : f32
    %div3A_344 = vector.broadcast %div3A_343 : f32 to vector<400x1xf32>
    %div3A_345 = arith.divf %broadcast_in_dim3A_342, %div3A_344 : vector<400x1xf32>
    %sub3A_346 = vector.broadcast %div3A_345 : vector<400x1xf32> to vector<400x128xf32>
    %sub3A_347 = arith.subf %add3A_42, %sub3A_346 : vector<400x128xf32>
    %integer_pow3A = arith.mulf %sub3A_347, %sub3A_347 : vector<400x128xf32>
    %reduce_sum3A_348 = arith.constant dense<0.000000e+00> : vector<400xf32>
    %reduce_sum3A_349 = vector.multi_reduction <add>, %integer_pow3A, %reduce_sum3A_348 [1] : vector<400x128xf32> to vector<400xf32>
    %broadcast_in_dim3A_350 = vector.shape_cast %reduce_sum3A_349 : vector<400xf32> to vector<400x1xf32>
    %div3A_351 = arith.constant 1.280000e+02 : f32
    %div3A_352 = vector.broadcast %div3A_351 : f32 to vector<400x1xf32>
    %div3A_353 = arith.divf %broadcast_in_dim3A_350, %div3A_352 : vector<400x1xf32>
    %sub3A_354 = vector.broadcast %div3A_345 : vector<400x1xf32> to vector<400x128xf32>
    %sub3A_355 = arith.subf %add3A_42, %sub3A_354 : vector<400x128xf32>
    %add3A_356 = arith.constant 9.99999974E-6 : f32
    %add3A_357 = vector.broadcast %add3A_356 : f32 to vector<400x1xf32>
    %add3A_358 = arith.addf %div3A_353, %add3A_357 : vector<400x1xf32>
    %rsqrt3A_359 = math.rsqrt %add3A_358 : vector<400x1xf32>
    %mul3A_360 = vector.broadcast %rsqrt3A_359 : vector<400x1xf32> to vector<400x128xf32>
    %mul3A_361 = arith.mulf %sub3A_355, %mul3A_360 : vector<400x128xf32>
    %mul3A_362 = arith.mulf %add3A_339, %mul3A_361 : vector<400x128xf32>
    %get3A_363 = arith.constant 0 : index
    %get3A_364 = arith.constant 0 : index
    %get3A_365 = vector.load %arg14[%get3A_363, %get3A_364] : memref<128x128xf32, #tpu.memory_space<vmem>>, vector<128x128xf32>
    %dot_general3A_366 = arith.constant dense<0.000000e+00> : vector<400x128xf32>
    %dot_general3A_367 = tpu.matmul %mul3A_362, %get3A_365, %dot_general3A_366 {dimension_numbers = #tpu.dot_dimension_numbers<[1], [0], [0], [1], [0, 0, 1, 1], [], []>, transpose_lhs_hint = false} : vector<400x128xf32>, vector<128x128xf32>, vector<400x128xf32> -> vector<400x128xf32>
    %get3A_368 = arith.constant 0 : index
    %get3A_369 = arith.constant 0 : index
    %get3A_370 = vector.load %arg15[%get3A_368, %get3A_369] : memref<1x128xf32, #tpu.memory_space<vmem>>, vector<1x128xf32>
    %add3A_371 = vector.broadcast %get3A_370 : vector<1x128xf32> to vector<400x128xf32>
    %add3A_372 = arith.addf %dot_general3A_367, %add3A_371 : vector<400x128xf32>
    %logistic3A_373 = arith.negf %add3A_372 : vector<400x128xf32>
    %logistic3A_374 = math.exp %logistic3A_373 : vector<400x128xf32>
    %logistic3A_375 = arith.constant 1.000000e+00 : f32
    %logistic3A_376 = vector.broadcast %logistic3A_375 : f32 to vector<400x128xf32>
    %logistic3A_377 = arith.addf %logistic3A_376, %logistic3A_374 : vector<400x128xf32>
    %logistic3A_378 = arith.divf %logistic3A_376, %logistic3A_377 : vector<400x128xf32>
    %mul3A_379 = arith.mulf %add3A_372, %logistic3A_378 : vector<400x128xf32>
    %mul3A_380 = vector.broadcast %broadcast_in_dim3A : vector<400x1xf32> to vector<400x128xf32>
    %mul3A_381 = arith.mulf %mul3A_380, %mul3A_379 : vector<400x128xf32>
    %swap3A = arith.constant 0 : index
    %swap3A_382 = arith.constant 0 : index
    %swap3A_383 = vector.load %arg16[%swap3A, %swap3A_382] : memref<400x128xf32, #tpu.memory_space<vmem>>, vector<400x128xf32>
    tpu.vector_store %arg16[%swap3A, %swap3A_382], %mul3A_381 {strides = array<i32>} : memref<400x128xf32, #tpu.memory_space<vmem>>, vector<400x128xf32>,
    return
  }
  func.func @transform_0(%arg0: i32) -> (i32, i32, i32, i32) {
    %c0_i32 = arith.constant 0 : i32
    %c0_i32_0 = arith.constant 0 : i32
    %c0_i32_1 = arith.constant 0 : i32
    %c0_i32_2 = arith.constant 0 : i32
    return %c0_i32, %c0_i32_0, %arg0, %c0_i32_1 : i32, i32, i32, i32
  }
  func.func @transform_1(%arg0: i32) -> (i32, i32, i32, i32) {
    %c1_i32 = arith.constant 1 : i32
    %c0_i32 = arith.constant 0 : i32
    %c0_i32_0 = arith.constant 0 : i32
    %c0_i32_1 = arith.constant 0 : i32
    return %c1_i32, %c0_i32, %arg0, %c0_i32_0 : i32, i32, i32, i32
  }
  func.func @transform_2(%arg0: i32) -> (i32, i32, i32, i32) {
    %c2_i32 = arith.constant 2 : i32
    %c0_i32 = arith.constant 0 : i32
    %c0_i32_0 = arith.constant 0 : i32
    %c0_i32_1 = arith.constant 0 : i32
    return %c2_i32, %c0_i32, %arg0, %c0_i32_0 : i32, i32, i32, i32
  }
  func.func @transform_3(%arg0: i32) -> (i32, i32, i32, i32) {
    %c3_i32 = arith.constant 3 : i32
    %c0_i32 = arith.constant 0 : i32
    %c0_i32_0 = arith.constant 0 : i32
    %c0_i32_1 = arith.constant 0 : i32
    return %c3_i32, %c0_i32, %arg0, %c0_i32_0 : i32, i32, i32, i32
  }
  func.func @transform_4(%arg0: i32) -> (i32, i32) {
    %c0_i32 = arith.constant 0 : i32
    %c0_i32_0 = arith.constant 0 : i32
    return %arg0, %c0_i32 : i32, i32
  }
  func.func @transform_5(%arg0: i32) -> (i32, i32) {
    %c0_i32 = arith.constant 0 : i32
    %c0_i32_0 = arith.constant 0 : i32
    %c0_i32_1 = arith.constant 0 : i32
    return %c0_i32, %c0_i32_0 : i32, i32
  }
  func.func @transform_6(%arg0: i32) -> (i32, i32) {
    %c0_i32 = arith.constant 0 : i32
    %c0_i32_0 = arith.constant 0 : i32
    %c0_i32_1 = arith.constant 0 : i32
    return %c0_i32, %c0_i32_0 : i32, i32
  }
  func.func @transform_7(%arg0: i32) -> (i32, i32) {
    %c0_i32 = arith.constant 0 : i32
    %c0_i32_0 = arith.constant 0 : i32
    %c0_i32_1 = arith.constant 0 : i32
    return %c0_i32, %c0_i32_0 : i32, i32
  }
  func.func @transform_8(%arg0: i32) -> (i32, i32) {
    %c0_i32 = arith.constant 0 : i32
    %c0_i32_0 = arith.constant 0 : i32
    %c0_i32_1 = arith.constant 0 : i32
    return %c0_i32, %c0_i32_0 : i32, i32
  }
  func.func @transform_9(%arg0: i32) -> (i32, i32) {
    %c0_i32 = arith.constant 0 : i32
    %c0_i32_0 = arith.constant 0 : i32
    %c0_i32_1 = arith.constant 0 : i32
    return %c0_i32, %c0_i32_0 : i32, i32
  }
  func.func @transform_10(%arg0: i32) -> (i32, i32) {
    %c0_i32 = arith.constant 0 : i32
    %c0_i32_0 = arith.constant 0 : i32
    %c0_i32_1 = arith.constant 0 : i32
    return %c0_i32, %c0_i32_0 : i32, i32
  }
  func.func @transform_11(%arg0: i32) -> (i32, i32) {
    %c0_i32 = arith.constant 0 : i32
    %c0_i32_0 = arith.constant 0 : i32
    %c0_i32_1 = arith.constant 0 : i32
    return %c0_i32, %c0_i32_0 : i32, i32
  }
  func.func @transform_12(%arg0: i32) -> (i32, i32) {
    %c0_i32 = arith.constant 0 : i32
    %c0_i32_0 = arith.constant 0 : i32
    %c0_i32_1 = arith.constant 0 : i32
    return %c0_i32, %c0_i32_0 : i32, i32
  }
  func.func @transform_13(%arg0: i32) -> (i32, i32) {
    %c0_i32 = arith.constant 0 : i32
    %c0_i32_0 = arith.constant 0 : i32
    %c0_i32_1 = arith.constant 0 : i32
    return %c0_i32, %c0_i32_0 : i32, i32
  }
  func.func @transform_14(%arg0: i32) -> (i32, i32) {
    %c0_i32 = arith.constant 0 : i32
    %c0_i32_0 = arith.constant 0 : i32
    %c0_i32_1 = arith.constant 0 : i32
    return %c0_i32, %c0_i32_0 : i32, i32
  }
  func.func @transform_15(%arg0: i32) -> (i32, i32) {
    %c0_i32 = arith.constant 0 : i32
    %c0_i32_0 = arith.constant 0 : i32
    return %arg0, %c0_i32 : i32, i32
  }
}

module attributes {stable_mosaic.version = 14 : i64} {
  func.func @_tc3_body(%arg0: i32, %arg1: memref<2x400x128xf32, #tpu.memory_space<vmem>>, %arg2: memref<400x32xf32, #tpu.memory_space<vmem>>, %arg3: memref<128x128xf32, #tpu.memory_space<vmem>>, %arg4: memref<1x128xf32, #tpu.memory_space<vmem>>, %arg5: memref<128x128xf32, #tpu.memory_space<vmem>>, %arg6: memref<1x128xf32, #tpu.memory_space<vmem>>, %arg7: memref<400x128xf32, #tpu.memory_space<vmem>>) attributes {dimension_semantics = [#tpu.dimension_semantics<arbitrary>], iteration_bounds = array<i64: 25>, scalar_prefetch = 0 : i64, scratch_operands = 0 : i64, tpu.core_type = #tpu.core_type<tc>, window_params = [{transform_indices = @transform_0, window_bounds = array<i64: 2, 400, 128>}, {transform_indices = @transform_1, window_bounds = array<i64: 400, 32>}, {pipeline_mode = #tpu.pipeline_mode<synchronous>, transform_indices = @transform_2, window_bounds = array<i64: 128, 128>}, {pipeline_mode = #tpu.pipeline_mode<synchronous>, transform_indices = @transform_3, window_bounds = array<i64: 1, 128>}, {pipeline_mode = #tpu.pipeline_mode<synchronous>, transform_indices = @transform_4, window_bounds = array<i64: 128, 128>}, {pipeline_mode = #tpu.pipeline_mode<synchronous>, transform_indices = @transform_5, window_bounds = array<i64: 1, 128>}, {transform_indices = @transform_6, window_bounds = array<i64: 400, 128>}]} {
    %get3A = arith.constant 0 : index
    %get3A_0 = arith.constant 0 : index
    %get3A_1 = vector.load %arg2[%get3A, %get3A_0] : memref<400x32xf32, #tpu.memory_space<vmem>>, vector<400x32xf32>
    %reduce_sum3A = arith.constant dense<0.000000e+00> : vector<400xf32>
    %reduce_sum3A_2 = vector.multi_reduction <add>, %get3A_1, %reduce_sum3A [1] : vector<400x32xf32> to vector<400xf32>
    %max3A = arith.constant 1.000000e+00 : f32
    %max3A_3 = vector.broadcast %max3A : f32 to vector<400xf32>
    %max3A_4 = arith.maximumf %reduce_sum3A_2, %max3A_3 : vector<400xf32>
    %rsqrt3A = math.rsqrt %max3A_4 : vector<400xf32>
    %broadcast_in_dim3A = vector.shape_cast %rsqrt3A : vector<400xf32> to vector<400x1xf32>
    %get3A_5 = arith.constant 0 : index
    %get3A_6 = arith.constant 0 : index
    %get3A_7 = arith.constant 0 : index
    %get3A_8 = vector.load %arg1[%get3A_5, %get3A_6, %get3A_7] : memref<2x400x128xf32, #tpu.memory_space<vmem>>, vector<1x400x128xf32>
    %get3A_9 = vector.shape_cast %get3A_8 : vector<1x400x128xf32> to vector<400x128xf32>
    %get3A_10 = arith.constant 1 : index
    %get3A_11 = arith.constant 0 : index
    %get3A_12 = arith.constant 0 : index
    %get3A_13 = vector.load %arg1[%get3A_10, %get3A_11, %get3A_12] : memref<2x400x128xf32, #tpu.memory_space<vmem>>, vector<1x400x128xf32>
    %get3A_14 = vector.shape_cast %get3A_13 : vector<1x400x128xf32> to vector<400x128xf32>
    %add3A = arith.addf %get3A_9, %get3A_14 : vector<400x128xf32>
    %mul3A = vector.broadcast %broadcast_in_dim3A : vector<400x1xf32> to vector<400x128xf32>
    %mul3A_15 = arith.mulf %mul3A, %add3A : vector<400x128xf32>
    %get3A_16 = arith.constant 0 : index
    %get3A_17 = arith.constant 0 : index
    %get3A_18 = vector.load %arg3[%get3A_16, %get3A_17] : memref<128x128xf32, #tpu.memory_space<vmem>>, vector<128x128xf32>
    %dot_general3A = arith.constant dense<0.000000e+00> : vector<400x128xf32>
    %dot_general3A_19 = tpu.matmul %mul3A_15, %get3A_18, %dot_general3A {dimension_numbers = #tpu.dot_dimension_numbers<[1], [0], [0], [1], [0, 0, 1, 1], [], []>, transpose_lhs_hint = false} : vector<400x128xf32>, vector<128x128xf32>, vector<400x128xf32> -> vector<400x128xf32>
    %get3A_20 = arith.constant 0 : index
    %get3A_21 = arith.constant 0 : index
    %get3A_22 = vector.load %arg4[%get3A_20, %get3A_21] : memref<1x128xf32, #tpu.memory_space<vmem>>, vector<1x128xf32>
    %add3A_23 = vector.broadcast %get3A_22 : vector<1x128xf32> to vector<400x128xf32>
    %add3A_24 = arith.addf %dot_general3A_19, %add3A_23 : vector<400x128xf32>
    %logistic3A = arith.negf %add3A_24 : vector<400x128xf32>
    %logistic3A_25 = math.exp %logistic3A : vector<400x128xf32>
    %logistic3A_26 = arith.constant 1.000000e+00 : f32
    %logistic3A_27 = vector.broadcast %logistic3A_26 : f32 to vector<400x128xf32>
    %logistic3A_28 = arith.addf %logistic3A_27, %logistic3A_25 : vector<400x128xf32>
    %logistic3A_29 = arith.divf %logistic3A_27, %logistic3A_28 : vector<400x128xf32>
    %mul3A_30 = arith.mulf %add3A_24, %logistic3A_29 : vector<400x128xf32>
    %get3A_31 = arith.constant 0 : index
    %get3A_32 = arith.constant 0 : index
    %get3A_33 = vector.load %arg5[%get3A_31, %get3A_32] : memref<128x128xf32, #tpu.memory_space<vmem>>, vector<128x128xf32>
    %dot_general3A_34 = arith.constant dense<0.000000e+00> : vector<400x128xf32>
    %dot_general3A_35 = tpu.matmul %mul3A_30, %get3A_33, %dot_general3A_34 {dimension_numbers = #tpu.dot_dimension_numbers<[1], [0], [0], [1], [0, 0, 1, 1], [], []>, transpose_lhs_hint = false} : vector<400x128xf32>, vector<128x128xf32>, vector<400x128xf32> -> vector<400x128xf32>
    %get3A_36 = arith.constant 0 : index
    %get3A_37 = arith.constant 0 : index
    %get3A_38 = vector.load %arg6[%get3A_36, %get3A_37] : memref<1x128xf32, #tpu.memory_space<vmem>>, vector<1x128xf32>
    %add3A_39 = vector.broadcast %get3A_38 : vector<1x128xf32> to vector<400x128xf32>
    %add3A_40 = arith.addf %dot_general3A_35, %add3A_39 : vector<400x128xf32>
    %swap3A = arith.constant 0 : index
    %swap3A_41 = arith.constant 0 : index
    %swap3A_42 = vector.load %arg7[%swap3A, %swap3A_41] : memref<400x128xf32, #tpu.memory_space<vmem>>, vector<400x128xf32>
    tpu.vector_store %arg7[%swap3A, %swap3A_41], %add3A_40 {strides = array<i32>} : memref<400x128xf32, #tpu.memory_space<vmem>>, vector<400x128xf32>,
    return
  }
  func.func @transform_0(%arg0: i32) -> (i32, i32, i32) {
    %c0_i32 = arith.constant 0 : i32
    %c0_i32_0 = arith.constant 0 : i32
    %c0_i32_1 = arith.constant 0 : i32
    return %c0_i32, %arg0, %c0_i32_0 : i32, i32, i32
  }
  func.func @transform_1(%arg0: i32) -> (i32, i32) {
    %c0_i32 = arith.constant 0 : i32
    %c0_i32_0 = arith.constant 0 : i32
    return %arg0, %c0_i32 : i32, i32
  }
  func.func @transform_2(%arg0: i32) -> (i32, i32) {
    %c0_i32 = arith.constant 0 : i32
    %c0_i32_0 = arith.constant 0 : i32
    %c0_i32_1 = arith.constant 0 : i32
    return %c0_i32, %c0_i32_0 : i32, i32
  }
  func.func @transform_3(%arg0: i32) -> (i32, i32) {
    %c0_i32 = arith.constant 0 : i32
    %c0_i32_0 = arith.constant 0 : i32
    %c0_i32_1 = arith.constant 0 : i32
    return %c0_i32, %c0_i32_0 : i32, i32
  }
  func.func @transform_4(%arg0: i32) -> (i32, i32) {
    %c0_i32 = arith.constant 0 : i32
    %c0_i32_0 = arith.constant 0 : i32
    %c0_i32_1 = arith.constant 0 : i32
    return %c0_i32, %c0_i32_0 : i32, i32
  }
  func.func @transform_5(%arg0: i32) -> (i32, i32) {
    %c0_i32 = arith.constant 0 : i32
    %c0_i32_0 = arith.constant 0 : i32
    %c0_i32_1 = arith.constant 0 : i32
    return %c0_i32, %c0_i32_0 : i32, i32
  }
  func.func @transform_6(%arg0: i32) -> (i32, i32) {
    %c0_i32 = arith.constant 0 : i32
    %c0_i32_0 = arith.constant 0 : i32
    return %arg0, %c0_i32 : i32, i32
  }
}

</mosaic_0001>

<sc_bundles>
// kernel: kernel.11.cloned.1.call-start
scs
__scs_entry_jumppad:
0x0: {  	(pc) =	sbr.rel $0x88, $3  }
0x1: {  	(tag) =	ssettag $0x0;
	lr =	simm.s32 $0x1  }
0x2: {  	[smem:$0x3F89] =	sst lr;
	_ =	strace $0xD0000000  }
0x3: {  	_ = 	snop  }
0x4: {  	_ = 	snop  }
0x5: {  	_ = 	snop  }
0x6: {  	_ = 	snop  }
0x7: {  	_ = 	snop  }
__scs_overlays_trampoline_lowered:
0x8: {  	[smem:$0x3F98] =	sst s0  }
0x9: {  	[smem:$0x3F99] =	sst s1  }
0xa: {  	[smem:$0x3F9A] =	sst s2  }
0xb: {  	[smem:$0x3F9B] =	sst s3  }
0xc: {  	[smem:$0x3F9C] =	sst s4  }
0xd: {  	[smem:$0x3F9D] =	sst s5  }
0xe: {  	[smem:$0x3F9E] =	sst s6  }
0xf: {  	[smem:$0x3F9F] =	sst s7  }
0x10: {  	[smem:$0x3FA0] =	sst s8  }
0x11: {  	[smem:$0x3FA1] =	sst s9;
	s0 =	simm.s32 @!p0 $0x0  }
0x12: {  	s1 =	sld [smem:$0x3F87];
	s0 =	simm.s32 @p0 $0x1  }
0x13: {  	[smem:$0x3FA2] =	sst s0;
	s0 =	simm.s32 @!p1 $0x0  }
0x14: {  	s2 =	sld [smem:$0x3F86];
	s0 =	simm.s32 @p1 $0x1  }
0x15: {  	[smem:$0x3FA3] =	sst s0;
	s0 =	simm.s32 @!p2 $0x0  }
0x16: {  	s3 =	sld [smem:$0x3FDB];
	s0 =	simm.s32 @p2 $0x1  }
0x17: {  	s4 =	simm.s32 $0x1BF5;
	[smem:$0x3FA5] =	sst s0  }
0x18: {  	s0 =	sld [smem:$0x3F88];
	_ =	swait.ge [sflag:s4], $0x0  }
0x19: {  	s7 =	sld [smem:$0x3F89]  }
0x1a: {  	s8 =	sadd.s32 $0xFFFFE003, lr  }
0x1b: {  	s9 =	sadd.s32 $0xFFFFFEF7, lr;
	s5 =	simm.s32 $0xFFFFFFFF;
	p2 =	slt.u32 s8, $0xFFFFF086  }
0x1c: {  	p1 =	slt.u32 s9, $0xF7A;
	s5 =	simm.s32 @!p2 $0x0  }
0x1d: {  	s5 =	simm.s32 @p1 $0x1;
	p0 =	seq.s32 s7, s2  }
0x1e: {  	s7 =	smul.u32 @!p0 $0xF7A, s2;
	p2 =	seq.s32 @!p0 s5, $0x0  }
0x1f: {  	s9 =	smul.u32 $0xF7A, s1;
	s8 =	simm.s32 @!p0 $0x1BF5;
	p2 =	por !p2, p0  }
0x20: {  	[sflag:s8] =	ssyncset.s32 @!p0 $0xFFFFF086;
	s6 =	sadd.s32 @!p0 s3, s7;
	s7 =	simm.s32 @!p0 $0x108  }
0x21: {  	s3 =	sadd.s32 s3, s9;
	s6 =	sadd.s32 @!p0 $0x88, s6;
	s7 =	simm.s32 @p2 $0x1082  }
0x22: {  	[simem:s7], [sflag:s8] =	dma.local @!p0 [hbm:s6], $0xF7A  }
0x23: {  	s9 =	sor.u32 $0xD0000000, s2;
	s6 =	simm.s32 $0x108;
	_ =	swait.ge @!p0 [sflag:s8], $0x0  }
0x24: {  	s3 =	sadd.s32 $0x88, s3;
	s6 =	simm.s32 @!p1 $0x1082;
	[sflag:s4] =	ssyncset.s32 $0xFFFFF086  }
0x25: {  	[simem:s6], [sflag:s4] =	dma.local [hbm:s3], $0xF7A  }
0x26: {  	[smem:$0x3F89] =	sst s1;
	(tag) =	ssettag s2;
	_ =	strace s9  }
0x27: {  	s1 =	sld [smem:$0x3F99]  }
0x28: {  	s2 =	sld [smem:$0x3F9A]  }
0x29: {  	s4 =	sld [smem:$0x3F9C]  }
0x2a: {  	p0 =	seq.s32 s5, $0x0;
	s5 =	sld [smem:$0x3F9D]  }
0x2b: {  	s6 =	sld [smem:$0x3F9E]  }
0x2c: {  	s7 =	sld [smem:$0x3F9F]  }
0x2d: {  	s3 =	simm.s32 $0x108;
	s8 =	sld [smem:$0x3FA0]  }
0x2e: {  	s3 =	simm.s32 @!p0 $0x1082;
	s9 =	sld [smem:$0x3FA1]  }
0x2f: {  	lr =	sadd.s32 s0, s3;
	s0 =	sld [smem:$0x3F98]  }
0x30: {  	s3 =	sld [smem:$0x3F9B]  }
0x31: {  	[smem:$0x3FA4] =	sst s10  }
0x32: {  	s10 =	sld [smem:$0x3FA2];
	_ =	sdelay $0x3  }
0x33: {  	p0 =	seq.s32 s10, $0x1;
	s10 =	sld [smem:$0x3FA4];
	_ =	sdelay $0x3  }
0x34: {  	[smem:$0x3FA4] =	sst s10  }
0x35: {  	s10 =	sld [smem:$0x3FA3];
	_ =	sdelay $0x3  }
0x36: {  	p1 =	seq.s32 s10, $0x1;
	s10 =	sld [smem:$0x3FA4];
	_ =	sdelay $0x3  }
0x37: {  	[smem:$0x3FA4] =	sst s10  }
0x38: {  	s10 =	sld [smem:$0x3FA5]  }
0x39: {  	_ = 	snop;
	(pc) =	sbr.ind lr, $3  }
0x3a: {  	_ = 	snop  }
0x3b: {  	_ = 	snop  }
0x3c: {  	p2 =	seq.s32 s10, $0x1;
	s10 =	sld [smem:$0x3FA4]  }
0x3d: {  	_ =	shalt  }
0x3e: {  	_ =	shalt  }
0x3f: {  	_ =	shalt  }
0x40: {  	_ =	shalt  }
0x41: {  	_ =	shalt  }
0x42: {  	_ =	shalt  }
0x43: {  	_ =	shalt  }
0x44: {  	_ =	shalt  }
0x45: {  	_ =	shalt  }
0x46: {  	_ =	shalt  }
0x47: {  	_ =	shalt  }
0x48: {  	_ =	shalt  }
0x49: {  	_ =	shalt  }
0x4a: {  	_ =	shalt  }
0x4b: {  	_ =	shalt  }
0x4c: {  	_ =	shalt  }
0x4d: {  	_ =	shalt  }
0x4e: {  	_ =	shalt  }
0x4f: {  	_ =	shalt  }
0x50: {  	_ =	shalt  }
0x51: {  	_ =	shalt  }
0x52: {  	_ =	shalt  }
0x53: {  	_ =	shalt  }
0x54: {  	_ =	shalt  }
0x55: {  	_ =	shalt  }
0x56: {  	_ =	shalt  }
0x57: {  	_ =	shalt  }
0x58: {  	_ =	shalt  }
0x59: {  	_ =	shalt  }
0x5a: {  	_ =	shalt  }
0x5b: {  	_ =	shalt  }
0x5c: {  	_ =	shalt  }
0x5d: {  	_ =	shalt  }
0x5e: {  	_ =	shalt  }
0x5f: {  	_ =	shalt  }
0x60: {  	_ =	shalt  }
0x61: {  	_ =	shalt  }
0x62: {  	_ =	shalt  }
0x63: {  	_ =	shalt  }
0x64: {  	_ =	shalt  }
0x65: {  	_ =	shalt  }
0x66: {  	_ =	shalt  }
0x67: {  	_ =	shalt  }
0x68: {  	_ =	shalt  }
0x69: {  	_ =	shalt  }
0x6a: {  	_ =	shalt  }
0x6b: {  	_ =	shalt  }
0x6c: {  	_ =	shalt  }
0x6d: {  	_ =	shalt  }
0x6e: {  	_ =	shalt  }
0x6f: {  	_ =	shalt  }
0x70: {  	_ =	shalt  }
0x71: {  	_ =	shalt  }
0x72: {  	_ =	shalt  }
0x73: {  	_ =	shalt  }
0x74: {  	_ =	shalt  }
0x75: {  	_ =	shalt  }
0x76: {  	_ =	shalt  }
0x77: {  	_ =	shalt  }
0x78: {  	_ =	shalt  }
0x79: {  	_ =	shalt  }
0x7a: {  	_ =	shalt  }
0x7b: {  	_ =	shalt  }
0x7c: {  	_ =	shalt  }
0x7d: {  	_ =	shalt  }
0x7e: {  	_ =	shalt  }
0x7f: {  	_ =	shalt  }
0x80: {  	_ =	shalt  }
0x81: {  	_ =	shalt  }
0x82: {  	_ =	shalt  }
0x83: {  	_ =	shalt  }
0x84: {  	_ =	shalt  }
0x85: {  	_ =	shalt  }
0x86: {  	_ =	shalt  }
0x87: {  	_ =	shalt  }
.Lfunc_end0:
.L_simem_size_0:
called_computation.1_lowered:
.L_overlay_start_0:
0x88: {  	s2 =	sld [smem:$0x3FD9]  }
0x89: {  	s3 =	sld [smem:$0x3FFE];
	_ =	sdelay $0x1  }
0x8a: {  	s1 =	srdreg.scid  }
0x8b: {  	s0 =	sand.u32 $0x1, s1  }
0x8c: {  	s17 =	sshll.u32 s0, $0xA;
	s2 =	sadd.s32 s3, s2  }
0x8d: {  	s2 =	sadd.s32 s2, s17  }
0x8e: {  	[smem:$0x3FB0] =	sst s2  }
0x8f: {  	_ = 	snop  }
0x90: {  	s2 =	sld [smem:$0x3FD0];
	(tm) =	ssettm $0x1  }
0x91: {  	s18 =	sld [smem:$0x3FFB];
	_ =	sdelay $0x3  }
0x92: {  	_ =	strace s18  }
0x93: {  	s3 =	sld [smem:$0x3FFC];
	_ =	sdelay $0x3  }
0x94: {  	_ =	strace s3  }
0x95: {  	s3 =	sld [smem:$0x3FFD];
	_ =	sdelay $0x3  }
0x96: {  	_ =	strace s3  }
0x97: {  	_ =	strace $0x8FFFFFFF  }
0x98: {  	s19 =	sld [smem:$0x3FDB];
	_ =	sdelay $0x1  }
0x99: {  	s4 =	simm.s32 $_scs_section_size  }
0x9a: {  	s5 =	simm.s32 $_size__tile_overlayer_lowered;
	s6 =	simm.s32 $_tile_overlayer_lowered  }
0x9b: {  	s22 =	simm.s32 $0x1BFF;
	s21 =	sshll.u32 s6, $0x1;
	s3 =	sadd.s32 s4, s19  }
0x9c: {  	s7 =	simm.s32 $0x0;
	s20 =	sshll.u32 s5, $0x1;
	s5 =	sadd.s32 s21, s3  }
0x9d: {  	[timem:s7], [sflag:s22] =	dma.local [hbm:s5], s20  }
0x9e: {  	_ =	swait.ge [sflag:s22], s20  }
0x9f: {  	s4 =	ssub.s32 $0x0, s20;
	[sflag:s22] =	ssyncset.done $0x0  }
0xa0: {  	[sflag:s22] =	ssyncadd.s32 s4;
	_ =	sdelay $0x1  }
0xa1: {  	s23 =	simm.s32 $0x1B8B  }
0xa2: {  	_ =	swait.ge [sflag:s23], $0x1  }
0xa3: {  	[sflag:s23] =	ssyncset.done $0x0  }
0xa4: {  	s25 =	simm.s32 $0x1B8E;
	s24 =	sld [smem:$0x3FFE];
	[sflag:s23] =	ssyncadd.s32 $0xFFFFFFFF  }
0xa5: {  	s26 =	simm.s32 $execute0_lowered;
	[smem:$0x3FD2] =	sst s25  }
0xa6: {  	s5 =	sshll.u32 s26, $0x1;
	_ =	strace $0x80000049;
	[dreg:$0x1] =	wrdreg $0xFFFFFFFF  }
0xa7: {  	s28 =	simm.s32 $_size_execute0_lowered;
	s3 =	sadd.s32 s3, s5;
	[dreg:$0x0] =	wrdreg $0x0  }
0xa8: {  	s5 =	sshll.u32 s28, $0x1;
	[dreg:$0x2] =	wrdreg s3  }
0xa9: {  	[dreg:$0x3] =	wrdreg s5  }
0xaa: {  	[dreg:$0x4] =	wrdreg $0xC0  }
0xab: {  	_ =	task [dreg:s7], $0x5FFFF  }
0xac: {  	[dreg:$0x1] =	wrdreg $0xFFFFFFFF  }
0xad: {  	[dreg:$0x0] =	wrdreg $0x60  }
0xae: {  	[dreg:$0x2] =	wrdreg s2  }
0xaf: {  	[dreg:$0x3] =	wrdreg s24  }
0xb0: {  	[dreg:$0x4] =	wrdreg $0x68800  }
0xb1: {  	[dreg:$0x5] =	wrdreg $0x9  }
0xb2: {  	_ =	task.clear_ibuf [dreg:s7], $0x6FFFF;
	_ =	strace $0x90000049  }
0xb3: {  	s29 =	simm.s32 $0x9;
	_ =	strace $0x8000004B  }
0xb4: {  	_ =	swait.ge [sflag:s29], $0x1  }
0xb5: {  	[sflag:s29] =	ssyncadd.s32 $0xFFFFFFFF  }
0xb6: {  	_ =	strace $0x9000004B  }
0xb7: {  	_ =	sfence  }
0xb8: {  	s30 =	sld [smem:$0x0];
	_ =	sdelay $0x2  }
0xb9: {  	s31 =	sshll.u32 s1, $0xD;
	s1 =	sshrl.u32 s1, $0x2  }
0xba: {  	s3 =	sand.u32 $0x4000, s31;
	s1 =	sadd.s32 s1, s30  }
0xbb: {  	s0 =	sor.u32 s3, s0;
	s1 =	sshll.u32 s1, $0x11  }
0xbc: {  	s0 =	sor.u32 s1, s0  }
0xbd: {  	s0 =	sadd.s32 $0x8F2B, s0  }
0xbe: {  	[sflag:s0] =	ssyncadd.remote.s32 $0x1  }
0xbf: {  	_ =	sfence.sel $0xFFFF  }
0xc0: {  	[dreg:$0x0] =	wrdreg $0xFFFFFFFF;
	(pc) =	sbr.abs _section_cstart, $3  }
0xc1: {  	[dreg:$0x1] =	wrdreg $0xFFFFFFFF  }
0xc2: {  	_ =	task.clear_ibuf [dreg:s7], $0x2FFFF;
	_ =	strace $0x9FFFFFFF  }
0xc3: {  	(tm) =	ssettm $0x7FFFFFFF  }
tec
execute0_lowered:
.L_overlay_start_1:
0x0: {  	(tag) =	ssettag $0x1  }
0x1: {  	s0 =	rddreg [dreg:$0x0];
	s1 =	srdreg.scid  }
0x2: {  	s2 =	rddreg [dreg:$0x1];
	s11 =	stileid.u32  }
0x3: {  	s3 =	rddreg [dreg:$0x2];
	s4 =	simm.s32 $0x0;
	s9 =	smul.u32 $0x13C00, s11  }
0x4: {  	s1 =	sand.u32 $0x1, s1;
	[smem:$0x7FF] =	sst s4;
	s10 =	smul.u32 $0x2780, s11  }
0x5: {  	s26 =	sadd.s32 $0x10BA00, s2;
	s14 =	sadd.s32 $0x15AA00, s2;
	s5 =	sshll.u32 s1, $0x4  }
0x6: {  	_ =	strace $0x8000004A;
	p0 =	seq.s32 s1, $0x0;
	s1 =	ssub.s32 $0x2, s1  }
0x7: {  	s5 =	sor.u32 s11, s5;
	s9 =	sshrl.u32 s9, $0x3;
	s11 =	smul.u32 $0x4F000, s11  }
0x8: {  	s13 =	sshrl.u32 s1, $0x1;
	s8 =	smul.u32 $0x2780, s5;
	s9 =	sadd.s32 $0x27800, s9  }
0x9: {  	s1 =	ssub.s32 s1, s13;
	s9 =	smov.u32 @p0 s10;
	s22 =	sshrl.u32 s11, $0x2  }
0xa: {  	s1 =	smax.u32 s1, $0x1;
	s8 =	sshrl.u32 s8, $0x3;
	s10 =	sadd.s32 s9, s2  }
0xb: {  	[dreg:$0x7] =	wrdreg s1;
	s21 =	sadd.s32 s9, s26;
	s12 =	sadd.s32 s8, s2  }
0xc: {  	s8 =	sadd.s32 s22, s3;
	[dreg:$0xf] =	wrdreg s21;
	s22 =	sadd.s32 s9, s14  }
0xd: {  	s6 =	sadd.s32 $0x6E600, s2;
	s26 =	sadd.s32 $0xBCA00, s10;
	[dreg:$0x10] =	wrdreg s22  }
0xe: {  	s7 =	sadd.s32 $0x95800, s2;
	s23 =	sadd.s32 $0x16280, s12;
	[dreg:$0x14] =	wrdreg s26  }
0xf: {  	s5 =	sadd.s32 $0x47400, s2;
	s24 =	sadd.s32 $0x2000, s8;
	[dreg:$0x4] =	wrdreg s23  }
0x10: {  	s13 =	simm.s32 $0x40;
	s25 =	sadd.s32 $0x4000, s8;
	[dreg:$0x5] =	wrdreg s24  }
0x11: {  	s2 =	sadd.s32 $0x1A9A00, s2;
	s11 =	sadd.s32 $0x15E00, s12;
	[dreg:$0x6] =	wrdreg s25  }
0x12: {  	s14 =	simm.s32 $0x2800;
	s15 =	sadd.s32 $0x15E80, s12;
	[dreg:$0x8] =	wrdreg s11  }
0x13: {  	s21 =	simm.s32 $0x0;
	s16 =	sadd.s32 $0x15F00, s12;
	[dreg:$0x9] =	wrdreg s15  }
0x14: {  	s17 =	sadd.s32 $0x15F80, s12;
	s18 =	sadd.s32 $0x16000, s12;
	[dreg:$0xa] =	wrdreg s16  }
0x15: {  	s19 =	sadd.s32 $0x16080, s12;
	s20 =	sadd.s32 $0x16100, s12;
	[dreg:$0xb] =	wrdreg s17  }
0x16: {  	s26 =	sadd.s32 $0x6000, s8;
	s28 =	sadd.s32 $0x8000, s8;
	[dreg:$0xc] =	wrdreg s18  }
0x17: {  	s29 =	sadd.s32 $0xA000, s8;
	s30 =	sadd.s32 $0xC000, s8;
	[dreg:$0xd] =	wrdreg s19  }
0x18: {  	s31 =	sadd.s32 $0xE000, s8;
	s1 =	sadd.s32 $0x10000, s8;
	[dreg:$0xe] =	wrdreg s20  }
0x19: {  	s23 =	sadd.s32 s9, s2;
	s24 =	sadd.s32 $0x16180, s12;
	s25 =	sadd.s32 $0x16200, s12  }
0x1a: {  	s2 =	sadd.s32 $0x12000, s8;
	s9 =	simm.s32 $0x3;
	s12 =	simm.s32 $0x2880  }
0x1b: {  	s15 =	simm.s32 $0x2840;
	s16 =	simm.s32 $0x4880;
	[dreg:$0x11] =	wrdreg s23  }
0x1c: {  	s17 =	simm.s32 $0x1;
	s18 =	simm.s32 $0x2;
	[dreg:$0x12] =	wrdreg s24  }
0x1d: {  	v0 =	vimm.f32 $0.0e+00;
	s19 =	simm.s32 $0x2780;
	s20 =	simm.s32 $0x27C0;
	[dreg:$0x13] =	wrdreg s25  }
.LBB2_1:
0x1e: {  	s10 =	rddreg [dreg:$0x8]  }
0x1f: {  	[tilespmem:s4], [sflag:$0x3] =	stream.linear.gather [hbm4b:s10+s4], $0x400, $0x38;
	[tilespmem:$0x1A480] =	vst v63  }
0x20: {  	_ =	swait.ge [sflag:s9], $0x400  }
0x21: {  	[sflag:s9] =	ssyncset.done $0x0  }
0x22: {  	s11 =	simm.s32 $0x400;
	s25 =	rddreg [dreg:$0x9];
	[sflag:s9] =	ssyncadd.s32 $0xFFFFFC00  }
0x23: {  	[tilespmem:s11], [sflag:$0x3] =	stream.linear.gather [hbm4b:s25+s4], $0x400, $0x38;
	[tilespmem:$0x1A480] =	vst v63  }
0x24: {  	_ =	swait.ge [sflag:s9], $0x400  }
0x25: {  	[sflag:s9] =	ssyncset.done $0x0  }
0x26: {  	s23 =	simm.s32 $0x800;
	s22 =	rddreg [dreg:$0xa];
	[sflag:s9] =	ssyncadd.s32 $0xFFFFFC00  }
0x27: {  	[tilespmem:s23], [sflag:$0x3] =	stream.linear.gather [hbm4b:s22+s4], $0x400, $0x38;
	[tilespmem:$0x1A480] =	vst v63  }
0x28: {  	_ =	swait.ge [sflag:s9], $0x400  }
0x29: {  	[sflag:s9] =	ssyncset.done $0x0  }
0x2a: {  	s25 =	simm.s32 $0xC00;
	s24 =	rddreg [dreg:$0xb];
	[sflag:s9] =	ssyncadd.s32 $0xFFFFFC00  }
0x2b: {  	[tilespmem:s25], [sflag:$0x3] =	stream.linear.gather [hbm4b:s24+s4], $0x400, $0x38;
	[tilespmem:$0x1A480] =	vst v63  }
0x2c: {  	_ =	swait.ge [sflag:s9], $0x400  }
0x2d: {  	[sflag:s9] =	ssyncset.done $0x0  }
0x2e: {  	s23 =	simm.s32 $0x1000;
	s22 =	rddreg [dreg:$0xc];
	[sflag:s9] =	ssyncadd.s32 $0xFFFFFC00  }
0x2f: {  	[tilespmem:s23], [sflag:$0x3] =	stream.linear.gather [hbm4b:s22+s4], $0x400, $0x38;
	[tilespmem:$0x1A480] =	vst v63  }
0x30: {  	_ =	swait.ge [sflag:s9], $0x400  }
0x31: {  	[sflag:s9] =	ssyncset.done $0x0  }
0x32: {  	s25 =	simm.s32 $0x1400;
	s24 =	rddreg [dreg:$0xd];
	[sflag:s9] =	ssyncadd.s32 $0xFFFFFC00  }
0x33: {  	[tilespmem:s25], [sflag:$0x3] =	stream.linear.gather [hbm4b:s24+s4], $0x400, $0x38;
	[tilespmem:$0x1A480] =	vst v63  }
0x34: {  	_ =	swait.ge [sflag:s9], $0x400  }
0x35: {  	[sflag:s9] =	ssyncset.done $0x0  }
0x36: {  	s23 =	simm.s32 $0x1800;
	s22 =	rddreg [dreg:$0xe];
	[sflag:s9] =	ssyncadd.s32 $0xFFFFFC00  }
0x37: {  	[tilespmem:s23], [sflag:$0x3] =	stream.linear.gather [hbm4b:s22+s4], $0x400, $0x38;
	[tilespmem:$0x1A480] =	vst v63  }
0x38: {  	_ =	swait.ge [sflag:s9], $0x400  }
0x39: {  	[sflag:s9] =	ssyncset.done $0x0  }
0x3a: {  	s25 =	simm.s32 $0x1C00;
	s24 =	rddreg [dreg:$0x12];
	[sflag:s9] =	ssyncadd.s32 $0xFFFFFC00  }
0x3b: {  	[tilespmem:s25], [sflag:$0x3] =	stream.linear.gather [hbm4b:s24+s4], $0x400, $0x38;
	[tilespmem:$0x1A480] =	vst v63  }
0x3c: {  	_ =	swait.ge [sflag:s9], $0x400  }
0x3d: {  	[sflag:s9] =	ssyncset.done $0x0  }
0x3e: {  	s22 =	simm.s32 $0x2000;
	s11 =	rddreg [dreg:$0x13];
	[sflag:s9] =	ssyncadd.s32 $0xFFFFFC00  }
0x3f: {  	[tilespmem:s22], [sflag:$0x3] =	stream.linear.gather [hbm4b:s11+s4], $0x400, $0x38;
	[tilespmem:$0x1A480] =	vst v63  }
0x40: {  	_ =	swait.ge [sflag:s9], $0x400  }
0x41: {  	s24 =	simm.s32 $0x2400;
	[sflag:s9] =	ssyncset.done $0x0  }
0x42: {  	s25 =	sand.u32 $0x7E00, s4;
	s23 =	rddreg [dreg:$0x4];
	[sflag:s9] =	ssyncadd.s32 $0xFFFFFC00  }
0x43: {  	[tilespmem:s24], [sflag:$0x3] =	stream.linear.gather [hbm4b:s23+s4], $0x380, $0x38;
	[tilespmem:$0x1A480] =	vst v63  }
0x44: {  	s10 =	sshrl.u32 s25, $0x2;
	_ =	swait.ge [sflag:s9], $0x380  }
0x45: {  	s22 =	simm.s32 $0x40;
	s23 =	sand.u32 $0x70, s4;
	[sflag:s9] =	ssyncset.done $0x0  }
0x46: {  	s24 =	sor.u32 s23, s10;
	s23 =	simm.s32 $0x0;
	[sflag:s9] =	ssyncadd.s32 $0xFFFFFC80  }
.LBB2_2:
0x47: {  	p0 =	sne.s32 s22, $0x7FC0  }
0x48: {  	[tilespmem:s24+$0x2880] =	vst v0;
	s23 =	sadd.s32 $0x10, s23;
	s10 =	smov.u32 s22;
	s22 =	sadd.s32 $0x40, s22  }
.Ltmp0:
0x49: {  	(pc) =	sbr.rel @p0 .LBB2_2-.Ltmp0, $4  }
0x4a: {  	_ = 	snop  }
0x4b: {  	s10 =	sand.u32 $0x7E00, s10  }
0x4c: {  	s24 =	sand.u32 $0x70, s23;
	s10 =	sshrl.u32 s10, $0x2  }
0x4d: {  	s24 =	sor.u32 s24, s10  }
0x4e: {  	[tilespmem:s24+$0x2880] =	vst v0  }
0x4f: {  	[spmem:s8] =	stream.linear.scatter [tilespmem:s12], [sflag:$0x3], $0x2000, $0x38;
	[tilespmem:$0x1A480] =	vst v63  }
0x50: {  	_ =	swait.ge [sflag:s9], $0x2000  }
0x51: {  	[sflag:s9] =	ssyncset.done $0x0  }
0x52: {  	s10 =	rddreg [dreg:$0x5];
	[sflag:s9] =	ssyncadd.s32 $0xFFFFE000  }
0x53: {  	[spmem:s10] =	stream.linear.scatter [tilespmem:s12], [sflag:$0x3], $0x2000, $0x38;
	[tilespmem:$0x1A480] =	vst v63  }
0x54: {  	_ =	swait.ge [sflag:s9], $0x2000  }
0x55: {  	[sflag:s9] =	ssyncset.done $0x0  }
0x56: {  	s24 =	rddreg [dreg:$0x6];
	[sflag:s9] =	ssyncadd.s32 $0xFFFFE000  }
0x57: {  	[spmem:s24] =	stream.linear.scatter [tilespmem:s12], [sflag:$0x3], $0x2000, $0x38;
	[tilespmem:$0x1A480] =	vst v63  }
0x58: {  	_ =	swait.ge [sflag:s9], $0x2000  }
0x59: {  	[sflag:s9] =	ssyncset.done $0x0  }
0x5a: {  	[sflag:s9] =	ssyncadd.s32 $0xFFFFE000  }
0x5b: {  	[spmem:s26] =	stream.linear.scatter [tilespmem:s12], [sflag:$0x3], $0x2000, $0x38;
	[tilespmem:$0x1A480] =	vst v63  }
0x5c: {  	_ =	swait.ge [sflag:s9], $0x2000  }
0x5d: {  	[sflag:s9] =	ssyncset.done $0x0  }
0x5e: {  	[sflag:s9] =	ssyncadd.s32 $0xFFFFE000  }
0x5f: {  	[spmem:s28] =	stream.linear.scatter [tilespmem:s12], [sflag:$0x3], $0x2000, $0x38;
	[tilespmem:$0x1A480] =	vst v63  }
0x60: {  	_ =	swait.ge [sflag:s9], $0x2000  }
0x61: {  	[sflag:s9] =	ssyncset.done $0x0  }
0x62: {  	[sflag:s9] =	ssyncadd.s32 $0xFFFFE000  }
0x63: {  	[spmem:s29] =	stream.linear.scatter [tilespmem:s12], [sflag:$0x3], $0x2000, $0x38;
	[tilespmem:$0x1A480] =	vst v63  }
0x64: {  	_ =	swait.ge [sflag:s9], $0x2000  }
0x65: {  	[sflag:s9] =	ssyncset.done $0x0  }
0x66: {  	[sflag:s9] =	ssyncadd.s32 $0xFFFFE000  }
0x67: {  	[spmem:s30] =	stream.linear.scatter [tilespmem:s12], [sflag:$0x3], $0x2000, $0x38;
	[tilespmem:$0x1A480] =	vst v63  }
0x68: {  	_ =	swait.ge [sflag:s9], $0x2000  }
0x69: {  	[sflag:s9] =	ssyncset.done $0x0  }
0x6a: {  	[sflag:s9] =	ssyncadd.s32 $0xFFFFE000  }
0x6b: {  	[spmem:s31] =	stream.linear.scatter [tilespmem:s12], [sflag:$0x3], $0x2000, $0x38;
	[tilespmem:$0x1A480] =	vst v63  }
0x6c: {  	_ =	swait.ge [sflag:s9], $0x2000  }
0x6d: {  	[sflag:s9] =	ssyncset.done $0x0  }
0x6e: {  	[sflag:s9] =	ssyncadd.s32 $0xFFFFE000  }
0x6f: {  	[spmem:s1] =	stream.linear.scatter [tilespmem:s12], [sflag:$0x3], $0x2000, $0x38;
	[tilespmem:$0x1A480] =	vst v63  }
0x70: {  	_ =	swait.ge [sflag:s9], $0x2000  }
0x71: {  	[sflag:s9] =	ssyncset.done $0x0  }
0x72: {  	[sflag:s9] =	ssyncadd.s32 $0xFFFFE000  }
0x73: {  	[spmem:s2] =	stream.linear.scatter [tilespmem:s12], [sflag:$0x3], $0x1C00, $0x38;
	[tilespmem:$0x1A480] =	vst v63  }
0x74: {  	_ =	swait.ge [sflag:s9], $0x1C00  }
0x75: {  	[sflag:s9] =	ssyncset.done $0x0  }
0x76: {  	[sflag:s9] =	ssyncadd.s32 $0xFFFFE400  }
0x77: {  	s25 =	simm.s32 $0x0;
	[bflag:$0x0] =	sbarrier.arrive $0xFFFF  }
0x78: {  	v1 =	vld [tilespmem:s25+$0x0];
	_ =	sdelay $0x4  }
0x79: {  	v2 =	vshrl.u32 v1, $0xE  }
0x7a: {  	v1 =	vand.u32 $0x3FFF, v1;
	[tilespmem:$0x2780] =	vst v2  }
0x7b: {  	[tilespmem:$0x2800] =	vst v1  }
0x7c: {  	v1 =	vld [tilespmem:s25+$0x10];
	_ =	sdelay $0x4  }
0x7d: {  	v2 =	vshrl.u32 v1, $0xE  }
0x7e: {  	v1 =	vand.u32 $0x3FFF, v1;
	[tilespmem:$0x2790] =	vst v2  }
0x7f: {  	[tilespmem:$0x2810] =	vst v1  }
0x80: {  	v1 =	vld [tilespmem:s25+$0x20];
	_ =	sdelay $0x4  }
0x81: {  	v2 =	vshrl.u32 v1, $0xE  }
0x82: {  	v1 =	vand.u32 $0x3FFF, v1;
	[tilespmem:$0x27A0] =	vst v2  }
0x83: {  	[tilespmem:$0x2820] =	vst v1  }
0x84: {  	v1 =	vld [tilespmem:s25+$0x30];
	_ =	sdelay $0x4  }
0x85: {  	v2 =	vshrl.u32 v1, $0xE  }
0x86: {  	v1 =	vand.u32 $0x3FFF, v1;
	[tilespmem:$0x27B0] =	vst v2  }
0x87: {  	[tilespmem:$0x2830] =	vst v1  }
0x88: {  	v1 =	vld [tilespmem:s25+$0x40];
	_ =	sdelay $0x4  }
0x89: {  	v2 =	vshrl.u32 v1, $0xE  }
0x8a: {  	v1 =	vand.u32 $0x3FFF, v1;
	[tilespmem:$0x27C0] =	vst v2  }
0x8b: {  	[tilespmem:$0x2840] =	vst v1  }
0x8c: {  	v1 =	vld [tilespmem:s25+$0x50];
	_ =	sdelay $0x4  }
0x8d: {  	v2 =	vshrl.u32 v1, $0xE  }
0x8e: {  	v1 =	vand.u32 $0x3FFF, v1;
	[tilespmem:$0x27D0] =	vst v2  }
0x8f: {  	[tilespmem:$0x2850] =	vst v1  }
0x90: {  	v1 =	vld [tilespmem:s25+$0x60];
	_ =	sdelay $0x4  }
0x91: {  	v2 =	vshrl.u32 v1, $0xE  }
0x92: {  	v1 =	vand.u32 $0x3FFF, v1;
	[tilespmem:$0x27E0] =	vst v2  }
0x93: {  	[tilespmem:$0x2860] =	vst v1  }
0x94: {  	v1 =	vld [tilespmem:s25+$0x70];
	_ =	sdelay $0x4  }
0x95: {  	v2 =	vshrl.u32 v1, $0xE  }
0x96: {  	v1 =	vand.u32 $0x3FFF, v1;
	[tilespmem:$0x27F0] =	vst v2  }
0x97: {  	[tilespmem:$0x2870] =	vst v1  }
0x98: {  	[tilespmem:s12], [sflag:$0x1] =	stream.indirect.gather [hbm4b:s0+s13], $0x80, s14, s13, $0xb8;
	[tilespmem:$0x1A480] =	vst v63  }
0x99: {  	_ = 	snop  }
0x9a: {  	[tilespmem:s16], [sflag:$0x2] =	stream.indirect.gather [hbm4b:s0+s13], $0x80, s15, s13, $0xb8;
	[tilespmem:$0x1A480] =	vst v63  }
0x9b: {  	_ =	swait.ge [sflag:s17], $0x2000  }
0x9c: {  	[sflag:s17] =	ssyncset.done $0x0  }
0x9d: {  	[sflag:s17] =	ssyncadd.s32 $0xFFFFE000  }
0x9e: {  	_ =	swait.ge [sflag:s18], $0x2000  }
0x9f: {  	s22 =	simm.s32 $0x200;
	[sflag:s18] =	ssyncset.done $0x0  }
.LBB2_4:
0xa0: {  	p0 =	sne.s32 s22, $0x9C00  }
0xa1: {  	[sflag:s18] =	ssyncadd.s32 $0xFFFFE000;
	s10 =	smov.u32 s22;
	s22 =	sadd.s32 $0x200, s22  }
0xa2: {  	[spmem:s3] =	stream.indirect.scatter.add.f32 [tilespmem:s12], [sflag:$0x3], $0x80, s19, s13, $0xb8;
	[tilespmem:$0x1A480] =	vst v63  }
0xa3: {  	_ =	swait.ge [sflag:s9], $0x2000  }
0xa4: {  	[sflag:s9] =	ssyncset.done $0x0  }
0xa5: {  	[sflag:s9] =	ssyncadd.s32 $0xFFFFE000  }
0xa6: {  	[spmem:s3] =	stream.indirect.scatter.add.f32 [tilespmem:s16], [sflag:$0x3], $0x80, s20, s13, $0xb8;
	[tilespmem:$0x1A480] =	vst v63  }
0xa7: {  	_ =	swait.ge [sflag:s9], $0x2000  }
0xa8: {  	[sflag:s9] =	ssyncset.done $0x0  }
0xa9: {  	s23 =	sshra.s32 s10, $0x2;
	[sflag:s9] =	ssyncadd.s32 $0xFFFFE000  }
0xaa: {  	v1 =	vld [tilespmem:s23+$0x0];
	_ =	sdelay $0x4  }
0xab: {  	v2 =	vshrl.u32 v1, $0xE;
	v1 =	vand.u32 $0x3FFF, v1  }
0xac: {  	[tilespmem:$0x2780] =	vst v2  }
0xad: {  	[tilespmem:$0x2800] =	vst v1  }
0xae: {  	v1 =	vld [tilespmem:s23+$0x10];
	_ =	sdelay $0x4  }
0xaf: {  	v2 =	vshrl.u32 v1, $0xE;
	v1 =	vand.u32 $0x3FFF, v1  }
0xb0: {  	[tilespmem:$0x2790] =	vst v2  }
0xb1: {  	[tilespmem:$0x2810] =	vst v1  }
0xb2: {  	v1 =	vld [tilespmem:s23+$0x20];
	_ =	sdelay $0x4  }
0xb3: {  	v2 =	vshrl.u32 v1, $0xE;
	v1 =	vand.u32 $0x3FFF, v1  }
0xb4: {  	[tilespmem:$0x27A0] =	vst v2  }
0xb5: {  	[tilespmem:$0x2820] =	vst v1  }
0xb6: {  	v1 =	vld [tilespmem:s23+$0x30];
	_ =	sdelay $0x4  }
0xb7: {  	v2 =	vshrl.u32 v1, $0xE;
	v1 =	vand.u32 $0x3FFF, v1  }
0xb8: {  	[tilespmem:$0x27B0] =	vst v2  }
0xb9: {  	[tilespmem:$0x2830] =	vst v1  }
0xba: {  	v1 =	vld [tilespmem:s23+$0x40];
	_ =	sdelay $0x4  }
0xbb: {  	v2 =	vshrl.u32 v1, $0xE;
	v1 =	vand.u32 $0x3FFF, v1  }
0xbc: {  	[tilespmem:$0x27C0] =	vst v2  }
0xbd: {  	[tilespmem:$0x2840] =	vst v1  }
0xbe: {  	v1 =	vld [tilespmem:s23+$0x50];
	_ =	sdelay $0x4  }
0xbf: {  	v2 =	vshrl.u32 v1, $0xE;
	v1 =	vand.u32 $0x3FFF, v1  }
0xc0: {  	[tilespmem:$0x27D0] =	vst v2  }
0xc1: {  	[tilespmem:$0x2850] =	vst v1  }
0xc2: {  	v1 =	vld [tilespmem:s23+$0x60];
	_ =	sdelay $0x4  }
0xc3: {  	v2 =	vshrl.u32 v1, $0xE;
	v1 =	vand.u32 $0x3FFF, v1  }
0xc4: {  	[tilespmem:$0x27E0] =	vst v2  }
0xc5: {  	[tilespmem:$0x2860] =	vst v1  }
0xc6: {  	v1 =	vld [tilespmem:s23+$0x70];
	_ =	sdelay $0x4  }
0xc7: {  	v2 =	vshrl.u32 v1, $0xE;
	v1 =	vand.u32 $0x3FFF, v1  }
0xc8: {  	[tilespmem:$0x27F0] =	vst v2  }
0xc9: {  	[tilespmem:$0x2870] =	vst v1  }
0xca: {  	[tilespmem:s12], [sflag:$0x1] =	stream.indirect.gather [hbm4b:s0+s13], $0x80, s14, s13, $0xb8;
	[tilespmem:$0x1A480] =	vst v63  }
0xcb: {  	_ = 	snop  }
0xcc: {  	[tilespmem:s16], [sflag:$0x2] =	stream.indirect.gather [hbm4b:s0+s13], $0x80, s15, s13, $0xb8;
	[tilespmem:$0x1A480] =	vst v63  }
.Ltmp1:
0xcd: {  	_ =	swait.ge [sflag:s17], $0x2000;
	(pc) =	sbr.rel @p0 .LBB2_4-.Ltmp1, $4  }
0xce: {  	[sflag:s17] =	ssyncset.done $0x0  }
0xcf: {  	[sflag:s17] =	ssyncadd.s32 $0xFFFFE000  }
0xd0: {  	_ =	swait.ge [sflag:s18], $0x2000  }
0xd1: {  	[sflag:s18] =	ssyncset.done $0x0  }
0xd2: {  	[sflag:s18] =	ssyncadd.s32 $0xFFFFE000  }
0xd3: {  	[spmem:s3] =	stream.indirect.scatter.add.f32 [tilespmem:s12], [sflag:$0x3], $0x80, s19, s13, $0xb8;
	[tilespmem:$0x1A480] =	vst v63  }
0xd4: {  	_ =	swait.ge [sflag:s9], $0x2000  }
0xd5: {  	[sflag:s9] =	ssyncset.done $0x0  }
0xd6: {  	[sflag:s9] =	ssyncadd.s32 $0xFFFFE000  }
0xd7: {  	[spmem:s3] =	stream.indirect.scatter.add.f32 [tilespmem:s16], [sflag:$0x3], $0x80, s20, s13, $0xb8;
	[tilespmem:$0x1A480] =	vst v63  }
0xd8: {  	_ =	swait.ge [sflag:s9], $0x2000  }
0xd9: {  	[sflag:s9] =	ssyncset.done $0x0  }
0xda: {  	s10 =	stileid.u32;
	[sflag:s9] =	ssyncadd.s32 $0xFFFFE000  }
0xdb: {  	s10 =	sshll.u32 s10, $0x6;
	[bflag:$0x0] =	sbarrier.arrive $0xFFFF  }
0xdc: {  	s23 =	sshrl.u32 s8, $0x3;
	s22 =	sor.u32 $0x1C03, s10;
	s24 =	rddreg [dreg:$0x14]  }
0xdd: {  	[hbm:s24], [sflag:s22] =	dma.local [spmem:s23], $0x2780  }
0xde: {  	s24 =	simm.s32 $0x0;
	_ =	swait.ge [sflag:s9], $0x2780  }
0xdf: {  	s25 =	sand.u32 $0x7E00, s24;
	[sflag:s9] =	ssyncset.done $0x0  }
0xe0: {  	s11 =	sand.u32 $0x70, s24;
	s10 =	sshrl.u32 s25, $0x2;
	[sflag:s9] =	ssyncadd.s32 $0xFFFFD880  }
0xe1: {  	s25 =	simm.s32 $0x40;
	s10 =	sor.u32 s11, s10;
	[bflag:$0x0] =	sbarrier.arrive $0xFFFF  }
.LBB2_6:
0xe2: {  	p0 =	sne.s32 s25, $0x7FC0  }
0xe3: {  	[tilespmem:s10+$0x2880] =	vst v0;
	s24 =	sadd.s32 $0x10, s24;
	s10 =	smov.u32 s25;
	s25 =	sadd.s32 $0x40, s25  }
.Ltmp2:
0xe4: {  	(pc) =	sbr.rel @p0 .LBB2_6-.Ltmp2, $4  }
0xe5: {  	_ = 	snop  }
0xe6: {  	s10 =	sand.u32 $0x7E00, s10  }
0xe7: {  	s11 =	sand.u32 $0x70, s24;
	s10 =	sshrl.u32 s10, $0x2  }
0xe8: {  	s10 =	sor.u32 s11, s10  }
0xe9: {  	[tilespmem:s10+$0x2880] =	vst v0  }
0xea: {  	[spmem:s8] =	stream.linear.scatter [tilespmem:s12], [sflag:$0x3], $0x2000, $0x38;
	[tilespmem:$0x1A480] =	vst v63  }
0xeb: {  	_ =	swait.ge [sflag:s9], $0x2000  }
0xec: {  	[sflag:s9] =	ssyncset.done $0x0  }
0xed: {  	s11 =	rddreg [dreg:$0x5];
	[sflag:s9] =	ssyncadd.s32 $0xFFFFE000  }
0xee: {  	[spmem:s11] =	stream.linear.scatter [tilespmem:s12], [sflag:$0x3], $0x2000, $0x38;
	[tilespmem:$0x1A480] =	vst v63  }
0xef: {  	_ =	swait.ge [sflag:s9], $0x2000  }
0xf0: {  	[sflag:s9] =	ssyncset.done $0x0  }
0xf1: {  	s24 =	rddreg [dreg:$0x6];
	[sflag:s9] =	ssyncadd.s32 $0xFFFFE000  }
0xf2: {  	[spmem:s24] =	stream.linear.scatter [tilespmem:s12], [sflag:$0x3], $0x2000, $0x38;
	[tilespmem:$0x1A480] =	vst v63  }
0xf3: {  	_ =	swait.ge [sflag:s9], $0x2000  }
0xf4: {  	[sflag:s9] =	ssyncset.done $0x0  }
0xf5: {  	[sflag:s9] =	ssyncadd.s32 $0xFFFFE000  }
0xf6: {  	[spmem:s26] =	stream.linear.scatter [tilespmem:s12], [sflag:$0x3], $0x2000, $0x38;
	[tilespmem:$0x1A480] =	vst v63  }
0xf7: {  	_ =	swait.ge [sflag:s9], $0x2000  }
0xf8: {  	[sflag:s9] =	ssyncset.done $0x0  }
0xf9: {  	[sflag:s9] =	ssyncadd.s32 $0xFFFFE000  }
0xfa: {  	[spmem:s28] =	stream.linear.scatter [tilespmem:s12], [sflag:$0x3], $0x2000, $0x38;
	[tilespmem:$0x1A480] =	vst v63  }
0xfb: {  	_ =	swait.ge [sflag:s9], $0x2000  }
0xfc: {  	[sflag:s9] =	ssyncset.done $0x0  }
0xfd: {  	[sflag:s9] =	ssyncadd.s32 $0xFFFFE000  }
0xfe: {  	[spmem:s29] =	stream.linear.scatter [tilespmem:s12], [sflag:$0x3], $0x2000, $0x38;
	[tilespmem:$0x1A480] =	vst v63  }
0xff: {  	_ =	swait.ge [sflag:s9], $0x2000  }
0x100: {  	[sflag:s9] =	ssyncset.done $0x0  }
0x101: {  	[sflag:s9] =	ssyncadd.s32 $0xFFFFE000  }
0x102: {  	[spmem:s30] =	stream.linear.scatter [tilespmem:s12], [sflag:$0x3], $0x2000, $0x38;
	[tilespmem:$0x1A480] =	vst v63  }
0x103: {  	_ =	swait.ge [sflag:s9], $0x2000  }
0x104: {  	[sflag:s9] =	ssyncset.done $0x0  }
0x105: {  	[sflag:s9] =	ssyncadd.s32 $0xFFFFE000  }
0x106: {  	[spmem:s31] =	stream.linear.scatter [tilespmem:s12], [sflag:$0x3], $0x2000, $0x38;
	[tilespmem:$0x1A480] =	vst v63  }
0x107: {  	_ =	swait.ge [sflag:s9], $0x2000  }
0x108: {  	[sflag:s9] =	ssyncset.done $0x0  }
0x109: {  	[sflag:s9] =	ssyncadd.s32 $0xFFFFE000  }
0x10a: {  	[spmem:s1] =	stream.linear.scatter [tilespmem:s12], [sflag:$0x3], $0x2000, $0x38;
	[tilespmem:$0x1A480] =	vst v63  }
0x10b: {  	_ =	swait.ge [sflag:s9], $0x2000  }
0x10c: {  	[sflag:s9] =	ssyncset.done $0x0  }
0x10d: {  	[sflag:s9] =	ssyncadd.s32 $0xFFFFE000  }
0x10e: {  	[spmem:s2] =	stream.linear.scatter [tilespmem:s12], [sflag:$0x3], $0x1C00, $0x38;
	[tilespmem:$0x1A480] =	vst v63  }
0x10f: {  	_ =	swait.ge [sflag:s9], $0x1C00  }
0x110: {  	[sflag:s9] =	ssyncset.done $0x0  }
0x111: {  	[sflag:s9] =	ssyncadd.s32 $0xFFFFE400  }
0x112: {  	s25 =	simm.s32 $0x0;
	[bflag:$0x0] =	sbarrier.arrive $0xFFFF  }
0x113: {  	v1 =	vld [tilespmem:s25+$0x0];
	_ =	sdelay $0x4  }
0x114: {  	v2 =	vshrl.u32 v1, $0xE  }
0x115: {  	v1 =	vand.u32 $0x3FFF, v1;
	[tilespmem:$0x2780] =	vst v2  }
0x116: {  	[tilespmem:$0x2800] =	vst v1  }
0x117: {  	v1 =	vld [tilespmem:s25+$0x10];
	_ =	sdelay $0x4  }
0x118: {  	v2 =	vshrl.u32 v1, $0xE  }
0x119: {  	v1 =	vand.u32 $0x3FFF, v1;
	[tilespmem:$0x2790] =	vst v2  }
0x11a: {  	[tilespmem:$0x2810] =	vst v1  }
0x11b: {  	v1 =	vld [tilespmem:s25+$0x20];
	_ =	sdelay $0x4  }
0x11c: {  	v2 =	vshrl.u32 v1, $0xE  }
0x11d: {  	v1 =	vand.u32 $0x3FFF, v1;
	[tilespmem:$0x27A0] =	vst v2  }
0x11e: {  	[tilespmem:$0x2820] =	vst v1  }
0x11f: {  	v1 =	vld [tilespmem:s25+$0x30];
	_ =	sdelay $0x4  }
0x120: {  	v2 =	vshrl.u32 v1, $0xE  }
0x121: {  	v1 =	vand.u32 $0x3FFF, v1;
	[tilespmem:$0x27B0] =	vst v2  }
0x122: {  	[tilespmem:$0x2830] =	vst v1  }
0x123: {  	v1 =	vld [tilespmem:s25+$0x40];
	_ =	sdelay $0x4  }
0x124: {  	v2 =	vshrl.u32 v1, $0xE  }
0x125: {  	v1 =	vand.u32 $0x3FFF, v1;
	[tilespmem:$0x27C0] =	vst v2  }
0x126: {  	[tilespmem:$0x2840] =	vst v1  }
0x127: {  	v1 =	vld [tilespmem:s25+$0x50];
	_ =	sdelay $0x4  }
0x128: {  	v2 =	vshrl.u32 v1, $0xE  }
0x129: {  	v1 =	vand.u32 $0x3FFF, v1;
	[tilespmem:$0x27D0] =	vst v2  }
0x12a: {  	[tilespmem:$0x2850] =	vst v1  }
0x12b: {  	v1 =	vld [tilespmem:s25+$0x60];
	_ =	sdelay $0x4  }
0x12c: {  	v2 =	vshrl.u32 v1, $0xE  }
0x12d: {  	v1 =	vand.u32 $0x3FFF, v1;
	[tilespmem:$0x27E0] =	vst v2  }
0x12e: {  	[tilespmem:$0x2860] =	vst v1  }
0x12f: {  	v1 =	vld [tilespmem:s25+$0x70];
	_ =	sdelay $0x4  }
0x130: {  	v2 =	vshrl.u32 v1, $0xE  }
0x131: {  	v1 =	vand.u32 $0x3FFF, v1;
	[tilespmem:$0x27F0] =	vst v2  }
0x132: {  	[tilespmem:$0x2870] =	vst v1  }
0x133: {  	[tilespmem:s12], [sflag:$0x1] =	stream.indirect.gather [hbm4b:s5+s13], $0x80, s14, s13, $0xb8;
	[tilespmem:$0x1A480] =	vst v63  }
0x134: {  	_ = 	snop  }
0x135: {  	[tilespmem:s16], [sflag:$0x2] =	stream.indirect.gather [hbm4b:s5+s13], $0x80, s15, s13, $0xb8;
	[tilespmem:$0x1A480] =	vst v63  }
0x136: {  	_ =	swait.ge [sflag:s17], $0x2000  }
0x137: {  	[sflag:s17] =	ssyncset.done $0x0  }
0x138: {  	[sflag:s17] =	ssyncadd.s32 $0xFFFFE000  }
0x139: {  	_ =	swait.ge [sflag:s18], $0x2000  }
0x13a: {  	s24 =	simm.s32 $0x200;
	[sflag:s18] =	ssyncset.done $0x0  }
.LBB2_8:
0x13b: {  	p0 =	sne.s32 s24, $0x9C00  }
0x13c: {  	[sflag:s18] =	ssyncadd.s32 $0xFFFFE000;
	s10 =	smov.u32 s24;
	s24 =	sadd.s32 $0x200, s24  }
0x13d: {  	[spmem:s3] =	stream.indirect.scatter.add.f32 [tilespmem:s12], [sflag:$0x3], $0x80, s19, s13, $0xb8;
	[tilespmem:$0x1A480] =	vst v63  }
0x13e: {  	_ =	swait.ge [sflag:s9], $0x2000  }
0x13f: {  	[sflag:s9] =	ssyncset.done $0x0  }
0x140: {  	[sflag:s9] =	ssyncadd.s32 $0xFFFFE000  }
0x141: {  	[spmem:s3] =	stream.indirect.scatter.add.f32 [tilespmem:s16], [sflag:$0x3], $0x80, s20, s13, $0xb8;
	[tilespmem:$0x1A480] =	vst v63  }
0x142: {  	_ =	swait.ge [sflag:s9], $0x2000  }
0x143: {  	[sflag:s9] =	ssyncset.done $0x0  }
0x144: {  	s25 =	sshra.s32 s10, $0x2;
	[sflag:s9] =	ssyncadd.s32 $0xFFFFE000  }
0x145: {  	v1 =	vld [tilespmem:s25+$0x0];
	_ =	sdelay $0x4  }
0x146: {  	v2 =	vshrl.u32 v1, $0xE;
	v1 =	vand.u32 $0x3FFF, v1  }
0x147: {  	[tilespmem:$0x2780] =	vst v2  }
0x148: {  	[tilespmem:$0x2800] =	vst v1  }
0x149: {  	v1 =	vld [tilespmem:s25+$0x10];
	_ =	sdelay $0x4  }
0x14a: {  	v2 =	vshrl.u32 v1, $0xE;
	v1 =	vand.u32 $0x3FFF, v1  }
0x14b: {  	[tilespmem:$0x2790] =	vst v2  }
0x14c: {  	[tilespmem:$0x2810] =	vst v1  }
0x14d: {  	v1 =	vld [tilespmem:s25+$0x20];
	_ =	sdelay $0x4  }
0x14e: {  	v2 =	vshrl.u32 v1, $0xE;
	v1 =	vand.u32 $0x3FFF, v1  }
0x14f: {  	[tilespmem:$0x27A0] =	vst v2  }
0x150: {  	[tilespmem:$0x2820] =	vst v1  }
0x151: {  	v1 =	vld [tilespmem:s25+$0x30];
	_ =	sdelay $0x4  }
0x152: {  	v2 =	vshrl.u32 v1, $0xE;
	v1 =	vand.u32 $0x3FFF, v1  }
0x153: {  	[tilespmem:$0x27B0] =	vst v2  }
0x154: {  	[tilespmem:$0x2830] =	vst v1  }
0x155: {  	v1 =	vld [tilespmem:s25+$0x40];
	_ =	sdelay $0x4  }
0x156: {  	v2 =	vshrl.u32 v1, $0xE;
	v1 =	vand.u32 $0x3FFF, v1  }
0x157: {  	[tilespmem:$0x27C0] =	vst v2  }
0x158: {  	[tilespmem:$0x2840] =	vst v1  }
0x159: {  	v1 =	vld [tilespmem:s25+$0x50];
	_ =	sdelay $0x4  }
0x15a: {  	v2 =	vshrl.u32 v1, $0xE;
	v1 =	vand.u32 $0x3FFF, v1  }
0x15b: {  	[tilespmem:$0x27D0] =	vst v2  }
0x15c: {  	[tilespmem:$0x2850] =	vst v1  }
0x15d: {  	v1 =	vld [tilespmem:s25+$0x60];
	_ =	sdelay $0x4  }
0x15e: {  	v2 =	vshrl.u32 v1, $0xE;
	v1 =	vand.u32 $0x3FFF, v1  }
0x15f: {  	[tilespmem:$0x27E0] =	vst v2  }
0x160: {  	[tilespmem:$0x2860] =	vst v1  }
0x161: {  	v1 =	vld [tilespmem:s25+$0x70];
	_ =	sdelay $0x4  }
0x162: {  	v2 =	vshrl.u32 v1, $0xE;
	v1 =	vand.u32 $0x3FFF, v1  }
0x163: {  	[tilespmem:$0x27F0] =	vst v2  }
0x164: {  	[tilespmem:$0x2870] =	vst v1  }
0x165: {  	[tilespmem:s12], [sflag:$0x1] =	stream.indirect.gather [hbm4b:s5+s13], $0x80, s14, s13, $0xb8;
	[tilespmem:$0x1A480] =	vst v63  }
0x166: {  	_ = 	snop  }
0x167: {  	[tilespmem:s16], [sflag:$0x2] =	stream.indirect.gather [hbm4b:s5+s13], $0x80, s15, s13, $0xb8;
	[tilespmem:$0x1A480] =	vst v63  }
.Ltmp3:
0x168: {  	_ =	swait.ge [sflag:s17], $0x2000;
	(pc) =	sbr.rel @p0 .LBB2_8-.Ltmp3, $4  }
0x169: {  	[sflag:s17] =	ssyncset.done $0x0  }
0x16a: {  	[sflag:s17] =	ssyncadd.s32 $0xFFFFE000  }
0x16b: {  	_ =	swait.ge [sflag:s18], $0x2000  }
0x16c: {  	[sflag:s18] =	ssyncset.done $0x0  }
0x16d: {  	[sflag:s18] =	ssyncadd.s32 $0xFFFFE000  }
0x16e: {  	[spmem:s3] =	stream.indirect.scatter.add.f32 [tilespmem:s12], [sflag:$0x3], $0x80, s19, s13, $0xb8;
	[tilespmem:$0x1A480] =	vst v63  }
0x16f: {  	_ =	swait.ge [sflag:s9], $0x2000  }
0x170: {  	[sflag:s9] =	ssyncset.done $0x0  }
0x171: {  	[sflag:s9] =	ssyncadd.s32 $0xFFFFE000  }
0x172: {  	[spmem:s3] =	stream.indirect.scatter.add.f32 [tilespmem:s16], [sflag:$0x3], $0x80, s20, s13, $0xb8;
	[tilespmem:$0x1A480] =	vst v63  }
0x173: {  	_ =	swait.ge [sflag:s9], $0x2000  }
0x174: {  	[sflag:s9] =	ssyncset.done $0x0  }
0x175: {  	[sflag:s9] =	ssyncadd.s32 $0xFFFFE000  }
0x176: {  	[bflag:$0x0] =	sbarrier.arrive $0xFFFF  }
0x177: {  	s10 =	rddreg [dreg:$0xf]  }
0x178: {  	[hbm:s10], [sflag:s22] =	dma.local [spmem:s23], $0x2780  }
0x179: {  	s24 =	simm.s32 $0x0;
	_ =	swait.ge [sflag:s9], $0x2780  }
0x17a: {  	s25 =	sand.u32 $0x7E00, s24;
	[sflag:s9] =	ssyncset.done $0x0  }
0x17b: {  	s11 =	sand.u32 $0x70, s24;
	s10 =	sshrl.u32 s25, $0x2;
	[sflag:s9] =	ssyncadd.s32 $0xFFFFD880  }
0x17c: {  	s25 =	simm.s32 $0x40;
	s10 =	sor.u32 s11, s10;
	[bflag:$0x0] =	sbarrier.arrive $0xFFFF  }
.LBB2_10:
0x17d: {  	p0 =	sne.s32 s25, $0x7FC0  }
0x17e: {  	[tilespmem:s10+$0x2880] =	vst v0;
	s24 =	sadd.s32 $0x10, s24;
	s10 =	smov.u32 s25;
	s25 =	sadd.s32 $0x40, s25  }
.Ltmp4:
0x17f: {  	(pc) =	sbr.rel @p0 .LBB2_10-.Ltmp4, $4  }
0x180: {  	_ = 	snop  }
0x181: {  	s10 =	sand.u32 $0x7E00, s10  }
0x182: {  	s11 =	sand.u32 $0x70, s24;
	s10 =	sshrl.u32 s10, $0x2  }
0x183: {  	s10 =	sor.u32 s11, s10  }
0x184: {  	[tilespmem:s10+$0x2880] =	vst v0  }
0x185: {  	[spmem:s8] =	stream.linear.scatter [tilespmem:s12], [sflag:$0x3], $0x2000, $0x38;
	[tilespmem:$0x1A480] =	vst v63  }
0x186: {  	_ =	swait.ge [sflag:s9], $0x2000  }
0x187: {  	[sflag:s9] =	ssyncset.done $0x0  }
0x188: {  	s11 =	rddreg [dreg:$0x5];
	[sflag:s9] =	ssyncadd.s32 $0xFFFFE000  }
0x189: {  	[spmem:s11] =	stream.linear.scatter [tilespmem:s12], [sflag:$0x3], $0x2000, $0x38;
	[tilespmem:$0x1A480] =	vst v63  }
0x18a: {  	_ =	swait.ge [sflag:s9], $0x2000  }
0x18b: {  	[sflag:s9] =	ssyncset.done $0x0  }
0x18c: {  	s24 =	rddreg [dreg:$0x6];
	[sflag:s9] =	ssyncadd.s32 $0xFFFFE000  }
0x18d: {  	[spmem:s24] =	stream.linear.scatter [tilespmem:s12], [sflag:$0x3], $0x2000, $0x38;
	[tilespmem:$0x1A480] =	vst v63  }
0x18e: {  	_ =	swait.ge [sflag:s9], $0x2000  }
0x18f: {  	[sflag:s9] =	ssyncset.done $0x0  }
0x190: {  	[sflag:s9] =	ssyncadd.s32 $0xFFFFE000  }
0x191: {  	[spmem:s26] =	stream.linear.scatter [tilespmem:s12], [sflag:$0x3], $0x2000, $0x38;
	[tilespmem:$0x1A480] =	vst v63  }
0x192: {  	_ =	swait.ge [sflag:s9], $0x2000  }
0x193: {  	[sflag:s9] =	ssyncset.done $0x0  }
0x194: {  	[sflag:s9] =	ssyncadd.s32 $0xFFFFE000  }
0x195: {  	[spmem:s28] =	stream.linear.scatter [tilespmem:s12], [sflag:$0x3], $0x2000, $0x38;
	[tilespmem:$0x1A480] =	vst v63  }
0x196: {  	_ =	swait.ge [sflag:s9], $0x2000  }
0x197: {  	[sflag:s9] =	ssyncset.done $0x0  }
0x198: {  	[sflag:s9] =	ssyncadd.s32 $0xFFFFE000  }
0x199: {  	[spmem:s29] =	stream.linear.scatter [tilespmem:s12], [sflag:$0x3], $0x2000, $0x38;
	[tilespmem:$0x1A480] =	vst v63  }
0x19a: {  	_ =	swait.ge [sflag:s9], $0x2000  }
0x19b: {  	[sflag:s9] =	ssyncset.done $0x0  }
0x19c: {  	[sflag:s9] =	ssyncadd.s32 $0xFFFFE000  }
0x19d: {  	[spmem:s30] =	stream.linear.scatter [tilespmem:s12], [sflag:$0x3], $0x2000, $0x38;
	[tilespmem:$0x1A480] =	vst v63  }
0x19e: {  	_ =	swait.ge [sflag:s9], $0x2000  }
0x19f: {  	[sflag:s9] =	ssyncset.done $0x0  }
0x1a0: {  	[sflag:s9] =	ssyncadd.s32 $0xFFFFE000  }
0x1a1: {  	[spmem:s31] =	stream.linear.scatter [tilespmem:s12], [sflag:$0x3], $0x2000, $0x38;
	[tilespmem:$0x1A480] =	vst v63  }
0x1a2: {  	_ =	swait.ge [sflag:s9], $0x2000  }
0x1a3: {  	[sflag:s9] =	ssyncset.done $0x0  }
0x1a4: {  	[sflag:s9] =	ssyncadd.s32 $0xFFFFE000  }
0x1a5: {  	[spmem:s1] =	stream.linear.scatter [tilespmem:s12], [sflag:$0x3], $0x2000, $0x38;
	[tilespmem:$0x1A480] =	vst v63  }
0x1a6: {  	_ =	swait.ge [sflag:s9], $0x2000  }
0x1a7: {  	[sflag:s9] =	ssyncset.done $0x0  }
0x1a8: {  	[sflag:s9] =	ssyncadd.s32 $0xFFFFE000  }
0x1a9: {  	[spmem:s2] =	stream.linear.scatter [tilespmem:s12], [sflag:$0x3], $0x1C00, $0x38;
	[tilespmem:$0x1A480] =	vst v63  }
0x1aa: {  	_ =	swait.ge [sflag:s9], $0x1C00  }
0x1ab: {  	[sflag:s9] =	ssyncset.done $0x0  }
0x1ac: {  	[sflag:s9] =	ssyncadd.s32 $0xFFFFE400  }
0x1ad: {  	s25 =	simm.s32 $0x0;
	[bflag:$0x0] =	sbarrier.arrive $0xFFFF  }
0x1ae: {  	v1 =	vld [tilespmem:s25+$0x0];
	_ =	sdelay $0x4  }
0x1af: {  	v2 =	vshrl.u32 v1, $0xE  }
0x1b0: {  	v1 =	vand.u32 $0x3FFF, v1;
	[tilespmem:$0x2780] =	vst v2  }
0x1b1: {  	[tilespmem:$0x2800] =	vst v1  }
0x1b2: {  	v1 =	vld [tilespmem:s25+$0x10];
	_ =	sdelay $0x4  }
0x1b3: {  	v2 =	vshrl.u32 v1, $0xE  }
0x1b4: {  	v1 =	vand.u32 $0x3FFF, v1;
	[tilespmem:$0x2790] =	vst v2  }
0x1b5: {  	[tilespmem:$0x2810] =	vst v1  }
0x1b6: {  	v1 =	vld [tilespmem:s25+$0x20];
	_ =	sdelay $0x4  }
0x1b7: {  	v2 =	vshrl.u32 v1, $0xE  }
0x1b8: {  	v1 =	vand.u32 $0x3FFF, v1;
	[tilespmem:$0x27A0] =	vst v2  }
0x1b9: {  	[tilespmem:$0x2820] =	vst v1  }
0x1ba: {  	v1 =	vld [tilespmem:s25+$0x30];
	_ =	sdelay $0x4  }
0x1bb: {  	v2 =	vshrl.u32 v1, $0xE  }
0x1bc: {  	v1 =	vand.u32 $0x3FFF, v1;
	[tilespmem:$0x27B0] =	vst v2  }
0x1bd: {  	[tilespmem:$0x2830] =	vst v1  }
0x1be: {  	v1 =	vld [tilespmem:s25+$0x40];
	_ =	sdelay $0x4  }
0x1bf: {  	v2 =	vshrl.u32 v1, $0xE  }
0x1c0: {  	v1 =	vand.u32 $0x3FFF, v1;
	[tilespmem:$0x27C0] =	vst v2  }
0x1c1: {  	[tilespmem:$0x2840] =	vst v1  }
0x1c2: {  	v1 =	vld [tilespmem:s25+$0x50];
	_ =	sdelay $0x4  }
0x1c3: {  	v2 =	vshrl.u32 v1, $0xE  }
0x1c4: {  	v1 =	vand.u32 $0x3FFF, v1;
	[tilespmem:$0x27D0] =	vst v2  }
0x1c5: {  	[tilespmem:$0x2850] =	vst v1  }
0x1c6: {  	v1 =	vld [tilespmem:s25+$0x60];
	_ =	sdelay $0x4  }
0x1c7: {  	v2 =	vshrl.u32 v1, $0xE  }
0x1c8: {  	v1 =	vand.u32 $0x3FFF, v1;
	[tilespmem:$0x27E0] =	vst v2  }
0x1c9: {  	[tilespmem:$0x2860] =	vst v1  }
0x1ca: {  	v1 =	vld [tilespmem:s25+$0x70];
	_ =	sdelay $0x4  }
0x1cb: {  	v2 =	vshrl.u32 v1, $0xE  }
0x1cc: {  	v1 =	vand.u32 $0x3FFF, v1;
	[tilespmem:$0x27F0] =	vst v2  }
0x1cd: {  	[tilespmem:$0x2870] =	vst v1  }
0x1ce: {  	[tilespmem:s12], [sflag:$0x1] =	stream.indirect.gather [hbm4b:s6+s13], $0x80, s14, s13, $0xb8;
	[tilespmem:$0x1A480] =	vst v63  }
0x1cf: {  	_ = 	snop  }
0x1d0: {  	[tilespmem:s16], [sflag:$0x2] =	stream.indirect.gather [hbm4b:s6+s13], $0x80, s15, s13, $0xb8;
	[tilespmem:$0x1A480] =	vst v63  }
0x1d1: {  	_ =	swait.ge [sflag:s17], $0x2000  }
0x1d2: {  	[sflag:s17] =	ssyncset.done $0x0  }
0x1d3: {  	[sflag:s17] =	ssyncadd.s32 $0xFFFFE000  }
0x1d4: {  	_ =	swait.ge [sflag:s18], $0x2000  }
0x1d5: {  	s24 =	simm.s32 $0x200;
	[sflag:s18] =	ssyncset.done $0x0  }
.LBB2_12:
0x1d6: {  	p0 =	sne.s32 s24, $0x9C00  }
0x1d7: {  	[sflag:s18] =	ssyncadd.s32 $0xFFFFE000;
	s10 =	smov.u32 s24;
	s24 =	sadd.s32 $0x200, s24  }
0x1d8: {  	[spmem:s3] =	stream.indirect.scatter.add.f32 [tilespmem:s12], [sflag:$0x3], $0x80, s19, s13, $0xb8;
	[tilespmem:$0x1A480] =	vst v63  }
0x1d9: {  	_ =	swait.ge [sflag:s9], $0x2000  }
0x1da: {  	[sflag:s9] =	ssyncset.done $0x0  }
0x1db: {  	[sflag:s9] =	ssyncadd.s32 $0xFFFFE000  }
0x1dc: {  	[spmem:s3] =	stream.indirect.scatter.add.f32 [tilespmem:s16], [sflag:$0x3], $0x80, s20, s13, $0xb8;
	[tilespmem:$0x1A480] =	vst v63  }
0x1dd: {  	_ =	swait.ge [sflag:s9], $0x2000  }
0x1de: {  	[sflag:s9] =	ssyncset.done $0x0  }
0x1df: {  	s25 =	sshra.s32 s10, $0x2;
	[sflag:s9] =	ssyncadd.s32 $0xFFFFE000  }
0x1e0: {  	v1 =	vld [tilespmem:s25+$0x0];
	_ =	sdelay $0x4  }
0x1e1: {  	v2 =	vshrl.u32 v1, $0xE;
	v1 =	vand.u32 $0x3FFF, v1  }
0x1e2: {  	[tilespmem:$0x2780] =	vst v2  }
0x1e3: {  	[tilespmem:$0x2800] =	vst v1  }
0x1e4: {  	v1 =	vld [tilespmem:s25+$0x10];
	_ =	sdelay $0x4  }
0x1e5: {  	v2 =	vshrl.u32 v1, $0xE;
	v1 =	vand.u32 $0x3FFF, v1  }
0x1e6: {  	[tilespmem:$0x2790] =	vst v2  }
0x1e7: {  	[tilespmem:$0x2810] =	vst v1  }
0x1e8: {  	v1 =	vld [tilespmem:s25+$0x20];
	_ =	sdelay $0x4  }
0x1e9: {  	v2 =	vshrl.u32 v1, $0xE;
	v1 =	vand.u32 $0x3FFF, v1  }
0x1ea: {  	[tilespmem:$0x27A0] =	vst v2  }
0x1eb: {  	[tilespmem:$0x2820] =	vst v1  }
0x1ec: {  	v1 =	vld [tilespmem:s25+$0x30];
	_ =	sdelay $0x4  }
0x1ed: {  	v2 =	vshrl.u32 v1, $0xE;
	v1 =	vand.u32 $0x3FFF, v1  }
0x1ee: {  	[tilespmem:$0x27B0] =	vst v2  }
0x1ef: {  	[tilespmem:$0x2830] =	vst v1  }
0x1f0: {  	v1 =	vld [tilespmem:s25+$0x40];
	_ =	sdelay $0x4  }
0x1f1: {  	v2 =	vshrl.u32 v1, $0xE;
	v1 =	vand.u32 $0x3FFF, v1  }
0x1f2: {  	[tilespmem:$0x27C0] =	vst v2  }
0x1f3: {  	[tilespmem:$0x2840] =	vst v1  }
0x1f4: {  	v1 =	vld [tilespmem:s25+$0x50];
	_ =	sdelay $0x4  }
0x1f5: {  	v2 =	vshrl.u32 v1, $0xE;
	v1 =	vand.u32 $0x3FFF, v1  }
0x1f6: {  	[tilespmem:$0x27D0] =	vst v2  }
0x1f7: {  	[tilespmem:$0x2850] =	vst v1  }
0x1f8: {  	v1 =	vld [tilespmem:s25+$0x60];
	_ =	sdelay $0x4  }
0x1f9: {  	v2 =	vshrl.u32 v1, $0xE;
	v1 =	vand.u32 $0x3FFF, v1  }
0x1fa: {  	[tilespmem:$0x27E0] =	vst v2  }
0x1fb: {  	[tilespmem:$0x2860] =	vst v1  }
0x1fc: {  	v1 =	vld [tilespmem:s25+$0x70];
	_ =	sdelay $0x4  }
0x1fd: {  	v2 =	vshrl.u32 v1, $0xE;
	v1 =	vand.u32 $0x3FFF, v1  }
0x1fe: {  	[tilespmem:$0x27F0] =	vst v2  }
0x1ff: {  	[tilespmem:$0x2870] =	vst v1  }
0x200: {  	[tilespmem:s12], [sflag:$0x1] =	stream.indirect.gather [hbm4b:s6+s13], $0x80, s14, s13, $0xb8;
	[tilespmem:$0x1A480] =	vst v63  }
0x201: {  	_ = 	snop  }
0x202: {  	[tilespmem:s16], [sflag:$0x2] =	stream.indirect.gather [hbm4b:s6+s13], $0x80, s15, s13, $0xb8;
	[tilespmem:$0x1A480] =	vst v63  }
.Ltmp5:
0x203: {  	_ =	swait.ge [sflag:s17], $0x2000;
	(pc) =	sbr.rel @p0 .LBB2_12-.Ltmp5, $4  }
0x204: {  	[sflag:s17] =	ssyncset.done $0x0  }
0x205: {  	[sflag:s17] =	ssyncadd.s32 $0xFFFFE000  }
0x206: {  	_ =	swait.ge [sflag:s18], $0x2000  }
0x207: {  	[sflag:s18] =	ssyncset.done $0x0  }
0x208: {  	[sflag:s18] =	ssyncadd.s32 $0xFFFFE000  }
0x209: {  	[spmem:s3] =	stream.indirect.scatter.add.f32 [tilespmem:s12], [sflag:$0x3], $0x80, s19, s13, $0xb8;
	[tilespmem:$0x1A480] =	vst v63  }
0x20a: {  	_ =	swait.ge [sflag:s9], $0x2000  }
0x20b: {  	[sflag:s9] =	ssyncset.done $0x0  }
0x20c: {  	[sflag:s9] =	ssyncadd.s32 $0xFFFFE000  }
0x20d: {  	[spmem:s3] =	stream.indirect.scatter.add.f32 [tilespmem:s16], [sflag:$0x3], $0x80, s20, s13, $0xb8;
	[tilespmem:$0x1A480] =	vst v63  }
0x20e: {  	_ =	swait.ge [sflag:s9], $0x2000  }
0x20f: {  	[sflag:s9] =	ssyncset.done $0x0  }
0x210: {  	[sflag:s9] =	ssyncadd.s32 $0xFFFFE000  }
0x211: {  	[bflag:$0x0] =	sbarrier.arrive $0xFFFF  }
0x212: {  	s10 =	rddreg [dreg:$0x10]  }
0x213: {  	[hbm:s10], [sflag:s22] =	dma.local [spmem:s23], $0x2780  }
0x214: {  	s24 =	simm.s32 $0x0;
	_ =	swait.ge [sflag:s9], $0x2780  }
0x215: {  	s25 =	sand.u32 $0x7E00, s24;
	[sflag:s9] =	ssyncset.done $0x0  }
0x216: {  	s11 =	sand.u32 $0x70, s24;
	s10 =	sshrl.u32 s25, $0x2;
	[sflag:s9] =	ssyncadd.s32 $0xFFFFD880  }
0x217: {  	s25 =	simm.s32 $0x40;
	s10 =	sor.u32 s11, s10;
	[bflag:$0x0] =	sbarrier.arrive $0xFFFF  }
.LBB2_14:
0x218: {  	p0 =	sne.s32 s25, $0x7FC0  }
0x219: {  	[tilespmem:s10+$0x2880] =	vst v0;
	s24 =	sadd.s32 $0x10, s24;
	s10 =	smov.u32 s25;
	s25 =	sadd.s32 $0x40, s25  }
.Ltmp6:
0x21a: {  	(pc) =	sbr.rel @p0 .LBB2_14-.Ltmp6, $4  }
0x21b: {  	_ = 	snop  }
0x21c: {  	s10 =	sand.u32 $0x7E00, s10  }
0x21d: {  	s11 =	sand.u32 $0x70, s24;
	s10 =	sshrl.u32 s10, $0x2  }
0x21e: {  	s10 =	sor.u32 s11, s10  }
0x21f: {  	[tilespmem:s10+$0x2880] =	vst v0  }
0x220: {  	[spmem:s8] =	stream.linear.scatter [tilespmem:s12], [sflag:$0x3], $0x2000, $0x38;
	[tilespmem:$0x1A480] =	vst v63  }
0x221: {  	_ =	swait.ge [sflag:s9], $0x2000  }
0x222: {  	[sflag:s9] =	ssyncset.done $0x0  }
0x223: {  	s11 =	rddreg [dreg:$0x5];
	[sflag:s9] =	ssyncadd.s32 $0xFFFFE000  }
0x224: {  	[spmem:s11] =	stream.linear.scatter [tilespmem:s12], [sflag:$0x3], $0x2000, $0x38;
	[tilespmem:$0x1A480] =	vst v63  }
0x225: {  	_ =	swait.ge [sflag:s9], $0x2000  }
0x226: {  	[sflag:s9] =	ssyncset.done $0x0  }
0x227: {  	s24 =	rddreg [dreg:$0x6];
	[sflag:s9] =	ssyncadd.s32 $0xFFFFE000  }
0x228: {  	[spmem:s24] =	stream.linear.scatter [tilespmem:s12], [sflag:$0x3], $0x2000, $0x38;
	[tilespmem:$0x1A480] =	vst v63  }
0x229: {  	_ =	swait.ge [sflag:s9], $0x2000  }
0x22a: {  	[sflag:s9] =	ssyncset.done $0x0  }
0x22b: {  	[sflag:s9] =	ssyncadd.s32 $0xFFFFE000  }
0x22c: {  	[spmem:s26] =	stream.linear.scatter [tilespmem:s12], [sflag:$0x3], $0x2000, $0x38;
	[tilespmem:$0x1A480] =	vst v63  }
0x22d: {  	_ =	swait.ge [sflag:s9], $0x2000  }
0x22e: {  	[sflag:s9] =	ssyncset.done $0x0  }
0x22f: {  	[sflag:s9] =	ssyncadd.s32 $0xFFFFE000  }
0x230: {  	[spmem:s28] =	stream.linear.scatter [tilespmem:s12], [sflag:$0x3], $0x2000, $0x38;
	[tilespmem:$0x1A480] =	vst v63  }
0x231: {  	_ =	swait.ge [sflag:s9], $0x2000  }
0x232: {  	[sflag:s9] =	ssyncset.done $0x0  }
0x233: {  	[sflag:s9] =	ssyncadd.s32 $0xFFFFE000  }
0x234: {  	[spmem:s29] =	stream.linear.scatter [tilespmem:s12], [sflag:$0x3], $0x2000, $0x38;
	[tilespmem:$0x1A480] =	vst v63  }
0x235: {  	_ =	swait.ge [sflag:s9], $0x2000  }
0x236: {  	[sflag:s9] =	ssyncset.done $0x0  }
0x237: {  	[sflag:s9] =	ssyncadd.s32 $0xFFFFE000  }
0x238: {  	[spmem:s30] =	stream.linear.scatter [tilespmem:s12], [sflag:$0x3], $0x2000, $0x38;
	[tilespmem:$0x1A480] =	vst v63  }
0x239: {  	_ =	swait.ge [sflag:s9], $0x2000  }
0x23a: {  	[sflag:s9] =	ssyncset.done $0x0  }
0x23b: {  	[sflag:s9] =	ssyncadd.s32 $0xFFFFE000  }
0x23c: {  	[spmem:s31] =	stream.linear.scatter [tilespmem:s12], [sflag:$0x3], $0x2000, $0x38;
	[tilespmem:$0x1A480] =	vst v63  }
0x23d: {  	_ =	swait.ge [sflag:s9], $0x2000  }
0x23e: {  	[sflag:s9] =	ssyncset.done $0x0  }
0x23f: {  	[sflag:s9] =	ssyncadd.s32 $0xFFFFE000  }
0x240: {  	[spmem:s1] =	stream.linear.scatter [tilespmem:s12], [sflag:$0x3], $0x2000, $0x38;
	[tilespmem:$0x1A480] =	vst v63  }
0x241: {  	_ =	swait.ge [sflag:s9], $0x2000  }
0x242: {  	[sflag:s9] =	ssyncset.done $0x0  }
0x243: {  	[sflag:s9] =	ssyncadd.s32 $0xFFFFE000  }
0x244: {  	[spmem:s2] =	stream.linear.scatter [tilespmem:s12], [sflag:$0x3], $0x1C00, $0x38;
	[tilespmem:$0x1A480] =	vst v63  }
0x245: {  	_ =	swait.ge [sflag:s9], $0x1C00  }
0x246: {  	[sflag:s9] =	ssyncset.done $0x0  }
0x247: {  	[sflag:s9] =	ssyncadd.s32 $0xFFFFE400  }
0x248: {  	s25 =	simm.s32 $0x0;
	[bflag:$0x0] =	sbarrier.arrive $0xFFFF  }
0x249: {  	v1 =	vld [tilespmem:s25+$0x0];
	_ =	sdelay $0x4  }
0x24a: {  	v2 =	vshrl.u32 v1, $0xE  }
0x24b: {  	v1 =	vand.u32 $0x3FFF, v1;
	[tilespmem:$0x2780] =	vst v2  }
0x24c: {  	[tilespmem:$0x2800] =	vst v1  }
0x24d: {  	v1 =	vld [tilespmem:s25+$0x10];
	_ =	sdelay $0x4  }
0x24e: {  	v2 =	vshrl.u32 v1, $0xE  }
0x24f: {  	v1 =	vand.u32 $0x3FFF, v1;
	[tilespmem:$0x2790] =	vst v2  }
0x250: {  	[tilespmem:$0x2810] =	vst v1  }
0x251: {  	v1 =	vld [tilespmem:s25+$0x20];
	_ =	sdelay $0x4  }
0x252: {  	v2 =	vshrl.u32 v1, $0xE  }
0x253: {  	v1 =	vand.u32 $0x3FFF, v1;
	[tilespmem:$0x27A0] =	vst v2  }
0x254: {  	[tilespmem:$0x2820] =	vst v1  }
0x255: {  	v1 =	vld [tilespmem:s25+$0x30];
	_ =	sdelay $0x4  }
0x256: {  	v2 =	vshrl.u32 v1, $0xE  }
0x257: {  	v1 =	vand.u32 $0x3FFF, v1;
	[tilespmem:$0x27B0] =	vst v2  }
0x258: {  	[tilespmem:$0x2830] =	vst v1  }
0x259: {  	v1 =	vld [tilespmem:s25+$0x40];
	_ =	sdelay $0x4  }
0x25a: {  	v2 =	vshrl.u32 v1, $0xE  }
0x25b: {  	v1 =	vand.u32 $0x3FFF, v1;
	[tilespmem:$0x27C0] =	vst v2  }
0x25c: {  	[tilespmem:$0x2840] =	vst v1  }
0x25d: {  	v1 =	vld [tilespmem:s25+$0x50];
	_ =	sdelay $0x4  }
0x25e: {  	v2 =	vshrl.u32 v1, $0xE  }
0x25f: {  	v1 =	vand.u32 $0x3FFF, v1;
	[tilespmem:$0x27D0] =	vst v2  }
0x260: {  	[tilespmem:$0x2850] =	vst v1  }
0x261: {  	v1 =	vld [tilespmem:s25+$0x60];
	_ =	sdelay $0x4  }
0x262: {  	v2 =	vshrl.u32 v1, $0xE  }
0x263: {  	v1 =	vand.u32 $0x3FFF, v1;
	[tilespmem:$0x27E0] =	vst v2  }
0x264: {  	[tilespmem:$0x2860] =	vst v1  }
0x265: {  	v1 =	vld [tilespmem:s25+$0x70];
	_ =	sdelay $0x4  }
0x266: {  	v2 =	vshrl.u32 v1, $0xE  }
0x267: {  	v1 =	vand.u32 $0x3FFF, v1;
	[tilespmem:$0x27F0] =	vst v2  }
0x268: {  	[tilespmem:$0x2870] =	vst v1  }
0x269: {  	[tilespmem:s12], [sflag:$0x1] =	stream.indirect.gather [hbm4b:s7+s13], $0x80, s14, s13, $0xb8;
	[tilespmem:$0x1A480] =	vst v63  }
0x26a: {  	_ = 	snop  }
0x26b: {  	[tilespmem:s16], [sflag:$0x2] =	stream.indirect.gather [hbm4b:s7+s13], $0x80, s15, s13, $0xb8;
	[tilespmem:$0x1A480] =	vst v63  }
0x26c: {  	_ =	swait.ge [sflag:s17], $0x2000  }
0x26d: {  	[sflag:s17] =	ssyncset.done $0x0  }
0x26e: {  	[sflag:s17] =	ssyncadd.s32 $0xFFFFE000  }
0x26f: {  	_ =	swait.ge [sflag:s18], $0x2000  }
0x270: {  	s24 =	simm.s32 $0x200;
	[sflag:s18] =	ssyncset.done $0x0  }
.LBB2_16:
0x271: {  	p0 =	sne.s32 s24, $0x9C00  }
0x272: {  	[sflag:s18] =	ssyncadd.s32 $0xFFFFE000;
	s10 =	smov.u32 s24;
	s24 =	sadd.s32 $0x200, s24  }
0x273: {  	[spmem:s3] =	stream.indirect.scatter.add.f32 [tilespmem:s12], [sflag:$0x3], $0x80, s19, s13, $0xb8;
	[tilespmem:$0x1A480] =	vst v63  }
0x274: {  	_ =	swait.ge [sflag:s9], $0x2000  }
0x275: {  	[sflag:s9] =	ssyncset.done $0x0  }
0x276: {  	[sflag:s9] =	ssyncadd.s32 $0xFFFFE000  }
0x277: {  	[spmem:s3] =	stream.indirect.scatter.add.f32 [tilespmem:s16], [sflag:$0x3], $0x80, s20, s13, $0xb8;
	[tilespmem:$0x1A480] =	vst v63  }
0x278: {  	_ =	swait.ge [sflag:s9], $0x2000  }
0x279: {  	[sflag:s9] =	ssyncset.done $0x0  }
0x27a: {  	s25 =	sshra.s32 s10, $0x2;
	[sflag:s9] =	ssyncadd.s32 $0xFFFFE000  }
0x27b: {  	v1 =	vld [tilespmem:s25+$0x0];
	_ =	sdelay $0x4  }
0x27c: {  	v2 =	vshrl.u32 v1, $0xE;
	v1 =	vand.u32 $0x3FFF, v1  }
0x27d: {  	[tilespmem:$0x2780] =	vst v2  }
0x27e: {  	[tilespmem:$0x2800] =	vst v1  }
0x27f: {  	v1 =	vld [tilespmem:s25+$0x10];
	_ =	sdelay $0x4  }
0x280: {  	v2 =	vshrl.u32 v1, $0xE;
	v1 =	vand.u32 $0x3FFF, v1  }
0x281: {  	[tilespmem:$0x2790] =	vst v2  }
0x282: {  	[tilespmem:$0x2810] =	vst v1  }
0x283: {  	v1 =	vld [tilespmem:s25+$0x20];
	_ =	sdelay $0x4  }
0x284: {  	v2 =	vshrl.u32 v1, $0xE;
	v1 =	vand.u32 $0x3FFF, v1  }
0x285: {  	[tilespmem:$0x27A0] =	vst v2  }
0x286: {  	[tilespmem:$0x2820] =	vst v1  }
0x287: {  	v1 =	vld [tilespmem:s25+$0x30];
	_ =	sdelay $0x4  }
0x288: {  	v2 =	vshrl.u32 v1, $0xE;
	v1 =	vand.u32 $0x3FFF, v1  }
0x289: {  	[tilespmem:$0x27B0] =	vst v2  }
0x28a: {  	[tilespmem:$0x2830] =	vst v1  }
0x28b: {  	v1 =	vld [tilespmem:s25+$0x40];
	_ =	sdelay $0x4  }
0x28c: {  	v2 =	vshrl.u32 v1, $0xE;
	v1 =	vand.u32 $0x3FFF, v1  }
0x28d: {  	[tilespmem:$0x27C0] =	vst v2  }
0x28e: {  	[tilespmem:$0x2840] =	vst v1  }
0x28f: {  	v1 =	vld [tilespmem:s25+$0x50];
	_ =	sdelay $0x4  }
0x290: {  	v2 =	vshrl.u32 v1, $0xE;
	v1 =	vand.u32 $0x3FFF, v1  }
0x291: {  	[tilespmem:$0x27D0] =	vst v2  }
0x292: {  	[tilespmem:$0x2850] =	vst v1  }
0x293: {  	v1 =	vld [tilespmem:s25+$0x60];
	_ =	sdelay $0x4  }
0x294: {  	v2 =	vshrl.u32 v1, $0xE;
	v1 =	vand.u32 $0x3FFF, v1  }
0x295: {  	[tilespmem:$0x27E0] =	vst v2  }
0x296: {  	[tilespmem:$0x2860] =	vst v1  }
0x297: {  	v1 =	vld [tilespmem:s25+$0x70];
	_ =	sdelay $0x4  }
0x298: {  	v2 =	vshrl.u32 v1, $0xE;
	v1 =	vand.u32 $0x3FFF, v1  }
0x299: {  	[tilespmem:$0x27F0] =	vst v2  }
0x29a: {  	[tilespmem:$0x2870] =	vst v1  }
0x29b: {  	[tilespmem:s12], [sflag:$0x1] =	stream.indirect.gather [hbm4b:s7+s13], $0x80, s14, s13, $0xb8;
	[tilespmem:$0x1A480] =	vst v63  }
0x29c: {  	_ = 	snop  }
0x29d: {  	[tilespmem:s16], [sflag:$0x2] =	stream.indirect.gather [hbm4b:s7+s13], $0x80, s15, s13, $0xb8;
	[tilespmem:$0x1A480] =	vst v63  }
.Ltmp7:
0x29e: {  	_ =	swait.ge [sflag:s17], $0x2000;
	(pc) =	sbr.rel @p0 .LBB2_16-.Ltmp7, $4  }
0x29f: {  	[sflag:s17] =	ssyncset.done $0x0  }
0x2a0: {  	[sflag:s17] =	ssyncadd.s32 $0xFFFFE000  }
0x2a1: {  	_ =	swait.ge [sflag:s18], $0x2000  }
0x2a2: {  	[sflag:s18] =	ssyncset.done $0x0  }
0x2a3: {  	[sflag:s18] =	ssyncadd.s32 $0xFFFFE000  }
0x2a4: {  	[spmem:s3] =	stream.indirect.scatter.add.f32 [tilespmem:s12], [sflag:$0x3], $0x80, s19, s13, $0xb8;
	[tilespmem:$0x1A480] =	vst v63  }
0x2a5: {  	_ =	swait.ge [sflag:s9], $0x2000  }
0x2a6: {  	[sflag:s9] =	ssyncset.done $0x0  }
0x2a7: {  	[sflag:s9] =	ssyncadd.s32 $0xFFFFE000  }
0x2a8: {  	[spmem:s3] =	stream.indirect.scatter.add.f32 [tilespmem:s16], [sflag:$0x3], $0x80, s20, s13, $0xb8;
	[tilespmem:$0x1A480] =	vst v63  }
0x2a9: {  	_ =	swait.ge [sflag:s9], $0x2000  }
0x2aa: {  	[sflag:s9] =	ssyncset.done $0x0  }
0x2ab: {  	[sflag:s9] =	ssyncadd.s32 $0xFFFFE000  }
0x2ac: {  	[bflag:$0x0] =	sbarrier.arrive $0xFFFF  }
0x2ad: {  	s10 =	rddreg [dreg:$0x11]  }
0x2ae: {  	[hbm:s10], [sflag:s22] =	dma.local [spmem:s23], $0x2780  }
0x2af: {  	_ =	swait.ge [sflag:s9], $0x2780  }
0x2b0: {  	s21 =	sadd.s32 $0x1, s21;
	s25 =	rddreg [dreg:$0x7]  }
0x2b1: {  	p0 =	sne.s32 s21, s25  }
.Ltmp8:
0x2b2: {  	_ = 	snop;
	(pc) =	sbr.rel @p0 .LBB2_1-.Ltmp8, $3  }
0x2b3: {  	[sflag:s9] =	ssyncset.done $0x0  }
0x2b4: {  	[sflag:s9] =	ssyncadd.s32 $0xFFFFD880  }
0x2b5: {  	[bflag:$0x0] =	sbarrier.arrive $0xFFFF;
	_ =	sdelay $0x1  }
0x2b6: {  	_ =	sfence.sel $0x180000  }
0x2b7: {  	[bflag:$0x0] =	sbarrier.arrive $0xFFFF  }
0x2b8: {  	_ =	strace $0x9000004A  }
0x2b9: {  	s0 =	stileid.u32;
	[bflag:$0x2] =	sbarrier.arrive $0xFFFF  }
0x2ba: {  	p0 =	sne.s32 s0, $0x0;
	s0 =	rddreg [dreg:$0x3]  }
0x2bb: {  	s0 =	sadd.s32 @!p0 $0x100000, s0  }
0x2bc: {  	[sflag:s0] =	ssyncadd.tile.s32 @!p0 $0x1;
	_ =	shalt  }
.Lfunc_end2:
_tile_overlayer_lowered:
.L_overlay_start_2:
0x2bd: {  	(tag) =	ssettag $0x2  }
0x2be: {  	s0 =	rddreg [dreg:$0x0];
	s2 =	stileid.u32  }
0x2bf: {  	s1 =	rddreg [dreg:$0x1];
	p0 =	sne.s32 s2, $0x0  }
0x2c0: {  	s3 =	rddreg [dreg:$0x2];
	[bflag:$0x3] =	sbarrier.arrive $0xFFFF;
	s2 =	simm.s32 @!p0 $0x1C03  }
0x2c1: {  	[timem:s3], [sflag:s2] =	dma.local @!p0 [hbm:s0], s1  }
0x2c2: {  	s0 =	simm.s32 @!p0 $0x3  }
0x2c3: {  	_ =	swait.ge @!p0 [sflag:s0], s1  }
0x2c4: {  	s1 =	ssub.s32 @!p0 $0x0, s1;
	[sflag:s0] =	ssyncset.done @!p0 $0x0  }
0x2c5: {  	[sflag:s0] =	ssyncadd.s32 @!p0 s1  }
0x2c6: {  	[bflag:$0x3] =	sbarrier.arrive $0xFFFF  }
0x2c7: {  	_ =	shalt  }

// kernel: kernel.14.cloned.1.call-start
scs
__scs_entry_jumppad:
0x0: {  	(pc) =	sbr.rel $0x88, $3  }
0x1: {  	(tag) =	ssettag $0x0;
	lr =	simm.s32 $0x1  }
0x2: {  	[smem:$0x3F89] =	sst lr;
	_ =	strace $0xD0000000  }
0x3: {  	_ = 	snop  }
0x4: {  	_ = 	snop  }
0x5: {  	_ = 	snop  }
0x6: {  	_ = 	snop  }
0x7: {  	_ = 	snop  }
__scs_overlays_trampoline_lowered:
0x8: {  	[smem:$0x3F98] =	sst s0  }
0x9: {  	[smem:$0x3F99] =	sst s1  }
0xa: {  	[smem:$0x3F9A] =	sst s2  }
0xb: {  	[smem:$0x3F9B] =	sst s3  }
0xc: {  	[smem:$0x3F9C] =	sst s4  }
0xd: {  	[smem:$0x3F9D] =	sst s5  }
0xe: {  	[smem:$0x3F9E] =	sst s6  }
0xf: {  	[smem:$0x3F9F] =	sst s7  }
0x10: {  	[smem:$0x3FA0] =	sst s8  }
0x11: {  	[smem:$0x3FA1] =	sst s9;
	s0 =	simm.s32 @!p0 $0x0  }
0x12: {  	s1 =	sld [smem:$0x3F87];
	s0 =	simm.s32 @p0 $0x1  }
0x13: {  	[smem:$0x3FA2] =	sst s0;
	s0 =	simm.s32 @!p1 $0x0  }
0x14: {  	s2 =	sld [smem:$0x3F86];
	s0 =	simm.s32 @p1 $0x1  }
0x15: {  	[smem:$0x3FA3] =	sst s0;
	s0 =	simm.s32 @!p2 $0x0  }
0x16: {  	s3 =	sld [smem:$0x3FDB];
	s0 =	simm.s32 @p2 $0x1  }
0x17: {  	s4 =	simm.s32 $0x1BF5;
	[smem:$0x3FA5] =	sst s0  }
0x18: {  	s0 =	sld [smem:$0x3F88];
	_ =	swait.ge [sflag:s4], $0x0  }
0x19: {  	s7 =	sld [smem:$0x3F89]  }
0x1a: {  	s8 =	sadd.s32 $0xFFFFE003, lr  }
0x1b: {  	s9 =	sadd.s32 $0xFFFFFEF7, lr;
	s5 =	simm.s32 $0xFFFFFFFF;
	p2 =	slt.u32 s8, $0xFFFFF086  }
0x1c: {  	p1 =	slt.u32 s9, $0xF7A;
	s5 =	simm.s32 @!p2 $0x0  }
0x1d: {  	s5 =	simm.s32 @p1 $0x1;
	p0 =	seq.s32 s7, s2  }
0x1e: {  	s7 =	smul.u32 @!p0 $0xF7A, s2;
	p2 =	seq.s32 @!p0 s5, $0x0  }
0x1f: {  	s9 =	smul.u32 $0xF7A, s1;
	s8 =	simm.s32 @!p0 $0x1BF5;
	p2 =	por !p2, p0  }
0x20: {  	[sflag:s8] =	ssyncset.s32 @!p0 $0xFFFFF086;
	s6 =	sadd.s32 @!p0 s3, s7;
	s7 =	simm.s32 @!p0 $0x108  }
0x21: {  	s3 =	sadd.s32 s3, s9;
	s6 =	sadd.s32 @!p0 $0x88, s6;
	s7 =	simm.s32 @p2 $0x1082  }
0x22: {  	[simem:s7], [sflag:s8] =	dma.local @!p0 [hbm:s6], $0xF7A  }
0x23: {  	s9 =	sor.u32 $0xD0000000, s2;
	s6 =	simm.s32 $0x108;
	_ =	swait.ge @!p0 [sflag:s8], $0x0  }
0x24: {  	s3 =	sadd.s32 $0x88, s3;
	s6 =	simm.s32 @!p1 $0x1082;
	[sflag:s4] =	ssyncset.s32 $0xFFFFF086  }
0x25: {  	[simem:s6], [sflag:s4] =	dma.local [hbm:s3], $0xF7A  }
0x26: {  	[smem:$0x3F89] =	sst s1;
	(tag) =	ssettag s2;
	_ =	strace s9  }
0x27: {  	s1 =	sld [smem:$0x3F99]  }
0x28: {  	s2 =	sld [smem:$0x3F9A]  }
0x29: {  	s4 =	sld [smem:$0x3F9C]  }
0x2a: {  	p0 =	seq.s32 s5, $0x0;
	s5 =	sld [smem:$0x3F9D]  }
0x2b: {  	s6 =	sld [smem:$0x3F9E]  }
0x2c: {  	s7 =	sld [smem:$0x3F9F]  }
0x2d: {  	s3 =	simm.s32 $0x108;
	s8 =	sld [smem:$0x3FA0]  }
0x2e: {  	s3 =	simm.s32 @!p0 $0x1082;
	s9 =	sld [smem:$0x3FA1]  }
0x2f: {  	lr =	sadd.s32 s0, s3;
	s0 =	sld [smem:$0x3F98]  }
0x30: {  	s3 =	sld [smem:$0x3F9B]  }
0x31: {  	[smem:$0x3FA4] =	sst s10  }
0x32: {  	s10 =	sld [smem:$0x3FA2];
	_ =	sdelay $0x3  }
0x33: {  	p0 =	seq.s32 s10, $0x1;
	s10 =	sld [smem:$0x3FA4];
	_ =	sdelay $0x3  }
0x34: {  	[smem:$0x3FA4] =	sst s10  }
0x35: {  	s10 =	sld [smem:$0x3FA3];
	_ =	sdelay $0x3  }
0x36: {  	p1 =	seq.s32 s10, $0x1;
	s10 =	sld [smem:$0x3FA4];
	_ =	sdelay $0x3  }
0x37: {  	[smem:$0x3FA4] =	sst s10  }
0x38: {  	s10 =	sld [smem:$0x3FA5]  }
0x39: {  	_ = 	snop;
	(pc) =	sbr.ind lr, $3  }
0x3a: {  	_ = 	snop  }
0x3b: {  	_ = 	snop  }
0x3c: {  	p2 =	seq.s32 s10, $0x1;
	s10 =	sld [smem:$0x3FA4]  }
0x3d: {  	_ =	shalt  }
0x3e: {  	_ =	shalt  }
0x3f: {  	_ =	shalt  }
0x40: {  	_ =	shalt  }
0x41: {  	_ =	shalt  }
0x42: {  	_ =	shalt  }
0x43: {  	_ =	shalt  }
0x44: {  	_ =	shalt  }
0x45: {  	_ =	shalt  }
0x46: {  	_ =	shalt  }
0x47: {  	_ =	shalt  }
0x48: {  	_ =	shalt  }
0x49: {  	_ =	shalt  }
0x4a: {  	_ =	shalt  }
0x4b: {  	_ =	shalt  }
0x4c: {  	_ =	shalt  }
0x4d: {  	_ =	shalt  }
0x4e: {  	_ =	shalt  }
0x4f: {  	_ =	shalt  }
0x50: {  	_ =	shalt  }
0x51: {  	_ =	shalt  }
0x52: {  	_ =	shalt  }
0x53: {  	_ =	shalt  }
0x54: {  	_ =	shalt  }
0x55: {  	_ =	shalt  }
0x56: {  	_ =	shalt  }
0x57: {  	_ =	shalt  }
0x58: {  	_ =	shalt  }
0x59: {  	_ =	shalt  }
0x5a: {  	_ =	shalt  }
0x5b: {  	_ =	shalt  }
0x5c: {  	_ =	shalt  }
0x5d: {  	_ =	shalt  }
0x5e: {  	_ =	shalt  }
0x5f: {  	_ =	shalt  }
0x60: {  	_ =	shalt  }
0x61: {  	_ =	shalt  }
0x62: {  	_ =	shalt  }
0x63: {  	_ =	shalt  }
0x64: {  	_ =	shalt  }
0x65: {  	_ =	shalt  }
0x66: {  	_ =	shalt  }
0x67: {  	_ =	shalt  }
0x68: {  	_ =	shalt  }
0x69: {  	_ =	shalt  }
0x6a: {  	_ =	shalt  }
0x6b: {  	_ =	shalt  }
0x6c: {  	_ =	shalt  }
0x6d: {  	_ =	shalt  }
0x6e: {  	_ =	shalt  }
0x6f: {  	_ =	shalt  }
0x70: {  	_ =	shalt  }
0x71: {  	_ =	shalt  }
0x72: {  	_ =	shalt  }
0x73: {  	_ =	shalt  }
0x74: {  	_ =	shalt  }
0x75: {  	_ =	shalt  }
0x76: {  	_ =	shalt  }
0x77: {  	_ =	shalt  }
0x78: {  	_ =	shalt  }
0x79: {  	_ =	shalt  }
0x7a: {  	_ =	shalt  }
0x7b: {  	_ =	shalt  }
0x7c: {  	_ =	shalt  }
0x7d: {  	_ =	shalt  }
0x7e: {  	_ =	shalt  }
0x7f: {  	_ =	shalt  }
0x80: {  	_ =	shalt  }
0x81: {  	_ =	shalt  }
0x82: {  	_ =	shalt  }
0x83: {  	_ =	shalt  }
0x84: {  	_ =	shalt  }
0x85: {  	_ =	shalt  }
0x86: {  	_ =	shalt  }
0x87: {  	_ =	shalt  }
.Lfunc_end0:
.L_simem_size_0:
called_computation.2_lowered:
.L_overlay_start_0:
0x88: {  	s2 =	sld [smem:$0x3FD9]  }
0x89: {  	s3 =	sld [smem:$0x3FFE];
	_ =	sdelay $0x1  }
0x8a: {  	s1 =	srdreg.scid  }
0x8b: {  	s0 =	sand.u32 $0x1, s1  }
0x8c: {  	s17 =	sshll.u32 s0, $0xA;
	s2 =	sadd.s32 s3, s2  }
0x8d: {  	s2 =	sadd.s32 s2, s17  }
0x8e: {  	[smem:$0x3FB0] =	sst s2  }
0x8f: {  	_ = 	snop  }
0x90: {  	s2 =	sld [smem:$0x3FD0];
	(tm) =	ssettm $0x1  }
0x91: {  	s18 =	sld [smem:$0x3FFB];
	_ =	sdelay $0x3  }
0x92: {  	_ =	strace s18  }
0x93: {  	s3 =	sld [smem:$0x3FFC];
	_ =	sdelay $0x3  }
0x94: {  	_ =	strace s3  }
0x95: {  	s3 =	sld [smem:$0x3FFD];
	_ =	sdelay $0x3  }
0x96: {  	_ =	strace s3  }
0x97: {  	_ =	strace $0x8FFFFFFF  }
0x98: {  	s19 =	sld [smem:$0x3FDB];
	_ =	sdelay $0x1  }
0x99: {  	s4 =	simm.s32 $_scs_section_size  }
0x9a: {  	s5 =	simm.s32 $_size__tile_overlayer_lowered;
	s6 =	simm.s32 $_tile_overlayer_lowered  }
0x9b: {  	s22 =	simm.s32 $0x1BFF;
	s21 =	sshll.u32 s6, $0x1;
	s3 =	sadd.s32 s4, s19  }
0x9c: {  	s7 =	simm.s32 $0x0;
	s20 =	sshll.u32 s5, $0x1;
	s5 =	sadd.s32 s21, s3  }
0x9d: {  	[timem:s7], [sflag:s22] =	dma.local [hbm:s5], s20  }
0x9e: {  	_ =	swait.ge [sflag:s22], s20  }
0x9f: {  	s4 =	ssub.s32 $0x0, s20;
	[sflag:s22] =	ssyncset.done $0x0  }
0xa0: {  	[sflag:s22] =	ssyncadd.s32 s4;
	_ =	sdelay $0x1  }
0xa1: {  	s23 =	simm.s32 $0x1B8B  }
0xa2: {  	_ =	swait.ge [sflag:s23], $0x1  }
0xa3: {  	[sflag:s23] =	ssyncset.done $0x0  }
0xa4: {  	s25 =	simm.s32 $0x1B8E;
	s24 =	sld [smem:$0x3FFE];
	[sflag:s23] =	ssyncadd.s32 $0xFFFFFFFF  }
0xa5: {  	s26 =	simm.s32 $execute0_lowered;
	[smem:$0x3FD2] =	sst s25  }
0xa6: {  	s5 =	sshll.u32 s26, $0x1;
	_ =	strace $0x8000004C;
	[dreg:$0x1] =	wrdreg $0xFFFFFFFF  }
0xa7: {  	s28 =	simm.s32 $_size_execute0_lowered;
	s3 =	sadd.s32 s3, s5;
	[dreg:$0x0] =	wrdreg $0x0  }
0xa8: {  	s5 =	sshll.u32 s28, $0x1;
	[dreg:$0x2] =	wrdreg s3  }
0xa9: {  	[dreg:$0x3] =	wrdreg s5  }
0xaa: {  	[dreg:$0x4] =	wrdreg $0xC0  }
0xab: {  	_ =	task [dreg:s7], $0x5FFFF  }
0xac: {  	[dreg:$0x1] =	wrdreg $0xFFFFFFFF  }
0xad: {  	[dreg:$0x0] =	wrdreg $0x60  }
0xae: {  	[dreg:$0x2] =	wrdreg s2  }
0xaf: {  	[dreg:$0x3] =	wrdreg s24  }
0xb0: {  	[dreg:$0x4] =	wrdreg $0x68800  }
0xb1: {  	[dreg:$0x5] =	wrdreg $0x9  }
0xb2: {  	_ =	task.clear_ibuf [dreg:s7], $0x6FFFF;
	_ =	strace $0x9000004C  }
0xb3: {  	s29 =	simm.s32 $0x9;
	_ =	strace $0x8000004E  }
0xb4: {  	_ =	swait.ge [sflag:s29], $0x1  }
0xb5: {  	[sflag:s29] =	ssyncadd.s32 $0xFFFFFFFF  }
0xb6: {  	_ =	strace $0x9000004E  }
0xb7: {  	_ =	sfence  }
0xb8: {  	s30 =	sld [smem:$0x0];
	_ =	sdelay $0x2  }
0xb9: {  	s31 =	sshll.u32 s1, $0xD;
	s1 =	sshrl.u32 s1, $0x2  }
0xba: {  	s3 =	sand.u32 $0x4000, s31;
	s1 =	sadd.s32 s1, s30  }
0xbb: {  	s0 =	sor.u32 s3, s0;
	s1 =	sshll.u32 s1, $0x11  }
0xbc: {  	s0 =	sor.u32 s1, s0  }
0xbd: {  	s0 =	sadd.s32 $0x8F2B, s0  }
0xbe: {  	[sflag:s0] =	ssyncadd.remote.s32 $0x1  }
0xbf: {  	_ =	sfence.sel $0xFFFF  }
0xc0: {  	[dreg:$0x0] =	wrdreg $0xFFFFFFFF;
	(pc) =	sbr.abs _section_cstart, $3  }
0xc1: {  	[dreg:$0x1] =	wrdreg $0xFFFFFFFF  }
0xc2: {  	_ =	task.clear_ibuf [dreg:s7], $0x2FFFF;
	_ =	strace $0x9FFFFFFF  }
0xc3: {  	(tm) =	ssettm $0x7FFFFFFF  }
tec
execute0_lowered:
.L_overlay_start_1:
0x0: {  	(tag) =	ssettag $0x1  }
0x1: {  	s1 =	rddreg [dreg:$0x0]  }
0x2: {  	s0 =	srdreg.scid;
	s2 =	rddreg [dreg:$0x1]  }
0x3: {  	s8 =	stileid.u32;
	s3 =	rddreg [dreg:$0x2]  }
0x4: {  	s28 =	simm.s32 $0x3;
	s30 =	simm.s32 $0x2880;
	s31 =	simm.s32 $0x2800  }
0x5: {  	s29 =	simm.s32 $0x4880;
	s0 =	sand.u32 $0x1, s0;
	s6 =	smul.u32 $0x13C00, s8  }
0x6: {  	s10 =	simm.s32 $0x0;
	s7 =	smul.u32 $0x2780, s8;
	s4 =	sshll.u32 s0, $0x4  }
0x7: {  	p0 =	seq.s32 s0, $0x1;
	s0 =	ssub.s32 $0x2, s0;
	s5 =	sor.u32 s8, s4  }
0x8: {  	s4 =	simm.s32 $0x0;
	s6 =	sshrl.u32 s6, $0x3;
	s5 =	smul.u32 $0x2780, s5  }
0x9: {  	s8 =	smul.u32 $0x4F000, s8;
	s17 =	sshrl.u32 s0, $0x1;
	[smem:$0x7FF] =	sst s4  }
0xa: {  	s0 =	ssub.s32 s0, s17;
	_ =	strace $0x8000004D;
	s5 =	sshrl.u32 s5, $0x3  }
0xb: {  	s16 =	sshrl.u32 s8, $0x2;
	s9 =	sadd.s32 s5, s2;
	s5 =	sadd.s32 $0x27800, s6  }
0xc: {  	s7 =	smov.u32 @p0 s5;
	s5 =	sadd.s32 s16, s3;
	s18 =	sadd.s32 $0x16280, s9  }
0xd: {  	s15 =	smax.u32 s0, $0x1;
	[dreg:$0x4] =	wrdreg s18;
	s19 =	sadd.s32 $0x2000, s5  }
0xe: {  	s0 =	simm.s32 $0x40;
	s20 =	sadd.s32 $0x4000, s5;
	[dreg:$0x5] =	wrdreg s19  }
0xf: {  	s8 =	simm.s32 $0x2780;
	s21 =	sadd.s32 $0x6000, s5;
	[dreg:$0x6] =	wrdreg s20  }
0x10: {  	s6 =	simm.s32 $0x1;
	s22 =	sadd.s32 $0x8000, s5;
	[dreg:$0x7] =	wrdreg s21  }
0x11: {  	s16 =	sadd.s32 $0x15E00, s9;
	s23 =	sadd.s32 $0xA000, s5;
	[dreg:$0x8] =	wrdreg s22  }
0x12: {  	s17 =	sadd.s32 $0x15E80, s9;
	s24 =	sadd.s32 $0xC000, s5;
	[dreg:$0x9] =	wrdreg s23  }
0x13: {  	s2 =	sadd.s32 s7, s2;
	s25 =	sadd.s32 $0xE000, s5;
	[dreg:$0xa] =	wrdreg s24  }
0x14: {  	s26 =	sadd.s32 $0x10000, s5;
	s18 =	sadd.s32 $0x15F00, s9;
	[dreg:$0xb] =	wrdreg s25  }
0x15: {  	s7 =	simm.s32 $0x2;
	[dreg:$0xc] =	wrdreg s26;
	s19 =	sadd.s32 $0x15F80, s9  }
0x16: {  	s20 =	sadd.s32 $0x16000, s9;
	s21 =	sadd.s32 $0x16080, s9;
	s22 =	sadd.s32 $0x16100, s9  }
0x17: {  	s23 =	sadd.s32 $0x16180, s9;
	s24 =	sadd.s32 $0x16200, s9;
	s25 =	sadd.s32 $0x1FC00, s2  }
0x18: {  	v0 =	vimm.f32 $0.0e+00;
	s26 =	sadd.s32 $0x12000, s5;
	s2 =	simm.s32 $0x2840;
	s9 =	simm.s32 $0x27C0  }
.LBB2_1:
0x19: {  	[tilespmem:s4], [sflag:$0x3] =	stream.linear.gather [hbm4b:s16+s4], $0x400, $0x38;
	[tilespmem:$0x1A480] =	vst v63  }
0x1a: {  	_ =	swait.ge [sflag:s28], $0x400  }
0x1b: {  	[sflag:s28] =	ssyncset.done $0x0  }
0x1c: {  	s11 =	simm.s32 $0x400;
	[sflag:s28] =	ssyncadd.s32 $0xFFFFFC00  }
0x1d: {  	[tilespmem:s11], [sflag:$0x3] =	stream.linear.gather [hbm4b:s17+s4], $0x400, $0x38;
	[tilespmem:$0x1A480] =	vst v63  }
0x1e: {  	_ =	swait.ge [sflag:s28], $0x400  }
0x1f: {  	[sflag:s28] =	ssyncset.done $0x0  }
0x20: {  	s13 =	simm.s32 $0x800;
	[sflag:s28] =	ssyncadd.s32 $0xFFFFFC00  }
0x21: {  	[tilespmem:s13], [sflag:$0x3] =	stream.linear.gather [hbm4b:s18+s4], $0x400, $0x38;
	[tilespmem:$0x1A480] =	vst v63  }
0x22: {  	_ =	swait.ge [sflag:s28], $0x400  }
0x23: {  	[sflag:s28] =	ssyncset.done $0x0  }
0x24: {  	s14 =	simm.s32 $0xC00;
	[sflag:s28] =	ssyncadd.s32 $0xFFFFFC00  }
0x25: {  	[tilespmem:s14], [sflag:$0x3] =	stream.linear.gather [hbm4b:s19+s4], $0x400, $0x38;
	[tilespmem:$0x1A480] =	vst v63  }
0x26: {  	_ =	swait.ge [sflag:s28], $0x400  }
0x27: {  	[sflag:s28] =	ssyncset.done $0x0  }
0x28: {  	s12 =	simm.s32 $0x1000;
	[sflag:s28] =	ssyncadd.s32 $0xFFFFFC00  }
0x29: {  	[tilespmem:s12], [sflag:$0x3] =	stream.linear.gather [hbm4b:s20+s4], $0x400, $0x38;
	[tilespmem:$0x1A480] =	vst v63  }
0x2a: {  	_ =	swait.ge [sflag:s28], $0x400  }
0x2b: {  	[sflag:s28] =	ssyncset.done $0x0  }
0x2c: {  	s13 =	simm.s32 $0x1400;
	[sflag:s28] =	ssyncadd.s32 $0xFFFFFC00  }
0x2d: {  	[tilespmem:s13], [sflag:$0x3] =	stream.linear.gather [hbm4b:s21+s4], $0x400, $0x38;
	[tilespmem:$0x1A480] =	vst v63  }
0x2e: {  	_ =	swait.ge [sflag:s28], $0x400  }
0x2f: {  	[sflag:s28] =	ssyncset.done $0x0  }
0x30: {  	s14 =	simm.s32 $0x1800;
	[sflag:s28] =	ssyncadd.s32 $0xFFFFFC00  }
0x31: {  	[tilespmem:s14], [sflag:$0x3] =	stream.linear.gather [hbm4b:s22+s4], $0x400, $0x38;
	[tilespmem:$0x1A480] =	vst v63  }
0x32: {  	_ =	swait.ge [sflag:s28], $0x400  }
0x33: {  	[sflag:s28] =	ssyncset.done $0x0  }
0x34: {  	s12 =	simm.s32 $0x1C00;
	[sflag:s28] =	ssyncadd.s32 $0xFFFFFC00  }
0x35: {  	[tilespmem:s12], [sflag:$0x3] =	stream.linear.gather [hbm4b:s23+s4], $0x400, $0x38;
	[tilespmem:$0x1A480] =	vst v63  }
0x36: {  	_ =	swait.ge [sflag:s28], $0x400  }
0x37: {  	[sflag:s28] =	ssyncset.done $0x0  }
0x38: {  	s13 =	simm.s32 $0x2000;
	[sflag:s28] =	ssyncadd.s32 $0xFFFFFC00  }
0x39: {  	[tilespmem:s13], [sflag:$0x3] =	stream.linear.gather [hbm4b:s24+s4], $0x400, $0x38;
	[tilespmem:$0x1A480] =	vst v63  }
0x3a: {  	_ =	swait.ge [sflag:s28], $0x400  }
0x3b: {  	[sflag:s28] =	ssyncset.done $0x0  }
0x3c: {  	s12 =	simm.s32 $0x2400;
	s14 =	rddreg [dreg:$0x4];
	[sflag:s28] =	ssyncadd.s32 $0xFFFFFC00  }
0x3d: {  	[tilespmem:s12], [sflag:$0x3] =	stream.linear.gather [hbm4b:s14+s4], $0x380, $0x38;
	[tilespmem:$0x1A480] =	vst v63  }
0x3e: {  	s11 =	simm.s32 $0x40;
	s13 =	sand.u32 $0x7E00, s4;
	_ =	swait.ge [sflag:s28], $0x380  }
0x3f: {  	s13 =	sshrl.u32 s13, $0x2;
	s14 =	sand.u32 $0x70, s4;
	[sflag:s28] =	ssyncset.done $0x0  }
0x40: {  	s12 =	simm.s32 $0x0;
	s13 =	sor.u32 s14, s13;
	[sflag:s28] =	ssyncadd.s32 $0xFFFFFC80  }
.LBB2_2:
0x41: {  	p0 =	sne.s32 s11, $0x7FC0  }
0x42: {  	[tilespmem:s13+$0x2880] =	vst v0;
	s12 =	sadd.s32 $0x10, s12;
	s13 =	smov.u32 s11;
	s11 =	sadd.s32 $0x40, s11  }
.Ltmp0:
0x43: {  	(pc) =	sbr.rel @p0 .LBB2_2-.Ltmp0, $4  }
0x44: {  	_ = 	snop  }
0x45: {  	s13 =	sand.u32 $0x7E00, s13  }
0x46: {  	s14 =	sand.u32 $0x70, s12;
	s13 =	sshrl.u32 s13, $0x2  }
0x47: {  	s13 =	sor.u32 s14, s13  }
0x48: {  	[tilespmem:s13+$0x2880] =	vst v0  }
0x49: {  	[spmem:s5] =	stream.linear.scatter [tilespmem:s30], [sflag:$0x3], $0x2000, $0x38;
	[tilespmem:$0x1A480] =	vst v63  }
0x4a: {  	_ =	swait.ge [sflag:s28], $0x2000  }
0x4b: {  	[sflag:s28] =	ssyncset.done $0x0  }
0x4c: {  	s11 =	rddreg [dreg:$0x5];
	[sflag:s28] =	ssyncadd.s32 $0xFFFFE000  }
0x4d: {  	[spmem:s11] =	stream.linear.scatter [tilespmem:s30], [sflag:$0x3], $0x2000, $0x38;
	[tilespmem:$0x1A480] =	vst v63  }
0x4e: {  	_ =	swait.ge [sflag:s28], $0x2000  }
0x4f: {  	[sflag:s28] =	ssyncset.done $0x0  }
0x50: {  	s13 =	rddreg [dreg:$0x6];
	[sflag:s28] =	ssyncadd.s32 $0xFFFFE000  }
0x51: {  	[spmem:s13] =	stream.linear.scatter [tilespmem:s30], [sflag:$0x3], $0x2000, $0x38;
	[tilespmem:$0x1A480] =	vst v63  }
0x52: {  	_ =	swait.ge [sflag:s28], $0x2000  }
0x53: {  	[sflag:s28] =	ssyncset.done $0x0  }
0x54: {  	s14 =	rddreg [dreg:$0x7];
	[sflag:s28] =	ssyncadd.s32 $0xFFFFE000  }
0x55: {  	[spmem:s14] =	stream.linear.scatter [tilespmem:s30], [sflag:$0x3], $0x2000, $0x38;
	[tilespmem:$0x1A480] =	vst v63  }
0x56: {  	_ =	swait.ge [sflag:s28], $0x2000  }
0x57: {  	[sflag:s28] =	ssyncset.done $0x0  }
0x58: {  	s12 =	rddreg [dreg:$0x8];
	[sflag:s28] =	ssyncadd.s32 $0xFFFFE000  }
0x59: {  	[spmem:s12] =	stream.linear.scatter [tilespmem:s30], [sflag:$0x3], $0x2000, $0x38;
	[tilespmem:$0x1A480] =	vst v63  }
0x5a: {  	_ =	swait.ge [sflag:s28], $0x2000  }
0x5b: {  	[sflag:s28] =	ssyncset.done $0x0  }
0x5c: {  	s13 =	rddreg [dreg:$0x9];
	[sflag:s28] =	ssyncadd.s32 $0xFFFFE000  }
0x5d: {  	[spmem:s13] =	stream.linear.scatter [tilespmem:s30], [sflag:$0x3], $0x2000, $0x38;
	[tilespmem:$0x1A480] =	vst v63  }
0x5e: {  	_ =	swait.ge [sflag:s28], $0x2000  }
0x5f: {  	[sflag:s28] =	ssyncset.done $0x0  }
0x60: {  	s14 =	rddreg [dreg:$0xa];
	[sflag:s28] =	ssyncadd.s32 $0xFFFFE000  }
0x61: {  	[spmem:s14] =	stream.linear.scatter [tilespmem:s30], [sflag:$0x3], $0x2000, $0x38;
	[tilespmem:$0x1A480] =	vst v63  }
0x62: {  	_ =	swait.ge [sflag:s28], $0x2000  }
0x63: {  	[sflag:s28] =	ssyncset.done $0x0  }
0x64: {  	s12 =	rddreg [dreg:$0xb];
	[sflag:s28] =	ssyncadd.s32 $0xFFFFE000  }
0x65: {  	[spmem:s12] =	stream.linear.scatter [tilespmem:s30], [sflag:$0x3], $0x2000, $0x38;
	[tilespmem:$0x1A480] =	vst v63  }
0x66: {  	_ =	swait.ge [sflag:s28], $0x2000  }
0x67: {  	[sflag:s28] =	ssyncset.done $0x0  }
0x68: {  	s13 =	rddreg [dreg:$0xc];
	[sflag:s28] =	ssyncadd.s32 $0xFFFFE000  }
0x69: {  	[spmem:s13] =	stream.linear.scatter [tilespmem:s30], [sflag:$0x3], $0x2000, $0x38;
	[tilespmem:$0x1A480] =	vst v63  }
0x6a: {  	_ =	swait.ge [sflag:s28], $0x2000  }
0x6b: {  	[sflag:s28] =	ssyncset.done $0x0  }
0x6c: {  	[sflag:s28] =	ssyncadd.s32 $0xFFFFE000  }
0x6d: {  	[spmem:s26] =	stream.linear.scatter [tilespmem:s30], [sflag:$0x3], $0x1C00, $0x38;
	[tilespmem:$0x1A480] =	vst v63  }
0x6e: {  	_ =	swait.ge [sflag:s28], $0x1C00  }
0x6f: {  	[sflag:s28] =	ssyncset.done $0x0  }
0x70: {  	[sflag:s28] =	ssyncadd.s32 $0xFFFFE400  }
0x71: {  	s14 =	simm.s32 $0x0;
	[bflag:$0x0] =	sbarrier.arrive $0xFFFF  }
0x72: {  	v1 =	vld [tilespmem:s14+$0x0];
	_ =	sdelay $0x4  }
0x73: {  	v2 =	vshrl.u32 v1, $0xE  }
0x74: {  	v1 =	vand.u32 $0x3FFF, v1;
	[tilespmem:$0x2780] =	vst v2  }
0x75: {  	[tilespmem:$0x2800] =	vst v1  }
0x76: {  	v1 =	vld [tilespmem:s14+$0x10];
	_ =	sdelay $0x4  }
0x77: {  	v2 =	vshrl.u32 v1, $0xE  }
0x78: {  	v1 =	vand.u32 $0x3FFF, v1;
	[tilespmem:$0x2790] =	vst v2  }
0x79: {  	[tilespmem:$0x2810] =	vst v1  }
0x7a: {  	v1 =	vld [tilespmem:s14+$0x20];
	_ =	sdelay $0x4  }
0x7b: {  	v2 =	vshrl.u32 v1, $0xE  }
0x7c: {  	v1 =	vand.u32 $0x3FFF, v1;
	[tilespmem:$0x27A0] =	vst v2  }
0x7d: {  	[tilespmem:$0x2820] =	vst v1  }
0x7e: {  	v1 =	vld [tilespmem:s14+$0x30];
	_ =	sdelay $0x4  }
0x7f: {  	v2 =	vshrl.u32 v1, $0xE  }
0x80: {  	v1 =	vand.u32 $0x3FFF, v1;
	[tilespmem:$0x27B0] =	vst v2  }
0x81: {  	[tilespmem:$0x2830] =	vst v1  }
0x82: {  	v1 =	vld [tilespmem:s14+$0x40];
	_ =	sdelay $0x4  }
0x83: {  	v2 =	vshrl.u32 v1, $0xE  }
0x84: {  	v1 =	vand.u32 $0x3FFF, v1;
	[tilespmem:$0x27C0] =	vst v2  }
0x85: {  	[tilespmem:$0x2840] =	vst v1  }
0x86: {  	v1 =	vld [tilespmem:s14+$0x50];
	_ =	sdelay $0x4  }
0x87: {  	v2 =	vshrl.u32 v1, $0xE  }
0x88: {  	v1 =	vand.u32 $0x3FFF, v1;
	[tilespmem:$0x27D0] =	vst v2  }
0x89: {  	[tilespmem:$0x2850] =	vst v1  }
0x8a: {  	v1 =	vld [tilespmem:s14+$0x60];
	_ =	sdelay $0x4  }
0x8b: {  	v2 =	vshrl.u32 v1, $0xE  }
0x8c: {  	v1 =	vand.u32 $0x3FFF, v1;
	[tilespmem:$0x27E0] =	vst v2  }
0x8d: {  	[tilespmem:$0x2860] =	vst v1  }
0x8e: {  	v1 =	vld [tilespmem:s14+$0x70];
	_ =	sdelay $0x4  }
0x8f: {  	v2 =	vshrl.u32 v1, $0xE  }
0x90: {  	v1 =	vand.u32 $0x3FFF, v1;
	[tilespmem:$0x27F0] =	vst v2  }
0x91: {  	[tilespmem:$0x2870] =	vst v1  }
0x92: {  	[tilespmem:s30], [sflag:$0x1] =	stream.indirect.gather [hbm4b:s1+s0], $0x80, s31, s0, $0xb8;
	[tilespmem:$0x1A480] =	vst v63  }
0x93: {  	_ = 	snop  }
0x94: {  	[tilespmem:s29], [sflag:$0x2] =	stream.indirect.gather [hbm4b:s1+s0], $0x80, s2, s0, $0xb8;
	[tilespmem:$0x1A480] =	vst v63  }
0x95: {  	_ =	swait.ge [sflag:s6], $0x2000  }
0x96: {  	[sflag:s6] =	ssyncset.done $0x0  }
0x97: {  	[sflag:s6] =	ssyncadd.s32 $0xFFFFE000  }
0x98: {  	_ =	swait.ge [sflag:s7], $0x2000  }
0x99: {  	s11 =	simm.s32 $0x200;
	[sflag:s7] =	ssyncset.done $0x0  }
.LBB2_4:
0x9a: {  	p0 =	sne.s32 s11, $0x9C00  }
0x9b: {  	[sflag:s7] =	ssyncadd.s32 $0xFFFFE000;
	s12 =	smov.u32 s11;
	s11 =	sadd.s32 $0x200, s11  }
0x9c: {  	[spmem:s3] =	stream.indirect.scatter.add.f32 [tilespmem:s30], [sflag:$0x3], $0x80, s8, s0, $0xb8;
	[tilespmem:$0x1A480] =	vst v63  }
0x9d: {  	_ =	swait.ge [sflag:s28], $0x2000  }
0x9e: {  	[sflag:s28] =	ssyncset.done $0x0  }
0x9f: {  	[sflag:s28] =	ssyncadd.s32 $0xFFFFE000  }
0xa0: {  	[spmem:s3] =	stream.indirect.scatter.add.f32 [tilespmem:s29], [sflag:$0x3], $0x80, s9, s0, $0xb8;
	[tilespmem:$0x1A480] =	vst v63  }
0xa1: {  	_ =	swait.ge [sflag:s28], $0x2000  }
0xa2: {  	[sflag:s28] =	ssyncset.done $0x0  }
0xa3: {  	s12 =	sshra.s32 s12, $0x2;
	[sflag:s28] =	ssyncadd.s32 $0xFFFFE000  }
0xa4: {  	v1 =	vld [tilespmem:s12+$0x0];
	_ =	sdelay $0x4  }
0xa5: {  	v2 =	vshrl.u32 v1, $0xE;
	v1 =	vand.u32 $0x3FFF, v1  }
0xa6: {  	[tilespmem:$0x2780] =	vst v2  }
0xa7: {  	[tilespmem:$0x2800] =	vst v1  }
0xa8: {  	v1 =	vld [tilespmem:s12+$0x10];
	_ =	sdelay $0x4  }
0xa9: {  	v2 =	vshrl.u32 v1, $0xE;
	v1 =	vand.u32 $0x3FFF, v1  }
0xaa: {  	[tilespmem:$0x2790] =	vst v2  }
0xab: {  	[tilespmem:$0x2810] =	vst v1  }
0xac: {  	v1 =	vld [tilespmem:s12+$0x20];
	_ =	sdelay $0x4  }
0xad: {  	v2 =	vshrl.u32 v1, $0xE;
	v1 =	vand.u32 $0x3FFF, v1  }
0xae: {  	[tilespmem:$0x27A0] =	vst v2  }
0xaf: {  	[tilespmem:$0x2820] =	vst v1  }
0xb0: {  	v1 =	vld [tilespmem:s12+$0x30];
	_ =	sdelay $0x4  }
0xb1: {  	v2 =	vshrl.u32 v1, $0xE;
	v1 =	vand.u32 $0x3FFF, v1  }
0xb2: {  	[tilespmem:$0x27B0] =	vst v2  }
0xb3: {  	[tilespmem:$0x2830] =	vst v1  }
0xb4: {  	v1 =	vld [tilespmem:s12+$0x40];
	_ =	sdelay $0x4  }
0xb5: {  	v2 =	vshrl.u32 v1, $0xE;
	v1 =	vand.u32 $0x3FFF, v1  }
0xb6: {  	[tilespmem:$0x27C0] =	vst v2  }
0xb7: {  	[tilespmem:$0x2840] =	vst v1  }
0xb8: {  	v1 =	vld [tilespmem:s12+$0x50];
	_ =	sdelay $0x4  }
0xb9: {  	v2 =	vshrl.u32 v1, $0xE;
	v1 =	vand.u32 $0x3FFF, v1  }
0xba: {  	[tilespmem:$0x27D0] =	vst v2  }
0xbb: {  	[tilespmem:$0x2850] =	vst v1  }
0xbc: {  	v1 =	vld [tilespmem:s12+$0x60];
	_ =	sdelay $0x4  }
0xbd: {  	v2 =	vshrl.u32 v1, $0xE;
	v1 =	vand.u32 $0x3FFF, v1  }
0xbe: {  	[tilespmem:$0x27E0] =	vst v2  }
0xbf: {  	[tilespmem:$0x2860] =	vst v1  }
0xc0: {  	v1 =	vld [tilespmem:s12+$0x70];
	_ =	sdelay $0x4  }
0xc1: {  	v2 =	vshrl.u32 v1, $0xE;
	v1 =	vand.u32 $0x3FFF, v1  }
0xc2: {  	[tilespmem:$0x27F0] =	vst v2  }
0xc3: {  	[tilespmem:$0x2870] =	vst v1  }
0xc4: {  	[tilespmem:s30], [sflag:$0x1] =	stream.indirect.gather [hbm4b:s1+s0], $0x80, s31, s0, $0xb8;
	[tilespmem:$0x1A480] =	vst v63  }
0xc5: {  	_ = 	snop  }
0xc6: {  	[tilespmem:s29], [sflag:$0x2] =	stream.indirect.gather [hbm4b:s1+s0], $0x80, s2, s0, $0xb8;
	[tilespmem:$0x1A480] =	vst v63  }
.Ltmp1:
0xc7: {  	_ =	swait.ge [sflag:s6], $0x2000;
	(pc) =	sbr.rel @p0 .LBB2_4-.Ltmp1, $4  }
0xc8: {  	[sflag:s6] =	ssyncset.done $0x0  }
0xc9: {  	[sflag:s6] =	ssyncadd.s32 $0xFFFFE000  }
0xca: {  	_ =	swait.ge [sflag:s7], $0x2000  }
0xcb: {  	[sflag:s7] =	ssyncset.done $0x0  }
0xcc: {  	[sflag:s7] =	ssyncadd.s32 $0xFFFFE000  }
0xcd: {  	[spmem:s3] =	stream.indirect.scatter.add.f32 [tilespmem:s30], [sflag:$0x3], $0x80, s8, s0, $0xb8;
	[tilespmem:$0x1A480] =	vst v63  }
0xce: {  	_ =	swait.ge [sflag:s28], $0x2000  }
0xcf: {  	[sflag:s28] =	ssyncset.done $0x0  }
0xd0: {  	[sflag:s28] =	ssyncadd.s32 $0xFFFFE000  }
0xd1: {  	[spmem:s3] =	stream.indirect.scatter.add.f32 [tilespmem:s29], [sflag:$0x3], $0x80, s9, s0, $0xb8;
	[tilespmem:$0x1A480] =	vst v63  }
0xd2: {  	_ =	swait.ge [sflag:s28], $0x2000  }
0xd3: {  	s11 =	stileid.u32;
	s12 =	sshrl.u32 s5, $0x3;
	[sflag:s28] =	ssyncset.done $0x0  }
0xd4: {  	s10 =	sadd.s32 $0x1, s10;
	s11 =	sshll.u32 s11, $0x6;
	[sflag:s28] =	ssyncadd.s32 $0xFFFFE000  }
0xd5: {  	p0 =	sne.s32 s10, s15;
	s11 =	sor.u32 $0x1C03, s11;
	[bflag:$0x0] =	sbarrier.arrive $0xFFFF  }
0xd6: {  	[hbm:s25], [sflag:s11] =	dma.local [spmem:s12], $0x2780  }
.Ltmp2:
0xd7: {  	_ =	swait.ge [sflag:s28], $0x2780;
	(pc) =	sbr.rel @p0 .LBB2_1-.Ltmp2, $3  }
0xd8: {  	[sflag:s28] =	ssyncset.done $0x0  }
0xd9: {  	[sflag:s28] =	ssyncadd.s32 $0xFFFFD880  }
0xda: {  	[bflag:$0x0] =	sbarrier.arrive $0xFFFF;
	_ =	sdelay $0x1  }
0xdb: {  	_ =	sfence.sel $0x180000  }
0xdc: {  	[bflag:$0x0] =	sbarrier.arrive $0xFFFF  }
0xdd: {  	_ =	strace $0x9000004D  }
0xde: {  	s0 =	stileid.u32;
	[bflag:$0x2] =	sbarrier.arrive $0xFFFF  }
0xdf: {  	p0 =	sne.s32 s0, $0x0;
	s0 =	rddreg [dreg:$0x3]  }
0xe0: {  	s0 =	sadd.s32 @!p0 $0x100000, s0  }
0xe1: {  	[sflag:s0] =	ssyncadd.tile.s32 @!p0 $0x1;
	_ =	shalt  }
.Lfunc_end2:
_tile_overlayer_lowered:
.L_overlay_start_2:
0xe2: {  	(tag) =	ssettag $0x2  }
0xe3: {  	s0 =	rddreg [dreg:$0x0];
	s2 =	stileid.u32  }
0xe4: {  	s1 =	rddreg [dreg:$0x1];
	p0 =	sne.s32 s2, $0x0  }
0xe5: {  	s3 =	rddreg [dreg:$0x2];
	[bflag:$0x3] =	sbarrier.arrive $0xFFFF;
	s2 =	simm.s32 @!p0 $0x1C03  }
0xe6: {  	[timem:s3], [sflag:s2] =	dma.local @!p0 [hbm:s0], s1  }
0xe7: {  	s0 =	simm.s32 @!p0 $0x3  }
0xe8: {  	_ =	swait.ge @!p0 [sflag:s0], s1  }
0xe9: {  	s1 =	ssub.s32 @!p0 $0x0, s1;
	[sflag:s0] =	ssyncset.done @!p0 $0x0  }
0xea: {  	[sflag:s0] =	ssyncadd.s32 @!p0 s1  }
0xeb: {  	[bflag:$0x3] =	sbarrier.arrive $0xFFFF  }
0xec: {  	_ =	shalt  }

// kernel: kernel.8.cloned.1.call-start
scs
__scs_entry_jumppad:
0x0: {  	(pc) =	sbr.rel $0x88, $3  }
0x1: {  	(tag) =	ssettag $0x0;
	lr =	simm.s32 $0x1  }
0x2: {  	[smem:$0x3F89] =	sst lr;
	_ =	strace $0xD0000000  }
0x3: {  	_ = 	snop  }
0x4: {  	_ = 	snop  }
0x5: {  	_ = 	snop  }
0x6: {  	_ = 	snop  }
0x7: {  	_ = 	snop  }
__scs_overlays_trampoline_lowered:
0x8: {  	[smem:$0x3F98] =	sst s0  }
0x9: {  	[smem:$0x3F99] =	sst s1  }
0xa: {  	[smem:$0x3F9A] =	sst s2  }
0xb: {  	[smem:$0x3F9B] =	sst s3  }
0xc: {  	[smem:$0x3F9C] =	sst s4  }
0xd: {  	[smem:$0x3F9D] =	sst s5  }
0xe: {  	[smem:$0x3F9E] =	sst s6  }
0xf: {  	[smem:$0x3F9F] =	sst s7  }
0x10: {  	[smem:$0x3FA0] =	sst s8  }
0x11: {  	[smem:$0x3FA1] =	sst s9;
	s0 =	simm.s32 @!p0 $0x0  }
0x12: {  	s1 =	sld [smem:$0x3F87];
	s0 =	simm.s32 @p0 $0x1  }
0x13: {  	[smem:$0x3FA2] =	sst s0;
	s0 =	simm.s32 @!p1 $0x0  }
0x14: {  	s2 =	sld [smem:$0x3F86];
	s0 =	simm.s32 @p1 $0x1  }
0x15: {  	[smem:$0x3FA3] =	sst s0;
	s0 =	simm.s32 @!p2 $0x0  }
0x16: {  	s3 =	sld [smem:$0x3FDB];
	s0 =	simm.s32 @p2 $0x1  }
0x17: {  	s4 =	simm.s32 $0x1BF5;
	[smem:$0x3FA5] =	sst s0  }
0x18: {  	s0 =	sld [smem:$0x3F88];
	_ =	swait.ge [sflag:s4], $0x0  }
0x19: {  	s7 =	sld [smem:$0x3F89]  }
0x1a: {  	s8 =	sadd.s32 $0xFFFFE003, lr  }
0x1b: {  	s9 =	sadd.s32 $0xFFFFFEF7, lr;
	s5 =	simm.s32 $0xFFFFFFFF;
	p2 =	slt.u32 s8, $0xFFFFF086  }
0x1c: {  	p1 =	slt.u32 s9, $0xF7A;
	s5 =	simm.s32 @!p2 $0x0  }
0x1d: {  	s5 =	simm.s32 @p1 $0x1;
	p0 =	seq.s32 s7, s2  }
0x1e: {  	s7 =	smul.u32 @!p0 $0xF7A, s2;
	p2 =	seq.s32 @!p0 s5, $0x0  }
0x1f: {  	s9 =	smul.u32 $0xF7A, s1;
	s8 =	simm.s32 @!p0 $0x1BF5;
	p2 =	por !p2, p0  }
0x20: {  	[sflag:s8] =	ssyncset.s32 @!p0 $0xFFFFF086;
	s6 =	sadd.s32 @!p0 s3, s7;
	s7 =	simm.s32 @!p0 $0x108  }
0x21: {  	s3 =	sadd.s32 s3, s9;
	s6 =	sadd.s32 @!p0 $0x88, s6;
	s7 =	simm.s32 @p2 $0x1082  }
0x22: {  	[simem:s7], [sflag:s8] =	dma.local @!p0 [hbm:s6], $0xF7A  }
0x23: {  	s9 =	sor.u32 $0xD0000000, s2;
	s6 =	simm.s32 $0x108;
	_ =	swait.ge @!p0 [sflag:s8], $0x0  }
0x24: {  	s3 =	sadd.s32 $0x88, s3;
	s6 =	simm.s32 @!p1 $0x1082;
	[sflag:s4] =	ssyncset.s32 $0xFFFFF086  }
0x25: {  	[simem:s6], [sflag:s4] =	dma.local [hbm:s3], $0xF7A  }
0x26: {  	[smem:$0x3F89] =	sst s1;
	(tag) =	ssettag s2;
	_ =	strace s9  }
0x27: {  	s1 =	sld [smem:$0x3F99]  }
0x28: {  	s2 =	sld [smem:$0x3F9A]  }
0x29: {  	s4 =	sld [smem:$0x3F9C]  }
0x2a: {  	p0 =	seq.s32 s5, $0x0;
	s5 =	sld [smem:$0x3F9D]  }
0x2b: {  	s6 =	sld [smem:$0x3F9E]  }
0x2c: {  	s7 =	sld [smem:$0x3F9F]  }
0x2d: {  	s3 =	simm.s32 $0x108;
	s8 =	sld [smem:$0x3FA0]  }
0x2e: {  	s3 =	simm.s32 @!p0 $0x1082;
	s9 =	sld [smem:$0x3FA1]  }
0x2f: {  	lr =	sadd.s32 s0, s3;
	s0 =	sld [smem:$0x3F98]  }
0x30: {  	s3 =	sld [smem:$0x3F9B]  }
0x31: {  	[smem:$0x3FA4] =	sst s10  }
0x32: {  	s10 =	sld [smem:$0x3FA2];
	_ =	sdelay $0x3  }
0x33: {  	p0 =	seq.s32 s10, $0x1;
	s10 =	sld [smem:$0x3FA4];
	_ =	sdelay $0x3  }
0x34: {  	[smem:$0x3FA4] =	sst s10  }
0x35: {  	s10 =	sld [smem:$0x3FA3];
	_ =	sdelay $0x3  }
0x36: {  	p1 =	seq.s32 s10, $0x1;
	s10 =	sld [smem:$0x3FA4];
	_ =	sdelay $0x3  }
0x37: {  	[smem:$0x3FA4] =	sst s10  }
0x38: {  	s10 =	sld [smem:$0x3FA5]  }
0x39: {  	_ = 	snop;
	(pc) =	sbr.ind lr, $3  }
0x3a: {  	_ = 	snop  }
0x3b: {  	_ = 	snop  }
0x3c: {  	p2 =	seq.s32 s10, $0x1;
	s10 =	sld [smem:$0x3FA4]  }
0x3d: {  	_ =	shalt  }
0x3e: {  	_ =	shalt  }
0x3f: {  	_ =	shalt  }
0x40: {  	_ =	shalt  }
0x41: {  	_ =	shalt  }
0x42: {  	_ =	shalt  }
0x43: {  	_ =	shalt  }
0x44: {  	_ =	shalt  }
0x45: {  	_ =	shalt  }
0x46: {  	_ =	shalt  }
0x47: {  	_ =	shalt  }
0x48: {  	_ =	shalt  }
0x49: {  	_ =	shalt  }
0x4a: {  	_ =	shalt  }
0x4b: {  	_ =	shalt  }
0x4c: {  	_ =	shalt  }
0x4d: {  	_ =	shalt  }
0x4e: {  	_ =	shalt  }
0x4f: {  	_ =	shalt  }
0x50: {  	_ =	shalt  }
0x51: {  	_ =	shalt  }
0x52: {  	_ =	shalt  }
0x53: {  	_ =	shalt  }
0x54: {  	_ =	shalt  }
0x55: {  	_ =	shalt  }
0x56: {  	_ =	shalt  }
0x57: {  	_ =	shalt  }
0x58: {  	_ =	shalt  }
0x59: {  	_ =	shalt  }
0x5a: {  	_ =	shalt  }
0x5b: {  	_ =	shalt  }
0x5c: {  	_ =	shalt  }
0x5d: {  	_ =	shalt  }
0x5e: {  	_ =	shalt  }
0x5f: {  	_ =	shalt  }
0x60: {  	_ =	shalt  }
0x61: {  	_ =	shalt  }
0x62: {  	_ =	shalt  }
0x63: {  	_ =	shalt  }
0x64: {  	_ =	shalt  }
0x65: {  	_ =	shalt  }
0x66: {  	_ =	shalt  }
0x67: {  	_ =	shalt  }
0x68: {  	_ =	shalt  }
0x69: {  	_ =	shalt  }
0x6a: {  	_ =	shalt  }
0x6b: {  	_ =	shalt  }
0x6c: {  	_ =	shalt  }
0x6d: {  	_ =	shalt  }
0x6e: {  	_ =	shalt  }
0x6f: {  	_ =	shalt  }
0x70: {  	_ =	shalt  }
0x71: {  	_ =	shalt  }
0x72: {  	_ =	shalt  }
0x73: {  	_ =	shalt  }
0x74: {  	_ =	shalt  }
0x75: {  	_ =	shalt  }
0x76: {  	_ =	shalt  }
0x77: {  	_ =	shalt  }
0x78: {  	_ =	shalt  }
0x79: {  	_ =	shalt  }
0x7a: {  	_ =	shalt  }
0x7b: {  	_ =	shalt  }
0x7c: {  	_ =	shalt  }
0x7d: {  	_ =	shalt  }
0x7e: {  	_ =	shalt  }
0x7f: {  	_ =	shalt  }
0x80: {  	_ =	shalt  }
0x81: {  	_ =	shalt  }
0x82: {  	_ =	shalt  }
0x83: {  	_ =	shalt  }
0x84: {  	_ =	shalt  }
0x85: {  	_ =	shalt  }
0x86: {  	_ =	shalt  }
0x87: {  	_ =	shalt  }
.Lfunc_end0:
.L_simem_size_0:
called_computation_lowered:
.L_overlay_start_0:
0x88: {  	s2 =	sld [smem:$0x3FD9]  }
0x89: {  	s3 =	sld [smem:$0x3FFE];
	_ =	sdelay $0x1  }
0x8a: {  	s1 =	srdreg.scid  }
0x8b: {  	s0 =	sand.u32 $0x1, s1  }
0x8c: {  	s16 =	sshll.u32 s0, $0xA;
	s2 =	sadd.s32 s3, s2  }
0x8d: {  	s2 =	sadd.s32 s2, s16  }
0x8e: {  	[smem:$0x3FB0] =	sst s2  }
0x8f: {  	_ = 	snop  }
0x90: {  	(tm) =	ssettm $0x1  }
0x91: {  	s17 =	sld [smem:$0x3FFB];
	_ =	sdelay $0x3  }
0x92: {  	_ =	strace s17  }
0x93: {  	s2 =	sld [smem:$0x3FFC];
	_ =	sdelay $0x3  }
0x94: {  	_ =	strace s2  }
0x95: {  	s2 =	sld [smem:$0x3FFD];
	_ =	sdelay $0x3  }
0x96: {  	_ =	strace s2  }
0x97: {  	_ =	strace $0x8FFFFFFF  }
0x98: {  	s18 =	sld [smem:$0x3FDB];
	_ =	sdelay $0x1  }
0x99: {  	s19 =	simm.s32 $_scs_section_size  }
0x9a: {  	s4 =	simm.s32 $_size__tile_overlayer_lowered;
	s5 =	simm.s32 $_tile_overlayer_lowered  }
0x9b: {  	s22 =	simm.s32 $0x1BFF;
	s21 =	sshll.u32 s5, $0x1;
	s2 =	sadd.s32 s19, s18  }
0x9c: {  	s6 =	simm.s32 $0x0;
	s20 =	sshll.u32 s4, $0x1;
	s4 =	sadd.s32 s21, s2  }
0x9d: {  	[timem:s6], [sflag:s22] =	dma.local [hbm:s4], s20  }
0x9e: {  	_ =	swait.ge [sflag:s22], s20  }
0x9f: {  	s3 =	ssub.s32 $0x0, s20;
	[sflag:s22] =	ssyncset.done $0x0  }
0xa0: {  	[sflag:s22] =	ssyncadd.s32 s3;
	_ =	sdelay $0x1  }
0xa1: {  	s23 =	simm.s32 $0x1B8B  }
0xa2: {  	_ =	swait.ge [sflag:s23], $0x1  }
0xa3: {  	[sflag:s23] =	ssyncset.done $0x0  }
0xa4: {  	s25 =	simm.s32 $0x1B8E;
	s24 =	sld [smem:$0x3FFE];
	[sflag:s23] =	ssyncadd.s32 $0xFFFFFFFF  }
0xa5: {  	s26 =	simm.s32 $execute0_lowered;
	[smem:$0x3FD2] =	sst s25  }
0xa6: {  	s4 =	sshll.u32 s26, $0x1;
	_ =	strace $0x80000046;
	[dreg:$0x1] =	wrdreg $0xFFFFFFFF  }
0xa7: {  	s28 =	simm.s32 $_size_execute0_lowered;
	s2 =	sadd.s32 s2, s4;
	[dreg:$0x0] =	wrdreg $0x0  }
0xa8: {  	s4 =	sshll.u32 s28, $0x1;
	[dreg:$0x2] =	wrdreg s2  }
0xa9: {  	[dreg:$0x3] =	wrdreg s4  }
0xaa: {  	[dreg:$0x4] =	wrdreg $0xC0  }
0xab: {  	_ =	task [dreg:s6], $0x5FFFF  }
0xac: {  	[dreg:$0x1] =	wrdreg $0xFFFFFFFF  }
0xad: {  	[dreg:$0x0] =	wrdreg $0x60  }
0xae: {  	[dreg:$0x2] =	wrdreg s24  }
0xaf: {  	[dreg:$0x3] =	wrdreg $0x9  }
0xb0: {  	_ =	task.clear_ibuf [dreg:s6], $0x4FFFF;
	_ =	strace $0x90000046  }
0xb1: {  	s29 =	simm.s32 $0x9;
	_ =	strace $0x80000048  }
0xb2: {  	_ =	swait.ge [sflag:s29], $0x1  }
0xb3: {  	[sflag:s29] =	ssyncadd.s32 $0xFFFFFFFF  }
0xb4: {  	_ =	strace $0x90000048  }
0xb5: {  	_ =	sfence  }
0xb6: {  	s30 =	sld [smem:$0x0];
	_ =	sdelay $0x2  }
0xb7: {  	s31 =	sshll.u32 s1, $0xD;
	s1 =	sshrl.u32 s1, $0x2  }
0xb8: {  	s3 =	sand.u32 $0x4000, s31;
	s1 =	sadd.s32 s1, s30  }
0xb9: {  	s0 =	sor.u32 s3, s0;
	s1 =	sshll.u32 s1, $0x11  }
0xba: {  	s0 =	sor.u32 s1, s0  }
0xbb: {  	s0 =	sadd.s32 $0x8F2B, s0  }
0xbc: {  	[sflag:s0] =	ssyncadd.remote.s32 $0x1  }
0xbd: {  	_ =	sfence.sel $0xFFFF  }
0xbe: {  	[dreg:$0x0] =	wrdreg $0xFFFFFFFF;
	(pc) =	sbr.abs _section_cstart, $3  }
0xbf: {  	[dreg:$0x1] =	wrdreg $0xFFFFFFFF  }
0xc0: {  	_ =	task.clear_ibuf [dreg:s6], $0x2FFFF;
	_ =	strace $0x9FFFFFFF  }
0xc1: {  	(tm) =	ssettm $0x7FFFFFFF  }
tec
execute0_lowered:
.L_overlay_start_1:
0x0: {  	(tag) =	ssettag $0x1  }
0x1: {  	s1 =	srdreg.scid  }
0x2: {  	s0 =	stileid.u32;
	s3 =	rddreg [dreg:$0x0];
	s10 =	simm.s32 $0x1  }
0x3: {  	s11 =	simm.s32 $0x800;
	s12 =	simm.s32 $0x80;
	s13 =	simm.s32 $0x400  }
0x4: {  	s4 =	sand.u32 $0x1, s1;
	s2 =	sshll.u32 s0, $0x1;
	s1 =	rddreg [dreg:$0x1]  }
0x5: {  	s6 =	sshrl.u32 s0, $0x2;
	s5 =	sor.u32 s4, s2;
	s2 =	simm.s32 $0x0  }
0x6: {  	s6 =	smul.u32 $0x13C00, s6;
	s4 =	ssub.s32 $0x2, s4;
	s7 =	sshll.u32 s5, $0x7  }
0x7: {  	[smem:$0x7FF] =	sst s2;
	s5 =	smul.u32 $0x2710, s5;
	s7 =	sand.u32 $0x380, s7  }
0x8: {  	s31 =	sshrl.u32 s4, $0x1;
	_ =	strace $0x80000047;
	s6 =	sor.u32 s6, s7  }
0x9: {  	s9 =	ssub.s32 s4, s31;
	s5 =	sshrl.u32 s5, $0x3;
	s6 =	sshrl.u32 s6, $0x3  }
0xa: {  	s9 =	smax.u32 s9, $0x1;
	s30 =	sadd.s32 s5, s3;
	s8 =	sadd.s32 s6, s3  }
0xb: {  	s3 =	sadd.s32 $0x2200, s30;
	s4 =	sadd.s32 $0x22FA, s30;
	s5 =	sadd.s32 $0x23F4, s30  }
0xc: {  	v0 =	vimm.f32 $0.0e+00;
	v1 =	vimm.f32 $1.000000000e+00;
	s6 =	sadd.s32 $0x24EE, s30;
	s7 =	sadd.s32 $0x25E8, s30;
	s8 =	sadd.s32 $0xC000, s8  }
.LBB2_1:
0xd: {  	s14 =	simm.s32 $0x40;
	s15 =	simm.s32 $0x0  }
.LBB2_2:
0xe: {  	p0 =	sne.s32 s14, $0x9DC0;
	[tilespmem:s15+$0x800] =	vst v0;
	s15 =	smov.u32 s14;
	s14 =	sadd.s32 $0x40, s14  }
.Ltmp0:
0xf: {  	(pc) =	sbr.rel @p0 .LBB2_2-.Ltmp0, $2  }
0x10: {  	_ =	sdelay $0x2  }
0x11: {  	s15 =	sshra.s32 s15, $0x2  }
0x12: {  	[tilespmem:s15+$0x800] =	vst v0;
	s14 =	simm.s32 $0x0  }
0x13: {  	[tilespmem:s14], [sflag:$0x1] =	stream.linear.gather [hbm4b:s3+s14], $0x7D0, $0x38;
	[tilespmem:$0x2F80] =	vst v63  }
0x14: {  	_ =	swait.ge [sflag:s10], $0x7D0  }
0x15: {  	[sflag:s10] =	ssyncset.done $0x0  }
0x16: {  	s15 =	simm.s32 $0x0;
	s14 =	simm.s32 $0x40;
	[sflag:s10] =	ssyncadd.s32 $0xFFFFF830  }
.LBB2_4:
0x17: {  	p0 =	sne.s32 s14, $0x1F00;
	v2 =	vld [tilespmem:s15+$0x0];
	_ =	sdelay $0x3  }
.Ltmp1:
0x18: {  	(pc) =	sbr.rel @p0 .LBB2_4-.Ltmp1, $2  }
0x19: {  	_ =	sdelay $0x2  }
0x1a: {  	s15 =	sshra.s32 s14, $0x2;
	s14 =	sadd.s32 $0x40, s14;
	[tilespmem:v2+s11+$0x0] =	vst.idx.add.f32.msk $0xffff, v1  }
0x1b: {  	v2 =	vld [tilespmem:s15+$0x0];
	_ =	sdelay $0x7  }
0x1c: {  	s14 =	simm.s32 $0x0;
	[tilespmem:v2+s11+$0x0] =	vst.idx.add.f32.msk $0xffff, v1  }
0x1d: {  	[tilespmem:s14], [sflag:$0x1] =	stream.linear.gather [hbm4b:s4+s14], $0x7D0, $0x38;
	[tilespmem:$0x2F80] =	vst v63  }
0x1e: {  	_ =	swait.ge [sflag:s10], $0x7D0  }
0x1f: {  	[sflag:s10] =	ssyncset.done $0x0  }
0x20: {  	s15 =	simm.s32 $0x0;
	s14 =	simm.s32 $0x40;
	[sflag:s10] =	ssyncadd.s32 $0xFFFFF830  }
.LBB2_6:
0x21: {  	p0 =	sne.s32 s14, $0x1F00;
	v2 =	vld [tilespmem:s15+$0x0];
	_ =	sdelay $0x3  }
.Ltmp2:
0x22: {  	(pc) =	sbr.rel @p0 .LBB2_6-.Ltmp2, $2  }
0x23: {  	_ =	sdelay $0x2  }
0x24: {  	s15 =	sshra.s32 s14, $0x2;
	s14 =	sadd.s32 $0x40, s14;
	[tilespmem:v2+s11+$0x0] =	vst.idx.add.f32.msk $0xffff, v1  }
0x25: {  	v2 =	vld [tilespmem:s15+$0x0];
	_ =	sdelay $0x7  }
0x26: {  	s14 =	simm.s32 $0x0;
	[tilespmem:v2+s11+$0x0] =	vst.idx.add.f32.msk $0xffff, v1  }
0x27: {  	[tilespmem:s14], [sflag:$0x1] =	stream.linear.gather [hbm4b:s5+s14], $0x7D0, $0x38;
	[tilespmem:$0x2F80] =	vst v63  }
0x28: {  	_ =	swait.ge [sflag:s10], $0x7D0  }
0x29: {  	[sflag:s10] =	ssyncset.done $0x0  }
0x2a: {  	s15 =	simm.s32 $0x0;
	s14 =	simm.s32 $0x40;
	[sflag:s10] =	ssyncadd.s32 $0xFFFFF830  }
.LBB2_8:
0x2b: {  	p0 =	sne.s32 s14, $0x1F00;
	v2 =	vld [tilespmem:s15+$0x0];
	_ =	sdelay $0x3  }
.Ltmp3:
0x2c: {  	(pc) =	sbr.rel @p0 .LBB2_8-.Ltmp3, $2  }
0x2d: {  	_ =	sdelay $0x2  }
0x2e: {  	s15 =	sshra.s32 s14, $0x2;
	s14 =	sadd.s32 $0x40, s14;
	[tilespmem:v2+s11+$0x0] =	vst.idx.add.f32.msk $0xffff, v1  }
0x2f: {  	v2 =	vld [tilespmem:s15+$0x0];
	_ =	sdelay $0x7  }
0x30: {  	s14 =	simm.s32 $0x0;
	[tilespmem:v2+s11+$0x0] =	vst.idx.add.f32.msk $0xffff, v1  }
0x31: {  	[tilespmem:s14], [sflag:$0x1] =	stream.linear.gather [hbm4b:s6+s14], $0x7D0, $0x38;
	[tilespmem:$0x2F80] =	vst v63  }
0x32: {  	_ =	swait.ge [sflag:s10], $0x7D0  }
0x33: {  	[sflag:s10] =	ssyncset.done $0x0  }
0x34: {  	s15 =	simm.s32 $0x0;
	s14 =	simm.s32 $0x40;
	[sflag:s10] =	ssyncadd.s32 $0xFFFFF830  }
.LBB2_10:
0x35: {  	p0 =	sne.s32 s14, $0x1F00;
	v2 =	vld [tilespmem:s15+$0x0];
	_ =	sdelay $0x3  }
.Ltmp4:
0x36: {  	(pc) =	sbr.rel @p0 .LBB2_10-.Ltmp4, $2  }
0x37: {  	_ =	sdelay $0x2  }
0x38: {  	s15 =	sshra.s32 s14, $0x2;
	s14 =	sadd.s32 $0x40, s14;
	[tilespmem:v2+s11+$0x0] =	vst.idx.add.f32.msk $0xffff, v1  }
0x39: {  	v2 =	vld [tilespmem:s15+$0x0];
	_ =	sdelay $0x7  }
0x3a: {  	s14 =	simm.s32 $0x0;
	[tilespmem:v2+s11+$0x0] =	vst.idx.add.f32.msk $0xffff, v1  }
0x3b: {  	[tilespmem:s14], [sflag:$0x1] =	stream.linear.gather [hbm4b:s7+s14], $0x7D0, $0x38;
	[tilespmem:$0x2F80] =	vst v63  }
0x3c: {  	_ =	swait.ge [sflag:s10], $0x7D0  }
0x3d: {  	[sflag:s10] =	ssyncset.done $0x0  }
0x3e: {  	s15 =	simm.s32 $0x0;
	s14 =	simm.s32 $0x40;
	[sflag:s10] =	ssyncadd.s32 $0xFFFFF830  }
.LBB2_12:
0x3f: {  	p0 =	sne.s32 s14, $0x1F00;
	v2 =	vld [tilespmem:s15+$0x0];
	_ =	sdelay $0x3  }
.Ltmp5:
0x40: {  	(pc) =	sbr.rel @p0 .LBB2_12-.Ltmp5, $2  }
0x41: {  	_ =	sdelay $0x2  }
0x42: {  	s15 =	sshra.s32 s14, $0x2;
	s14 =	sadd.s32 $0x40, s14;
	[tilespmem:v2+s11+$0x0] =	vst.idx.add.f32.msk $0xffff, v1  }
0x43: {  	v2 =	vld [tilespmem:s15+$0x0];
	_ =	sdelay $0x5  }
0x44: {  	s2 =	sadd.s32 $0x1, s2  }
0x45: {  	p0 =	sne.s32 s2, s9  }
.Ltmp6:
0x46: {  	[tilespmem:v2+s11+$0x0] =	vst.idx.add.f32.msk $0xffff, v1;
	(pc) =	sbr.rel @p0 .LBB2_1-.Ltmp6, $4  }
0x47: {  	[hbm4b:s8+s12] =	stream.strided.scatter [tilespmem:s11], [sflag:$0x1], $0x2780, s13, s12, $0x38;
	[tilespmem:$0x2F80] =	vst v63  }
0x48: {  	_ =	swait.ge [sflag:s10], $0x2780  }
0x49: {  	[sflag:s10] =	ssyncset.done $0x0  }
0x4a: {  	[sflag:s10] =	ssyncadd.s32 $0xFFFFD880  }
0x4b: {  	_ =	sfence.sel $0x180000  }
0x4c: {  	[bflag:$0x0] =	sbarrier.arrive $0xFFFF  }
0x4d: {  	p0 =	sne.s32 s0, $0x0;
	_ =	strace $0x90000047  }
0x4e: {  	s0 =	sadd.s32 @!p0 $0x100000, s1;
	[bflag:$0x2] =	sbarrier.arrive $0xFFFF  }
0x4f: {  	[sflag:s0] =	ssyncadd.tile.s32 @!p0 $0x1;
	_ =	shalt  }
.Lfunc_end2:
_tile_overlayer_lowered:
.L_overlay_start_2:
0x50: {  	(tag) =	ssettag $0x2  }
0x51: {  	s0 =	rddreg [dreg:$0x0];
	s2 =	stileid.u32  }
0x52: {  	s1 =	rddreg [dreg:$0x1];
	p0 =	sne.s32 s2, $0x0  }
0x53: {  	s3 =	rddreg [dreg:$0x2];
	[bflag:$0x3] =	sbarrier.arrive $0xFFFF;
	s2 =	simm.s32 @!p0 $0x1C01  }
0x54: {  	[timem:s3], [sflag:s2] =	dma.local @!p0 [hbm:s0], s1  }
0x55: {  	s0 =	simm.s32 @!p0 $0x1  }
0x56: {  	_ =	swait.ge @!p0 [sflag:s0], s1  }
0x57: {  	s1 =	ssub.s32 @!p0 $0x0, s1;
	[sflag:s0] =	ssyncset.done @!p0 $0x0  }
0x58: {  	[sflag:s0] =	ssyncadd.s32 @!p0 s1  }
0x59: {  	[bflag:$0x3] =	sbarrier.arrive $0xFFFF  }
0x5a: {  	_ =	shalt  }

</sc_bundles>
